<compile_context>
chip_gen: v7x
topology: tpu7x:2x2x1
jax: 0.10.2.dev20260603
libtpu: 0.0.44.dev20260713+nightly
codegen_flags: <defaults>
</compile_context>

<pallas_src>
import functools

import jax
import jax.numpy as jnp
from jax import lax
from jax.experimental import pallas as pl
from jax.experimental.pallas import tpu as pltpu
from jax.experimental.pallas import tpu_sc as plsc

N = 10000
D = 128
G = 64
NC = 2
NS = 16
CHUNK = 128
CH0 = 80
CH1 = 80
IB = 16
E_PAD = NS * (CH0 + CH1) * CHUNK
E0 = NS * CH0 * CHUNK
ROWS_PER_TILE = 624
TAIL_BASE = NS * ROWS_PER_TILE
TAIL = N - TAIL_BASE
ACC_ROWS = N + CHUNK

_MESH = plsc.VectorSubcoreMesh(core_axis_name="c", subcore_axis_name="s")


@functools.partial(
    pl.kernel,
    out_type=jax.ShapeDtypeStruct((NC, N, D), jnp.float32),
    mesh=_MESH,
    scratch_types=[
        pltpu.VMEM_SHARED((ACC_ROWS, D), jnp.float32),
        pltpu.VMEM((2, IB, CHUNK), jnp.int32),
        pltpu.VMEM((2, IB, CHUNK), jnp.int32),
        pltpu.VMEM((CHUNK, D), jnp.float32),
        pltpu.VMEM((CHUNK, D), jnp.float32),
        pltpu.SemaphoreType.DMA,
        pltpu.SemaphoreType.DMA,
        pltpu.SemaphoreType.DMA,
        pltpu.SemaphoreType.DMA,
        pltpu.SemaphoreType.DMA,
    ],
)
def _mp_sc(h_hbm, row0_hbm, col0_hbm, row1_hbm, col1_hbm, out_hbm, acc,
           col_idx, row_idx, buf_a, buf_b, sem_a, sem_b, sem_sa, sem_sb,
           sem_idx):
    c = lax.axis_index("c")
    s = lax.axis_index("s")
    base = s * ROWS_PER_TILE

    @pl.when(c == 0)
    def _stage0():
        pltpu.async_copy(col0_hbm.at[s, pl.ds(0, IB)], col_idx.at[0],
                         sem_idx)
        pltpu.async_copy(row0_hbm.at[s, pl.ds(0, IB)], row_idx.at[0],
                         sem_idx)

    @pl.when(c == 1)
    def _stage1():
        pltpu.async_copy(col1_hbm.at[s, pl.ds(0, IB)], col_idx.at[0],
                         sem_idx)
        pltpu.async_copy(row1_hbm.at[s, pl.ds(0, IB)], row_idx.at[0],
                         sem_idx)

    z = jnp.zeros((16,), jnp.float32)

    def zrow(r, carry):
        for q in range(D // 16):
            buf_a[r, pl.ds(q * 16, 16)] = z
        return carry

    lax.fori_loop(0, CHUNK, zrow, 0)
    for k in range(ROWS_PER_TILE // CHUNK):
        pltpu.sync_copy(buf_a, acc.at[pl.ds(base + k * CHUNK, CHUNK)])
    rem = ROWS_PER_TILE % CHUNK
    pltpu.sync_copy(buf_a.at[pl.ds(0, rem)],
                    acc.at[pl.ds(base + ROWS_PER_TILE - rem, rem)])

    @pl.when(s == 0)
    def _zero_tail():
        pltpu.sync_copy(buf_a.at[pl.ds(0, TAIL)],
                        acc.at[pl.ds(TAIL_BASE, TAIL)])

    plsc.subcore_barrier()

    def run(rows_hbm, cols_hbm, nchunks):
        ngroups = nchunks // IB
        pltpu.make_async_copy(cols_hbm.at[s, pl.ds(0, IB)],
                              col_idx.at[0], sem_idx).wait()
        pltpu.make_async_copy(rows_hbm.at[s, pl.ds(0, IB)],
                              row_idx.at[0], sem_idx).wait()

        def group(g, gcarry):
            p = lax.rem(g, 2)
            q = 1 - p

            @pl.when(g > 0)
            def _wait_idx():
                pltpu.make_async_copy(cols_hbm.at[s, pl.ds(0, IB)],
                                      col_idx.at[p], sem_idx).wait()
                pltpu.make_async_copy(rows_hbm.at[s, pl.ds(0, IB)],
                                      row_idx.at[p], sem_idx).wait()

            def pair(j, carry):
                @pl.when(jnp.logical_and(j == 1, g + 1 < ngroups))
                def _prefetch():
                    pltpu.async_copy(
                        cols_hbm.at[s, pl.ds((g + 1) * IB, IB)],
                        col_idx.at[q], sem_idx)
                    pltpu.async_copy(
                        rows_hbm.at[s, pl.ds((g + 1) * IB, IB)],
                        row_idx.at[q], sem_idx)
                k0 = 2 * j
                k1 = 2 * j + 1
                not_first = jnp.logical_or(g > 0, j > 0)

                @pl.when(not_first)
                def _wa():
                    pltpu.make_async_copy(
                        h_hbm.at[pl.ds(0, CHUNK)], buf_a, sem_sa).wait()

                cp_a = pltpu.async_copy(h_hbm.at[col_idx.at[p, k0]], buf_a,
                                        sem_a)

                @pl.when(not_first)
                def _wb():
                    pltpu.make_async_copy(
                        h_hbm.at[pl.ds(0, CHUNK)], buf_b, sem_sb).wait()

                cp_b = pltpu.async_copy(h_hbm.at[col_idx.at[p, k1]], buf_b,
                                        sem_b)
                cp_a.wait()
                pltpu.async_copy(buf_a, acc.at[row_idx.at[p, k0]], sem_sa,
                                 add=True)
                cp_b.wait()
                pltpu.async_copy(buf_b, acc.at[row_idx.at[p, k1]], sem_sb,
                                 add=True)
                return carry

            lax.fori_loop(0, IB // 2, pair, 0)
            return gcarry

        lax.fori_loop(0, ngroups, group, 0)
        pltpu.make_async_copy(h_hbm.at[pl.ds(0, CHUNK)], buf_a, sem_sa).wait()
        pltpu.make_async_copy(h_hbm.at[pl.ds(0, CHUNK)], buf_b, sem_sb).wait()

    @pl.when(c == 0)
    def _run0():
        run(row0_hbm, col0_hbm, CH0)

    @pl.when(c == 1)
    def _run1():
        run(row1_hbm, col1_hbm, CH1)

    plsc.subcore_barrier()

    pltpu.sync_copy(acc.at[pl.ds(base, ROWS_PER_TILE)],
                    out_hbm.at[c, pl.ds(base, ROWS_PER_TILE)])

    @pl.when(s == 0)
    def _out_tail():
        pltpu.sync_copy(acc.at[pl.ds(TAIL_BASE, TAIL)],
                        out_hbm.at[c, pl.ds(TAIL_BASE, TAIL)])


_BLK = 2000


def _affine_body(a_ref, h_ref, w_ref, b_ref, o_ref):
    a = a_ref[0] + a_ref[1] + 2.0 * h_ref[...]
    o_ref[...] = jnp.maximum(
        jnp.dot(a, w_ref[...], preferred_element_type=jnp.float32)
        + b_ref[...], 0.0)


def _affine_relu(aggr, h, w, b):
    return pl.pallas_call(
        _affine_body,
        grid=(N // _BLK,),
        in_specs=[
            pl.BlockSpec((NC, _BLK, D), lambda i: (0, i, 0)),
            pl.BlockSpec((_BLK, D), lambda i: (i, 0)),
            pl.BlockSpec((D, D), lambda i: (0, 0)),
            pl.BlockSpec((1, D), lambda i: (0, 0)),
        ],
        out_specs=pl.BlockSpec((_BLK, D), lambda i: (i, 0)),
        out_shape=jax.ShapeDtypeStruct((N, D), jnp.float32),
    )(aggr, h, w, b.reshape(1, D))


def _pool_body(a_ref, h_ref, w_ref, b_ref, batch_ref, wout_ref, bout_ref,
               o_ref, sums_ref, counts_ref):
    i = pl.program_id(0)

    @pl.when(i == 0)
    def _init():
        sums_ref[...] = jnp.zeros_like(sums_ref)
        counts_ref[...] = jnp.zeros_like(counts_ref)

    a = a_ref[0] + a_ref[1] + 2.0 * h_ref[...]
    h = jnp.maximum(
        jnp.dot(a, w_ref[...], preferred_element_type=jnp.float32)
        + b_ref[...], 0.0)
    b = batch_ref[0]
    onehot = (b.reshape(_BLK, 1)
              == lax.broadcasted_iota(jnp.int32, (_BLK, G), 1)
              ).astype(jnp.float32)
    sums_ref[...] += lax.dot_general(
        onehot, h, (((0,), (0,)), ((), ())),
        preferred_element_type=jnp.float32)
    counts_ref[...] += jnp.sum(onehot, axis=0, keepdims=True)

    @pl.when(i == (N // _BLK) - 1)
    def _final():
        pooled = sums_ref[...] / jnp.maximum(counts_ref[...], 1.0).reshape(G, 1)
        o_ref[...] = (jnp.dot(pooled, wout_ref[...],
                              preferred_element_type=jnp.float32)
                      + bout_ref[...])


def _pool_project(aggr, h, w, b, batch3d, wout, bout):
    return pl.pallas_call(
        _pool_body,
        grid=(N // _BLK,),
        in_specs=[
            pl.BlockSpec((NC, _BLK, D), lambda i: (0, i, 0)),
            pl.BlockSpec((_BLK, D), lambda i: (i, 0)),
            pl.BlockSpec((D, D), lambda i: (0, 0)),
            pl.BlockSpec((1, D), lambda i: (0, 0)),
            pl.BlockSpec((1, 1, _BLK), lambda i: (i, 0, 0)),
            pl.BlockSpec((D, D), lambda i: (0, 0)),
            pl.BlockSpec((1, D), lambda i: (0, 0)),
        ],
        out_specs=pl.BlockSpec((G, D), lambda i: (0, 0)),
        out_shape=jax.ShapeDtypeStruct((G, D), jnp.float32),
        scratch_shapes=[
            pltpu.VMEM((G, D), jnp.float32),
            pltpu.VMEM((1, G), jnp.float32),
        ],
    )(aggr, h, w, b.reshape(1, D), batch3d, wout, bout.reshape(1, D))


def kernel(x, edge_index, batch, W1, b1, W2, b2, Wout, bout):
    e = edge_index.shape[1]
    pad = E_PAD - e
    spread = jnp.arange(pad, dtype=jnp.int32)
    row0 = edge_index[0, :E0].reshape(NS, CH0, CHUNK)
    col0 = edge_index[1, :E0].reshape(NS, CH0, CHUNK)
    row1 = jnp.concatenate(
        [edge_index[0, E0:], N + (spread & (CHUNK - 1))]
    ).reshape(NS, CH1, CHUNK)
    col1 = jnp.concatenate(
        [edge_index[1, E0:], spread]).reshape(NS, CH1, CHUNK)
    batch3d = batch.reshape(N // _BLK, 1, _BLK)

    aggr1 = _mp_sc(x, row0, col0, row1, col1)
    h1 = _affine_relu(aggr1, x, W1, b1)
    aggr2 = _mp_sc(h1, row0, col0, row1, col1)
    return _pool_project(aggr2, h1, W2, b2, batch3d, Wout, bout)

# --- scband reference (transcript-rebuilt; emitter-appended) ---
"""Pipeline reference for scband-basic-gnn-91182155694567 (READ-ONLY COPY).

The authoritative reference and input builder live on the scoring server;
editing this copy changes nothing except your own understanding.
"""

import jax, jax.numpy as jnp
import numpy as np

N = 10000
E = 320000
D_IN = 128
D_H = 128
D_OUT = 128
G = 64


def setup_inputs(seed: int = 0) -> dict:
    key = jax.random.key(seed)
    ks = jax.random.split(key, 10)
    x = jax.random.normal(ks[0], (N, D_IN), dtype=jnp.float32)
    edge_index = jax.random.randint(ks[1], (2, E), 0, N, dtype=jnp.int32)
    batch = jnp.sort(jax.random.randint(ks[2], (N,), 0, G, dtype=jnp.int32))
    # Linear layer params (torch Linear: y = x @ W.T + b; store W already transposed as [in, out])
    W1 = jax.random.normal(ks[3], (D_IN, D_H), dtype=jnp.float32) * (1.0 / np.sqrt(D_IN))
    b1 = jnp.zeros((D_H,), dtype=jnp.float32)
    W2 = jax.random.normal(ks[4], (D_H, D_H), dtype=jnp.float32) * (1.0 / np.sqrt(D_H))
    b2 = jnp.zeros((D_H,), dtype=jnp.float32)
    Wout = jax.random.normal(ks[5], (D_H, D_OUT), dtype=jnp.float32) * (1.0 / np.sqrt(D_H))
    bout = jnp.zeros((D_OUT,), dtype=jnp.float32)
    return {"x": x, "edge_index": edge_index, "batch": batch,
            "W1": W1, "b1": b1, "W2": W2, "b2": b2, "Wout": Wout, "bout": bout}


def reference(x, edge_index, batch, W1, b1, W2, b2, Wout, bout):
    n = x.shape[0]
    # add_self_loops
    loop = jnp.arange(n, dtype=edge_index.dtype)
    row = jnp.concatenate([edge_index[0], loop])
    col = jnp.concatenate([edge_index[1], loop])

    def message_passing(h):
        aggr = jnp.zeros_like(h).at[row].add(h[col])
        return h + aggr

    h = message_passing(x)
    h = jax.nn.relu(h @ W1 + b1)
    h = message_passing(h)
    h = jax.nn.relu(h @ W2 + b2)
    # global_mean_pool over batch segment ids
    sums = jax.ops.segment_sum(h, batch, num_segments=G)
    counts = jax.ops.segment_sum(jnp.ones((n, 1), dtype=h.dtype), batch, num_segments=G)
    pooled = sums / jnp.maximum(counts, 1.0)
    return pooled @ Wout + bout

if __name__ == "__main__":
    import jax
    _d = setup_inputs()
    print(jax.jit(kernel)(*tuple(_d.values())))

</pallas_src>

<mosaic_0001>
#map = affine_map<(d0, d1) -> (0, 0)>
#map1 = affine_map<(d0, d1) -> (0, 0, 0)>
module attributes {stable_mosaic.version = 14 : i64} {
  func.func @_mp_sc(%arg0: i32, %arg1: i32, %arg2: memref<10000x128xf32, #tpu.memory_space<hbm>>, %arg3: memref<16x80x128xi32, #tpu.memory_space<hbm>>, %arg4: memref<16x80x128xi32, #tpu.memory_space<hbm>>, %arg5: memref<16x80x128xi32, #tpu.memory_space<hbm>>, %arg6: memref<16x80x128xi32, #tpu.memory_space<hbm>>, %arg7: memref<2x10000x128xf32, #tpu.memory_space<hbm>>, %arg8: memref<10128x128xf32, #tpu.memory_space<vmem_shared>>, %arg9: memref<2x16x128xi32, #tpu.memory_space<vmem>>, %arg10: memref<2x16x128xi32, #tpu.memory_space<vmem>>, %arg11: memref<128x128xf32, #tpu.memory_space<vmem>>, %arg12: memref<128x128xf32, #tpu.memory_space<vmem>>, %arg13: memref<!tpu.dma_semaphore, #tpu.memory_space<semaphore_mem>>, %arg14: memref<!tpu.dma_semaphore, #tpu.memory_space<semaphore_mem>>, %arg15: memref<!tpu.dma_semaphore, #tpu.memory_space<semaphore_mem>>, %arg16: memref<!tpu.dma_semaphore, #tpu.memory_space<semaphore_mem>>, %arg17: memref<!tpu.dma_semaphore, #tpu.memory_space<semaphore_mem>>) attributes {dimension_semantics = [#tpu.dimension_semantics<core_parallel>, #tpu.dimension_semantics<subcore_parallel>], iteration_bounds = array<i64: 2, 16>, scalar_prefetch = 0 : i64, scratch_operands = 10 : i64, tpu.core_type = #tpu.core_type<sc_vector_subcore>, window_params = [{transform_indices = #map}, {transform_indices = #map1}, {transform_indices = #map1}, {transform_indices = #map1}, {transform_indices = #map1}, {transform_indices = #map1}]} {
    %mul3A = arith.constant 624 : i32
    %mul3A_0 = arith.muli %arg1, %mul3A : i32
    %eq3A = arith.constant 0 : i32
    %eq3A_1 = arith.cmpi eq, %arg0, %eq3A : i32
    %convert_element_type3A = arith.extui %eq3A_1 : i1 to i32
    %cond3A = arith.constant 0 : i32
    %cond3A_2 = arith.cmpi ne, %convert_element_type3A, %cond3A : i32
    scf.if %cond3A_2 {
      %dma_start3A = arith.constant 0 : i32
      %dma_start3A_45 = arith.constant 0 : i32
      %dma_start3A_46 = arith.constant 0 : i32
      %dma_start3A_47 = tpu.memref_slice %arg9[%dma_start3A, %dma_start3A_45, %dma_start3A_46] : memref<2x16x128xi32, #tpu.memory_space<vmem>> -> memref<1x16x128xi32, #tpu.memory_space<vmem>>
      %dma_start3A_48 = tpu.memref_squeeze %dma_start3A_47 : memref<1x16x128xi32, #tpu.memory_space<vmem>> -> memref<16x128xi32, #tpu.memory_space<vmem>>
      %dma_start3A_49 = arith.constant 0 : i32
      %dma_start3A_50 = arith.constant 0 : i32
      %dma_start3A_51 = tpu.memref_slice %arg4[%arg1, %dma_start3A_49, %dma_start3A_50] : memref<16x80x128xi32, #tpu.memory_space<hbm>> -> memref<1x16x128xi32, #tpu.memory_space<hbm>>
      %dma_start3A_52 = tpu.memref_squeeze %dma_start3A_51 : memref<1x16x128xi32, #tpu.memory_space<hbm>> -> memref<16x128xi32, #tpu.memory_space<hbm>>
      %dma_start3A_53 = arith.constant 0 : i32
      %dma_start3A_54 = arith.constant 0 : i32
      %dma_start3A_55 = tpu.memref_slice %arg9[%dma_start3A, %dma_start3A_53, %dma_start3A_54] : memref<2x16x128xi32, #tpu.memory_space<vmem>> -> memref<1x16x128xi32, #tpu.memory_space<vmem>>
      %dma_start3A_56 = tpu.memref_squeeze %dma_start3A_55 : memref<1x16x128xi32, #tpu.memory_space<vmem>> -> memref<16x128xi32, #tpu.memory_space<vmem>>
      %dma_start3A_57 = arith.constant 0 : i32
      %dma_start3A_58 = arith.constant 0 : i32
      %dma_start3A_59 = tpu.memref_slice %arg4[%arg1, %dma_start3A_57, %dma_start3A_58] : memref<16x80x128xi32, #tpu.memory_space<hbm>> -> memref<1x16x128xi32, #tpu.memory_space<hbm>>
      %dma_start3A_60 = tpu.memref_squeeze %dma_start3A_59 : memref<1x16x128xi32, #tpu.memory_space<hbm>> -> memref<16x128xi32, #tpu.memory_space<hbm>>
      tpu.enqueue_dma source(%dma_start3A_60 : memref<16x128xi32, #tpu.memory_space<hbm>>) target(%dma_start3A_56 : memref<16x128xi32, #tpu.memory_space<vmem>>) target_semaphore(%arg17 : memref<!tpu.dma_semaphore, #tpu.memory_space<semaphore_mem>>)
      %dma_start3A_61 = arith.constant 0 : i32
      %dma_start3A_62 = arith.constant 0 : i32
      %dma_start3A_63 = arith.constant 0 : i32
      %dma_start3A_64 = tpu.memref_slice %arg10[%dma_start3A_61, %dma_start3A_62, %dma_start3A_63] : memref<2x16x128xi32, #tpu.memory_space<vmem>> -> memref<1x16x128xi32, #tpu.memory_space<vmem>>
      %dma_start3A_65 = tpu.memref_squeeze %dma_start3A_64 : memref<1x16x128xi32, #tpu.memory_space<vmem>> -> memref<16x128xi32, #tpu.memory_space<vmem>>
      %dma_start3A_66 = arith.constant 0 : i32
      %dma_start3A_67 = arith.constant 0 : i32
      %dma_start3A_68 = tpu.memref_slice %arg3[%arg1, %dma_start3A_66, %dma_start3A_67] : memref<16x80x128xi32, #tpu.memory_space<hbm>> -> memref<1x16x128xi32, #tpu.memory_space<hbm>>
      %dma_start3A_69 = tpu.memref_squeeze %dma_start3A_68 : memref<1x16x128xi32, #tpu.memory_space<hbm>> -> memref<16x128xi32, #tpu.memory_space<hbm>>
      %dma_start3A_70 = arith.constant 0 : i32
      %dma_start3A_71 = arith.constant 0 : i32
      %dma_start3A_72 = tpu.memref_slice %arg10[%dma_start3A_61, %dma_start3A_70, %dma_start3A_71] : memref<2x16x128xi32, #tpu.memory_space<vmem>> -> memref<1x16x128xi32, #tpu.memory_space<vmem>>
      %dma_start3A_73 = tpu.memref_squeeze %dma_start3A_72 : memref<1x16x128xi32, #tpu.memory_space<vmem>> -> memref<16x128xi32, #tpu.memory_space<vmem>>
      %dma_start3A_74 = arith.constant 0 : i32
      %dma_start3A_75 = arith.constant 0 : i32
      %dma_start3A_76 = tpu.memref_slice %arg3[%arg1, %dma_start3A_74, %dma_start3A_75] : memref<16x80x128xi32, #tpu.memory_space<hbm>> -> memref<1x16x128xi32, #tpu.memory_space<hbm>>
      %dma_start3A_77 = tpu.memref_squeeze %dma_start3A_76 : memref<1x16x128xi32, #tpu.memory_space<hbm>> -> memref<16x128xi32, #tpu.memory_space<hbm>>
      tpu.enqueue_dma source(%dma_start3A_77 : memref<16x128xi32, #tpu.memory_space<hbm>>) target(%dma_start3A_73 : memref<16x128xi32, #tpu.memory_space<vmem>>) target_semaphore(%arg17 : memref<!tpu.dma_semaphore, #tpu.memory_space<semaphore_mem>>)
    } else {
    }
    %eq3A_3 = arith.constant 1 : i32
    %eq3A_4 = arith.cmpi eq, %arg0, %eq3A_3 : i32
    %convert_element_type3A_5 = arith.extui %eq3A_4 : i1 to i32
    %cond3A_6 = arith.constant 0 : i32
    %cond3A_7 = arith.cmpi ne, %convert_element_type3A_5, %cond3A_6 : i32
    scf.if %cond3A_7 {
      %dma_start3A = arith.constant 0 : i32
      %dma_start3A_45 = arith.constant 0 : i32
      %dma_start3A_46 = arith.constant 0 : i32
      %dma_start3A_47 = tpu.memref_slice %arg9[%dma_start3A, %dma_start3A_45, %dma_start3A_46] : memref<2x16x128xi32, #tpu.memory_space<vmem>> -> memref<1x16x128xi32, #tpu.memory_space<vmem>>
      %dma_start3A_48 = tpu.memref_squeeze %dma_start3A_47 : memref<1x16x128xi32, #tpu.memory_space<vmem>> -> memref<16x128xi32, #tpu.memory_space<vmem>>
      %dma_start3A_49 = arith.constant 0 : i32
      %dma_start3A_50 = arith.constant 0 : i32
      %dma_start3A_51 = tpu.memref_slice %arg6[%arg1, %dma_start3A_49, %dma_start3A_50] : memref<16x80x128xi32, #tpu.memory_space<hbm>> -> memref<1x16x128xi32, #tpu.memory_space<hbm>>
      %dma_start3A_52 = tpu.memref_squeeze %dma_start3A_51 : memref<1x16x128xi32, #tpu.memory_space<hbm>> -> memref<16x128xi32, #tpu.memory_space<hbm>>
      %dma_start3A_53 = arith.constant 0 : i32
      %dma_start3A_54 = arith.constant 0 : i32
      %dma_start3A_55 = tpu.memref_slice %arg9[%dma_start3A, %dma_start3A_53, %dma_start3A_54] : memref<2x16x128xi32, #tpu.memory_space<vmem>> -> memref<1x16x128xi32, #tpu.memory_space<vmem>>
      %dma_start3A_56 = tpu.memref_squeeze %dma_start3A_55 : memref<1x16x128xi32, #tpu.memory_space<vmem>> -> memref<16x128xi32, #tpu.memory_space<vmem>>
      %dma_start3A_57 = arith.constant 0 : i32
      %dma_start3A_58 = arith.constant 0 : i32
      %dma_start3A_59 = tpu.memref_slice %arg6[%arg1, %dma_start3A_57, %dma_start3A_58] : memref<16x80x128xi32, #tpu.memory_space<hbm>> -> memref<1x16x128xi32, #tpu.memory_space<hbm>>
      %dma_start3A_60 = tpu.memref_squeeze %dma_start3A_59 : memref<1x16x128xi32, #tpu.memory_space<hbm>> -> memref<16x128xi32, #tpu.memory_space<hbm>>
      tpu.enqueue_dma source(%dma_start3A_60 : memref<16x128xi32, #tpu.memory_space<hbm>>) target(%dma_start3A_56 : memref<16x128xi32, #tpu.memory_space<vmem>>) target_semaphore(%arg17 : memref<!tpu.dma_semaphore, #tpu.memory_space<semaphore_mem>>)
      %dma_start3A_61 = arith.constant 0 : i32
      %dma_start3A_62 = arith.constant 0 : i32
      %dma_start3A_63 = arith.constant 0 : i32
      %dma_start3A_64 = tpu.memref_slice %arg10[%dma_start3A_61, %dma_start3A_62, %dma_start3A_63] : memref<2x16x128xi32, #tpu.memory_space<vmem>> -> memref<1x16x128xi32, #tpu.memory_space<vmem>>
      %dma_start3A_65 = tpu.memref_squeeze %dma_start3A_64 : memref<1x16x128xi32, #tpu.memory_space<vmem>> -> memref<16x128xi32, #tpu.memory_space<vmem>>
      %dma_start3A_66 = arith.constant 0 : i32
      %dma_start3A_67 = arith.constant 0 : i32
      %dma_start3A_68 = tpu.memref_slice %arg5[%arg1, %dma_start3A_66, %dma_start3A_67] : memref<16x80x128xi32, #tpu.memory_space<hbm>> -> memref<1x16x128xi32, #tpu.memory_space<hbm>>
      %dma_start3A_69 = tpu.memref_squeeze %dma_start3A_68 : memref<1x16x128xi32, #tpu.memory_space<hbm>> -> memref<16x128xi32, #tpu.memory_space<hbm>>
      %dma_start3A_70 = arith.constant 0 : i32
      %dma_start3A_71 = arith.constant 0 : i32
      %dma_start3A_72 = tpu.memref_slice %arg10[%dma_start3A_61, %dma_start3A_70, %dma_start3A_71] : memref<2x16x128xi32, #tpu.memory_space<vmem>> -> memref<1x16x128xi32, #tpu.memory_space<vmem>>
      %dma_start3A_73 = tpu.memref_squeeze %dma_start3A_72 : memref<1x16x128xi32, #tpu.memory_space<vmem>> -> memref<16x128xi32, #tpu.memory_space<vmem>>
      %dma_start3A_74 = arith.constant 0 : i32
      %dma_start3A_75 = arith.constant 0 : i32
      %dma_start3A_76 = tpu.memref_slice %arg5[%arg1, %dma_start3A_74, %dma_start3A_75] : memref<16x80x128xi32, #tpu.memory_space<hbm>> -> memref<1x16x128xi32, #tpu.memory_space<hbm>>
      %dma_start3A_77 = tpu.memref_squeeze %dma_start3A_76 : memref<1x16x128xi32, #tpu.memory_space<hbm>> -> memref<16x128xi32, #tpu.memory_space<hbm>>
      tpu.enqueue_dma source(%dma_start3A_77 : memref<16x128xi32, #tpu.memory_space<hbm>>) target(%dma_start3A_73 : memref<16x128xi32, #tpu.memory_space<vmem>>) target_semaphore(%arg17 : memref<!tpu.dma_semaphore, #tpu.memory_space<semaphore_mem>>)
    } else {
    }
    %broadcast_in_dim3A = arith.constant 0.000000e+00 : f32
    %broadcast_in_dim3A_8 = vector.broadcast %broadcast_in_dim3A : f32 to vector<16xf32>
    %scan3A = arith.constant 0 : i32
    %scan3A_9 = arith.constant 0 : i32
    %scan3A_10 = arith.constant 128 : i32
    %scan3A_11 = arith.addi %scan3A_9, %scan3A_10 : i32
    %scan3A_12 = arith.constant 1 : i32
    scf.for %scan3A_45 = %scan3A_9 to %scan3A_11 step %scan3A_12  : i32 {
      %swap3A = arith.index_cast %scan3A_45 : i32 to index
      %swap3A_46 = arith.constant 0 : index
      %swap3A_47 = tpu.vector_load %arg11[%swap3A, %swap3A_46] {strides = array<i32>} : memref<128x128xf32, #tpu.memory_space<vmem>>, vector<1x16xf32>,
      %swap3A_48 = vector.shape_cast %swap3A_47 : vector<1x16xf32> to vector<16xf32>
      %swap3A_49 = vector.shape_cast %broadcast_in_dim3A_8 : vector<16xf32> to vector<1x16xf32>
      tpu.vector_store %arg11[%swap3A, %swap3A_46], %swap3A_49 {strides = array<i32>} : memref<128x128xf32, #tpu.memory_space<vmem>>, vector<1x16xf32>,
      %swap3A_50 = arith.index_cast %scan3A_45 : i32 to index
      %swap3A_51 = arith.constant 16 : index
      %swap3A_52 = tpu.vector_load %arg11[%swap3A_50, %swap3A_51] {strides = array<i32>} : memref<128x128xf32, #tpu.memory_space<vmem>>, vector<1x16xf32>,
      %swap3A_53 = vector.shape_cast %swap3A_52 : vector<1x16xf32> to vector<16xf32>
      %swap3A_54 = vector.shape_cast %broadcast_in_dim3A_8 : vector<16xf32> to vector<1x16xf32>
      tpu.vector_store %arg11[%swap3A_50, %swap3A_51], %swap3A_54 {strides = array<i32>} : memref<128x128xf32, #tpu.memory_space<vmem>>, vector<1x16xf32>,
      %swap3A_55 = arith.index_cast %scan3A_45 : i32 to index
      %swap3A_56 = arith.constant 32 : index
      %swap3A_57 = tpu.vector_load %arg11[%swap3A_55, %swap3A_56] {strides = array<i32>} : memref<128x128xf32, #tpu.memory_space<vmem>>, vector<1x16xf32>,
      %swap3A_58 = vector.shape_cast %swap3A_57 : vector<1x16xf32> to vector<16xf32>
      %swap3A_59 = vector.shape_cast %broadcast_in_dim3A_8 : vector<16xf32> to vector<1x16xf32>
      tpu.vector_store %arg11[%swap3A_55, %swap3A_56], %swap3A_59 {strides = array<i32>} : memref<128x128xf32, #tpu.memory_space<vmem>>, vector<1x16xf32>,
      %swap3A_60 = arith.index_cast %scan3A_45 : i32 to index
      %swap3A_61 = arith.constant 48 : index
      %swap3A_62 = tpu.vector_load %arg11[%swap3A_60, %swap3A_61] {strides = array<i32>} : memref<128x128xf32, #tpu.memory_space<vmem>>, vector<1x16xf32>,
      %swap3A_63 = vector.shape_cast %swap3A_62 : vector<1x16xf32> to vector<16xf32>
      %swap3A_64 = vector.shape_cast %broadcast_in_dim3A_8 : vector<16xf32> to vector<1x16xf32>
      tpu.vector_store %arg11[%swap3A_60, %swap3A_61], %swap3A_64 {strides = array<i32>} : memref<128x128xf32, #tpu.memory_space<vmem>>, vector<1x16xf32>,
      %swap3A_65 = arith.index_cast %scan3A_45 : i32 to index
      %swap3A_66 = arith.constant 64 : index
      %swap3A_67 = tpu.vector_load %arg11[%swap3A_65, %swap3A_66] {strides = array<i32>} : memref<128x128xf32, #tpu.memory_space<vmem>>, vector<1x16xf32>,
      %swap3A_68 = vector.shape_cast %swap3A_67 : vector<1x16xf32> to vector<16xf32>
      %swap3A_69 = vector.shape_cast %broadcast_in_dim3A_8 : vector<16xf32> to vector<1x16xf32>
      tpu.vector_store %arg11[%swap3A_65, %swap3A_66], %swap3A_69 {strides = array<i32>} : memref<128x128xf32, #tpu.memory_space<vmem>>, vector<1x16xf32>,
      %swap3A_70 = arith.index_cast %scan3A_45 : i32 to index
      %swap3A_71 = arith.constant 80 : index
      %swap3A_72 = tpu.vector_load %arg11[%swap3A_70, %swap3A_71] {strides = array<i32>} : memref<128x128xf32, #tpu.memory_space<vmem>>, vector<1x16xf32>,
      %swap3A_73 = vector.shape_cast %swap3A_72 : vector<1x16xf32> to vector<16xf32>
      %swap3A_74 = vector.shape_cast %broadcast_in_dim3A_8 : vector<16xf32> to vector<1x16xf32>
      tpu.vector_store %arg11[%swap3A_70, %swap3A_71], %swap3A_74 {strides = array<i32>} : memref<128x128xf32, #tpu.memory_space<vmem>>, vector<1x16xf32>,
      %swap3A_75 = arith.index_cast %scan3A_45 : i32 to index
      %swap3A_76 = arith.constant 96 : index
      %swap3A_77 = tpu.vector_load %arg11[%swap3A_75, %swap3A_76] {strides = array<i32>} : memref<128x128xf32, #tpu.memory_space<vmem>>, vector<1x16xf32>,
      %swap3A_78 = vector.shape_cast %swap3A_77 : vector<1x16xf32> to vector<16xf32>
      %swap3A_79 = vector.shape_cast %broadcast_in_dim3A_8 : vector<16xf32> to vector<1x16xf32>
      tpu.vector_store %arg11[%swap3A_75, %swap3A_76], %swap3A_79 {strides = array<i32>} : memref<128x128xf32, #tpu.memory_space<vmem>>, vector<1x16xf32>,
      %swap3A_80 = arith.index_cast %scan3A_45 : i32 to index
      %swap3A_81 = arith.constant 112 : index
      %swap3A_82 = tpu.vector_load %arg11[%swap3A_80, %swap3A_81] {strides = array<i32>} : memref<128x128xf32, #tpu.memory_space<vmem>>, vector<1x16xf32>,
      %swap3A_83 = vector.shape_cast %swap3A_82 : vector<1x16xf32> to vector<16xf32>
      %swap3A_84 = vector.shape_cast %broadcast_in_dim3A_8 : vector<16xf32> to vector<1x16xf32>
      tpu.vector_store %arg11[%swap3A_80, %swap3A_81], %swap3A_84 {strides = array<i32>} : memref<128x128xf32, #tpu.memory_space<vmem>>, vector<1x16xf32>,
    }
    %scan3A_13 = arith.constant 128 : i32
    %add3A = arith.constant 0 : i32
    %add3A_14 = arith.addi %mul3A_0, %add3A : i32
    "tpu.region"() ({
      %run_scoped3A = tpu.sem_alloc : memref<!tpu.dma_semaphore, #tpu.memory_space<semaphore_mem>>
      %dma_start3A = arith.constant 0 : i32
      %dma_start3A_45 = tpu.memref_slice %arg8[%add3A_14, %dma_start3A] : memref<10128x128xf32, #tpu.memory_space<vmem_shared>> -> memref<128x128xf32, #tpu.memory_space<vmem_shared>>
      %dma_start3A_46 = arith.constant 0 : i32
      %dma_start3A_47 = tpu.memref_slice %arg8[%add3A_14, %dma_start3A_46] : memref<10128x128xf32, #tpu.memory_space<vmem_shared>> -> memref<128x128xf32, #tpu.memory_space<vmem_shared>>
      tpu.enqueue_dma source(%arg11 : memref<128x128xf32, #tpu.memory_space<vmem>>) target(%dma_start3A_47 : memref<128x128xf32, #tpu.memory_space<vmem_shared>>) target_semaphore(%run_scoped3A : memref<!tpu.dma_semaphore, #tpu.memory_space<semaphore_mem>>)
      %dma_wait3A = arith.constant 0 : i32
      %dma_wait3A_48 = tpu.memref_slice %arg8[%add3A_14, %dma_wait3A] : memref<10128x128xf32, #tpu.memory_space<vmem_shared>> -> memref<128x128xf32, #tpu.memory_space<vmem_shared>>
      %dma_wait3A_49 = arith.constant 0 : i32
      %dma_wait3A_50 = tpu.memref_slice %arg8[%add3A_14, %dma_wait3A_49] : memref<10128x128xf32, #tpu.memory_space<vmem_shared>> -> memref<128x128xf32, #tpu.memory_space<vmem_shared>>
      tpu.wait_dma2 semaphore(%run_scoped3A : memref<!tpu.dma_semaphore, #tpu.memory_space<semaphore_mem>>) src(%arg11 : memref<128x128xf32, #tpu.memory_space<vmem>>) dst(%dma_wait3A_50 : memref<128x128xf32, #tpu.memory_space<vmem_shared>>)
      tpu.yield
    }) : () -> ()
    %add3A_15 = arith.constant 128 : i32
    %add3A_16 = arith.addi %mul3A_0, %add3A_15 : i32
    "tpu.region"() ({
      %run_scoped3A = tpu.sem_alloc : memref<!tpu.dma_semaphore, #tpu.memory_space<semaphore_mem>>
      %dma_start3A = arith.constant 0 : i32
      %dma_start3A_45 = tpu.memref_slice %arg8[%add3A_16, %dma_start3A] : memref<10128x128xf32, #tpu.memory_space<vmem_shared>> -> memref<128x128xf32, #tpu.memory_space<vmem_shared>>
      %dma_start3A_46 = arith.constant 0 : i32
      %dma_start3A_47 = tpu.memref_slice %arg8[%add3A_16, %dma_start3A_46] : memref<10128x128xf32, #tpu.memory_space<vmem_shared>> -> memref<128x128xf32, #tpu.memory_space<vmem_shared>>
      tpu.enqueue_dma source(%arg11 : memref<128x128xf32, #tpu.memory_space<vmem>>) target(%dma_start3A_47 : memref<128x128xf32, #tpu.memory_space<vmem_shared>>) target_semaphore(%run_scoped3A : memref<!tpu.dma_semaphore, #tpu.memory_space<semaphore_mem>>)
      %dma_wait3A = arith.constant 0 : i32
      %dma_wait3A_48 = tpu.memref_slice %arg8[%add3A_16, %dma_wait3A] : memref<10128x128xf32, #tpu.memory_space<vmem_shared>> -> memref<128x128xf32, #tpu.memory_space<vmem_shared>>
      %dma_wait3A_49 = arith.constant 0 : i32
      %dma_wait3A_50 = tpu.memref_slice %arg8[%add3A_16, %dma_wait3A_49] : memref<10128x128xf32, #tpu.memory_space<vmem_shared>> -> memref<128x128xf32, #tpu.memory_space<vmem_shared>>
      tpu.wait_dma2 semaphore(%run_scoped3A : memref<!tpu.dma_semaphore, #tpu.memory_space<semaphore_mem>>) src(%arg11 : memref<128x128xf32, #tpu.memory_space<vmem>>) dst(%dma_wait3A_50 : memref<128x128xf32, #tpu.memory_space<vmem_shared>>)
      tpu.yield
    }) : () -> ()
    %add3A_17 = arith.constant 256 : i32
    %add3A_18 = arith.addi %mul3A_0, %add3A_17 : i32
    "tpu.region"() ({
      %run_scoped3A = tpu.sem_alloc : memref<!tpu.dma_semaphore, #tpu.memory_space<semaphore_mem>>
      %dma_start3A = arith.constant 0 : i32
      %dma_start3A_45 = tpu.memref_slice %arg8[%add3A_18, %dma_start3A] : memref<10128x128xf32, #tpu.memory_space<vmem_shared>> -> memref<128x128xf32, #tpu.memory_space<vmem_shared>>
      %dma_start3A_46 = arith.constant 0 : i32
      %dma_start3A_47 = tpu.memref_slice %arg8[%add3A_18, %dma_start3A_46] : memref<10128x128xf32, #tpu.memory_space<vmem_shared>> -> memref<128x128xf32, #tpu.memory_space<vmem_shared>>
      tpu.enqueue_dma source(%arg11 : memref<128x128xf32, #tpu.memory_space<vmem>>) target(%dma_start3A_47 : memref<128x128xf32, #tpu.memory_space<vmem_shared>>) target_semaphore(%run_scoped3A : memref<!tpu.dma_semaphore, #tpu.memory_space<semaphore_mem>>)
      %dma_wait3A = arith.constant 0 : i32
      %dma_wait3A_48 = tpu.memref_slice %arg8[%add3A_18, %dma_wait3A] : memref<10128x128xf32, #tpu.memory_space<vmem_shared>> -> memref<128x128xf32, #tpu.memory_space<vmem_shared>>
      %dma_wait3A_49 = arith.constant 0 : i32
      %dma_wait3A_50 = tpu.memref_slice %arg8[%add3A_18, %dma_wait3A_49] : memref<10128x128xf32, #tpu.memory_space<vmem_shared>> -> memref<128x128xf32, #tpu.memory_space<vmem_shared>>
      tpu.wait_dma2 semaphore(%run_scoped3A : memref<!tpu.dma_semaphore, #tpu.memory_space<semaphore_mem>>) src(%arg11 : memref<128x128xf32, #tpu.memory_space<vmem>>) dst(%dma_wait3A_50 : memref<128x128xf32, #tpu.memory_space<vmem_shared>>)
      tpu.yield
    }) : () -> ()
    %add3A_19 = arith.constant 384 : i32
    %add3A_20 = arith.addi %mul3A_0, %add3A_19 : i32
    "tpu.region"() ({
      %run_scoped3A = tpu.sem_alloc : memref<!tpu.dma_semaphore, #tpu.memory_space<semaphore_mem>>
      %dma_start3A = arith.constant 0 : i32
      %dma_start3A_45 = tpu.memref_slice %arg8[%add3A_20, %dma_start3A] : memref<10128x128xf32, #tpu.memory_space<vmem_shared>> -> memref<128x128xf32, #tpu.memory_space<vmem_shared>>
      %dma_start3A_46 = arith.constant 0 : i32
      %dma_start3A_47 = tpu.memref_slice %arg8[%add3A_20, %dma_start3A_46] : memref<10128x128xf32, #tpu.memory_space<vmem_shared>> -> memref<128x128xf32, #tpu.memory_space<vmem_shared>>
      tpu.enqueue_dma source(%arg11 : memref<128x128xf32, #tpu.memory_space<vmem>>) target(%dma_start3A_47 : memref<128x128xf32, #tpu.memory_space<vmem_shared>>) target_semaphore(%run_scoped3A : memref<!tpu.dma_semaphore, #tpu.memory_space<semaphore_mem>>)
      %dma_wait3A = arith.constant 0 : i32
      %dma_wait3A_48 = tpu.memref_slice %arg8[%add3A_20, %dma_wait3A] : memref<10128x128xf32, #tpu.memory_space<vmem_shared>> -> memref<128x128xf32, #tpu.memory_space<vmem_shared>>
      %dma_wait3A_49 = arith.constant 0 : i32
      %dma_wait3A_50 = tpu.memref_slice %arg8[%add3A_20, %dma_wait3A_49] : memref<10128x128xf32, #tpu.memory_space<vmem_shared>> -> memref<128x128xf32, #tpu.memory_space<vmem_shared>>
      tpu.wait_dma2 semaphore(%run_scoped3A : memref<!tpu.dma_semaphore, #tpu.memory_space<semaphore_mem>>) src(%arg11 : memref<128x128xf32, #tpu.memory_space<vmem>>) dst(%dma_wait3A_50 : memref<128x128xf32, #tpu.memory_space<vmem_shared>>)
      tpu.yield
    }) : () -> ()
    %add3A_21 = arith.constant 624 : i32
    %add3A_22 = arith.addi %mul3A_0, %add3A_21 : i32
    %sub3A = arith.constant 112 : i32
    %sub3A_23 = arith.subi %add3A_22, %sub3A : i32
    "tpu.region"() ({
      %run_scoped3A = tpu.sem_alloc : memref<!tpu.dma_semaphore, #tpu.memory_space<semaphore_mem>>
      %dma_start3A = arith.constant 0 : i32
      %dma_start3A_45 = arith.constant 0 : i32
      %dma_start3A_46 = tpu.memref_slice %arg11[%dma_start3A, %dma_start3A_45] : memref<128x128xf32, #tpu.memory_space<vmem>> -> memref<112x128xf32, #tpu.memory_space<vmem>>
      %dma_start3A_47 = arith.constant 0 : i32
      %dma_start3A_48 = tpu.memref_slice %arg8[%sub3A_23, %dma_start3A_47] : memref<10128x128xf32, #tpu.memory_space<vmem_shared>> -> memref<112x128xf32, #tpu.memory_space<vmem_shared>>
      %dma_start3A_49 = arith.constant 0 : i32
      %dma_start3A_50 = tpu.memref_slice %arg8[%sub3A_23, %dma_start3A_49] : memref<10128x128xf32, #tpu.memory_space<vmem_shared>> -> memref<112x128xf32, #tpu.memory_space<vmem_shared>>
      %dma_start3A_51 = arith.constant 0 : i32
      %dma_start3A_52 = arith.constant 0 : i32
      %dma_start3A_53 = tpu.memref_slice %arg11[%dma_start3A_51, %dma_start3A_52] : memref<128x128xf32, #tpu.memory_space<vmem>> -> memref<112x128xf32, #tpu.memory_space<vmem>>
      tpu.enqueue_dma source(%dma_start3A_53 : memref<112x128xf32, #tpu.memory_space<vmem>>) target(%dma_start3A_50 : memref<112x128xf32, #tpu.memory_space<vmem_shared>>) target_semaphore(%run_scoped3A : memref<!tpu.dma_semaphore, #tpu.memory_space<semaphore_mem>>)
      %dma_wait3A = arith.constant 0 : i32
      %dma_wait3A_54 = arith.constant 0 : i32
      %dma_wait3A_55 = tpu.memref_slice %arg11[%dma_wait3A, %dma_wait3A_54] : memref<128x128xf32, #tpu.memory_space<vmem>> -> memref<112x128xf32, #tpu.memory_space<vmem>>
      %dma_wait3A_56 = arith.constant 0 : i32
      %dma_wait3A_57 = tpu.memref_slice %arg8[%sub3A_23, %dma_wait3A_56] : memref<10128x128xf32, #tpu.memory_space<vmem_shared>> -> memref<112x128xf32, #tpu.memory_space<vmem_shared>>
      %dma_wait3A_58 = arith.constant 0 : i32
      %dma_wait3A_59 = tpu.memref_slice %arg8[%sub3A_23, %dma_wait3A_58] : memref<10128x128xf32, #tpu.memory_space<vmem_shared>> -> memref<112x128xf32, #tpu.memory_space<vmem_shared>>
      %dma_wait3A_60 = arith.constant 0 : i32
      %dma_wait3A_61 = arith.constant 0 : i32
      %dma_wait3A_62 = tpu.memref_slice %arg11[%dma_wait3A_60, %dma_wait3A_61] : memref<128x128xf32, #tpu.memory_space<vmem>> -> memref<112x128xf32, #tpu.memory_space<vmem>>
      tpu.wait_dma2 semaphore(%run_scoped3A : memref<!tpu.dma_semaphore, #tpu.memory_space<semaphore_mem>>) src(%dma_wait3A_62 : memref<112x128xf32, #tpu.memory_space<vmem>>) dst(%dma_wait3A_59 : memref<112x128xf32, #tpu.memory_space<vmem_shared>>)
      tpu.yield
    }) : () -> ()
    %eq3A_24 = arith.constant 0 : i32
    %eq3A_25 = arith.cmpi eq, %arg1, %eq3A_24 : i32
    %convert_element_type3A_26 = arith.extui %eq3A_25 : i1 to i32
    %cond3A_27 = arith.constant 0 : i32
    %cond3A_28 = arith.cmpi ne, %convert_element_type3A_26, %cond3A_27 : i32
    scf.if %cond3A_28 {
      "tpu.region"() ({
        %run_scoped3A = tpu.sem_alloc : memref<!tpu.dma_semaphore, #tpu.memory_space<semaphore_mem>>
        %dma_start3A = arith.constant 0 : i32
        %dma_start3A_45 = arith.constant 0 : i32
        %dma_start3A_46 = tpu.memref_slice %arg11[%dma_start3A, %dma_start3A_45] : memref<128x128xf32, #tpu.memory_space<vmem>> -> memref<16x128xf32, #tpu.memory_space<vmem>>
        %dma_start3A_47 = arith.constant 9984 : i32
        %dma_start3A_48 = arith.constant 0 : i32
        %dma_start3A_49 = tpu.memref_slice %arg8[%dma_start3A_47, %dma_start3A_48] : memref<10128x128xf32, #tpu.memory_space<vmem_shared>> -> memref<16x128xf32, #tpu.memory_space<vmem_shared>>
        %dma_start3A_50 = arith.constant 9984 : i32
        %dma_start3A_51 = arith.constant 0 : i32
        %dma_start3A_52 = tpu.memref_slice %arg8[%dma_start3A_50, %dma_start3A_51] : memref<10128x128xf32, #tpu.memory_space<vmem_shared>> -> memref<16x128xf32, #tpu.memory_space<vmem_shared>>
        %dma_start3A_53 = arith.constant 0 : i32
        %dma_start3A_54 = arith.constant 0 : i32
        %dma_start3A_55 = tpu.memref_slice %arg11[%dma_start3A_53, %dma_start3A_54] : memref<128x128xf32, #tpu.memory_space<vmem>> -> memref<16x128xf32, #tpu.memory_space<vmem>>
        tpu.enqueue_dma source(%dma_start3A_55 : memref<16x128xf32, #tpu.memory_space<vmem>>) target(%dma_start3A_52 : memref<16x128xf32, #tpu.memory_space<vmem_shared>>) target_semaphore(%run_scoped3A : memref<!tpu.dma_semaphore, #tpu.memory_space<semaphore_mem>>)
        %dma_wait3A = arith.constant 0 : i32
        %dma_wait3A_56 = arith.constant 0 : i32
        %dma_wait3A_57 = tpu.memref_slice %arg11[%dma_wait3A, %dma_wait3A_56] : memref<128x128xf32, #tpu.memory_space<vmem>> -> memref<16x128xf32, #tpu.memory_space<vmem>>
        %dma_wait3A_58 = arith.constant 9984 : i32
        %dma_wait3A_59 = arith.constant 0 : i32
        %dma_wait3A_60 = tpu.memref_slice %arg8[%dma_wait3A_58, %dma_wait3A_59] : memref<10128x128xf32, #tpu.memory_space<vmem_shared>> -> memref<16x128xf32, #tpu.memory_space<vmem_shared>>
        %dma_wait3A_61 = arith.constant 9984 : i32
        %dma_wait3A_62 = arith.constant 0 : i32
        %dma_wait3A_63 = tpu.memref_slice %arg8[%dma_wait3A_61, %dma_wait3A_62] : memref<10128x128xf32, #tpu.memory_space<vmem_shared>> -> memref<16x128xf32, #tpu.memory_space<vmem_shared>>
        %dma_wait3A_64 = arith.constant 0 : i32
        %dma_wait3A_65 = arith.constant 0 : i32
        %dma_wait3A_66 = tpu.memref_slice %arg11[%dma_wait3A_64, %dma_wait3A_65] : memref<128x128xf32, #tpu.memory_space<vmem>> -> memref<16x128xf32, #tpu.memory_space<vmem>>
        tpu.wait_dma2 semaphore(%run_scoped3A : memref<!tpu.dma_semaphore, #tpu.memory_space<semaphore_mem>>) src(%dma_wait3A_66 : memref<16x128xf32, #tpu.memory_space<vmem>>) dst(%dma_wait3A_63 : memref<16x128xf32, #tpu.memory_space<vmem_shared>>)
        tpu.yield
      }) : () -> ()
    } else {
    }
    %barrier3A = arith.constant 0 : index
    tpu.barrier barrier_id(%barrier3A)
    %eq3A_29 = arith.constant 0 : i32
    %eq3A_30 = arith.cmpi eq, %arg0, %eq3A_29 : i32
    %convert_element_type3A_31 = arith.extui %eq3A_30 : i1 to i32
    %cond3A_32 = arith.constant 0 : i32
    %cond3A_33 = arith.cmpi ne, %convert_element_type3A_31, %cond3A_32 : i32
    scf.if %cond3A_33 {
      %dma_wait3A = arith.constant 0 : i32
      %dma_wait3A_45 = arith.constant 0 : i32
      %dma_wait3A_46 = arith.constant 0 : i32
      %dma_wait3A_47 = tpu.memref_slice %arg9[%dma_wait3A, %dma_wait3A_45, %dma_wait3A_46] : memref<2x16x128xi32, #tpu.memory_space<vmem>> -> memref<1x16x128xi32, #tpu.memory_space<vmem>>
      %dma_wait3A_48 = tpu.memref_squeeze %dma_wait3A_47 : memref<1x16x128xi32, #tpu.memory_space<vmem>> -> memref<16x128xi32, #tpu.memory_space<vmem>>
      %dma_wait3A_49 = arith.constant 0 : i32
      %dma_wait3A_50 = arith.constant 0 : i32
      %dma_wait3A_51 = tpu.memref_slice %arg4[%arg1, %dma_wait3A_49, %dma_wait3A_50] : memref<16x80x128xi32, #tpu.memory_space<hbm>> -> memref<1x16x128xi32, #tpu.memory_space<hbm>>
      %dma_wait3A_52 = tpu.memref_squeeze %dma_wait3A_51 : memref<1x16x128xi32, #tpu.memory_space<hbm>> -> memref<16x128xi32, #tpu.memory_space<hbm>>
      %dma_wait3A_53 = arith.constant 0 : i32
      %dma_wait3A_54 = arith.constant 0 : i32
      %dma_wait3A_55 = tpu.memref_slice %arg9[%dma_wait3A, %dma_wait3A_53, %dma_wait3A_54] : memref<2x16x128xi32, #tpu.memory_space<vmem>> -> memref<1x16x128xi32, #tpu.memory_space<vmem>>
      %dma_wait3A_56 = tpu.memref_squeeze %dma_wait3A_55 : memref<1x16x128xi32, #tpu.memory_space<vmem>> -> memref<16x128xi32, #tpu.memory_space<vmem>>
      %dma_wait3A_57 = arith.constant 0 : i32
      %dma_wait3A_58 = arith.constant 0 : i32
      %dma_wait3A_59 = tpu.memref_slice %arg4[%arg1, %dma_wait3A_57, %dma_wait3A_58] : memref<16x80x128xi32, #tpu.memory_space<hbm>> -> memref<1x16x128xi32, #tpu.memory_space<hbm>>
      %dma_wait3A_60 = tpu.memref_squeeze %dma_wait3A_59 : memref<1x16x128xi32, #tpu.memory_space<hbm>> -> memref<16x128xi32, #tpu.memory_space<hbm>>
      tpu.wait_dma2 semaphore(%arg17 : memref<!tpu.dma_semaphore, #tpu.memory_space<semaphore_mem>>) src(%dma_wait3A_60 : memref<16x128xi32, #tpu.memory_space<hbm>>) dst(%dma_wait3A_56 : memref<16x128xi32, #tpu.memory_space<vmem>>)
      %dma_wait3A_61 = arith.constant 0 : i32
      %dma_wait3A_62 = arith.constant 0 : i32
      %dma_wait3A_63 = arith.constant 0 : i32
      %dma_wait3A_64 = tpu.memref_slice %arg10[%dma_wait3A_61, %dma_wait3A_62, %dma_wait3A_63] : memref<2x16x128xi32, #tpu.memory_space<vmem>> -> memref<1x16x128xi32, #tpu.memory_space<vmem>>
      %dma_wait3A_65 = tpu.memref_squeeze %dma_wait3A_64 : memref<1x16x128xi32, #tpu.memory_space<vmem>> -> memref<16x128xi32, #tpu.memory_space<vmem>>
      %dma_wait3A_66 = arith.constant 0 : i32
      %dma_wait3A_67 = arith.constant 0 : i32
      %dma_wait3A_68 = tpu.memref_slice %arg3[%arg1, %dma_wait3A_66, %dma_wait3A_67] : memref<16x80x128xi32, #tpu.memory_space<hbm>> -> memref<1x16x128xi32, #tpu.memory_space<hbm>>
      %dma_wait3A_69 = tpu.memref_squeeze %dma_wait3A_68 : memref<1x16x128xi32, #tpu.memory_space<hbm>> -> memref<16x128xi32, #tpu.memory_space<hbm>>
      %dma_wait3A_70 = arith.constant 0 : i32
      %dma_wait3A_71 = arith.constant 0 : i32
      %dma_wait3A_72 = tpu.memref_slice %arg10[%dma_wait3A_61, %dma_wait3A_70, %dma_wait3A_71] : memref<2x16x128xi32, #tpu.memory_space<vmem>> -> memref<1x16x128xi32, #tpu.memory_space<vmem>>
      %dma_wait3A_73 = tpu.memref_squeeze %dma_wait3A_72 : memref<1x16x128xi32, #tpu.memory_space<vmem>> -> memref<16x128xi32, #tpu.memory_space<vmem>>
      %dma_wait3A_74 = arith.constant 0 : i32
      %dma_wait3A_75 = arith.constant 0 : i32
      %dma_wait3A_76 = tpu.memref_slice %arg3[%arg1, %dma_wait3A_74, %dma_wait3A_75] : memref<16x80x128xi32, #tpu.memory_space<hbm>> -> memref<1x16x128xi32, #tpu.memory_space<hbm>>
      %dma_wait3A_77 = tpu.memref_squeeze %dma_wait3A_76 : memref<1x16x128xi32, #tpu.memory_space<hbm>> -> memref<16x128xi32, #tpu.memory_space<hbm>>
      tpu.wait_dma2 semaphore(%arg17 : memref<!tpu.dma_semaphore, #tpu.memory_space<semaphore_mem>>) src(%dma_wait3A_77 : memref<16x128xi32, #tpu.memory_space<hbm>>) dst(%dma_wait3A_73 : memref<16x128xi32, #tpu.memory_space<vmem>>)
      %scan3A_78 = arith.constant 0 : i32
      %scan3A_79 = arith.constant 0 : i32
      %scan3A_80 = arith.constant 5 : i32
      %scan3A_81 = arith.addi %scan3A_79, %scan3A_80 : i32
      %scan3A_82 = arith.constant 1 : i32
      scf.for %scan3A_96 = %scan3A_79 to %scan3A_81 step %scan3A_82  : i32 {
        %rem3A = arith.constant 2 : i32
        %rem3A_97 = arith.remsi %scan3A_96, %rem3A : i32
        %sub3A_98 = arith.constant 1 : i32
        %sub3A_99 = arith.subi %sub3A_98, %rem3A_97 : i32
        %gt3A = arith.constant 0 : i32
        %gt3A_100 = arith.cmpi sgt, %scan3A_96, %gt3A : i32
        %convert_element_type3A_101 = arith.extui %gt3A_100 : i1 to i32
        %cond3A_102 = arith.constant 0 : i32
        %cond3A_103 = arith.cmpi ne, %convert_element_type3A_101, %cond3A_102 : i32
        scf.if %cond3A_103 {
          %dma_wait3A_110 = arith.constant 0 : i32
          %dma_wait3A_111 = arith.constant 0 : i32
          %dma_wait3A_112 = tpu.memref_slice %arg9[%rem3A_97, %dma_wait3A_110, %dma_wait3A_111] : memref<2x16x128xi32, #tpu.memory_space<vmem>> -> memref<1x16x128xi32, #tpu.memory_space<vmem>>
          %dma_wait3A_113 = tpu.memref_squeeze %dma_wait3A_112 : memref<1x16x128xi32, #tpu.memory_space<vmem>> -> memref<16x128xi32, #tpu.memory_space<vmem>>
          %dma_wait3A_114 = arith.constant 0 : i32
          %dma_wait3A_115 = arith.constant 0 : i32
          %dma_wait3A_116 = tpu.memref_slice %arg4[%arg1, %dma_wait3A_114, %dma_wait3A_115] : memref<16x80x128xi32, #tpu.memory_space<hbm>> -> memref<1x16x128xi32, #tpu.memory_space<hbm>>
          %dma_wait3A_117 = tpu.memref_squeeze %dma_wait3A_116 : memref<1x16x128xi32, #tpu.memory_space<hbm>> -> memref<16x128xi32, #tpu.memory_space<hbm>>
          %dma_wait3A_118 = arith.constant 0 : i32
          %dma_wait3A_119 = arith.constant 0 : i32
          %dma_wait3A_120 = tpu.memref_slice %arg9[%rem3A_97, %dma_wait3A_118, %dma_wait3A_119] : memref<2x16x128xi32, #tpu.memory_space<vmem>> -> memref<1x16x128xi32, #tpu.memory_space<vmem>>
          %dma_wait3A_121 = tpu.memref_squeeze %dma_wait3A_120 : memref<1x16x128xi32, #tpu.memory_space<vmem>> -> memref<16x128xi32, #tpu.memory_space<vmem>>
          %dma_wait3A_122 = arith.constant 0 : i32
          %dma_wait3A_123 = arith.constant 0 : i32
          %dma_wait3A_124 = tpu.memref_slice %arg4[%arg1, %dma_wait3A_122, %dma_wait3A_123] : memref<16x80x128xi32, #tpu.memory_space<hbm>> -> memref<1x16x128xi32, #tpu.memory_space<hbm>>
          %dma_wait3A_125 = tpu.memref_squeeze %dma_wait3A_124 : memref<1x16x128xi32, #tpu.memory_space<hbm>> -> memref<16x128xi32, #tpu.memory_space<hbm>>
          tpu.wait_dma2 semaphore(%arg17 : memref<!tpu.dma_semaphore, #tpu.memory_space<semaphore_mem>>) src(%dma_wait3A_125 : memref<16x128xi32, #tpu.memory_space<hbm>>) dst(%dma_wait3A_121 : memref<16x128xi32, #tpu.memory_space<vmem>>)
          %dma_wait3A_126 = arith.constant 0 : i32
          %dma_wait3A_127 = arith.constant 0 : i32
          %dma_wait3A_128 = tpu.memref_slice %arg10[%rem3A_97, %dma_wait3A_126, %dma_wait3A_127] : memref<2x16x128xi32, #tpu.memory_space<vmem>> -> memref<1x16x128xi32, #tpu.memory_space<vmem>>
          %dma_wait3A_129 = tpu.memref_squeeze %dma_wait3A_128 : memref<1x16x128xi32, #tpu.memory_space<vmem>> -> memref<16x128xi32, #tpu.memory_space<vmem>>
          %dma_wait3A_130 = arith.constant 0 : i32
          %dma_wait3A_131 = arith.constant 0 : i32
          %dma_wait3A_132 = tpu.memref_slice %arg3[%arg1, %dma_wait3A_130, %dma_wait3A_131] : memref<16x80x128xi32, #tpu.memory_space<hbm>> -> memref<1x16x128xi32, #tpu.memory_space<hbm>>
          %dma_wait3A_133 = tpu.memref_squeeze %dma_wait3A_132 : memref<1x16x128xi32, #tpu.memory_space<hbm>> -> memref<16x128xi32, #tpu.memory_space<hbm>>
          %dma_wait3A_134 = arith.constant 0 : i32
          %dma_wait3A_135 = arith.constant 0 : i32
          %dma_wait3A_136 = tpu.memref_slice %arg10[%rem3A_97, %dma_wait3A_134, %dma_wait3A_135] : memref<2x16x128xi32, #tpu.memory_space<vmem>> -> memref<1x16x128xi32, #tpu.memory_space<vmem>>
          %dma_wait3A_137 = tpu.memref_squeeze %dma_wait3A_136 : memref<1x16x128xi32, #tpu.memory_space<vmem>> -> memref<16x128xi32, #tpu.memory_space<vmem>>
          %dma_wait3A_138 = arith.constant 0 : i32
          %dma_wait3A_139 = arith.constant 0 : i32
          %dma_wait3A_140 = tpu.memref_slice %arg3[%arg1, %dma_wait3A_138, %dma_wait3A_139] : memref<16x80x128xi32, #tpu.memory_space<hbm>> -> memref<1x16x128xi32, #tpu.memory_space<hbm>>
          %dma_wait3A_141 = tpu.memref_squeeze %dma_wait3A_140 : memref<1x16x128xi32, #tpu.memory_space<hbm>> -> memref<16x128xi32, #tpu.memory_space<hbm>>
          tpu.wait_dma2 semaphore(%arg17 : memref<!tpu.dma_semaphore, #tpu.memory_space<semaphore_mem>>) src(%dma_wait3A_141 : memref<16x128xi32, #tpu.memory_space<hbm>>) dst(%dma_wait3A_137 : memref<16x128xi32, #tpu.memory_space<vmem>>)
        } else {
        }
        %scan3A_104 = arith.constant 0 : i32
        %scan3A_105 = arith.constant 0 : i32
        %scan3A_106 = arith.constant 8 : i32
        %scan3A_107 = arith.addi %scan3A_105, %scan3A_106 : i32
        %scan3A_108 = arith.constant 1 : i32
        scf.for %scan3A_110 = %scan3A_105 to %scan3A_107 step %scan3A_108  : i32 {
          %eq3A_111 = arith.constant 1 : i32
          %eq3A_112 = arith.cmpi eq, %scan3A_110, %eq3A_111 : i32
          %add3A_113 = arith.constant 1 : i32
          %add3A_114 = arith.addi %scan3A_96, %add3A_113 : i32
          %lt3A = arith.constant 5 : i32
          %lt3A_115 = arith.cmpi slt, %add3A_114, %lt3A : i32
          %and3A = arith.andi %eq3A_112, %lt3A_115 : i1
          %convert_element_type3A_116 = arith.extui %and3A : i1 to i32
          %cond3A_117 = arith.constant 0 : i32
          %cond3A_118 = arith.cmpi ne, %convert_element_type3A_116, %cond3A_117 : i32
          scf.if %cond3A_118 {
            %add3A_170 = arith.constant 1 : i32
            %add3A_171 = arith.addi %scan3A_96, %add3A_170 : i32
            %mul3A_172 = arith.constant 16 : i32
            %mul3A_173 = arith.muli %add3A_171, %mul3A_172 : i32
            %dma_start3A_174 = arith.constant 0 : i32
            %dma_start3A_175 = arith.constant 0 : i32
            %dma_start3A_176 = tpu.memref_slice %arg9[%sub3A_99, %dma_start3A_174, %dma_start3A_175] : memref<2x16x128xi32, #tpu.memory_space<vmem>> -> memref<1x16x128xi32, #tpu.memory_space<vmem>>
            %dma_start3A_177 = tpu.memref_squeeze %dma_start3A_176 : memref<1x16x128xi32, #tpu.memory_space<vmem>> -> memref<16x128xi32, #tpu.memory_space<vmem>>
            %dma_start3A_178 = arith.constant 0 : i32
            %dma_start3A_179 = tpu.memref_slice %arg4[%arg1, %mul3A_173, %dma_start3A_178] : memref<16x80x128xi32, #tpu.memory_space<hbm>> -> memref<1x16x128xi32, #tpu.memory_space<hbm>>
            %dma_start3A_180 = tpu.memref_squeeze %dma_start3A_179 : memref<1x16x128xi32, #tpu.memory_space<hbm>> -> memref<16x128xi32, #tpu.memory_space<hbm>>
            %dma_start3A_181 = arith.constant 0 : i32
            %dma_start3A_182 = arith.constant 0 : i32
            %dma_start3A_183 = tpu.memref_slice %arg9[%sub3A_99, %dma_start3A_181, %dma_start3A_182] : memref<2x16x128xi32, #tpu.memory_space<vmem>> -> memref<1x16x128xi32, #tpu.memory_space<vmem>>
            %dma_start3A_184 = tpu.memref_squeeze %dma_start3A_183 : memref<1x16x128xi32, #tpu.memory_space<vmem>> -> memref<16x128xi32, #tpu.memory_space<vmem>>
            %dma_start3A_185 = arith.constant 0 : i32
            %dma_start3A_186 = tpu.memref_slice %arg4[%arg1, %mul3A_173, %dma_start3A_185] : memref<16x80x128xi32, #tpu.memory_space<hbm>> -> memref<1x16x128xi32, #tpu.memory_space<hbm>>
            %dma_start3A_187 = tpu.memref_squeeze %dma_start3A_186 : memref<1x16x128xi32, #tpu.memory_space<hbm>> -> memref<16x128xi32, #tpu.memory_space<hbm>>
            tpu.enqueue_dma source(%dma_start3A_187 : memref<16x128xi32, #tpu.memory_space<hbm>>) target(%dma_start3A_184 : memref<16x128xi32, #tpu.memory_space<vmem>>) target_semaphore(%arg17 : memref<!tpu.dma_semaphore, #tpu.memory_space<semaphore_mem>>)
            %add3A_188 = arith.constant 1 : i32
            %add3A_189 = arith.addi %scan3A_96, %add3A_188 : i32
            %mul3A_190 = arith.constant 16 : i32
            %mul3A_191 = arith.muli %add3A_189, %mul3A_190 : i32
            %dma_start3A_192 = arith.constant 0 : i32
            %dma_start3A_193 = arith.constant 0 : i32
            %dma_start3A_194 = tpu.memref_slice %arg10[%sub3A_99, %dma_start3A_192, %dma_start3A_193] : memref<2x16x128xi32, #tpu.memory_space<vmem>> -> memref<1x16x128xi32, #tpu.memory_space<vmem>>
            %dma_start3A_195 = tpu.memref_squeeze %dma_start3A_194 : memref<1x16x128xi32, #tpu.memory_space<vmem>> -> memref<16x128xi32, #tpu.memory_space<vmem>>
            %dma_start3A_196 = arith.constant 0 : i32
            %dma_start3A_197 = tpu.memref_slice %arg3[%arg1, %mul3A_191, %dma_start3A_196] : memref<16x80x128xi32, #tpu.memory_space<hbm>> -> memref<1x16x128xi32, #tpu.memory_space<hbm>>
            %dma_start3A_198 = tpu.memref_squeeze %dma_start3A_197 : memref<1x16x128xi32, #tpu.memory_space<hbm>> -> memref<16x128xi32, #tpu.memory_space<hbm>>
            %dma_start3A_199 = arith.constant 0 : i32
            %dma_start3A_200 = arith.constant 0 : i32
            %dma_start3A_201 = tpu.memref_slice %arg10[%sub3A_99, %dma_start3A_199, %dma_start3A_200] : memref<2x16x128xi32, #tpu.memory_space<vmem>> -> memref<1x16x128xi32, #tpu.memory_space<vmem>>
            %dma_start3A_202 = tpu.memref_squeeze %dma_start3A_201 : memref<1x16x128xi32, #tpu.memory_space<vmem>> -> memref<16x128xi32, #tpu.memory_space<vmem>>
            %dma_start3A_203 = arith.constant 0 : i32
            %dma_start3A_204 = tpu.memref_slice %arg3[%arg1, %mul3A_191, %dma_start3A_203] : memref<16x80x128xi32, #tpu.memory_space<hbm>> -> memref<1x16x128xi32, #tpu.memory_space<hbm>>
            %dma_start3A_205 = tpu.memref_squeeze %dma_start3A_204 : memref<1x16x128xi32, #tpu.memory_space<hbm>> -> memref<16x128xi32, #tpu.memory_space<hbm>>
            tpu.enqueue_dma source(%dma_start3A_205 : memref<16x128xi32, #tpu.memory_space<hbm>>) target(%dma_start3A_202 : memref<16x128xi32, #tpu.memory_space<vmem>>) target_semaphore(%arg17 : memref<!tpu.dma_semaphore, #tpu.memory_space<semaphore_mem>>)
          } else {
          }
          %mul3A_119 = arith.constant 2 : i32
          %mul3A_120 = arith.muli %mul3A_119, %scan3A_110 : i32
          %mul3A_121 = arith.constant 2 : i32
          %mul3A_122 = arith.muli %mul3A_121, %scan3A_110 : i32
          %add3A_123 = arith.constant 1 : i32
          %add3A_124 = arith.addi %mul3A_122, %add3A_123 : i32
          %gt3A_125 = arith.constant 0 : i32
          %gt3A_126 = arith.cmpi sgt, %scan3A_96, %gt3A_125 : i32
          %gt3A_127 = arith.constant 0 : i32
          %gt3A_128 = arith.cmpi sgt, %scan3A_110, %gt3A_127 : i32
          %or3A = arith.ori %gt3A_126, %gt3A_128 : i1
          %convert_element_type3A_129 = arith.extui %or3A : i1 to i32
          %cond3A_130 = arith.constant 0 : i32
          %cond3A_131 = arith.cmpi ne, %convert_element_type3A_129, %cond3A_130 : i32
          scf.if %cond3A_131 {
            %dma_wait3A_170 = arith.constant 0 : i32
            %dma_wait3A_171 = arith.constant 0 : i32
            %dma_wait3A_172 = tpu.memref_slice %arg2[%dma_wait3A_170, %dma_wait3A_171] : memref<10000x128xf32, #tpu.memory_space<hbm>> -> memref<128x128xf32, #tpu.memory_space<hbm>>
            %dma_wait3A_173 = arith.constant 0 : i32
            %dma_wait3A_174 = arith.constant 0 : i32
            %dma_wait3A_175 = tpu.memref_slice %arg2[%dma_wait3A_173, %dma_wait3A_174] : memref<10000x128xf32, #tpu.memory_space<hbm>> -> memref<128x128xf32, #tpu.memory_space<hbm>>
            tpu.wait_dma2 semaphore(%arg15 : memref<!tpu.dma_semaphore, #tpu.memory_space<semaphore_mem>>) src(%dma_wait3A_175 : memref<128x128xf32, #tpu.memory_space<hbm>>) dst(%arg11 : memref<128x128xf32, #tpu.memory_space<vmem>>)
          } else {
          }
          %dma_start3A = arith.constant 0 : i32
          %dma_start3A_132 = tpu.memref_slice %arg9[%rem3A_97, %mul3A_120, %dma_start3A] : memref<2x16x128xi32, #tpu.memory_space<vmem>> -> memref<1x1x128xi32, #tpu.memory_space<vmem>>
          %dma_start3A_133 = tpu.memref_squeeze %dma_start3A_132 : memref<1x1x128xi32, #tpu.memory_space<vmem>> -> memref<128xi32, #tpu.memory_space<vmem>>
          %dma_start3A_134 = arith.constant 0 : i32
          %dma_start3A_135 = arith.constant 0 : i32
          %dma_start3A_136 = tpu.memref_slice %arg2[%dma_start3A_134, %dma_start3A_135] : memref<10000x128xf32, #tpu.memory_space<hbm>> -> memref<10000x128xf32, #tpu.memory_space<hbm>>
          tpu.enqueue_indirect_dma source(%dma_start3A_136 : memref<10000x128xf32, #tpu.memory_space<hbm>>) target(%arg11 : memref<128x128xf32, #tpu.memory_space<vmem>>) offsets(%dma_start3A_133 : memref<128xi32, #tpu.memory_space<vmem>>) semaphore(%arg13 : memref<!tpu.dma_semaphore, #tpu.memory_space<semaphore_mem>>)
          %convert_element_type3A_137 = arith.extui %or3A : i1 to i32
          %cond3A_138 = arith.constant 0 : i32
          %cond3A_139 = arith.cmpi ne, %convert_element_type3A_137, %cond3A_138 : i32
          scf.if %cond3A_139 {
            %dma_wait3A_170 = arith.constant 0 : i32
            %dma_wait3A_171 = arith.constant 0 : i32
            %dma_wait3A_172 = tpu.memref_slice %arg2[%dma_wait3A_170, %dma_wait3A_171] : memref<10000x128xf32, #tpu.memory_space<hbm>> -> memref<128x128xf32, #tpu.memory_space<hbm>>
            %dma_wait3A_173 = arith.constant 0 : i32
            %dma_wait3A_174 = arith.constant 0 : i32
            %dma_wait3A_175 = tpu.memref_slice %arg2[%dma_wait3A_173, %dma_wait3A_174] : memref<10000x128xf32, #tpu.memory_space<hbm>> -> memref<128x128xf32, #tpu.memory_space<hbm>>
            tpu.wait_dma2 semaphore(%arg16 : memref<!tpu.dma_semaphore, #tpu.memory_space<semaphore_mem>>) src(%dma_wait3A_175 : memref<128x128xf32, #tpu.memory_space<hbm>>) dst(%arg12 : memref<128x128xf32, #tpu.memory_space<vmem>>)
          } else {
          }
          %dma_start3A_140 = arith.constant 0 : i32
          %dma_start3A_141 = tpu.memref_slice %arg9[%rem3A_97, %add3A_124, %dma_start3A_140] : memref<2x16x128xi32, #tpu.memory_space<vmem>> -> memref<1x1x128xi32, #tpu.memory_space<vmem>>
          %dma_start3A_142 = tpu.memref_squeeze %dma_start3A_141 : memref<1x1x128xi32, #tpu.memory_space<vmem>> -> memref<128xi32, #tpu.memory_space<vmem>>
          %dma_start3A_143 = arith.constant 0 : i32
          %dma_start3A_144 = arith.constant 0 : i32
          %dma_start3A_145 = tpu.memref_slice %arg2[%dma_start3A_143, %dma_start3A_144] : memref<10000x128xf32, #tpu.memory_space<hbm>> -> memref<10000x128xf32, #tpu.memory_space<hbm>>
          tpu.enqueue_indirect_dma source(%dma_start3A_145 : memref<10000x128xf32, #tpu.memory_space<hbm>>) target(%arg12 : memref<128x128xf32, #tpu.memory_space<vmem>>) offsets(%dma_start3A_142 : memref<128xi32, #tpu.memory_space<vmem>>) semaphore(%arg14 : memref<!tpu.dma_semaphore, #tpu.memory_space<semaphore_mem>>)
          %dma_wait3A_146 = arith.constant 0 : i32
          %dma_wait3A_147 = tpu.memref_slice %arg9[%rem3A_97, %mul3A_120, %dma_wait3A_146] : memref<2x16x128xi32, #tpu.memory_space<vmem>> -> memref<1x1x128xi32, #tpu.memory_space<vmem>>
          %dma_wait3A_148 = tpu.memref_squeeze %dma_wait3A_147 : memref<1x1x128xi32, #tpu.memory_space<vmem>> -> memref<128xi32, #tpu.memory_space<vmem>>
          %dma_wait3A_149 = arith.constant 0 : i32
          %dma_wait3A_150 = arith.constant 0 : i32
          %dma_wait3A_151 = tpu.memref_slice %arg2[%dma_wait3A_149, %dma_wait3A_150] : memref<10000x128xf32, #tpu.memory_space<hbm>> -> memref<10000x128xf32, #tpu.memory_space<hbm>>
          tpu.wait_indirect_dma semaphore(%arg13 : memref<!tpu.dma_semaphore, #tpu.memory_space<semaphore_mem>>) src(%dma_wait3A_151 : memref<10000x128xf32, #tpu.memory_space<hbm>>) dst(%arg11 : memref<128x128xf32, #tpu.memory_space<vmem>>)
          %dma_start3A_152 = arith.constant 0 : i32
          %dma_start3A_153 = tpu.memref_slice %arg10[%rem3A_97, %mul3A_120, %dma_start3A_152] : memref<2x16x128xi32, #tpu.memory_space<vmem>> -> memref<1x1x128xi32, #tpu.memory_space<vmem>>
          %dma_start3A_154 = tpu.memref_squeeze %dma_start3A_153 : memref<1x1x128xi32, #tpu.memory_space<vmem>> -> memref<128xi32, #tpu.memory_space<vmem>>
          %dma_start3A_155 = arith.constant 0 : i32
          %dma_start3A_156 = arith.constant 0 : i32
          %dma_start3A_157 = tpu.memref_slice %arg8[%dma_start3A_155, %dma_start3A_156] : memref<10128x128xf32, #tpu.memory_space<vmem_shared>> -> memref<10128x128xf32, #tpu.memory_space<vmem_shared>>
          tpu.enqueue_indirect_dma source(%arg11 : memref<128x128xf32, #tpu.memory_space<vmem>>) target(%dma_start3A_157 : memref<10128x128xf32, #tpu.memory_space<vmem_shared>>) offsets(%dma_start3A_154 : memref<128xi32, #tpu.memory_space<vmem>>) semaphore(%arg15 : memref<!tpu.dma_semaphore, #tpu.memory_space<semaphore_mem>>) {add = true}
          %dma_wait3A_158 = arith.constant 0 : i32
          %dma_wait3A_159 = tpu.memref_slice %arg9[%rem3A_97, %add3A_124, %dma_wait3A_158] : memref<2x16x128xi32, #tpu.memory_space<vmem>> -> memref<1x1x128xi32, #tpu.memory_space<vmem>>
          %dma_wait3A_160 = tpu.memref_squeeze %dma_wait3A_159 : memref<1x1x128xi32, #tpu.memory_space<vmem>> -> memref<128xi32, #tpu.memory_space<vmem>>
          %dma_wait3A_161 = arith.constant 0 : i32
          %dma_wait3A_162 = arith.constant 0 : i32
          %dma_wait3A_163 = tpu.memref_slice %arg2[%dma_wait3A_161, %dma_wait3A_162] : memref<10000x128xf32, #tpu.memory_space<hbm>> -> memref<10000x128xf32, #tpu.memory_space<hbm>>
          tpu.wait_indirect_dma semaphore(%arg14 : memref<!tpu.dma_semaphore, #tpu.memory_space<semaphore_mem>>) src(%dma_wait3A_163 : memref<10000x128xf32, #tpu.memory_space<hbm>>) dst(%arg12 : memref<128x128xf32, #tpu.memory_space<vmem>>)
          %dma_start3A_164 = arith.constant 0 : i32
          %dma_start3A_165 = tpu.memref_slice %arg10[%rem3A_97, %add3A_124, %dma_start3A_164] : memref<2x16x128xi32, #tpu.memory_space<vmem>> -> memref<1x1x128xi32, #tpu.memory_space<vmem>>
          %dma_start3A_166 = tpu.memref_squeeze %dma_start3A_165 : memref<1x1x128xi32, #tpu.memory_space<vmem>> -> memref<128xi32, #tpu.memory_space<vmem>>
          %dma_start3A_167 = arith.constant 0 : i32
          %dma_start3A_168 = arith.constant 0 : i32
          %dma_start3A_169 = tpu.memref_slice %arg8[%dma_start3A_167, %dma_start3A_168] : memref<10128x128xf32, #tpu.memory_space<vmem_shared>> -> memref<10128x128xf32, #tpu.memory_space<vmem_shared>>
          tpu.enqueue_indirect_dma source(%arg12 : memref<128x128xf32, #tpu.memory_space<vmem>>) target(%dma_start3A_169 : memref<10128x128xf32, #tpu.memory_space<vmem_shared>>) offsets(%dma_start3A_166 : memref<128xi32, #tpu.memory_space<vmem>>) semaphore(%arg16 : memref<!tpu.dma_semaphore, #tpu.memory_space<semaphore_mem>>) {add = true}
        }
        %scan3A_109 = arith.constant 8 : i32
      }
      %scan3A_83 = arith.constant 5 : i32
      %dma_wait3A_84 = arith.constant 0 : i32
      %dma_wait3A_85 = arith.constant 0 : i32
      %dma_wait3A_86 = tpu.memref_slice %arg2[%dma_wait3A_84, %dma_wait3A_85] : memref<10000x128xf32, #tpu.memory_space<hbm>> -> memref<128x128xf32, #tpu.memory_space<hbm>>
      %dma_wait3A_87 = arith.constant 0 : i32
      %dma_wait3A_88 = arith.constant 0 : i32
      %dma_wait3A_89 = tpu.memref_slice %arg2[%dma_wait3A_87, %dma_wait3A_88] : memref<10000x128xf32, #tpu.memory_space<hbm>> -> memref<128x128xf32, #tpu.memory_space<hbm>>
      tpu.wait_dma2 semaphore(%arg15 : memref<!tpu.dma_semaphore, #tpu.memory_space<semaphore_mem>>) src(%dma_wait3A_89 : memref<128x128xf32, #tpu.memory_space<hbm>>) dst(%arg11 : memref<128x128xf32, #tpu.memory_space<vmem>>)
      %dma_wait3A_90 = arith.constant 0 : i32
      %dma_wait3A_91 = arith.constant 0 : i32
      %dma_wait3A_92 = tpu.memref_slice %arg2[%dma_wait3A_90, %dma_wait3A_91] : memref<10000x128xf32, #tpu.memory_space<hbm>> -> memref<128x128xf32, #tpu.memory_space<hbm>>
      %dma_wait3A_93 = arith.constant 0 : i32
      %dma_wait3A_94 = arith.constant 0 : i32
      %dma_wait3A_95 = tpu.memref_slice %arg2[%dma_wait3A_93, %dma_wait3A_94] : memref<10000x128xf32, #tpu.memory_space<hbm>> -> memref<128x128xf32, #tpu.memory_space<hbm>>
      tpu.wait_dma2 semaphore(%arg16 : memref<!tpu.dma_semaphore, #tpu.memory_space<semaphore_mem>>) src(%dma_wait3A_95 : memref<128x128xf32, #tpu.memory_space<hbm>>) dst(%arg12 : memref<128x128xf32, #tpu.memory_space<vmem>>)
    } else {
    }
    %eq3A_34 = arith.constant 1 : i32
    %eq3A_35 = arith.cmpi eq, %arg0, %eq3A_34 : i32
    %convert_element_type3A_36 = arith.extui %eq3A_35 : i1 to i32
    %cond3A_37 = arith.constant 0 : i32
    %cond3A_38 = arith.cmpi ne, %convert_element_type3A_36, %cond3A_37 : i32
    scf.if %cond3A_38 {
      %dma_wait3A = arith.constant 0 : i32
      %dma_wait3A_45 = arith.constant 0 : i32
      %dma_wait3A_46 = arith.constant 0 : i32
      %dma_wait3A_47 = tpu.memref_slice %arg9[%dma_wait3A, %dma_wait3A_45, %dma_wait3A_46] : memref<2x16x128xi32, #tpu.memory_space<vmem>> -> memref<1x16x128xi32, #tpu.memory_space<vmem>>
      %dma_wait3A_48 = tpu.memref_squeeze %dma_wait3A_47 : memref<1x16x128xi32, #tpu.memory_space<vmem>> -> memref<16x128xi32, #tpu.memory_space<vmem>>
      %dma_wait3A_49 = arith.constant 0 : i32
      %dma_wait3A_50 = arith.constant 0 : i32
      %dma_wait3A_51 = tpu.memref_slice %arg6[%arg1, %dma_wait3A_49, %dma_wait3A_50] : memref<16x80x128xi32, #tpu.memory_space<hbm>> -> memref<1x16x128xi32, #tpu.memory_space<hbm>>
      %dma_wait3A_52 = tpu.memref_squeeze %dma_wait3A_51 : memref<1x16x128xi32, #tpu.memory_space<hbm>> -> memref<16x128xi32, #tpu.memory_space<hbm>>
      %dma_wait3A_53 = arith.constant 0 : i32
      %dma_wait3A_54 = arith.constant 0 : i32
      %dma_wait3A_55 = tpu.memref_slice %arg9[%dma_wait3A, %dma_wait3A_53, %dma_wait3A_54] : memref<2x16x128xi32, #tpu.memory_space<vmem>> -> memref<1x16x128xi32, #tpu.memory_space<vmem>>
      %dma_wait3A_56 = tpu.memref_squeeze %dma_wait3A_55 : memref<1x16x128xi32, #tpu.memory_space<vmem>> -> memref<16x128xi32, #tpu.memory_space<vmem>>
      %dma_wait3A_57 = arith.constant 0 : i32
      %dma_wait3A_58 = arith.constant 0 : i32
      %dma_wait3A_59 = tpu.memref_slice %arg6[%arg1, %dma_wait3A_57, %dma_wait3A_58] : memref<16x80x128xi32, #tpu.memory_space<hbm>> -> memref<1x16x128xi32, #tpu.memory_space<hbm>>
      %dma_wait3A_60 = tpu.memref_squeeze %dma_wait3A_59 : memref<1x16x128xi32, #tpu.memory_space<hbm>> -> memref<16x128xi32, #tpu.memory_space<hbm>>
      tpu.wait_dma2 semaphore(%arg17 : memref<!tpu.dma_semaphore, #tpu.memory_space<semaphore_mem>>) src(%dma_wait3A_60 : memref<16x128xi32, #tpu.memory_space<hbm>>) dst(%dma_wait3A_56 : memref<16x128xi32, #tpu.memory_space<vmem>>)
      %dma_wait3A_61 = arith.constant 0 : i32
      %dma_wait3A_62 = arith.constant 0 : i32
      %dma_wait3A_63 = arith.constant 0 : i32
      %dma_wait3A_64 = tpu.memref_slice %arg10[%dma_wait3A_61, %dma_wait3A_62, %dma_wait3A_63] : memref<2x16x128xi32, #tpu.memory_space<vmem>> -> memref<1x16x128xi32, #tpu.memory_space<vmem>>
      %dma_wait3A_65 = tpu.memref_squeeze %dma_wait3A_64 : memref<1x16x128xi32, #tpu.memory_space<vmem>> -> memref<16x128xi32, #tpu.memory_space<vmem>>
      %dma_wait3A_66 = arith.constant 0 : i32
      %dma_wait3A_67 = arith.constant 0 : i32
      %dma_wait3A_68 = tpu.memref_slice %arg5[%arg1, %dma_wait3A_66, %dma_wait3A_67] : memref<16x80x128xi32, #tpu.memory_space<hbm>> -> memref<1x16x128xi32, #tpu.memory_space<hbm>>
      %dma_wait3A_69 = tpu.memref_squeeze %dma_wait3A_68 : memref<1x16x128xi32, #tpu.memory_space<hbm>> -> memref<16x128xi32, #tpu.memory_space<hbm>>
      %dma_wait3A_70 = arith.constant 0 : i32
      %dma_wait3A_71 = arith.constant 0 : i32
      %dma_wait3A_72 = tpu.memref_slice %arg10[%dma_wait3A_61, %dma_wait3A_70, %dma_wait3A_71] : memref<2x16x128xi32, #tpu.memory_space<vmem>> -> memref<1x16x128xi32, #tpu.memory_space<vmem>>
      %dma_wait3A_73 = tpu.memref_squeeze %dma_wait3A_72 : memref<1x16x128xi32, #tpu.memory_space<vmem>> -> memref<16x128xi32, #tpu.memory_space<vmem>>
      %dma_wait3A_74 = arith.constant 0 : i32
      %dma_wait3A_75 = arith.constant 0 : i32
      %dma_wait3A_76 = tpu.memref_slice %arg5[%arg1, %dma_wait3A_74, %dma_wait3A_75] : memref<16x80x128xi32, #tpu.memory_space<hbm>> -> memref<1x16x128xi32, #tpu.memory_space<hbm>>
      %dma_wait3A_77 = tpu.memref_squeeze %dma_wait3A_76 : memref<1x16x128xi32, #tpu.memory_space<hbm>> -> memref<16x128xi32, #tpu.memory_space<hbm>>
      tpu.wait_dma2 semaphore(%arg17 : memref<!tpu.dma_semaphore, #tpu.memory_space<semaphore_mem>>) src(%dma_wait3A_77 : memref<16x128xi32, #tpu.memory_space<hbm>>) dst(%dma_wait3A_73 : memref<16x128xi32, #tpu.memory_space<vmem>>)
      %scan3A_78 = arith.constant 0 : i32
      %scan3A_79 = arith.constant 0 : i32
      %scan3A_80 = arith.constant 5 : i32
      %scan3A_81 = arith.addi %scan3A_79, %scan3A_80 : i32
      %scan3A_82 = arith.constant 1 : i32
      scf.for %scan3A_96 = %scan3A_79 to %scan3A_81 step %scan3A_82  : i32 {
        %rem3A = arith.constant 2 : i32
        %rem3A_97 = arith.remsi %scan3A_96, %rem3A : i32
        %sub3A_98 = arith.constant 1 : i32
        %sub3A_99 = arith.subi %sub3A_98, %rem3A_97 : i32
        %gt3A = arith.constant 0 : i32
        %gt3A_100 = arith.cmpi sgt, %scan3A_96, %gt3A : i32
        %convert_element_type3A_101 = arith.extui %gt3A_100 : i1 to i32
        %cond3A_102 = arith.constant 0 : i32
        %cond3A_103 = arith.cmpi ne, %convert_element_type3A_101, %cond3A_102 : i32
        scf.if %cond3A_103 {
          %dma_wait3A_110 = arith.constant 0 : i32
          %dma_wait3A_111 = arith.constant 0 : i32
          %dma_wait3A_112 = tpu.memref_slice %arg9[%rem3A_97, %dma_wait3A_110, %dma_wait3A_111] : memref<2x16x128xi32, #tpu.memory_space<vmem>> -> memref<1x16x128xi32, #tpu.memory_space<vmem>>
          %dma_wait3A_113 = tpu.memref_squeeze %dma_wait3A_112 : memref<1x16x128xi32, #tpu.memory_space<vmem>> -> memref<16x128xi32, #tpu.memory_space<vmem>>
          %dma_wait3A_114 = arith.constant 0 : i32
          %dma_wait3A_115 = arith.constant 0 : i32
          %dma_wait3A_116 = tpu.memref_slice %arg6[%arg1, %dma_wait3A_114, %dma_wait3A_115] : memref<16x80x128xi32, #tpu.memory_space<hbm>> -> memref<1x16x128xi32, #tpu.memory_space<hbm>>
          %dma_wait3A_117 = tpu.memref_squeeze %dma_wait3A_116 : memref<1x16x128xi32, #tpu.memory_space<hbm>> -> memref<16x128xi32, #tpu.memory_space<hbm>>
          %dma_wait3A_118 = arith.constant 0 : i32
          %dma_wait3A_119 = arith.constant 0 : i32
          %dma_wait3A_120 = tpu.memref_slice %arg9[%rem3A_97, %dma_wait3A_118, %dma_wait3A_119] : memref<2x16x128xi32, #tpu.memory_space<vmem>> -> memref<1x16x128xi32, #tpu.memory_space<vmem>>
          %dma_wait3A_121 = tpu.memref_squeeze %dma_wait3A_120 : memref<1x16x128xi32, #tpu.memory_space<vmem>> -> memref<16x128xi32, #tpu.memory_space<vmem>>
          %dma_wait3A_122 = arith.constant 0 : i32
          %dma_wait3A_123 = arith.constant 0 : i32
          %dma_wait3A_124 = tpu.memref_slice %arg6[%arg1, %dma_wait3A_122, %dma_wait3A_123] : memref<16x80x128xi32, #tpu.memory_space<hbm>> -> memref<1x16x128xi32, #tpu.memory_space<hbm>>
          %dma_wait3A_125 = tpu.memref_squeeze %dma_wait3A_124 : memref<1x16x128xi32, #tpu.memory_space<hbm>> -> memref<16x128xi32, #tpu.memory_space<hbm>>
          tpu.wait_dma2 semaphore(%arg17 : memref<!tpu.dma_semaphore, #tpu.memory_space<semaphore_mem>>) src(%dma_wait3A_125 : memref<16x128xi32, #tpu.memory_space<hbm>>) dst(%dma_wait3A_121 : memref<16x128xi32, #tpu.memory_space<vmem>>)
          %dma_wait3A_126 = arith.constant 0 : i32
          %dma_wait3A_127 = arith.constant 0 : i32
          %dma_wait3A_128 = tpu.memref_slice %arg10[%rem3A_97, %dma_wait3A_126, %dma_wait3A_127] : memref<2x16x128xi32, #tpu.memory_space<vmem>> -> memref<1x16x128xi32, #tpu.memory_space<vmem>>
          %dma_wait3A_129 = tpu.memref_squeeze %dma_wait3A_128 : memref<1x16x128xi32, #tpu.memory_space<vmem>> -> memref<16x128xi32, #tpu.memory_space<vmem>>
          %dma_wait3A_130 = arith.constant 0 : i32
          %dma_wait3A_131 = arith.constant 0 : i32
          %dma_wait3A_132 = tpu.memref_slice %arg5[%arg1, %dma_wait3A_130, %dma_wait3A_131] : memref<16x80x128xi32, #tpu.memory_space<hbm>> -> memref<1x16x128xi32, #tpu.memory_space<hbm>>
          %dma_wait3A_133 = tpu.memref_squeeze %dma_wait3A_132 : memref<1x16x128xi32, #tpu.memory_space<hbm>> -> memref<16x128xi32, #tpu.memory_space<hbm>>
          %dma_wait3A_134 = arith.constant 0 : i32
          %dma_wait3A_135 = arith.constant 0 : i32
          %dma_wait3A_136 = tpu.memref_slice %arg10[%rem3A_97, %dma_wait3A_134, %dma_wait3A_135] : memref<2x16x128xi32, #tpu.memory_space<vmem>> -> memref<1x16x128xi32, #tpu.memory_space<vmem>>
          %dma_wait3A_137 = tpu.memref_squeeze %dma_wait3A_136 : memref<1x16x128xi32, #tpu.memory_space<vmem>> -> memref<16x128xi32, #tpu.memory_space<vmem>>
          %dma_wait3A_138 = arith.constant 0 : i32
          %dma_wait3A_139 = arith.constant 0 : i32
          %dma_wait3A_140 = tpu.memref_slice %arg5[%arg1, %dma_wait3A_138, %dma_wait3A_139] : memref<16x80x128xi32, #tpu.memory_space<hbm>> -> memref<1x16x128xi32, #tpu.memory_space<hbm>>
          %dma_wait3A_141 = tpu.memref_squeeze %dma_wait3A_140 : memref<1x16x128xi32, #tpu.memory_space<hbm>> -> memref<16x128xi32, #tpu.memory_space<hbm>>
          tpu.wait_dma2 semaphore(%arg17 : memref<!tpu.dma_semaphore, #tpu.memory_space<semaphore_mem>>) src(%dma_wait3A_141 : memref<16x128xi32, #tpu.memory_space<hbm>>) dst(%dma_wait3A_137 : memref<16x128xi32, #tpu.memory_space<vmem>>)
        } else {
        }
        %scan3A_104 = arith.constant 0 : i32
        %scan3A_105 = arith.constant 0 : i32
        %scan3A_106 = arith.constant 8 : i32
        %scan3A_107 = arith.addi %scan3A_105, %scan3A_106 : i32
        %scan3A_108 = arith.constant 1 : i32
        scf.for %scan3A_110 = %scan3A_105 to %scan3A_107 step %scan3A_108  : i32 {
          %eq3A_111 = arith.constant 1 : i32
          %eq3A_112 = arith.cmpi eq, %scan3A_110, %eq3A_111 : i32
          %add3A_113 = arith.constant 1 : i32
          %add3A_114 = arith.addi %scan3A_96, %add3A_113 : i32
          %lt3A = arith.constant 5 : i32
          %lt3A_115 = arith.cmpi slt, %add3A_114, %lt3A : i32
          %and3A = arith.andi %eq3A_112, %lt3A_115 : i1
          %convert_element_type3A_116 = arith.extui %and3A : i1 to i32
          %cond3A_117 = arith.constant 0 : i32
          %cond3A_118 = arith.cmpi ne, %convert_element_type3A_116, %cond3A_117 : i32
          scf.if %cond3A_118 {
            %add3A_170 = arith.constant 1 : i32
            %add3A_171 = arith.addi %scan3A_96, %add3A_170 : i32
            %mul3A_172 = arith.constant 16 : i32
            %mul3A_173 = arith.muli %add3A_171, %mul3A_172 : i32
            %dma_start3A_174 = arith.constant 0 : i32
            %dma_start3A_175 = arith.constant 0 : i32
            %dma_start3A_176 = tpu.memref_slice %arg9[%sub3A_99, %dma_start3A_174, %dma_start3A_175] : memref<2x16x128xi32, #tpu.memory_space<vmem>> -> memref<1x16x128xi32, #tpu.memory_space<vmem>>
            %dma_start3A_177 = tpu.memref_squeeze %dma_start3A_176 : memref<1x16x128xi32, #tpu.memory_space<vmem>> -> memref<16x128xi32, #tpu.memory_space<vmem>>
            %dma_start3A_178 = arith.constant 0 : i32
            %dma_start3A_179 = tpu.memref_slice %arg6[%arg1, %mul3A_173, %dma_start3A_178] : memref<16x80x128xi32, #tpu.memory_space<hbm>> -> memref<1x16x128xi32, #tpu.memory_space<hbm>>
            %dma_start3A_180 = tpu.memref_squeeze %dma_start3A_179 : memref<1x16x128xi32, #tpu.memory_space<hbm>> -> memref<16x128xi32, #tpu.memory_space<hbm>>
            %dma_start3A_181 = arith.constant 0 : i32
            %dma_start3A_182 = arith.constant 0 : i32
            %dma_start3A_183 = tpu.memref_slice %arg9[%sub3A_99, %dma_start3A_181, %dma_start3A_182] : memref<2x16x128xi32, #tpu.memory_space<vmem>> -> memref<1x16x128xi32, #tpu.memory_space<vmem>>
            %dma_start3A_184 = tpu.memref_squeeze %dma_start3A_183 : memref<1x16x128xi32, #tpu.memory_space<vmem>> -> memref<16x128xi32, #tpu.memory_space<vmem>>
            %dma_start3A_185 = arith.constant 0 : i32
            %dma_start3A_186 = tpu.memref_slice %arg6[%arg1, %mul3A_173, %dma_start3A_185] : memref<16x80x128xi32, #tpu.memory_space<hbm>> -> memref<1x16x128xi32, #tpu.memory_space<hbm>>
            %dma_start3A_187 = tpu.memref_squeeze %dma_start3A_186 : memref<1x16x128xi32, #tpu.memory_space<hbm>> -> memref<16x128xi32, #tpu.memory_space<hbm>>
            tpu.enqueue_dma source(%dma_start3A_187 : memref<16x128xi32, #tpu.memory_space<hbm>>) target(%dma_start3A_184 : memref<16x128xi32, #tpu.memory_space<vmem>>) target_semaphore(%arg17 : memref<!tpu.dma_semaphore, #tpu.memory_space<semaphore_mem>>)
            %add3A_188 = arith.constant 1 : i32
            %add3A_189 = arith.addi %scan3A_96, %add3A_188 : i32
            %mul3A_190 = arith.constant 16 : i32
            %mul3A_191 = arith.muli %add3A_189, %mul3A_190 : i32
            %dma_start3A_192 = arith.constant 0 : i32
            %dma_start3A_193 = arith.constant 0 : i32
            %dma_start3A_194 = tpu.memref_slice %arg10[%sub3A_99, %dma_start3A_192, %dma_start3A_193] : memref<2x16x128xi32, #tpu.memory_space<vmem>> -> memref<1x16x128xi32, #tpu.memory_space<vmem>>
            %dma_start3A_195 = tpu.memref_squeeze %dma_start3A_194 : memref<1x16x128xi32, #tpu.memory_space<vmem>> -> memref<16x128xi32, #tpu.memory_space<vmem>>
            %dma_start3A_196 = arith.constant 0 : i32
            %dma_start3A_197 = tpu.memref_slice %arg5[%arg1, %mul3A_191, %dma_start3A_196] : memref<16x80x128xi32, #tpu.memory_space<hbm>> -> memref<1x16x128xi32, #tpu.memory_space<hbm>>
            %dma_start3A_198 = tpu.memref_squeeze %dma_start3A_197 : memref<1x16x128xi32, #tpu.memory_space<hbm>> -> memref<16x128xi32, #tpu.memory_space<hbm>>
            %dma_start3A_199 = arith.constant 0 : i32
            %dma_start3A_200 = arith.constant 0 : i32
            %dma_start3A_201 = tpu.memref_slice %arg10[%sub3A_99, %dma_start3A_199, %dma_start3A_200] : memref<2x16x128xi32, #tpu.memory_space<vmem>> -> memref<1x16x128xi32, #tpu.memory_space<vmem>>
            %dma_start3A_202 = tpu.memref_squeeze %dma_start3A_201 : memref<1x16x128xi32, #tpu.memory_space<vmem>> -> memref<16x128xi32, #tpu.memory_space<vmem>>
            %dma_start3A_203 = arith.constant 0 : i32
            %dma_start3A_204 = tpu.memref_slice %arg5[%arg1, %mul3A_191, %dma_start3A_203] : memref<16x80x128xi32, #tpu.memory_space<hbm>> -> memref<1x16x128xi32, #tpu.memory_space<hbm>>
            %dma_start3A_205 = tpu.memref_squeeze %dma_start3A_204 : memref<1x16x128xi32, #tpu.memory_space<hbm>> -> memref<16x128xi32, #tpu.memory_space<hbm>>
            tpu.enqueue_dma source(%dma_start3A_205 : memref<16x128xi32, #tpu.memory_space<hbm>>) target(%dma_start3A_202 : memref<16x128xi32, #tpu.memory_space<vmem>>) target_semaphore(%arg17 : memref<!tpu.dma_semaphore, #tpu.memory_space<semaphore_mem>>)
          } else {
          }
          %mul3A_119 = arith.constant 2 : i32
          %mul3A_120 = arith.muli %mul3A_119, %scan3A_110 : i32
          %mul3A_121 = arith.constant 2 : i32
          %mul3A_122 = arith.muli %mul3A_121, %scan3A_110 : i32
          %add3A_123 = arith.constant 1 : i32
          %add3A_124 = arith.addi %mul3A_122, %add3A_123 : i32
          %gt3A_125 = arith.constant 0 : i32
          %gt3A_126 = arith.cmpi sgt, %scan3A_96, %gt3A_125 : i32
          %gt3A_127 = arith.constant 0 : i32
          %gt3A_128 = arith.cmpi sgt, %scan3A_110, %gt3A_127 : i32
          %or3A = arith.ori %gt3A_126, %gt3A_128 : i1
          %convert_element_type3A_129 = arith.extui %or3A : i1 to i32
          %cond3A_130 = arith.constant 0 : i32
          %cond3A_131 = arith.cmpi ne, %convert_element_type3A_129, %cond3A_130 : i32
          scf.if %cond3A_131 {
            %dma_wait3A_170 = arith.constant 0 : i32
            %dma_wait3A_171 = arith.constant 0 : i32
            %dma_wait3A_172 = tpu.memref_slice %arg2[%dma_wait3A_170, %dma_wait3A_171] : memref<10000x128xf32, #tpu.memory_space<hbm>> -> memref<128x128xf32, #tpu.memory_space<hbm>>
            %dma_wait3A_173 = arith.constant 0 : i32
            %dma_wait3A_174 = arith.constant 0 : i32
            %dma_wait3A_175 = tpu.memref_slice %arg2[%dma_wait3A_173, %dma_wait3A_174] : memref<10000x128xf32, #tpu.memory_space<hbm>> -> memref<128x128xf32, #tpu.memory_space<hbm>>
            tpu.wait_dma2 semaphore(%arg15 : memref<!tpu.dma_semaphore, #tpu.memory_space<semaphore_mem>>) src(%dma_wait3A_175 : memref<128x128xf32, #tpu.memory_space<hbm>>) dst(%arg11 : memref<128x128xf32, #tpu.memory_space<vmem>>)
          } else {
          }
          %dma_start3A = arith.constant 0 : i32
          %dma_start3A_132 = tpu.memref_slice %arg9[%rem3A_97, %mul3A_120, %dma_start3A] : memref<2x16x128xi32, #tpu.memory_space<vmem>> -> memref<1x1x128xi32, #tpu.memory_space<vmem>>
          %dma_start3A_133 = tpu.memref_squeeze %dma_start3A_132 : memref<1x1x128xi32, #tpu.memory_space<vmem>> -> memref<128xi32, #tpu.memory_space<vmem>>
          %dma_start3A_134 = arith.constant 0 : i32
          %dma_start3A_135 = arith.constant 0 : i32
          %dma_start3A_136 = tpu.memref_slice %arg2[%dma_start3A_134, %dma_start3A_135] : memref<10000x128xf32, #tpu.memory_space<hbm>> -> memref<10000x128xf32, #tpu.memory_space<hbm>>
          tpu.enqueue_indirect_dma source(%dma_start3A_136 : memref<10000x128xf32, #tpu.memory_space<hbm>>) target(%arg11 : memref<128x128xf32, #tpu.memory_space<vmem>>) offsets(%dma_start3A_133 : memref<128xi32, #tpu.memory_space<vmem>>) semaphore(%arg13 : memref<!tpu.dma_semaphore, #tpu.memory_space<semaphore_mem>>)
          %convert_element_type3A_137 = arith.extui %or3A : i1 to i32
          %cond3A_138 = arith.constant 0 : i32
          %cond3A_139 = arith.cmpi ne, %convert_element_type3A_137, %cond3A_138 : i32
          scf.if %cond3A_139 {
            %dma_wait3A_170 = arith.constant 0 : i32
            %dma_wait3A_171 = arith.constant 0 : i32
            %dma_wait3A_172 = tpu.memref_slice %arg2[%dma_wait3A_170, %dma_wait3A_171] : memref<10000x128xf32, #tpu.memory_space<hbm>> -> memref<128x128xf32, #tpu.memory_space<hbm>>
            %dma_wait3A_173 = arith.constant 0 : i32
            %dma_wait3A_174 = arith.constant 0 : i32
            %dma_wait3A_175 = tpu.memref_slice %arg2[%dma_wait3A_173, %dma_wait3A_174] : memref<10000x128xf32, #tpu.memory_space<hbm>> -> memref<128x128xf32, #tpu.memory_space<hbm>>
            tpu.wait_dma2 semaphore(%arg16 : memref<!tpu.dma_semaphore, #tpu.memory_space<semaphore_mem>>) src(%dma_wait3A_175 : memref<128x128xf32, #tpu.memory_space<hbm>>) dst(%arg12 : memref<128x128xf32, #tpu.memory_space<vmem>>)
          } else {
          }
          %dma_start3A_140 = arith.constant 0 : i32
          %dma_start3A_141 = tpu.memref_slice %arg9[%rem3A_97, %add3A_124, %dma_start3A_140] : memref<2x16x128xi32, #tpu.memory_space<vmem>> -> memref<1x1x128xi32, #tpu.memory_space<vmem>>
          %dma_start3A_142 = tpu.memref_squeeze %dma_start3A_141 : memref<1x1x128xi32, #tpu.memory_space<vmem>> -> memref<128xi32, #tpu.memory_space<vmem>>
          %dma_start3A_143 = arith.constant 0 : i32
          %dma_start3A_144 = arith.constant 0 : i32
          %dma_start3A_145 = tpu.memref_slice %arg2[%dma_start3A_143, %dma_start3A_144] : memref<10000x128xf32, #tpu.memory_space<hbm>> -> memref<10000x128xf32, #tpu.memory_space<hbm>>
          tpu.enqueue_indirect_dma source(%dma_start3A_145 : memref<10000x128xf32, #tpu.memory_space<hbm>>) target(%arg12 : memref<128x128xf32, #tpu.memory_space<vmem>>) offsets(%dma_start3A_142 : memref<128xi32, #tpu.memory_space<vmem>>) semaphore(%arg14 : memref<!tpu.dma_semaphore, #tpu.memory_space<semaphore_mem>>)
          %dma_wait3A_146 = arith.constant 0 : i32
          %dma_wait3A_147 = tpu.memref_slice %arg9[%rem3A_97, %mul3A_120, %dma_wait3A_146] : memref<2x16x128xi32, #tpu.memory_space<vmem>> -> memref<1x1x128xi32, #tpu.memory_space<vmem>>
          %dma_wait3A_148 = tpu.memref_squeeze %dma_wait3A_147 : memref<1x1x128xi32, #tpu.memory_space<vmem>> -> memref<128xi32, #tpu.memory_space<vmem>>
          %dma_wait3A_149 = arith.constant 0 : i32
          %dma_wait3A_150 = arith.constant 0 : i32
          %dma_wait3A_151 = tpu.memref_slice %arg2[%dma_wait3A_149, %dma_wait3A_150] : memref<10000x128xf32, #tpu.memory_space<hbm>> -> memref<10000x128xf32, #tpu.memory_space<hbm>>
          tpu.wait_indirect_dma semaphore(%arg13 : memref<!tpu.dma_semaphore, #tpu.memory_space<semaphore_mem>>) src(%dma_wait3A_151 : memref<10000x128xf32, #tpu.memory_space<hbm>>) dst(%arg11 : memref<128x128xf32, #tpu.memory_space<vmem>>)
          %dma_start3A_152 = arith.constant 0 : i32
          %dma_start3A_153 = tpu.memref_slice %arg10[%rem3A_97, %mul3A_120, %dma_start3A_152] : memref<2x16x128xi32, #tpu.memory_space<vmem>> -> memref<1x1x128xi32, #tpu.memory_space<vmem>>
          %dma_start3A_154 = tpu.memref_squeeze %dma_start3A_153 : memref<1x1x128xi32, #tpu.memory_space<vmem>> -> memref<128xi32, #tpu.memory_space<vmem>>
          %dma_start3A_155 = arith.constant 0 : i32
          %dma_start3A_156 = arith.constant 0 : i32
          %dma_start3A_157 = tpu.memref_slice %arg8[%dma_start3A_155, %dma_start3A_156] : memref<10128x128xf32, #tpu.memory_space<vmem_shared>> -> memref<10128x128xf32, #tpu.memory_space<vmem_shared>>
          tpu.enqueue_indirect_dma source(%arg11 : memref<128x128xf32, #tpu.memory_space<vmem>>) target(%dma_start3A_157 : memref<10128x128xf32, #tpu.memory_space<vmem_shared>>) offsets(%dma_start3A_154 : memref<128xi32, #tpu.memory_space<vmem>>) semaphore(%arg15 : memref<!tpu.dma_semaphore, #tpu.memory_space<semaphore_mem>>) {add = true}
          %dma_wait3A_158 = arith.constant 0 : i32
          %dma_wait3A_159 = tpu.memref_slice %arg9[%rem3A_97, %add3A_124, %dma_wait3A_158] : memref<2x16x128xi32, #tpu.memory_space<vmem>> -> memref<1x1x128xi32, #tpu.memory_space<vmem>>
          %dma_wait3A_160 = tpu.memref_squeeze %dma_wait3A_159 : memref<1x1x128xi32, #tpu.memory_space<vmem>> -> memref<128xi32, #tpu.memory_space<vmem>>
          %dma_wait3A_161 = arith.constant 0 : i32
          %dma_wait3A_162 = arith.constant 0 : i32
          %dma_wait3A_163 = tpu.memref_slice %arg2[%dma_wait3A_161, %dma_wait3A_162] : memref<10000x128xf32, #tpu.memory_space<hbm>> -> memref<10000x128xf32, #tpu.memory_space<hbm>>
          tpu.wait_indirect_dma semaphore(%arg14 : memref<!tpu.dma_semaphore, #tpu.memory_space<semaphore_mem>>) src(%dma_wait3A_163 : memref<10000x128xf32, #tpu.memory_space<hbm>>) dst(%arg12 : memref<128x128xf32, #tpu.memory_space<vmem>>)
          %dma_start3A_164 = arith.constant 0 : i32
          %dma_start3A_165 = tpu.memref_slice %arg10[%rem3A_97, %add3A_124, %dma_start3A_164] : memref<2x16x128xi32, #tpu.memory_space<vmem>> -> memref<1x1x128xi32, #tpu.memory_space<vmem>>
          %dma_start3A_166 = tpu.memref_squeeze %dma_start3A_165 : memref<1x1x128xi32, #tpu.memory_space<vmem>> -> memref<128xi32, #tpu.memory_space<vmem>>
          %dma_start3A_167 = arith.constant 0 : i32
          %dma_start3A_168 = arith.constant 0 : i32
          %dma_start3A_169 = tpu.memref_slice %arg8[%dma_start3A_167, %dma_start3A_168] : memref<10128x128xf32, #tpu.memory_space<vmem_shared>> -> memref<10128x128xf32, #tpu.memory_space<vmem_shared>>
          tpu.enqueue_indirect_dma source(%arg12 : memref<128x128xf32, #tpu.memory_space<vmem>>) target(%dma_start3A_169 : memref<10128x128xf32, #tpu.memory_space<vmem_shared>>) offsets(%dma_start3A_166 : memref<128xi32, #tpu.memory_space<vmem>>) semaphore(%arg16 : memref<!tpu.dma_semaphore, #tpu.memory_space<semaphore_mem>>) {add = true}
        }
        %scan3A_109 = arith.constant 8 : i32
      }
      %scan3A_83 = arith.constant 5 : i32
      %dma_wait3A_84 = arith.constant 0 : i32
      %dma_wait3A_85 = arith.constant 0 : i32
      %dma_wait3A_86 = tpu.memref_slice %arg2[%dma_wait3A_84, %dma_wait3A_85] : memref<10000x128xf32, #tpu.memory_space<hbm>> -> memref<128x128xf32, #tpu.memory_space<hbm>>
      %dma_wait3A_87 = arith.constant 0 : i32
      %dma_wait3A_88 = arith.constant 0 : i32
      %dma_wait3A_89 = tpu.memref_slice %arg2[%dma_wait3A_87, %dma_wait3A_88] : memref<10000x128xf32, #tpu.memory_space<hbm>> -> memref<128x128xf32, #tpu.memory_space<hbm>>
      tpu.wait_dma2 semaphore(%arg15 : memref<!tpu.dma_semaphore, #tpu.memory_space<semaphore_mem>>) src(%dma_wait3A_89 : memref<128x128xf32, #tpu.memory_space<hbm>>) dst(%arg11 : memref<128x128xf32, #tpu.memory_space<vmem>>)
      %dma_wait3A_90 = arith.constant 0 : i32
      %dma_wait3A_91 = arith.constant 0 : i32
      %dma_wait3A_92 = tpu.memref_slice %arg2[%dma_wait3A_90, %dma_wait3A_91] : memref<10000x128xf32, #tpu.memory_space<hbm>> -> memref<128x128xf32, #tpu.memory_space<hbm>>
      %dma_wait3A_93 = arith.constant 0 : i32
      %dma_wait3A_94 = arith.constant 0 : i32
      %dma_wait3A_95 = tpu.memref_slice %arg2[%dma_wait3A_93, %dma_wait3A_94] : memref<10000x128xf32, #tpu.memory_space<hbm>> -> memref<128x128xf32, #tpu.memory_space<hbm>>
      tpu.wait_dma2 semaphore(%arg16 : memref<!tpu.dma_semaphore, #tpu.memory_space<semaphore_mem>>) src(%dma_wait3A_95 : memref<128x128xf32, #tpu.memory_space<hbm>>) dst(%arg12 : memref<128x128xf32, #tpu.memory_space<vmem>>)
    } else {
    }
    %barrier3A_39 = arith.constant 0 : index
    tpu.barrier barrier_id(%barrier3A_39)
    "tpu.region"() ({
      %run_scoped3A = tpu.sem_alloc : memref<!tpu.dma_semaphore, #tpu.memory_space<semaphore_mem>>
      %dma_start3A = arith.constant 0 : i32
      %dma_start3A_45 = tpu.memref_slice %arg7[%arg0, %mul3A_0, %dma_start3A] : memref<2x10000x128xf32, #tpu.memory_space<hbm>> -> memref<1x624x128xf32, #tpu.memory_space<hbm>>
      %dma_start3A_46 = tpu.memref_squeeze %dma_start3A_45 : memref<1x624x128xf32, #tpu.memory_space<hbm>> -> memref<624x128xf32, #tpu.memory_space<hbm>>
      %dma_start3A_47 = arith.constant 0 : i32
      %dma_start3A_48 = tpu.memref_slice %arg8[%mul3A_0, %dma_start3A_47] : memref<10128x128xf32, #tpu.memory_space<vmem_shared>> -> memref<624x128xf32, #tpu.memory_space<vmem_shared>>
      tpu.enqueue_dma source(%dma_start3A_48 : memref<624x128xf32, #tpu.memory_space<vmem_shared>>) target(%dma_start3A_46 : memref<624x128xf32, #tpu.memory_space<hbm>>) target_semaphore(%run_scoped3A : memref<!tpu.dma_semaphore, #tpu.memory_space<semaphore_mem>>)
      %dma_wait3A = arith.constant 0 : i32
      %dma_wait3A_49 = tpu.memref_slice %arg7[%arg0, %mul3A_0, %dma_wait3A] : memref<2x10000x128xf32, #tpu.memory_space<hbm>> -> memref<1x624x128xf32, #tpu.memory_space<hbm>>
      %dma_wait3A_50 = tpu.memref_squeeze %dma_wait3A_49 : memref<1x624x128xf32, #tpu.memory_space<hbm>> -> memref<624x128xf32, #tpu.memory_space<hbm>>
      %dma_wait3A_51 = arith.constant 0 : i32
      %dma_wait3A_52 = tpu.memref_slice %arg8[%mul3A_0, %dma_wait3A_51] : memref<10128x128xf32, #tpu.memory_space<vmem_shared>> -> memref<624x128xf32, #tpu.memory_space<vmem_shared>>
      tpu.wait_dma2 semaphore(%run_scoped3A : memref<!tpu.dma_semaphore, #tpu.memory_space<semaphore_mem>>) src(%dma_wait3A_52 : memref<624x128xf32, #tpu.memory_space<vmem_shared>>) dst(%dma_wait3A_50 : memref<624x128xf32, #tpu.memory_space<hbm>>)
      tpu.yield
    }) : () -> ()
    %eq3A_40 = arith.constant 0 : i32
    %eq3A_41 = arith.cmpi eq, %arg1, %eq3A_40 : i32
    %convert_element_type3A_42 = arith.extui %eq3A_41 : i1 to i32
    %cond3A_43 = arith.constant 0 : i32
    %cond3A_44 = arith.cmpi ne, %convert_element_type3A_42, %cond3A_43 : i32
    scf.if %cond3A_44 {
      "tpu.region"() ({
        %run_scoped3A = tpu.sem_alloc : memref<!tpu.dma_semaphore, #tpu.memory_space<semaphore_mem>>
        %dma_start3A = arith.constant 9984 : i32
        %dma_start3A_45 = arith.constant 0 : i32
        %dma_start3A_46 = tpu.memref_slice %arg7[%arg0, %dma_start3A, %dma_start3A_45] : memref<2x10000x128xf32, #tpu.memory_space<hbm>> -> memref<1x16x128xf32, #tpu.memory_space<hbm>>
        %dma_start3A_47 = tpu.memref_squeeze %dma_start3A_46 : memref<1x16x128xf32, #tpu.memory_space<hbm>> -> memref<16x128xf32, #tpu.memory_space<hbm>>
        %dma_start3A_48 = arith.constant 9984 : i32
        %dma_start3A_49 = arith.constant 0 : i32
        %dma_start3A_50 = tpu.memref_slice %arg8[%dma_start3A_48, %dma_start3A_49] : memref<10128x128xf32, #tpu.memory_space<vmem_shared>> -> memref<16x128xf32, #tpu.memory_space<vmem_shared>>
        tpu.enqueue_dma source(%dma_start3A_50 : memref<16x128xf32, #tpu.memory_space<vmem_shared>>) target(%dma_start3A_47 : memref<16x128xf32, #tpu.memory_space<hbm>>) target_semaphore(%run_scoped3A : memref<!tpu.dma_semaphore, #tpu.memory_space<semaphore_mem>>)
        %dma_wait3A = arith.constant 9984 : i32
        %dma_wait3A_51 = arith.constant 0 : i32
        %dma_wait3A_52 = tpu.memref_slice %arg7[%arg0, %dma_wait3A, %dma_wait3A_51] : memref<2x10000x128xf32, #tpu.memory_space<hbm>> -> memref<1x16x128xf32, #tpu.memory_space<hbm>>
        %dma_wait3A_53 = tpu.memref_squeeze %dma_wait3A_52 : memref<1x16x128xf32, #tpu.memory_space<hbm>> -> memref<16x128xf32, #tpu.memory_space<hbm>>
        %dma_wait3A_54 = arith.constant 9984 : i32
        %dma_wait3A_55 = arith.constant 0 : i32
        %dma_wait3A_56 = tpu.memref_slice %arg8[%dma_wait3A_54, %dma_wait3A_55] : memref<10128x128xf32, #tpu.memory_space<vmem_shared>> -> memref<16x128xf32, #tpu.memory_space<vmem_shared>>
        tpu.wait_dma2 semaphore(%run_scoped3A : memref<!tpu.dma_semaphore, #tpu.memory_space<semaphore_mem>>) src(%dma_wait3A_56 : memref<16x128xf32, #tpu.memory_space<vmem_shared>>) dst(%dma_wait3A_53 : memref<16x128xf32, #tpu.memory_space<hbm>>)
        tpu.yield
      }) : () -> ()
    } else {
    }
    return
  }
}

#map = affine_map<(d0, d1) -> (0, 0)>
#map1 = affine_map<(d0, d1) -> (0, 0, 0)>
module attributes {stable_mosaic.version = 14 : i64} {
  func.func @_mp_sc(%arg0: i32, %arg1: i32, %arg2: memref<10000x128xf32, #tpu.memory_space<hbm>>, %arg3: memref<16x80x128xi32, #tpu.memory_space<hbm>>, %arg4: memref<16x80x128xi32, #tpu.memory_space<hbm>>, %arg5: memref<16x80x128xi32, #tpu.memory_space<hbm>>, %arg6: memref<16x80x128xi32, #tpu.memory_space<hbm>>, %arg7: memref<2x10000x128xf32, #tpu.memory_space<hbm>>, %arg8: memref<10128x128xf32, #tpu.memory_space<vmem_shared>>, %arg9: memref<2x16x128xi32, #tpu.memory_space<vmem>>, %arg10: memref<2x16x128xi32, #tpu.memory_space<vmem>>, %arg11: memref<128x128xf32, #tpu.memory_space<vmem>>, %arg12: memref<128x128xf32, #tpu.memory_space<vmem>>, %arg13: memref<!tpu.dma_semaphore, #tpu.memory_space<semaphore_mem>>, %arg14: memref<!tpu.dma_semaphore, #tpu.memory_space<semaphore_mem>>, %arg15: memref<!tpu.dma_semaphore, #tpu.memory_space<semaphore_mem>>, %arg16: memref<!tpu.dma_semaphore, #tpu.memory_space<semaphore_mem>>, %arg17: memref<!tpu.dma_semaphore, #tpu.memory_space<semaphore_mem>>) attributes {dimension_semantics = [#tpu.dimension_semantics<core_parallel>, #tpu.dimension_semantics<subcore_parallel>], iteration_bounds = array<i64: 2, 16>, scalar_prefetch = 0 : i64, scratch_operands = 10 : i64, tpu.core_type = #tpu.core_type<sc_vector_subcore>, window_params = [{transform_indices = #map}, {transform_indices = #map1}, {transform_indices = #map1}, {transform_indices = #map1}, {transform_indices = #map1}, {transform_indices = #map1}]} {
    %mul3A = arith.constant 624 : i32
    %mul3A_0 = arith.muli %arg1, %mul3A : i32
    %eq3A = arith.constant 0 : i32
    %eq3A_1 = arith.cmpi eq, %arg0, %eq3A : i32
    %convert_element_type3A = arith.extui %eq3A_1 : i1 to i32
    %cond3A = arith.constant 0 : i32
    %cond3A_2 = arith.cmpi ne, %convert_element_type3A, %cond3A : i32
    scf.if %cond3A_2 {
      %dma_start3A = arith.constant 0 : i32
      %dma_start3A_45 = arith.constant 0 : i32
      %dma_start3A_46 = arith.constant 0 : i32
      %dma_start3A_47 = tpu.memref_slice %arg9[%dma_start3A, %dma_start3A_45, %dma_start3A_46] : memref<2x16x128xi32, #tpu.memory_space<vmem>> -> memref<1x16x128xi32, #tpu.memory_space<vmem>>
      %dma_start3A_48 = tpu.memref_squeeze %dma_start3A_47 : memref<1x16x128xi32, #tpu.memory_space<vmem>> -> memref<16x128xi32, #tpu.memory_space<vmem>>
      %dma_start3A_49 = arith.constant 0 : i32
      %dma_start3A_50 = arith.constant 0 : i32
      %dma_start3A_51 = tpu.memref_slice %arg4[%arg1, %dma_start3A_49, %dma_start3A_50] : memref<16x80x128xi32, #tpu.memory_space<hbm>> -> memref<1x16x128xi32, #tpu.memory_space<hbm>>
      %dma_start3A_52 = tpu.memref_squeeze %dma_start3A_51 : memref<1x16x128xi32, #tpu.memory_space<hbm>> -> memref<16x128xi32, #tpu.memory_space<hbm>>
      %dma_start3A_53 = arith.constant 0 : i32
      %dma_start3A_54 = arith.constant 0 : i32
      %dma_start3A_55 = tpu.memref_slice %arg9[%dma_start3A, %dma_start3A_53, %dma_start3A_54] : memref<2x16x128xi32, #tpu.memory_space<vmem>> -> memref<1x16x128xi32, #tpu.memory_space<vmem>>
      %dma_start3A_56 = tpu.memref_squeeze %dma_start3A_55 : memref<1x16x128xi32, #tpu.memory_space<vmem>> -> memref<16x128xi32, #tpu.memory_space<vmem>>
      %dma_start3A_57 = arith.constant 0 : i32
      %dma_start3A_58 = arith.constant 0 : i32
      %dma_start3A_59 = tpu.memref_slice %arg4[%arg1, %dma_start3A_57, %dma_start3A_58] : memref<16x80x128xi32, #tpu.memory_space<hbm>> -> memref<1x16x128xi32, #tpu.memory_space<hbm>>
      %dma_start3A_60 = tpu.memref_squeeze %dma_start3A_59 : memref<1x16x128xi32, #tpu.memory_space<hbm>> -> memref<16x128xi32, #tpu.memory_space<hbm>>
      tpu.enqueue_dma source(%dma_start3A_60 : memref<16x128xi32, #tpu.memory_space<hbm>>) target(%dma_start3A_56 : memref<16x128xi32, #tpu.memory_space<vmem>>) target_semaphore(%arg17 : memref<!tpu.dma_semaphore, #tpu.memory_space<semaphore_mem>>)
      %dma_start3A_61 = arith.constant 0 : i32
      %dma_start3A_62 = arith.constant 0 : i32
      %dma_start3A_63 = arith.constant 0 : i32
      %dma_start3A_64 = tpu.memref_slice %arg10[%dma_start3A_61, %dma_start3A_62, %dma_start3A_63] : memref<2x16x128xi32, #tpu.memory_space<vmem>> -> memref<1x16x128xi32, #tpu.memory_space<vmem>>
      %dma_start3A_65 = tpu.memref_squeeze %dma_start3A_64 : memref<1x16x128xi32, #tpu.memory_space<vmem>> -> memref<16x128xi32, #tpu.memory_space<vmem>>
      %dma_start3A_66 = arith.constant 0 : i32
      %dma_start3A_67 = arith.constant 0 : i32
      %dma_start3A_68 = tpu.memref_slice %arg3[%arg1, %dma_start3A_66, %dma_start3A_67] : memref<16x80x128xi32, #tpu.memory_space<hbm>> -> memref<1x16x128xi32, #tpu.memory_space<hbm>>
      %dma_start3A_69 = tpu.memref_squeeze %dma_start3A_68 : memref<1x16x128xi32, #tpu.memory_space<hbm>> -> memref<16x128xi32, #tpu.memory_space<hbm>>
      %dma_start3A_70 = arith.constant 0 : i32
      %dma_start3A_71 = arith.constant 0 : i32
      %dma_start3A_72 = tpu.memref_slice %arg10[%dma_start3A_61, %dma_start3A_70, %dma_start3A_71] : memref<2x16x128xi32, #tpu.memory_space<vmem>> -> memref<1x16x128xi32, #tpu.memory_space<vmem>>
      %dma_start3A_73 = tpu.memref_squeeze %dma_start3A_72 : memref<1x16x128xi32, #tpu.memory_space<vmem>> -> memref<16x128xi32, #tpu.memory_space<vmem>>
      %dma_start3A_74 = arith.constant 0 : i32
      %dma_start3A_75 = arith.constant 0 : i32
      %dma_start3A_76 = tpu.memref_slice %arg3[%arg1, %dma_start3A_74, %dma_start3A_75] : memref<16x80x128xi32, #tpu.memory_space<hbm>> -> memref<1x16x128xi32, #tpu.memory_space<hbm>>
      %dma_start3A_77 = tpu.memref_squeeze %dma_start3A_76 : memref<1x16x128xi32, #tpu.memory_space<hbm>> -> memref<16x128xi32, #tpu.memory_space<hbm>>
      tpu.enqueue_dma source(%dma_start3A_77 : memref<16x128xi32, #tpu.memory_space<hbm>>) target(%dma_start3A_73 : memref<16x128xi32, #tpu.memory_space<vmem>>) target_semaphore(%arg17 : memref<!tpu.dma_semaphore, #tpu.memory_space<semaphore_mem>>)
    } else {
    }
    %eq3A_3 = arith.constant 1 : i32
    %eq3A_4 = arith.cmpi eq, %arg0, %eq3A_3 : i32
    %convert_element_type3A_5 = arith.extui %eq3A_4 : i1 to i32
    %cond3A_6 = arith.constant 0 : i32
    %cond3A_7 = arith.cmpi ne, %convert_element_type3A_5, %cond3A_6 : i32
    scf.if %cond3A_7 {
      %dma_start3A = arith.constant 0 : i32
      %dma_start3A_45 = arith.constant 0 : i32
      %dma_start3A_46 = arith.constant 0 : i32
      %dma_start3A_47 = tpu.memref_slice %arg9[%dma_start3A, %dma_start3A_45, %dma_start3A_46] : memref<2x16x128xi32, #tpu.memory_space<vmem>> -> memref<1x16x128xi32, #tpu.memory_space<vmem>>
      %dma_start3A_48 = tpu.memref_squeeze %dma_start3A_47 : memref<1x16x128xi32, #tpu.memory_space<vmem>> -> memref<16x128xi32, #tpu.memory_space<vmem>>
      %dma_start3A_49 = arith.constant 0 : i32
      %dma_start3A_50 = arith.constant 0 : i32
      %dma_start3A_51 = tpu.memref_slice %arg6[%arg1, %dma_start3A_49, %dma_start3A_50] : memref<16x80x128xi32, #tpu.memory_space<hbm>> -> memref<1x16x128xi32, #tpu.memory_space<hbm>>
      %dma_start3A_52 = tpu.memref_squeeze %dma_start3A_51 : memref<1x16x128xi32, #tpu.memory_space<hbm>> -> memref<16x128xi32, #tpu.memory_space<hbm>>
      %dma_start3A_53 = arith.constant 0 : i32
      %dma_start3A_54 = arith.constant 0 : i32
      %dma_start3A_55 = tpu.memref_slice %arg9[%dma_start3A, %dma_start3A_53, %dma_start3A_54] : memref<2x16x128xi32, #tpu.memory_space<vmem>> -> memref<1x16x128xi32, #tpu.memory_space<vmem>>
      %dma_start3A_56 = tpu.memref_squeeze %dma_start3A_55 : memref<1x16x128xi32, #tpu.memory_space<vmem>> -> memref<16x128xi32, #tpu.memory_space<vmem>>
      %dma_start3A_57 = arith.constant 0 : i32
      %dma_start3A_58 = arith.constant 0 : i32
      %dma_start3A_59 = tpu.memref_slice %arg6[%arg1, %dma_start3A_57, %dma_start3A_58] : memref<16x80x128xi32, #tpu.memory_space<hbm>> -> memref<1x16x128xi32, #tpu.memory_space<hbm>>
      %dma_start3A_60 = tpu.memref_squeeze %dma_start3A_59 : memref<1x16x128xi32, #tpu.memory_space<hbm>> -> memref<16x128xi32, #tpu.memory_space<hbm>>
      tpu.enqueue_dma source(%dma_start3A_60 : memref<16x128xi32, #tpu.memory_space<hbm>>) target(%dma_start3A_56 : memref<16x128xi32, #tpu.memory_space<vmem>>) target_semaphore(%arg17 : memref<!tpu.dma_semaphore, #tpu.memory_space<semaphore_mem>>)
      %dma_start3A_61 = arith.constant 0 : i32
      %dma_start3A_62 = arith.constant 0 : i32
      %dma_start3A_63 = arith.constant 0 : i32
      %dma_start3A_64 = tpu.memref_slice %arg10[%dma_start3A_61, %dma_start3A_62, %dma_start3A_63] : memref<2x16x128xi32, #tpu.memory_space<vmem>> -> memref<1x16x128xi32, #tpu.memory_space<vmem>>
      %dma_start3A_65 = tpu.memref_squeeze %dma_start3A_64 : memref<1x16x128xi32, #tpu.memory_space<vmem>> -> memref<16x128xi32, #tpu.memory_space<vmem>>
      %dma_start3A_66 = arith.constant 0 : i32
      %dma_start3A_67 = arith.constant 0 : i32
      %dma_start3A_68 = tpu.memref_slice %arg5[%arg1, %dma_start3A_66, %dma_start3A_67] : memref<16x80x128xi32, #tpu.memory_space<hbm>> -> memref<1x16x128xi32, #tpu.memory_space<hbm>>
      %dma_start3A_69 = tpu.memref_squeeze %dma_start3A_68 : memref<1x16x128xi32, #tpu.memory_space<hbm>> -> memref<16x128xi32, #tpu.memory_space<hbm>>
      %dma_start3A_70 = arith.constant 0 : i32
      %dma_start3A_71 = arith.constant 0 : i32
      %dma_start3A_72 = tpu.memref_slice %arg10[%dma_start3A_61, %dma_start3A_70, %dma_start3A_71] : memref<2x16x128xi32, #tpu.memory_space<vmem>> -> memref<1x16x128xi32, #tpu.memory_space<vmem>>
      %dma_start3A_73 = tpu.memref_squeeze %dma_start3A_72 : memref<1x16x128xi32, #tpu.memory_space<vmem>> -> memref<16x128xi32, #tpu.memory_space<vmem>>
      %dma_start3A_74 = arith.constant 0 : i32
      %dma_start3A_75 = arith.constant 0 : i32
      %dma_start3A_76 = tpu.memref_slice %arg5[%arg1, %dma_start3A_74, %dma_start3A_75] : memref<16x80x128xi32, #tpu.memory_space<hbm>> -> memref<1x16x128xi32, #tpu.memory_space<hbm>>
      %dma_start3A_77 = tpu.memref_squeeze %dma_start3A_76 : memref<1x16x128xi32, #tpu.memory_space<hbm>> -> memref<16x128xi32, #tpu.memory_space<hbm>>
      tpu.enqueue_dma source(%dma_start3A_77 : memref<16x128xi32, #tpu.memory_space<hbm>>) target(%dma_start3A_73 : memref<16x128xi32, #tpu.memory_space<vmem>>) target_semaphore(%arg17 : memref<!tpu.dma_semaphore, #tpu.memory_space<semaphore_mem>>)
    } else {
    }
    %broadcast_in_dim3A = arith.constant 0.000000e+00 : f32
    %broadcast_in_dim3A_8 = vector.broadcast %broadcast_in_dim3A : f32 to vector<16xf32>
    %scan3A = arith.constant 0 : i32
    %scan3A_9 = arith.constant 0 : i32
    %scan3A_10 = arith.constant 128 : i32
    %scan3A_11 = arith.addi %scan3A_9, %scan3A_10 : i32
    %scan3A_12 = arith.constant 1 : i32
    scf.for %scan3A_45 = %scan3A_9 to %scan3A_11 step %scan3A_12  : i32 {
      %swap3A = arith.index_cast %scan3A_45 : i32 to index
      %swap3A_46 = arith.constant 0 : index
      %swap3A_47 = tpu.vector_load %arg11[%swap3A, %swap3A_46] {strides = array<i32>} : memref<128x128xf32, #tpu.memory_space<vmem>>, vector<1x16xf32>,
      %swap3A_48 = vector.shape_cast %swap3A_47 : vector<1x16xf32> to vector<16xf32>
      %swap3A_49 = vector.shape_cast %broadcast_in_dim3A_8 : vector<16xf32> to vector<1x16xf32>
      tpu.vector_store %arg11[%swap3A, %swap3A_46], %swap3A_49 {strides = array<i32>} : memref<128x128xf32, #tpu.memory_space<vmem>>, vector<1x16xf32>,
      %swap3A_50 = arith.index_cast %scan3A_45 : i32 to index
      %swap3A_51 = arith.constant 16 : index
      %swap3A_52 = tpu.vector_load %arg11[%swap3A_50, %swap3A_51] {strides = array<i32>} : memref<128x128xf32, #tpu.memory_space<vmem>>, vector<1x16xf32>,
      %swap3A_53 = vector.shape_cast %swap3A_52 : vector<1x16xf32> to vector<16xf32>
      %swap3A_54 = vector.shape_cast %broadcast_in_dim3A_8 : vector<16xf32> to vector<1x16xf32>
      tpu.vector_store %arg11[%swap3A_50, %swap3A_51], %swap3A_54 {strides = array<i32>} : memref<128x128xf32, #tpu.memory_space<vmem>>, vector<1x16xf32>,
      %swap3A_55 = arith.index_cast %scan3A_45 : i32 to index
      %swap3A_56 = arith.constant 32 : index
      %swap3A_57 = tpu.vector_load %arg11[%swap3A_55, %swap3A_56] {strides = array<i32>} : memref<128x128xf32, #tpu.memory_space<vmem>>, vector<1x16xf32>,
      %swap3A_58 = vector.shape_cast %swap3A_57 : vector<1x16xf32> to vector<16xf32>
      %swap3A_59 = vector.shape_cast %broadcast_in_dim3A_8 : vector<16xf32> to vector<1x16xf32>
      tpu.vector_store %arg11[%swap3A_55, %swap3A_56], %swap3A_59 {strides = array<i32>} : memref<128x128xf32, #tpu.memory_space<vmem>>, vector<1x16xf32>,
      %swap3A_60 = arith.index_cast %scan3A_45 : i32 to index
      %swap3A_61 = arith.constant 48 : index
      %swap3A_62 = tpu.vector_load %arg11[%swap3A_60, %swap3A_61] {strides = array<i32>} : memref<128x128xf32, #tpu.memory_space<vmem>>, vector<1x16xf32>,
      %swap3A_63 = vector.shape_cast %swap3A_62 : vector<1x16xf32> to vector<16xf32>
      %swap3A_64 = vector.shape_cast %broadcast_in_dim3A_8 : vector<16xf32> to vector<1x16xf32>
      tpu.vector_store %arg11[%swap3A_60, %swap3A_61], %swap3A_64 {strides = array<i32>} : memref<128x128xf32, #tpu.memory_space<vmem>>, vector<1x16xf32>,
      %swap3A_65 = arith.index_cast %scan3A_45 : i32 to index
      %swap3A_66 = arith.constant 64 : index
      %swap3A_67 = tpu.vector_load %arg11[%swap3A_65, %swap3A_66] {strides = array<i32>} : memref<128x128xf32, #tpu.memory_space<vmem>>, vector<1x16xf32>,
      %swap3A_68 = vector.shape_cast %swap3A_67 : vector<1x16xf32> to vector<16xf32>
      %swap3A_69 = vector.shape_cast %broadcast_in_dim3A_8 : vector<16xf32> to vector<1x16xf32>
      tpu.vector_store %arg11[%swap3A_65, %swap3A_66], %swap3A_69 {strides = array<i32>} : memref<128x128xf32, #tpu.memory_space<vmem>>, vector<1x16xf32>,
      %swap3A_70 = arith.index_cast %scan3A_45 : i32 to index
      %swap3A_71 = arith.constant 80 : index
      %swap3A_72 = tpu.vector_load %arg11[%swap3A_70, %swap3A_71] {strides = array<i32>} : memref<128x128xf32, #tpu.memory_space<vmem>>, vector<1x16xf32>,
      %swap3A_73 = vector.shape_cast %swap3A_72 : vector<1x16xf32> to vector<16xf32>
      %swap3A_74 = vector.shape_cast %broadcast_in_dim3A_8 : vector<16xf32> to vector<1x16xf32>
      tpu.vector_store %arg11[%swap3A_70, %swap3A_71], %swap3A_74 {strides = array<i32>} : memref<128x128xf32, #tpu.memory_space<vmem>>, vector<1x16xf32>,
      %swap3A_75 = arith.index_cast %scan3A_45 : i32 to index
      %swap3A_76 = arith.constant 96 : index
      %swap3A_77 = tpu.vector_load %arg11[%swap3A_75, %swap3A_76] {strides = array<i32>} : memref<128x128xf32, #tpu.memory_space<vmem>>, vector<1x16xf32>,
      %swap3A_78 = vector.shape_cast %swap3A_77 : vector<1x16xf32> to vector<16xf32>
      %swap3A_79 = vector.shape_cast %broadcast_in_dim3A_8 : vector<16xf32> to vector<1x16xf32>
      tpu.vector_store %arg11[%swap3A_75, %swap3A_76], %swap3A_79 {strides = array<i32>} : memref<128x128xf32, #tpu.memory_space<vmem>>, vector<1x16xf32>,
      %swap3A_80 = arith.index_cast %scan3A_45 : i32 to index
      %swap3A_81 = arith.constant 112 : index
      %swap3A_82 = tpu.vector_load %arg11[%swap3A_80, %swap3A_81] {strides = array<i32>} : memref<128x128xf32, #tpu.memory_space<vmem>>, vector<1x16xf32>,
      %swap3A_83 = vector.shape_cast %swap3A_82 : vector<1x16xf32> to vector<16xf32>
      %swap3A_84 = vector.shape_cast %broadcast_in_dim3A_8 : vector<16xf32> to vector<1x16xf32>
      tpu.vector_store %arg11[%swap3A_80, %swap3A_81], %swap3A_84 {strides = array<i32>} : memref<128x128xf32, #tpu.memory_space<vmem>>, vector<1x16xf32>,
    }
    %scan3A_13 = arith.constant 128 : i32
    %add3A = arith.constant 0 : i32
    %add3A_14 = arith.addi %mul3A_0, %add3A : i32
    "tpu.region"() ({
      %run_scoped3A = tpu.sem_alloc : memref<!tpu.dma_semaphore, #tpu.memory_space<semaphore_mem>>
      %dma_start3A = arith.constant 0 : i32
      %dma_start3A_45 = tpu.memref_slice %arg8[%add3A_14, %dma_start3A] : memref<10128x128xf32, #tpu.memory_space<vmem_shared>> -> memref<128x128xf32, #tpu.memory_space<vmem_shared>>
      %dma_start3A_46 = arith.constant 0 : i32
      %dma_start3A_47 = tpu.memref_slice %arg8[%add3A_14, %dma_start3A_46] : memref<10128x128xf32, #tpu.memory_space<vmem_shared>> -> memref<128x128xf32, #tpu.memory_space<vmem_shared>>
      tpu.enqueue_dma source(%arg11 : memref<128x128xf32, #tpu.memory_space<vmem>>) target(%dma_start3A_47 : memref<128x128xf32, #tpu.memory_space<vmem_shared>>) target_semaphore(%run_scoped3A : memref<!tpu.dma_semaphore, #tpu.memory_space<semaphore_mem>>)
      %dma_wait3A = arith.constant 0 : i32
      %dma_wait3A_48 = tpu.memref_slice %arg8[%add3A_14, %dma_wait3A] : memref<10128x128xf32, #tpu.memory_space<vmem_shared>> -> memref<128x128xf32, #tpu.memory_space<vmem_shared>>
      %dma_wait3A_49 = arith.constant 0 : i32
      %dma_wait3A_50 = tpu.memref_slice %arg8[%add3A_14, %dma_wait3A_49] : memref<10128x128xf32, #tpu.memory_space<vmem_shared>> -> memref<128x128xf32, #tpu.memory_space<vmem_shared>>
      tpu.wait_dma2 semaphore(%run_scoped3A : memref<!tpu.dma_semaphore, #tpu.memory_space<semaphore_mem>>) src(%arg11 : memref<128x128xf32, #tpu.memory_space<vmem>>) dst(%dma_wait3A_50 : memref<128x128xf32, #tpu.memory_space<vmem_shared>>)
      tpu.yield
    }) : () -> ()
    %add3A_15 = arith.constant 128 : i32
    %add3A_16 = arith.addi %mul3A_0, %add3A_15 : i32
    "tpu.region"() ({
      %run_scoped3A = tpu.sem_alloc : memref<!tpu.dma_semaphore, #tpu.memory_space<semaphore_mem>>
      %dma_start3A = arith.constant 0 : i32
      %dma_start3A_45 = tpu.memref_slice %arg8[%add3A_16, %dma_start3A] : memref<10128x128xf32, #tpu.memory_space<vmem_shared>> -> memref<128x128xf32, #tpu.memory_space<vmem_shared>>
      %dma_start3A_46 = arith.constant 0 : i32
      %dma_start3A_47 = tpu.memref_slice %arg8[%add3A_16, %dma_start3A_46] : memref<10128x128xf32, #tpu.memory_space<vmem_shared>> -> memref<128x128xf32, #tpu.memory_space<vmem_shared>>
      tpu.enqueue_dma source(%arg11 : memref<128x128xf32, #tpu.memory_space<vmem>>) target(%dma_start3A_47 : memref<128x128xf32, #tpu.memory_space<vmem_shared>>) target_semaphore(%run_scoped3A : memref<!tpu.dma_semaphore, #tpu.memory_space<semaphore_mem>>)
      %dma_wait3A = arith.constant 0 : i32
      %dma_wait3A_48 = tpu.memref_slice %arg8[%add3A_16, %dma_wait3A] : memref<10128x128xf32, #tpu.memory_space<vmem_shared>> -> memref<128x128xf32, #tpu.memory_space<vmem_shared>>
      %dma_wait3A_49 = arith.constant 0 : i32
      %dma_wait3A_50 = tpu.memref_slice %arg8[%add3A_16, %dma_wait3A_49] : memref<10128x128xf32, #tpu.memory_space<vmem_shared>> -> memref<128x128xf32, #tpu.memory_space<vmem_shared>>
      tpu.wait_dma2 semaphore(%run_scoped3A : memref<!tpu.dma_semaphore, #tpu.memory_space<semaphore_mem>>) src(%arg11 : memref<128x128xf32, #tpu.memory_space<vmem>>) dst(%dma_wait3A_50 : memref<128x128xf32, #tpu.memory_space<vmem_shared>>)
      tpu.yield
    }) : () -> ()
    %add3A_17 = arith.constant 256 : i32
    %add3A_18 = arith.addi %mul3A_0, %add3A_17 : i32
    "tpu.region"() ({
      %run_scoped3A = tpu.sem_alloc : memref<!tpu.dma_semaphore, #tpu.memory_space<semaphore_mem>>
      %dma_start3A = arith.constant 0 : i32
      %dma_start3A_45 = tpu.memref_slice %arg8[%add3A_18, %dma_start3A] : memref<10128x128xf32, #tpu.memory_space<vmem_shared>> -> memref<128x128xf32, #tpu.memory_space<vmem_shared>>
      %dma_start3A_46 = arith.constant 0 : i32
      %dma_start3A_47 = tpu.memref_slice %arg8[%add3A_18, %dma_start3A_46] : memref<10128x128xf32, #tpu.memory_space<vmem_shared>> -> memref<128x128xf32, #tpu.memory_space<vmem_shared>>
      tpu.enqueue_dma source(%arg11 : memref<128x128xf32, #tpu.memory_space<vmem>>) target(%dma_start3A_47 : memref<128x128xf32, #tpu.memory_space<vmem_shared>>) target_semaphore(%run_scoped3A : memref<!tpu.dma_semaphore, #tpu.memory_space<semaphore_mem>>)
      %dma_wait3A = arith.constant 0 : i32
      %dma_wait3A_48 = tpu.memref_slice %arg8[%add3A_18, %dma_wait3A] : memref<10128x128xf32, #tpu.memory_space<vmem_shared>> -> memref<128x128xf32, #tpu.memory_space<vmem_shared>>
      %dma_wait3A_49 = arith.constant 0 : i32
      %dma_wait3A_50 = tpu.memref_slice %arg8[%add3A_18, %dma_wait3A_49] : memref<10128x128xf32, #tpu.memory_space<vmem_shared>> -> memref<128x128xf32, #tpu.memory_space<vmem_shared>>
      tpu.wait_dma2 semaphore(%run_scoped3A : memref<!tpu.dma_semaphore, #tpu.memory_space<semaphore_mem>>) src(%arg11 : memref<128x128xf32, #tpu.memory_space<vmem>>) dst(%dma_wait3A_50 : memref<128x128xf32, #tpu.memory_space<vmem_shared>>)
      tpu.yield
    }) : () -> ()
    %add3A_19 = arith.constant 384 : i32
    %add3A_20 = arith.addi %mul3A_0, %add3A_19 : i32
    "tpu.region"() ({
      %run_scoped3A = tpu.sem_alloc : memref<!tpu.dma_semaphore, #tpu.memory_space<semaphore_mem>>
      %dma_start3A = arith.constant 0 : i32
      %dma_start3A_45 = tpu.memref_slice %arg8[%add3A_20, %dma_start3A] : memref<10128x128xf32, #tpu.memory_space<vmem_shared>> -> memref<128x128xf32, #tpu.memory_space<vmem_shared>>
      %dma_start3A_46 = arith.constant 0 : i32
      %dma_start3A_47 = tpu.memref_slice %arg8[%add3A_20, %dma_start3A_46] : memref<10128x128xf32, #tpu.memory_space<vmem_shared>> -> memref<128x128xf32, #tpu.memory_space<vmem_shared>>
      tpu.enqueue_dma source(%arg11 : memref<128x128xf32, #tpu.memory_space<vmem>>) target(%dma_start3A_47 : memref<128x128xf32, #tpu.memory_space<vmem_shared>>) target_semaphore(%run_scoped3A : memref<!tpu.dma_semaphore, #tpu.memory_space<semaphore_mem>>)
      %dma_wait3A = arith.constant 0 : i32
      %dma_wait3A_48 = tpu.memref_slice %arg8[%add3A_20, %dma_wait3A] : memref<10128x128xf32, #tpu.memory_space<vmem_shared>> -> memref<128x128xf32, #tpu.memory_space<vmem_shared>>
      %dma_wait3A_49 = arith.constant 0 : i32
      %dma_wait3A_50 = tpu.memref_slice %arg8[%add3A_20, %dma_wait3A_49] : memref<10128x128xf32, #tpu.memory_space<vmem_shared>> -> memref<128x128xf32, #tpu.memory_space<vmem_shared>>
      tpu.wait_dma2 semaphore(%run_scoped3A : memref<!tpu.dma_semaphore, #tpu.memory_space<semaphore_mem>>) src(%arg11 : memref<128x128xf32, #tpu.memory_space<vmem>>) dst(%dma_wait3A_50 : memref<128x128xf32, #tpu.memory_space<vmem_shared>>)
      tpu.yield
    }) : () -> ()
    %add3A_21 = arith.constant 624 : i32
    %add3A_22 = arith.addi %mul3A_0, %add3A_21 : i32
    %sub3A = arith.constant 112 : i32
    %sub3A_23 = arith.subi %add3A_22, %sub3A : i32
    "tpu.region"() ({
      %run_scoped3A = tpu.sem_alloc : memref<!tpu.dma_semaphore, #tpu.memory_space<semaphore_mem>>
      %dma_start3A = arith.constant 0 : i32
      %dma_start3A_45 = arith.constant 0 : i32
      %dma_start3A_46 = tpu.memref_slice %arg11[%dma_start3A, %dma_start3A_45] : memref<128x128xf32, #tpu.memory_space<vmem>> -> memref<112x128xf32, #tpu.memory_space<vmem>>
      %dma_start3A_47 = arith.constant 0 : i32
      %dma_start3A_48 = tpu.memref_slice %arg8[%sub3A_23, %dma_start3A_47] : memref<10128x128xf32, #tpu.memory_space<vmem_shared>> -> memref<112x128xf32, #tpu.memory_space<vmem_shared>>
      %dma_start3A_49 = arith.constant 0 : i32
      %dma_start3A_50 = tpu.memref_slice %arg8[%sub3A_23, %dma_start3A_49] : memref<10128x128xf32, #tpu.memory_space<vmem_shared>> -> memref<112x128xf32, #tpu.memory_space<vmem_shared>>
      %dma_start3A_51 = arith.constant 0 : i32
      %dma_start3A_52 = arith.constant 0 : i32
      %dma_start3A_53 = tpu.memref_slice %arg11[%dma_start3A_51, %dma_start3A_52] : memref<128x128xf32, #tpu.memory_space<vmem>> -> memref<112x128xf32, #tpu.memory_space<vmem>>
      tpu.enqueue_dma source(%dma_start3A_53 : memref<112x128xf32, #tpu.memory_space<vmem>>) target(%dma_start3A_50 : memref<112x128xf32, #tpu.memory_space<vmem_shared>>) target_semaphore(%run_scoped3A : memref<!tpu.dma_semaphore, #tpu.memory_space<semaphore_mem>>)
      %dma_wait3A = arith.constant 0 : i32
      %dma_wait3A_54 = arith.constant 0 : i32
      %dma_wait3A_55 = tpu.memref_slice %arg11[%dma_wait3A, %dma_wait3A_54] : memref<128x128xf32, #tpu.memory_space<vmem>> -> memref<112x128xf32, #tpu.memory_space<vmem>>
      %dma_wait3A_56 = arith.constant 0 : i32
      %dma_wait3A_57 = tpu.memref_slice %arg8[%sub3A_23, %dma_wait3A_56] : memref<10128x128xf32, #tpu.memory_space<vmem_shared>> -> memref<112x128xf32, #tpu.memory_space<vmem_shared>>
      %dma_wait3A_58 = arith.constant 0 : i32
      %dma_wait3A_59 = tpu.memref_slice %arg8[%sub3A_23, %dma_wait3A_58] : memref<10128x128xf32, #tpu.memory_space<vmem_shared>> -> memref<112x128xf32, #tpu.memory_space<vmem_shared>>
      %dma_wait3A_60 = arith.constant 0 : i32
      %dma_wait3A_61 = arith.constant 0 : i32
      %dma_wait3A_62 = tpu.memref_slice %arg11[%dma_wait3A_60, %dma_wait3A_61] : memref<128x128xf32, #tpu.memory_space<vmem>> -> memref<112x128xf32, #tpu.memory_space<vmem>>
      tpu.wait_dma2 semaphore(%run_scoped3A : memref<!tpu.dma_semaphore, #tpu.memory_space<semaphore_mem>>) src(%dma_wait3A_62 : memref<112x128xf32, #tpu.memory_space<vmem>>) dst(%dma_wait3A_59 : memref<112x128xf32, #tpu.memory_space<vmem_shared>>)
      tpu.yield
    }) : () -> ()
    %eq3A_24 = arith.constant 0 : i32
    %eq3A_25 = arith.cmpi eq, %arg1, %eq3A_24 : i32
    %convert_element_type3A_26 = arith.extui %eq3A_25 : i1 to i32
    %cond3A_27 = arith.constant 0 : i32
    %cond3A_28 = arith.cmpi ne, %convert_element_type3A_26, %cond3A_27 : i32
    scf.if %cond3A_28 {
      "tpu.region"() ({
        %run_scoped3A = tpu.sem_alloc : memref<!tpu.dma_semaphore, #tpu.memory_space<semaphore_mem>>
        %dma_start3A = arith.constant 0 : i32
        %dma_start3A_45 = arith.constant 0 : i32
        %dma_start3A_46 = tpu.memref_slice %arg11[%dma_start3A, %dma_start3A_45] : memref<128x128xf32, #tpu.memory_space<vmem>> -> memref<16x128xf32, #tpu.memory_space<vmem>>
        %dma_start3A_47 = arith.constant 9984 : i32
        %dma_start3A_48 = arith.constant 0 : i32
        %dma_start3A_49 = tpu.memref_slice %arg8[%dma_start3A_47, %dma_start3A_48] : memref<10128x128xf32, #tpu.memory_space<vmem_shared>> -> memref<16x128xf32, #tpu.memory_space<vmem_shared>>
        %dma_start3A_50 = arith.constant 9984 : i32
        %dma_start3A_51 = arith.constant 0 : i32
        %dma_start3A_52 = tpu.memref_slice %arg8[%dma_start3A_50, %dma_start3A_51] : memref<10128x128xf32, #tpu.memory_space<vmem_shared>> -> memref<16x128xf32, #tpu.memory_space<vmem_shared>>
        %dma_start3A_53 = arith.constant 0 : i32
        %dma_start3A_54 = arith.constant 0 : i32
        %dma_start3A_55 = tpu.memref_slice %arg11[%dma_start3A_53, %dma_start3A_54] : memref<128x128xf32, #tpu.memory_space<vmem>> -> memref<16x128xf32, #tpu.memory_space<vmem>>
        tpu.enqueue_dma source(%dma_start3A_55 : memref<16x128xf32, #tpu.memory_space<vmem>>) target(%dma_start3A_52 : memref<16x128xf32, #tpu.memory_space<vmem_shared>>) target_semaphore(%run_scoped3A : memref<!tpu.dma_semaphore, #tpu.memory_space<semaphore_mem>>)
        %dma_wait3A = arith.constant 0 : i32
        %dma_wait3A_56 = arith.constant 0 : i32
        %dma_wait3A_57 = tpu.memref_slice %arg11[%dma_wait3A, %dma_wait3A_56] : memref<128x128xf32, #tpu.memory_space<vmem>> -> memref<16x128xf32, #tpu.memory_space<vmem>>
        %dma_wait3A_58 = arith.constant 9984 : i32
        %dma_wait3A_59 = arith.constant 0 : i32
        %dma_wait3A_60 = tpu.memref_slice %arg8[%dma_wait3A_58, %dma_wait3A_59] : memref<10128x128xf32, #tpu.memory_space<vmem_shared>> -> memref<16x128xf32, #tpu.memory_space<vmem_shared>>
        %dma_wait3A_61 = arith.constant 9984 : i32
        %dma_wait3A_62 = arith.constant 0 : i32
        %dma_wait3A_63 = tpu.memref_slice %arg8[%dma_wait3A_61, %dma_wait3A_62] : memref<10128x128xf32, #tpu.memory_space<vmem_shared>> -> memref<16x128xf32, #tpu.memory_space<vmem_shared>>
        %dma_wait3A_64 = arith.constant 0 : i32
        %dma_wait3A_65 = arith.constant 0 : i32
        %dma_wait3A_66 = tpu.memref_slice %arg11[%dma_wait3A_64, %dma_wait3A_65] : memref<128x128xf32, #tpu.memory_space<vmem>> -> memref<16x128xf32, #tpu.memory_space<vmem>>
        tpu.wait_dma2 semaphore(%run_scoped3A : memref<!tpu.dma_semaphore, #tpu.memory_space<semaphore_mem>>) src(%dma_wait3A_66 : memref<16x128xf32, #tpu.memory_space<vmem>>) dst(%dma_wait3A_63 : memref<16x128xf32, #tpu.memory_space<vmem_shared>>)
        tpu.yield
      }) : () -> ()
    } else {
    }
    %barrier3A = arith.constant 0 : index
    tpu.barrier barrier_id(%barrier3A)
    %eq3A_29 = arith.constant 0 : i32
    %eq3A_30 = arith.cmpi eq, %arg0, %eq3A_29 : i32
    %convert_element_type3A_31 = arith.extui %eq3A_30 : i1 to i32
    %cond3A_32 = arith.constant 0 : i32
    %cond3A_33 = arith.cmpi ne, %convert_element_type3A_31, %cond3A_32 : i32
    scf.if %cond3A_33 {
      %dma_wait3A = arith.constant 0 : i32
      %dma_wait3A_45 = arith.constant 0 : i32
      %dma_wait3A_46 = arith.constant 0 : i32
      %dma_wait3A_47 = tpu.memref_slice %arg9[%dma_wait3A, %dma_wait3A_45, %dma_wait3A_46] : memref<2x16x128xi32, #tpu.memory_space<vmem>> -> memref<1x16x128xi32, #tpu.memory_space<vmem>>
      %dma_wait3A_48 = tpu.memref_squeeze %dma_wait3A_47 : memref<1x16x128xi32, #tpu.memory_space<vmem>> -> memref<16x128xi32, #tpu.memory_space<vmem>>
      %dma_wait3A_49 = arith.constant 0 : i32
      %dma_wait3A_50 = arith.constant 0 : i32
      %dma_wait3A_51 = tpu.memref_slice %arg4[%arg1, %dma_wait3A_49, %dma_wait3A_50] : memref<16x80x128xi32, #tpu.memory_space<hbm>> -> memref<1x16x128xi32, #tpu.memory_space<hbm>>
      %dma_wait3A_52 = tpu.memref_squeeze %dma_wait3A_51 : memref<1x16x128xi32, #tpu.memory_space<hbm>> -> memref<16x128xi32, #tpu.memory_space<hbm>>
      %dma_wait3A_53 = arith.constant 0 : i32
      %dma_wait3A_54 = arith.constant 0 : i32
      %dma_wait3A_55 = tpu.memref_slice %arg9[%dma_wait3A, %dma_wait3A_53, %dma_wait3A_54] : memref<2x16x128xi32, #tpu.memory_space<vmem>> -> memref<1x16x128xi32, #tpu.memory_space<vmem>>
      %dma_wait3A_56 = tpu.memref_squeeze %dma_wait3A_55 : memref<1x16x128xi32, #tpu.memory_space<vmem>> -> memref<16x128xi32, #tpu.memory_space<vmem>>
      %dma_wait3A_57 = arith.constant 0 : i32
      %dma_wait3A_58 = arith.constant 0 : i32
      %dma_wait3A_59 = tpu.memref_slice %arg4[%arg1, %dma_wait3A_57, %dma_wait3A_58] : memref<16x80x128xi32, #tpu.memory_space<hbm>> -> memref<1x16x128xi32, #tpu.memory_space<hbm>>
      %dma_wait3A_60 = tpu.memref_squeeze %dma_wait3A_59 : memref<1x16x128xi32, #tpu.memory_space<hbm>> -> memref<16x128xi32, #tpu.memory_space<hbm>>
      tpu.wait_dma2 semaphore(%arg17 : memref<!tpu.dma_semaphore, #tpu.memory_space<semaphore_mem>>) src(%dma_wait3A_60 : memref<16x128xi32, #tpu.memory_space<hbm>>) dst(%dma_wait3A_56 : memref<16x128xi32, #tpu.memory_space<vmem>>)
      %dma_wait3A_61 = arith.constant 0 : i32
      %dma_wait3A_62 = arith.constant 0 : i32
      %dma_wait3A_63 = arith.constant 0 : i32
      %dma_wait3A_64 = tpu.memref_slice %arg10[%dma_wait3A_61, %dma_wait3A_62, %dma_wait3A_63] : memref<2x16x128xi32, #tpu.memory_space<vmem>> -> memref<1x16x128xi32, #tpu.memory_space<vmem>>
      %dma_wait3A_65 = tpu.memref_squeeze %dma_wait3A_64 : memref<1x16x128xi32, #tpu.memory_space<vmem>> -> memref<16x128xi32, #tpu.memory_space<vmem>>
      %dma_wait3A_66 = arith.constant 0 : i32
      %dma_wait3A_67 = arith.constant 0 : i32
      %dma_wait3A_68 = tpu.memref_slice %arg3[%arg1, %dma_wait3A_66, %dma_wait3A_67] : memref<16x80x128xi32, #tpu.memory_space<hbm>> -> memref<1x16x128xi32, #tpu.memory_space<hbm>>
      %dma_wait3A_69 = tpu.memref_squeeze %dma_wait3A_68 : memref<1x16x128xi32, #tpu.memory_space<hbm>> -> memref<16x128xi32, #tpu.memory_space<hbm>>
      %dma_wait3A_70 = arith.constant 0 : i32
      %dma_wait3A_71 = arith.constant 0 : i32
      %dma_wait3A_72 = tpu.memref_slice %arg10[%dma_wait3A_61, %dma_wait3A_70, %dma_wait3A_71] : memref<2x16x128xi32, #tpu.memory_space<vmem>> -> memref<1x16x128xi32, #tpu.memory_space<vmem>>
      %dma_wait3A_73 = tpu.memref_squeeze %dma_wait3A_72 : memref<1x16x128xi32, #tpu.memory_space<vmem>> -> memref<16x128xi32, #tpu.memory_space<vmem>>
      %dma_wait3A_74 = arith.constant 0 : i32
      %dma_wait3A_75 = arith.constant 0 : i32
      %dma_wait3A_76 = tpu.memref_slice %arg3[%arg1, %dma_wait3A_74, %dma_wait3A_75] : memref<16x80x128xi32, #tpu.memory_space<hbm>> -> memref<1x16x128xi32, #tpu.memory_space<hbm>>
      %dma_wait3A_77 = tpu.memref_squeeze %dma_wait3A_76 : memref<1x16x128xi32, #tpu.memory_space<hbm>> -> memref<16x128xi32, #tpu.memory_space<hbm>>
      tpu.wait_dma2 semaphore(%arg17 : memref<!tpu.dma_semaphore, #tpu.memory_space<semaphore_mem>>) src(%dma_wait3A_77 : memref<16x128xi32, #tpu.memory_space<hbm>>) dst(%dma_wait3A_73 : memref<16x128xi32, #tpu.memory_space<vmem>>)
      %scan3A_78 = arith.constant 0 : i32
      %scan3A_79 = arith.constant 0 : i32
      %scan3A_80 = arith.constant 5 : i32
      %scan3A_81 = arith.addi %scan3A_79, %scan3A_80 : i32
      %scan3A_82 = arith.constant 1 : i32
      scf.for %scan3A_96 = %scan3A_79 to %scan3A_81 step %scan3A_82  : i32 {
        %rem3A = arith.constant 2 : i32
        %rem3A_97 = arith.remsi %scan3A_96, %rem3A : i32
        %sub3A_98 = arith.constant 1 : i32
        %sub3A_99 = arith.subi %sub3A_98, %rem3A_97 : i32
        %gt3A = arith.constant 0 : i32
        %gt3A_100 = arith.cmpi sgt, %scan3A_96, %gt3A : i32
        %convert_element_type3A_101 = arith.extui %gt3A_100 : i1 to i32
        %cond3A_102 = arith.constant 0 : i32
        %cond3A_103 = arith.cmpi ne, %convert_element_type3A_101, %cond3A_102 : i32
        scf.if %cond3A_103 {
          %dma_wait3A_110 = arith.constant 0 : i32
          %dma_wait3A_111 = arith.constant 0 : i32
          %dma_wait3A_112 = tpu.memref_slice %arg9[%rem3A_97, %dma_wait3A_110, %dma_wait3A_111] : memref<2x16x128xi32, #tpu.memory_space<vmem>> -> memref<1x16x128xi32, #tpu.memory_space<vmem>>
          %dma_wait3A_113 = tpu.memref_squeeze %dma_wait3A_112 : memref<1x16x128xi32, #tpu.memory_space<vmem>> -> memref<16x128xi32, #tpu.memory_space<vmem>>
          %dma_wait3A_114 = arith.constant 0 : i32
          %dma_wait3A_115 = arith.constant 0 : i32
          %dma_wait3A_116 = tpu.memref_slice %arg4[%arg1, %dma_wait3A_114, %dma_wait3A_115] : memref<16x80x128xi32, #tpu.memory_space<hbm>> -> memref<1x16x128xi32, #tpu.memory_space<hbm>>
          %dma_wait3A_117 = tpu.memref_squeeze %dma_wait3A_116 : memref<1x16x128xi32, #tpu.memory_space<hbm>> -> memref<16x128xi32, #tpu.memory_space<hbm>>
          %dma_wait3A_118 = arith.constant 0 : i32
          %dma_wait3A_119 = arith.constant 0 : i32
          %dma_wait3A_120 = tpu.memref_slice %arg9[%rem3A_97, %dma_wait3A_118, %dma_wait3A_119] : memref<2x16x128xi32, #tpu.memory_space<vmem>> -> memref<1x16x128xi32, #tpu.memory_space<vmem>>
          %dma_wait3A_121 = tpu.memref_squeeze %dma_wait3A_120 : memref<1x16x128xi32, #tpu.memory_space<vmem>> -> memref<16x128xi32, #tpu.memory_space<vmem>>
          %dma_wait3A_122 = arith.constant 0 : i32
          %dma_wait3A_123 = arith.constant 0 : i32
          %dma_wait3A_124 = tpu.memref_slice %arg4[%arg1, %dma_wait3A_122, %dma_wait3A_123] : memref<16x80x128xi32, #tpu.memory_space<hbm>> -> memref<1x16x128xi32, #tpu.memory_space<hbm>>
          %dma_wait3A_125 = tpu.memref_squeeze %dma_wait3A_124 : memref<1x16x128xi32, #tpu.memory_space<hbm>> -> memref<16x128xi32, #tpu.memory_space<hbm>>
          tpu.wait_dma2 semaphore(%arg17 : memref<!tpu.dma_semaphore, #tpu.memory_space<semaphore_mem>>) src(%dma_wait3A_125 : memref<16x128xi32, #tpu.memory_space<hbm>>) dst(%dma_wait3A_121 : memref<16x128xi32, #tpu.memory_space<vmem>>)
          %dma_wait3A_126 = arith.constant 0 : i32
          %dma_wait3A_127 = arith.constant 0 : i32
          %dma_wait3A_128 = tpu.memref_slice %arg10[%rem3A_97, %dma_wait3A_126, %dma_wait3A_127] : memref<2x16x128xi32, #tpu.memory_space<vmem>> -> memref<1x16x128xi32, #tpu.memory_space<vmem>>
          %dma_wait3A_129 = tpu.memref_squeeze %dma_wait3A_128 : memref<1x16x128xi32, #tpu.memory_space<vmem>> -> memref<16x128xi32, #tpu.memory_space<vmem>>
          %dma_wait3A_130 = arith.constant 0 : i32
          %dma_wait3A_131 = arith.constant 0 : i32
          %dma_wait3A_132 = tpu.memref_slice %arg3[%arg1, %dma_wait3A_130, %dma_wait3A_131] : memref<16x80x128xi32, #tpu.memory_space<hbm>> -> memref<1x16x128xi32, #tpu.memory_space<hbm>>
          %dma_wait3A_133 = tpu.memref_squeeze %dma_wait3A_132 : memref<1x16x128xi32, #tpu.memory_space<hbm>> -> memref<16x128xi32, #tpu.memory_space<hbm>>
          %dma_wait3A_134 = arith.constant 0 : i32
          %dma_wait3A_135 = arith.constant 0 : i32
          %dma_wait3A_136 = tpu.memref_slice %arg10[%rem3A_97, %dma_wait3A_134, %dma_wait3A_135] : memref<2x16x128xi32, #tpu.memory_space<vmem>> -> memref<1x16x128xi32, #tpu.memory_space<vmem>>
          %dma_wait3A_137 = tpu.memref_squeeze %dma_wait3A_136 : memref<1x16x128xi32, #tpu.memory_space<vmem>> -> memref<16x128xi32, #tpu.memory_space<vmem>>
          %dma_wait3A_138 = arith.constant 0 : i32
          %dma_wait3A_139 = arith.constant 0 : i32
          %dma_wait3A_140 = tpu.memref_slice %arg3[%arg1, %dma_wait3A_138, %dma_wait3A_139] : memref<16x80x128xi32, #tpu.memory_space<hbm>> -> memref<1x16x128xi32, #tpu.memory_space<hbm>>
          %dma_wait3A_141 = tpu.memref_squeeze %dma_wait3A_140 : memref<1x16x128xi32, #tpu.memory_space<hbm>> -> memref<16x128xi32, #tpu.memory_space<hbm>>
          tpu.wait_dma2 semaphore(%arg17 : memref<!tpu.dma_semaphore, #tpu.memory_space<semaphore_mem>>) src(%dma_wait3A_141 : memref<16x128xi32, #tpu.memory_space<hbm>>) dst(%dma_wait3A_137 : memref<16x128xi32, #tpu.memory_space<vmem>>)
        } else {
        }
        %scan3A_104 = arith.constant 0 : i32
        %scan3A_105 = arith.constant 0 : i32
        %scan3A_106 = arith.constant 8 : i32
        %scan3A_107 = arith.addi %scan3A_105, %scan3A_106 : i32
        %scan3A_108 = arith.constant 1 : i32
        scf.for %scan3A_110 = %scan3A_105 to %scan3A_107 step %scan3A_108  : i32 {
          %eq3A_111 = arith.constant 1 : i32
          %eq3A_112 = arith.cmpi eq, %scan3A_110, %eq3A_111 : i32
          %add3A_113 = arith.constant 1 : i32
          %add3A_114 = arith.addi %scan3A_96, %add3A_113 : i32
          %lt3A = arith.constant 5 : i32
          %lt3A_115 = arith.cmpi slt, %add3A_114, %lt3A : i32
          %and3A = arith.andi %eq3A_112, %lt3A_115 : i1
          %convert_element_type3A_116 = arith.extui %and3A : i1 to i32
          %cond3A_117 = arith.constant 0 : i32
          %cond3A_118 = arith.cmpi ne, %convert_element_type3A_116, %cond3A_117 : i32
          scf.if %cond3A_118 {
            %add3A_170 = arith.constant 1 : i32
            %add3A_171 = arith.addi %scan3A_96, %add3A_170 : i32
            %mul3A_172 = arith.constant 16 : i32
            %mul3A_173 = arith.muli %add3A_171, %mul3A_172 : i32
            %dma_start3A_174 = arith.constant 0 : i32
            %dma_start3A_175 = arith.constant 0 : i32
            %dma_start3A_176 = tpu.memref_slice %arg9[%sub3A_99, %dma_start3A_174, %dma_start3A_175] : memref<2x16x128xi32, #tpu.memory_space<vmem>> -> memref<1x16x128xi32, #tpu.memory_space<vmem>>
            %dma_start3A_177 = tpu.memref_squeeze %dma_start3A_176 : memref<1x16x128xi32, #tpu.memory_space<vmem>> -> memref<16x128xi32, #tpu.memory_space<vmem>>
            %dma_start3A_178 = arith.constant 0 : i32
            %dma_start3A_179 = tpu.memref_slice %arg4[%arg1, %mul3A_173, %dma_start3A_178] : memref<16x80x128xi32, #tpu.memory_space<hbm>> -> memref<1x16x128xi32, #tpu.memory_space<hbm>>
            %dma_start3A_180 = tpu.memref_squeeze %dma_start3A_179 : memref<1x16x128xi32, #tpu.memory_space<hbm>> -> memref<16x128xi32, #tpu.memory_space<hbm>>
            %dma_start3A_181 = arith.constant 0 : i32
            %dma_start3A_182 = arith.constant 0 : i32
            %dma_start3A_183 = tpu.memref_slice %arg9[%sub3A_99, %dma_start3A_181, %dma_start3A_182] : memref<2x16x128xi32, #tpu.memory_space<vmem>> -> memref<1x16x128xi32, #tpu.memory_space<vmem>>
            %dma_start3A_184 = tpu.memref_squeeze %dma_start3A_183 : memref<1x16x128xi32, #tpu.memory_space<vmem>> -> memref<16x128xi32, #tpu.memory_space<vmem>>
            %dma_start3A_185 = arith.constant 0 : i32
            %dma_start3A_186 = tpu.memref_slice %arg4[%arg1, %mul3A_173, %dma_start3A_185] : memref<16x80x128xi32, #tpu.memory_space<hbm>> -> memref<1x16x128xi32, #tpu.memory_space<hbm>>
            %dma_start3A_187 = tpu.memref_squeeze %dma_start3A_186 : memref<1x16x128xi32, #tpu.memory_space<hbm>> -> memref<16x128xi32, #tpu.memory_space<hbm>>
            tpu.enqueue_dma source(%dma_start3A_187 : memref<16x128xi32, #tpu.memory_space<hbm>>) target(%dma_start3A_184 : memref<16x128xi32, #tpu.memory_space<vmem>>) target_semaphore(%arg17 : memref<!tpu.dma_semaphore, #tpu.memory_space<semaphore_mem>>)
            %add3A_188 = arith.constant 1 : i32
            %add3A_189 = arith.addi %scan3A_96, %add3A_188 : i32
            %mul3A_190 = arith.constant 16 : i32
            %mul3A_191 = arith.muli %add3A_189, %mul3A_190 : i32
            %dma_start3A_192 = arith.constant 0 : i32
            %dma_start3A_193 = arith.constant 0 : i32
            %dma_start3A_194 = tpu.memref_slice %arg10[%sub3A_99, %dma_start3A_192, %dma_start3A_193] : memref<2x16x128xi32, #tpu.memory_space<vmem>> -> memref<1x16x128xi32, #tpu.memory_space<vmem>>
            %dma_start3A_195 = tpu.memref_squeeze %dma_start3A_194 : memref<1x16x128xi32, #tpu.memory_space<vmem>> -> memref<16x128xi32, #tpu.memory_space<vmem>>
            %dma_start3A_196 = arith.constant 0 : i32
            %dma_start3A_197 = tpu.memref_slice %arg3[%arg1, %mul3A_191, %dma_start3A_196] : memref<16x80x128xi32, #tpu.memory_space<hbm>> -> memref<1x16x128xi32, #tpu.memory_space<hbm>>
            %dma_start3A_198 = tpu.memref_squeeze %dma_start3A_197 : memref<1x16x128xi32, #tpu.memory_space<hbm>> -> memref<16x128xi32, #tpu.memory_space<hbm>>
            %dma_start3A_199 = arith.constant 0 : i32
            %dma_start3A_200 = arith.constant 0 : i32
            %dma_start3A_201 = tpu.memref_slice %arg10[%sub3A_99, %dma_start3A_199, %dma_start3A_200] : memref<2x16x128xi32, #tpu.memory_space<vmem>> -> memref<1x16x128xi32, #tpu.memory_space<vmem>>
            %dma_start3A_202 = tpu.memref_squeeze %dma_start3A_201 : memref<1x16x128xi32, #tpu.memory_space<vmem>> -> memref<16x128xi32, #tpu.memory_space<vmem>>
            %dma_start3A_203 = arith.constant 0 : i32
            %dma_start3A_204 = tpu.memref_slice %arg3[%arg1, %mul3A_191, %dma_start3A_203] : memref<16x80x128xi32, #tpu.memory_space<hbm>> -> memref<1x16x128xi32, #tpu.memory_space<hbm>>
            %dma_start3A_205 = tpu.memref_squeeze %dma_start3A_204 : memref<1x16x128xi32, #tpu.memory_space<hbm>> -> memref<16x128xi32, #tpu.memory_space<hbm>>
            tpu.enqueue_dma source(%dma_start3A_205 : memref<16x128xi32, #tpu.memory_space<hbm>>) target(%dma_start3A_202 : memref<16x128xi32, #tpu.memory_space<vmem>>) target_semaphore(%arg17 : memref<!tpu.dma_semaphore, #tpu.memory_space<semaphore_mem>>)
          } else {
          }
          %mul3A_119 = arith.constant 2 : i32
          %mul3A_120 = arith.muli %mul3A_119, %scan3A_110 : i32
          %mul3A_121 = arith.constant 2 : i32
          %mul3A_122 = arith.muli %mul3A_121, %scan3A_110 : i32
          %add3A_123 = arith.constant 1 : i32
          %add3A_124 = arith.addi %mul3A_122, %add3A_123 : i32
          %gt3A_125 = arith.constant 0 : i32
          %gt3A_126 = arith.cmpi sgt, %scan3A_96, %gt3A_125 : i32
          %gt3A_127 = arith.constant 0 : i32
          %gt3A_128 = arith.cmpi sgt, %scan3A_110, %gt3A_127 : i32
          %or3A = arith.ori %gt3A_126, %gt3A_128 : i1
          %convert_element_type3A_129 = arith.extui %or3A : i1 to i32
          %cond3A_130 = arith.constant 0 : i32
          %cond3A_131 = arith.cmpi ne, %convert_element_type3A_129, %cond3A_130 : i32
          scf.if %cond3A_131 {
            %dma_wait3A_170 = arith.constant 0 : i32
            %dma_wait3A_171 = arith.constant 0 : i32
            %dma_wait3A_172 = tpu.memref_slice %arg2[%dma_wait3A_170, %dma_wait3A_171] : memref<10000x128xf32, #tpu.memory_space<hbm>> -> memref<128x128xf32, #tpu.memory_space<hbm>>
            %dma_wait3A_173 = arith.constant 0 : i32
            %dma_wait3A_174 = arith.constant 0 : i32
            %dma_wait3A_175 = tpu.memref_slice %arg2[%dma_wait3A_173, %dma_wait3A_174] : memref<10000x128xf32, #tpu.memory_space<hbm>> -> memref<128x128xf32, #tpu.memory_space<hbm>>
            tpu.wait_dma2 semaphore(%arg15 : memref<!tpu.dma_semaphore, #tpu.memory_space<semaphore_mem>>) src(%dma_wait3A_175 : memref<128x128xf32, #tpu.memory_space<hbm>>) dst(%arg11 : memref<128x128xf32, #tpu.memory_space<vmem>>)
          } else {
          }
          %dma_start3A = arith.constant 0 : i32
          %dma_start3A_132 = tpu.memref_slice %arg9[%rem3A_97, %mul3A_120, %dma_start3A] : memref<2x16x128xi32, #tpu.memory_space<vmem>> -> memref<1x1x128xi32, #tpu.memory_space<vmem>>
          %dma_start3A_133 = tpu.memref_squeeze %dma_start3A_132 : memref<1x1x128xi32, #tpu.memory_space<vmem>> -> memref<128xi32, #tpu.memory_space<vmem>>
          %dma_start3A_134 = arith.constant 0 : i32
          %dma_start3A_135 = arith.constant 0 : i32
          %dma_start3A_136 = tpu.memref_slice %arg2[%dma_start3A_134, %dma_start3A_135] : memref<10000x128xf32, #tpu.memory_space<hbm>> -> memref<10000x128xf32, #tpu.memory_space<hbm>>
          tpu.enqueue_indirect_dma source(%dma_start3A_136 : memref<10000x128xf32, #tpu.memory_space<hbm>>) target(%arg11 : memref<128x128xf32, #tpu.memory_space<vmem>>) offsets(%dma_start3A_133 : memref<128xi32, #tpu.memory_space<vmem>>) semaphore(%arg13 : memref<!tpu.dma_semaphore, #tpu.memory_space<semaphore_mem>>)
          %convert_element_type3A_137 = arith.extui %or3A : i1 to i32
          %cond3A_138 = arith.constant 0 : i32
          %cond3A_139 = arith.cmpi ne, %convert_element_type3A_137, %cond3A_138 : i32
          scf.if %cond3A_139 {
            %dma_wait3A_170 = arith.constant 0 : i32
            %dma_wait3A_171 = arith.constant 0 : i32
            %dma_wait3A_172 = tpu.memref_slice %arg2[%dma_wait3A_170, %dma_wait3A_171] : memref<10000x128xf32, #tpu.memory_space<hbm>> -> memref<128x128xf32, #tpu.memory_space<hbm>>
            %dma_wait3A_173 = arith.constant 0 : i32
            %dma_wait3A_174 = arith.constant 0 : i32
            %dma_wait3A_175 = tpu.memref_slice %arg2[%dma_wait3A_173, %dma_wait3A_174] : memref<10000x128xf32, #tpu.memory_space<hbm>> -> memref<128x128xf32, #tpu.memory_space<hbm>>
            tpu.wait_dma2 semaphore(%arg16 : memref<!tpu.dma_semaphore, #tpu.memory_space<semaphore_mem>>) src(%dma_wait3A_175 : memref<128x128xf32, #tpu.memory_space<hbm>>) dst(%arg12 : memref<128x128xf32, #tpu.memory_space<vmem>>)
          } else {
          }
          %dma_start3A_140 = arith.constant 0 : i32
          %dma_start3A_141 = tpu.memref_slice %arg9[%rem3A_97, %add3A_124, %dma_start3A_140] : memref<2x16x128xi32, #tpu.memory_space<vmem>> -> memref<1x1x128xi32, #tpu.memory_space<vmem>>
          %dma_start3A_142 = tpu.memref_squeeze %dma_start3A_141 : memref<1x1x128xi32, #tpu.memory_space<vmem>> -> memref<128xi32, #tpu.memory_space<vmem>>
          %dma_start3A_143 = arith.constant 0 : i32
          %dma_start3A_144 = arith.constant 0 : i32
          %dma_start3A_145 = tpu.memref_slice %arg2[%dma_start3A_143, %dma_start3A_144] : memref<10000x128xf32, #tpu.memory_space<hbm>> -> memref<10000x128xf32, #tpu.memory_space<hbm>>
          tpu.enqueue_indirect_dma source(%dma_start3A_145 : memref<10000x128xf32, #tpu.memory_space<hbm>>) target(%arg12 : memref<128x128xf32, #tpu.memory_space<vmem>>) offsets(%dma_start3A_142 : memref<128xi32, #tpu.memory_space<vmem>>) semaphore(%arg14 : memref<!tpu.dma_semaphore, #tpu.memory_space<semaphore_mem>>)
          %dma_wait3A_146 = arith.constant 0 : i32
          %dma_wait3A_147 = tpu.memref_slice %arg9[%rem3A_97, %mul3A_120, %dma_wait3A_146] : memref<2x16x128xi32, #tpu.memory_space<vmem>> -> memref<1x1x128xi32, #tpu.memory_space<vmem>>
          %dma_wait3A_148 = tpu.memref_squeeze %dma_wait3A_147 : memref<1x1x128xi32, #tpu.memory_space<vmem>> -> memref<128xi32, #tpu.memory_space<vmem>>
          %dma_wait3A_149 = arith.constant 0 : i32
          %dma_wait3A_150 = arith.constant 0 : i32
          %dma_wait3A_151 = tpu.memref_slice %arg2[%dma_wait3A_149, %dma_wait3A_150] : memref<10000x128xf32, #tpu.memory_space<hbm>> -> memref<10000x128xf32, #tpu.memory_space<hbm>>
          tpu.wait_indirect_dma semaphore(%arg13 : memref<!tpu.dma_semaphore, #tpu.memory_space<semaphore_mem>>) src(%dma_wait3A_151 : memref<10000x128xf32, #tpu.memory_space<hbm>>) dst(%arg11 : memref<128x128xf32, #tpu.memory_space<vmem>>)
          %dma_start3A_152 = arith.constant 0 : i32
          %dma_start3A_153 = tpu.memref_slice %arg10[%rem3A_97, %mul3A_120, %dma_start3A_152] : memref<2x16x128xi32, #tpu.memory_space<vmem>> -> memref<1x1x128xi32, #tpu.memory_space<vmem>>
          %dma_start3A_154 = tpu.memref_squeeze %dma_start3A_153 : memref<1x1x128xi32, #tpu.memory_space<vmem>> -> memref<128xi32, #tpu.memory_space<vmem>>
          %dma_start3A_155 = arith.constant 0 : i32
          %dma_start3A_156 = arith.constant 0 : i32
          %dma_start3A_157 = tpu.memref_slice %arg8[%dma_start3A_155, %dma_start3A_156] : memref<10128x128xf32, #tpu.memory_space<vmem_shared>> -> memref<10128x128xf32, #tpu.memory_space<vmem_shared>>
          tpu.enqueue_indirect_dma source(%arg11 : memref<128x128xf32, #tpu.memory_space<vmem>>) target(%dma_start3A_157 : memref<10128x128xf32, #tpu.memory_space<vmem_shared>>) offsets(%dma_start3A_154 : memref<128xi32, #tpu.memory_space<vmem>>) semaphore(%arg15 : memref<!tpu.dma_semaphore, #tpu.memory_space<semaphore_mem>>) {add = true}
          %dma_wait3A_158 = arith.constant 0 : i32
          %dma_wait3A_159 = tpu.memref_slice %arg9[%rem3A_97, %add3A_124, %dma_wait3A_158] : memref<2x16x128xi32, #tpu.memory_space<vmem>> -> memref<1x1x128xi32, #tpu.memory_space<vmem>>
          %dma_wait3A_160 = tpu.memref_squeeze %dma_wait3A_159 : memref<1x1x128xi32, #tpu.memory_space<vmem>> -> memref<128xi32, #tpu.memory_space<vmem>>
          %dma_wait3A_161 = arith.constant 0 : i32
          %dma_wait3A_162 = arith.constant 0 : i32
          %dma_wait3A_163 = tpu.memref_slice %arg2[%dma_wait3A_161, %dma_wait3A_162] : memref<10000x128xf32, #tpu.memory_space<hbm>> -> memref<10000x128xf32, #tpu.memory_space<hbm>>
          tpu.wait_indirect_dma semaphore(%arg14 : memref<!tpu.dma_semaphore, #tpu.memory_space<semaphore_mem>>) src(%dma_wait3A_163 : memref<10000x128xf32, #tpu.memory_space<hbm>>) dst(%arg12 : memref<128x128xf32, #tpu.memory_space<vmem>>)
          %dma_start3A_164 = arith.constant 0 : i32
          %dma_start3A_165 = tpu.memref_slice %arg10[%rem3A_97, %add3A_124, %dma_start3A_164] : memref<2x16x128xi32, #tpu.memory_space<vmem>> -> memref<1x1x128xi32, #tpu.memory_space<vmem>>
          %dma_start3A_166 = tpu.memref_squeeze %dma_start3A_165 : memref<1x1x128xi32, #tpu.memory_space<vmem>> -> memref<128xi32, #tpu.memory_space<vmem>>
          %dma_start3A_167 = arith.constant 0 : i32
          %dma_start3A_168 = arith.constant 0 : i32
          %dma_start3A_169 = tpu.memref_slice %arg8[%dma_start3A_167, %dma_start3A_168] : memref<10128x128xf32, #tpu.memory_space<vmem_shared>> -> memref<10128x128xf32, #tpu.memory_space<vmem_shared>>
          tpu.enqueue_indirect_dma source(%arg12 : memref<128x128xf32, #tpu.memory_space<vmem>>) target(%dma_start3A_169 : memref<10128x128xf32, #tpu.memory_space<vmem_shared>>) offsets(%dma_start3A_166 : memref<128xi32, #tpu.memory_space<vmem>>) semaphore(%arg16 : memref<!tpu.dma_semaphore, #tpu.memory_space<semaphore_mem>>) {add = true}
        }
        %scan3A_109 = arith.constant 8 : i32
      }
      %scan3A_83 = arith.constant 5 : i32
      %dma_wait3A_84 = arith.constant 0 : i32
      %dma_wait3A_85 = arith.constant 0 : i32
      %dma_wait3A_86 = tpu.memref_slice %arg2[%dma_wait3A_84, %dma_wait3A_85] : memref<10000x128xf32, #tpu.memory_space<hbm>> -> memref<128x128xf32, #tpu.memory_space<hbm>>
      %dma_wait3A_87 = arith.constant 0 : i32
      %dma_wait3A_88 = arith.constant 0 : i32
      %dma_wait3A_89 = tpu.memref_slice %arg2[%dma_wait3A_87, %dma_wait3A_88] : memref<10000x128xf32, #tpu.memory_space<hbm>> -> memref<128x128xf32, #tpu.memory_space<hbm>>
      tpu.wait_dma2 semaphore(%arg15 : memref<!tpu.dma_semaphore, #tpu.memory_space<semaphore_mem>>) src(%dma_wait3A_89 : memref<128x128xf32, #tpu.memory_space<hbm>>) dst(%arg11 : memref<128x128xf32, #tpu.memory_space<vmem>>)
      %dma_wait3A_90 = arith.constant 0 : i32
      %dma_wait3A_91 = arith.constant 0 : i32
      %dma_wait3A_92 = tpu.memref_slice %arg2[%dma_wait3A_90, %dma_wait3A_91] : memref<10000x128xf32, #tpu.memory_space<hbm>> -> memref<128x128xf32, #tpu.memory_space<hbm>>
      %dma_wait3A_93 = arith.constant 0 : i32
      %dma_wait3A_94 = arith.constant 0 : i32
      %dma_wait3A_95 = tpu.memref_slice %arg2[%dma_wait3A_93, %dma_wait3A_94] : memref<10000x128xf32, #tpu.memory_space<hbm>> -> memref<128x128xf32, #tpu.memory_space<hbm>>
      tpu.wait_dma2 semaphore(%arg16 : memref<!tpu.dma_semaphore, #tpu.memory_space<semaphore_mem>>) src(%dma_wait3A_95 : memref<128x128xf32, #tpu.memory_space<hbm>>) dst(%arg12 : memref<128x128xf32, #tpu.memory_space<vmem>>)
    } else {
    }
    %eq3A_34 = arith.constant 1 : i32
    %eq3A_35 = arith.cmpi eq, %arg0, %eq3A_34 : i32
    %convert_element_type3A_36 = arith.extui %eq3A_35 : i1 to i32
    %cond3A_37 = arith.constant 0 : i32
    %cond3A_38 = arith.cmpi ne, %convert_element_type3A_36, %cond3A_37 : i32
    scf.if %cond3A_38 {
      %dma_wait3A = arith.constant 0 : i32
      %dma_wait3A_45 = arith.constant 0 : i32
      %dma_wait3A_46 = arith.constant 0 : i32
      %dma_wait3A_47 = tpu.memref_slice %arg9[%dma_wait3A, %dma_wait3A_45, %dma_wait3A_46] : memref<2x16x128xi32, #tpu.memory_space<vmem>> -> memref<1x16x128xi32, #tpu.memory_space<vmem>>
      %dma_wait3A_48 = tpu.memref_squeeze %dma_wait3A_47 : memref<1x16x128xi32, #tpu.memory_space<vmem>> -> memref<16x128xi32, #tpu.memory_space<vmem>>
      %dma_wait3A_49 = arith.constant 0 : i32
      %dma_wait3A_50 = arith.constant 0 : i32
      %dma_wait3A_51 = tpu.memref_slice %arg6[%arg1, %dma_wait3A_49, %dma_wait3A_50] : memref<16x80x128xi32, #tpu.memory_space<hbm>> -> memref<1x16x128xi32, #tpu.memory_space<hbm>>
      %dma_wait3A_52 = tpu.memref_squeeze %dma_wait3A_51 : memref<1x16x128xi32, #tpu.memory_space<hbm>> -> memref<16x128xi32, #tpu.memory_space<hbm>>
      %dma_wait3A_53 = arith.constant 0 : i32
      %dma_wait3A_54 = arith.constant 0 : i32
      %dma_wait3A_55 = tpu.memref_slice %arg9[%dma_wait3A, %dma_wait3A_53, %dma_wait3A_54] : memref<2x16x128xi32, #tpu.memory_space<vmem>> -> memref<1x16x128xi32, #tpu.memory_space<vmem>>
      %dma_wait3A_56 = tpu.memref_squeeze %dma_wait3A_55 : memref<1x16x128xi32, #tpu.memory_space<vmem>> -> memref<16x128xi32, #tpu.memory_space<vmem>>
      %dma_wait3A_57 = arith.constant 0 : i32
      %dma_wait3A_58 = arith.constant 0 : i32
      %dma_wait3A_59 = tpu.memref_slice %arg6[%arg1, %dma_wait3A_57, %dma_wait3A_58] : memref<16x80x128xi32, #tpu.memory_space<hbm>> -> memref<1x16x128xi32, #tpu.memory_space<hbm>>
      %dma_wait3A_60 = tpu.memref_squeeze %dma_wait3A_59 : memref<1x16x128xi32, #tpu.memory_space<hbm>> -> memref<16x128xi32, #tpu.memory_space<hbm>>
      tpu.wait_dma2 semaphore(%arg17 : memref<!tpu.dma_semaphore, #tpu.memory_space<semaphore_mem>>) src(%dma_wait3A_60 : memref<16x128xi32, #tpu.memory_space<hbm>>) dst(%dma_wait3A_56 : memref<16x128xi32, #tpu.memory_space<vmem>>)
      %dma_wait3A_61 = arith.constant 0 : i32
      %dma_wait3A_62 = arith.constant 0 : i32
      %dma_wait3A_63 = arith.constant 0 : i32
      %dma_wait3A_64 = tpu.memref_slice %arg10[%dma_wait3A_61, %dma_wait3A_62, %dma_wait3A_63] : memref<2x16x128xi32, #tpu.memory_space<vmem>> -> memref<1x16x128xi32, #tpu.memory_space<vmem>>
      %dma_wait3A_65 = tpu.memref_squeeze %dma_wait3A_64 : memref<1x16x128xi32, #tpu.memory_space<vmem>> -> memref<16x128xi32, #tpu.memory_space<vmem>>
      %dma_wait3A_66 = arith.constant 0 : i32
      %dma_wait3A_67 = arith.constant 0 : i32
      %dma_wait3A_68 = tpu.memref_slice %arg5[%arg1, %dma_wait3A_66, %dma_wait3A_67] : memref<16x80x128xi32, #tpu.memory_space<hbm>> -> memref<1x16x128xi32, #tpu.memory_space<hbm>>
      %dma_wait3A_69 = tpu.memref_squeeze %dma_wait3A_68 : memref<1x16x128xi32, #tpu.memory_space<hbm>> -> memref<16x128xi32, #tpu.memory_space<hbm>>
      %dma_wait3A_70 = arith.constant 0 : i32
      %dma_wait3A_71 = arith.constant 0 : i32
      %dma_wait3A_72 = tpu.memref_slice %arg10[%dma_wait3A_61, %dma_wait3A_70, %dma_wait3A_71] : memref<2x16x128xi32, #tpu.memory_space<vmem>> -> memref<1x16x128xi32, #tpu.memory_space<vmem>>
      %dma_wait3A_73 = tpu.memref_squeeze %dma_wait3A_72 : memref<1x16x128xi32, #tpu.memory_space<vmem>> -> memref<16x128xi32, #tpu.memory_space<vmem>>
      %dma_wait3A_74 = arith.constant 0 : i32
      %dma_wait3A_75 = arith.constant 0 : i32
      %dma_wait3A_76 = tpu.memref_slice %arg5[%arg1, %dma_wait3A_74, %dma_wait3A_75] : memref<16x80x128xi32, #tpu.memory_space<hbm>> -> memref<1x16x128xi32, #tpu.memory_space<hbm>>
      %dma_wait3A_77 = tpu.memref_squeeze %dma_wait3A_76 : memref<1x16x128xi32, #tpu.memory_space<hbm>> -> memref<16x128xi32, #tpu.memory_space<hbm>>
      tpu.wait_dma2 semaphore(%arg17 : memref<!tpu.dma_semaphore, #tpu.memory_space<semaphore_mem>>) src(%dma_wait3A_77 : memref<16x128xi32, #tpu.memory_space<hbm>>) dst(%dma_wait3A_73 : memref<16x128xi32, #tpu.memory_space<vmem>>)
      %scan3A_78 = arith.constant 0 : i32
      %scan3A_79 = arith.constant 0 : i32
      %scan3A_80 = arith.constant 5 : i32
      %scan3A_81 = arith.addi %scan3A_79, %scan3A_80 : i32
      %scan3A_82 = arith.constant 1 : i32
      scf.for %scan3A_96 = %scan3A_79 to %scan3A_81 step %scan3A_82  : i32 {
        %rem3A = arith.constant 2 : i32
        %rem3A_97 = arith.remsi %scan3A_96, %rem3A : i32
        %sub3A_98 = arith.constant 1 : i32
        %sub3A_99 = arith.subi %sub3A_98, %rem3A_97 : i32
        %gt3A = arith.constant 0 : i32
        %gt3A_100 = arith.cmpi sgt, %scan3A_96, %gt3A : i32
        %convert_element_type3A_101 = arith.extui %gt3A_100 : i1 to i32
        %cond3A_102 = arith.constant 0 : i32
        %cond3A_103 = arith.cmpi ne, %convert_element_type3A_101, %cond3A_102 : i32
        scf.if %cond3A_103 {
          %dma_wait3A_110 = arith.constant 0 : i32
          %dma_wait3A_111 = arith.constant 0 : i32
          %dma_wait3A_112 = tpu.memref_slice %arg9[%rem3A_97, %dma_wait3A_110, %dma_wait3A_111] : memref<2x16x128xi32, #tpu.memory_space<vmem>> -> memref<1x16x128xi32, #tpu.memory_space<vmem>>
          %dma_wait3A_113 = tpu.memref_squeeze %dma_wait3A_112 : memref<1x16x128xi32, #tpu.memory_space<vmem>> -> memref<16x128xi32, #tpu.memory_space<vmem>>
          %dma_wait3A_114 = arith.constant 0 : i32
          %dma_wait3A_115 = arith.constant 0 : i32
          %dma_wait3A_116 = tpu.memref_slice %arg6[%arg1, %dma_wait3A_114, %dma_wait3A_115] : memref<16x80x128xi32, #tpu.memory_space<hbm>> -> memref<1x16x128xi32, #tpu.memory_space<hbm>>
          %dma_wait3A_117 = tpu.memref_squeeze %dma_wait3A_116 : memref<1x16x128xi32, #tpu.memory_space<hbm>> -> memref<16x128xi32, #tpu.memory_space<hbm>>
          %dma_wait3A_118 = arith.constant 0 : i32
          %dma_wait3A_119 = arith.constant 0 : i32
          %dma_wait3A_120 = tpu.memref_slice %arg9[%rem3A_97, %dma_wait3A_118, %dma_wait3A_119] : memref<2x16x128xi32, #tpu.memory_space<vmem>> -> memref<1x16x128xi32, #tpu.memory_space<vmem>>
          %dma_wait3A_121 = tpu.memref_squeeze %dma_wait3A_120 : memref<1x16x128xi32, #tpu.memory_space<vmem>> -> memref<16x128xi32, #tpu.memory_space<vmem>>
          %dma_wait3A_122 = arith.constant 0 : i32
          %dma_wait3A_123 = arith.constant 0 : i32
          %dma_wait3A_124 = tpu.memref_slice %arg6[%arg1, %dma_wait3A_122, %dma_wait3A_123] : memref<16x80x128xi32, #tpu.memory_space<hbm>> -> memref<1x16x128xi32, #tpu.memory_space<hbm>>
          %dma_wait3A_125 = tpu.memref_squeeze %dma_wait3A_124 : memref<1x16x128xi32, #tpu.memory_space<hbm>> -> memref<16x128xi32, #tpu.memory_space<hbm>>
          tpu.wait_dma2 semaphore(%arg17 : memref<!tpu.dma_semaphore, #tpu.memory_space<semaphore_mem>>) src(%dma_wait3A_125 : memref<16x128xi32, #tpu.memory_space<hbm>>) dst(%dma_wait3A_121 : memref<16x128xi32, #tpu.memory_space<vmem>>)
          %dma_wait3A_126 = arith.constant 0 : i32
          %dma_wait3A_127 = arith.constant 0 : i32
          %dma_wait3A_128 = tpu.memref_slice %arg10[%rem3A_97, %dma_wait3A_126, %dma_wait3A_127] : memref<2x16x128xi32, #tpu.memory_space<vmem>> -> memref<1x16x128xi32, #tpu.memory_space<vmem>>
          %dma_wait3A_129 = tpu.memref_squeeze %dma_wait3A_128 : memref<1x16x128xi32, #tpu.memory_space<vmem>> -> memref<16x128xi32, #tpu.memory_space<vmem>>
          %dma_wait3A_130 = arith.constant 0 : i32
          %dma_wait3A_131 = arith.constant 0 : i32
          %dma_wait3A_132 = tpu.memref_slice %arg5[%arg1, %dma_wait3A_130, %dma_wait3A_131] : memref<16x80x128xi32, #tpu.memory_space<hbm>> -> memref<1x16x128xi32, #tpu.memory_space<hbm>>
          %dma_wait3A_133 = tpu.memref_squeeze %dma_wait3A_132 : memref<1x16x128xi32, #tpu.memory_space<hbm>> -> memref<16x128xi32, #tpu.memory_space<hbm>>
          %dma_wait3A_134 = arith.constant 0 : i32
          %dma_wait3A_135 = arith.constant 0 : i32
          %dma_wait3A_136 = tpu.memref_slice %arg10[%rem3A_97, %dma_wait3A_134, %dma_wait3A_135] : memref<2x16x128xi32, #tpu.memory_space<vmem>> -> memref<1x16x128xi32, #tpu.memory_space<vmem>>
          %dma_wait3A_137 = tpu.memref_squeeze %dma_wait3A_136 : memref<1x16x128xi32, #tpu.memory_space<vmem>> -> memref<16x128xi32, #tpu.memory_space<vmem>>
          %dma_wait3A_138 = arith.constant 0 : i32
          %dma_wait3A_139 = arith.constant 0 : i32
          %dma_wait3A_140 = tpu.memref_slice %arg5[%arg1, %dma_wait3A_138, %dma_wait3A_139] : memref<16x80x128xi32, #tpu.memory_space<hbm>> -> memref<1x16x128xi32, #tpu.memory_space<hbm>>
          %dma_wait3A_141 = tpu.memref_squeeze %dma_wait3A_140 : memref<1x16x128xi32, #tpu.memory_space<hbm>> -> memref<16x128xi32, #tpu.memory_space<hbm>>
          tpu.wait_dma2 semaphore(%arg17 : memref<!tpu.dma_semaphore, #tpu.memory_space<semaphore_mem>>) src(%dma_wait3A_141 : memref<16x128xi32, #tpu.memory_space<hbm>>) dst(%dma_wait3A_137 : memref<16x128xi32, #tpu.memory_space<vmem>>)
        } else {
        }
        %scan3A_104 = arith.constant 0 : i32
        %scan3A_105 = arith.constant 0 : i32
        %scan3A_106 = arith.constant 8 : i32
        %scan3A_107 = arith.addi %scan3A_105, %scan3A_106 : i32
        %scan3A_108 = arith.constant 1 : i32
        scf.for %scan3A_110 = %scan3A_105 to %scan3A_107 step %scan3A_108  : i32 {
          %eq3A_111 = arith.constant 1 : i32
          %eq3A_112 = arith.cmpi eq, %scan3A_110, %eq3A_111 : i32
          %add3A_113 = arith.constant 1 : i32
          %add3A_114 = arith.addi %scan3A_96, %add3A_113 : i32
          %lt3A = arith.constant 5 : i32
          %lt3A_115 = arith.cmpi slt, %add3A_114, %lt3A : i32
          %and3A = arith.andi %eq3A_112, %lt3A_115 : i1
          %convert_element_type3A_116 = arith.extui %and3A : i1 to i32
          %cond3A_117 = arith.constant 0 : i32
          %cond3A_118 = arith.cmpi ne, %convert_element_type3A_116, %cond3A_117 : i32
          scf.if %cond3A_118 {
            %add3A_170 = arith.constant 1 : i32
            %add3A_171 = arith.addi %scan3A_96, %add3A_170 : i32
            %mul3A_172 = arith.constant 16 : i32
            %mul3A_173 = arith.muli %add3A_171, %mul3A_172 : i32
            %dma_start3A_174 = arith.constant 0 : i32
            %dma_start3A_175 = arith.constant 0 : i32
            %dma_start3A_176 = tpu.memref_slice %arg9[%sub3A_99, %dma_start3A_174, %dma_start3A_175] : memref<2x16x128xi32, #tpu.memory_space<vmem>> -> memref<1x16x128xi32, #tpu.memory_space<vmem>>
            %dma_start3A_177 = tpu.memref_squeeze %dma_start3A_176 : memref<1x16x128xi32, #tpu.memory_space<vmem>> -> memref<16x128xi32, #tpu.memory_space<vmem>>
            %dma_start3A_178 = arith.constant 0 : i32
            %dma_start3A_179 = tpu.memref_slice %arg6[%arg1, %mul3A_173, %dma_start3A_178] : memref<16x80x128xi32, #tpu.memory_space<hbm>> -> memref<1x16x128xi32, #tpu.memory_space<hbm>>
            %dma_start3A_180 = tpu.memref_squeeze %dma_start3A_179 : memref<1x16x128xi32, #tpu.memory_space<hbm>> -> memref<16x128xi32, #tpu.memory_space<hbm>>
            %dma_start3A_181 = arith.constant 0 : i32
            %dma_start3A_182 = arith.constant 0 : i32
            %dma_start3A_183 = tpu.memref_slice %arg9[%sub3A_99, %dma_start3A_181, %dma_start3A_182] : memref<2x16x128xi32, #tpu.memory_space<vmem>> -> memref<1x16x128xi32, #tpu.memory_space<vmem>>
            %dma_start3A_184 = tpu.memref_squeeze %dma_start3A_183 : memref<1x16x128xi32, #tpu.memory_space<vmem>> -> memref<16x128xi32, #tpu.memory_space<vmem>>
            %dma_start3A_185 = arith.constant 0 : i32
            %dma_start3A_186 = tpu.memref_slice %arg6[%arg1, %mul3A_173, %dma_start3A_185] : memref<16x80x128xi32, #tpu.memory_space<hbm>> -> memref<1x16x128xi32, #tpu.memory_space<hbm>>
            %dma_start3A_187 = tpu.memref_squeeze %dma_start3A_186 : memref<1x16x128xi32, #tpu.memory_space<hbm>> -> memref<16x128xi32, #tpu.memory_space<hbm>>
            tpu.enqueue_dma source(%dma_start3A_187 : memref<16x128xi32, #tpu.memory_space<hbm>>) target(%dma_start3A_184 : memref<16x128xi32, #tpu.memory_space<vmem>>) target_semaphore(%arg17 : memref<!tpu.dma_semaphore, #tpu.memory_space<semaphore_mem>>)
            %add3A_188 = arith.constant 1 : i32
            %add3A_189 = arith.addi %scan3A_96, %add3A_188 : i32
            %mul3A_190 = arith.constant 16 : i32
            %mul3A_191 = arith.muli %add3A_189, %mul3A_190 : i32
            %dma_start3A_192 = arith.constant 0 : i32
            %dma_start3A_193 = arith.constant 0 : i32
            %dma_start3A_194 = tpu.memref_slice %arg10[%sub3A_99, %dma_start3A_192, %dma_start3A_193] : memref<2x16x128xi32, #tpu.memory_space<vmem>> -> memref<1x16x128xi32, #tpu.memory_space<vmem>>
            %dma_start3A_195 = tpu.memref_squeeze %dma_start3A_194 : memref<1x16x128xi32, #tpu.memory_space<vmem>> -> memref<16x128xi32, #tpu.memory_space<vmem>>
            %dma_start3A_196 = arith.constant 0 : i32
            %dma_start3A_197 = tpu.memref_slice %arg5[%arg1, %mul3A_191, %dma_start3A_196] : memref<16x80x128xi32, #tpu.memory_space<hbm>> -> memref<1x16x128xi32, #tpu.memory_space<hbm>>
            %dma_start3A_198 = tpu.memref_squeeze %dma_start3A_197 : memref<1x16x128xi32, #tpu.memory_space<hbm>> -> memref<16x128xi32, #tpu.memory_space<hbm>>
            %dma_start3A_199 = arith.constant 0 : i32
            %dma_start3A_200 = arith.constant 0 : i32
            %dma_start3A_201 = tpu.memref_slice %arg10[%sub3A_99, %dma_start3A_199, %dma_start3A_200] : memref<2x16x128xi32, #tpu.memory_space<vmem>> -> memref<1x16x128xi32, #tpu.memory_space<vmem>>
            %dma_start3A_202 = tpu.memref_squeeze %dma_start3A_201 : memref<1x16x128xi32, #tpu.memory_space<vmem>> -> memref<16x128xi32, #tpu.memory_space<vmem>>
            %dma_start3A_203 = arith.constant 0 : i32
            %dma_start3A_204 = tpu.memref_slice %arg5[%arg1, %mul3A_191, %dma_start3A_203] : memref<16x80x128xi32, #tpu.memory_space<hbm>> -> memref<1x16x128xi32, #tpu.memory_space<hbm>>
            %dma_start3A_205 = tpu.memref_squeeze %dma_start3A_204 : memref<1x16x128xi32, #tpu.memory_space<hbm>> -> memref<16x128xi32, #tpu.memory_space<hbm>>
            tpu.enqueue_dma source(%dma_start3A_205 : memref<16x128xi32, #tpu.memory_space<hbm>>) target(%dma_start3A_202 : memref<16x128xi32, #tpu.memory_space<vmem>>) target_semaphore(%arg17 : memref<!tpu.dma_semaphore, #tpu.memory_space<semaphore_mem>>)
          } else {
          }
          %mul3A_119 = arith.constant 2 : i32
          %mul3A_120 = arith.muli %mul3A_119, %scan3A_110 : i32
          %mul3A_121 = arith.constant 2 : i32
          %mul3A_122 = arith.muli %mul3A_121, %scan3A_110 : i32
          %add3A_123 = arith.constant 1 : i32
          %add3A_124 = arith.addi %mul3A_122, %add3A_123 : i32
          %gt3A_125 = arith.constant 0 : i32
          %gt3A_126 = arith.cmpi sgt, %scan3A_96, %gt3A_125 : i32
          %gt3A_127 = arith.constant 0 : i32
          %gt3A_128 = arith.cmpi sgt, %scan3A_110, %gt3A_127 : i32
          %or3A = arith.ori %gt3A_126, %gt3A_128 : i1
          %convert_element_type3A_129 = arith.extui %or3A : i1 to i32
          %cond3A_130 = arith.constant 0 : i32
          %cond3A_131 = arith.cmpi ne, %convert_element_type3A_129, %cond3A_130 : i32
          scf.if %cond3A_131 {
            %dma_wait3A_170 = arith.constant 0 : i32
            %dma_wait3A_171 = arith.constant 0 : i32
            %dma_wait3A_172 = tpu.memref_slice %arg2[%dma_wait3A_170, %dma_wait3A_171] : memref<10000x128xf32, #tpu.memory_space<hbm>> -> memref<128x128xf32, #tpu.memory_space<hbm>>
            %dma_wait3A_173 = arith.constant 0 : i32
            %dma_wait3A_174 = arith.constant 0 : i32
            %dma_wait3A_175 = tpu.memref_slice %arg2[%dma_wait3A_173, %dma_wait3A_174] : memref<10000x128xf32, #tpu.memory_space<hbm>> -> memref<128x128xf32, #tpu.memory_space<hbm>>
            tpu.wait_dma2 semaphore(%arg15 : memref<!tpu.dma_semaphore, #tpu.memory_space<semaphore_mem>>) src(%dma_wait3A_175 : memref<128x128xf32, #tpu.memory_space<hbm>>) dst(%arg11 : memref<128x128xf32, #tpu.memory_space<vmem>>)
          } else {
          }
          %dma_start3A = arith.constant 0 : i32
          %dma_start3A_132 = tpu.memref_slice %arg9[%rem3A_97, %mul3A_120, %dma_start3A] : memref<2x16x128xi32, #tpu.memory_space<vmem>> -> memref<1x1x128xi32, #tpu.memory_space<vmem>>
          %dma_start3A_133 = tpu.memref_squeeze %dma_start3A_132 : memref<1x1x128xi32, #tpu.memory_space<vmem>> -> memref<128xi32, #tpu.memory_space<vmem>>
          %dma_start3A_134 = arith.constant 0 : i32
          %dma_start3A_135 = arith.constant 0 : i32
          %dma_start3A_136 = tpu.memref_slice %arg2[%dma_start3A_134, %dma_start3A_135] : memref<10000x128xf32, #tpu.memory_space<hbm>> -> memref<10000x128xf32, #tpu.memory_space<hbm>>
          tpu.enqueue_indirect_dma source(%dma_start3A_136 : memref<10000x128xf32, #tpu.memory_space<hbm>>) target(%arg11 : memref<128x128xf32, #tpu.memory_space<vmem>>) offsets(%dma_start3A_133 : memref<128xi32, #tpu.memory_space<vmem>>) semaphore(%arg13 : memref<!tpu.dma_semaphore, #tpu.memory_space<semaphore_mem>>)
          %convert_element_type3A_137 = arith.extui %or3A : i1 to i32
          %cond3A_138 = arith.constant 0 : i32
          %cond3A_139 = arith.cmpi ne, %convert_element_type3A_137, %cond3A_138 : i32
          scf.if %cond3A_139 {
            %dma_wait3A_170 = arith.constant 0 : i32
            %dma_wait3A_171 = arith.constant 0 : i32
            %dma_wait3A_172 = tpu.memref_slice %arg2[%dma_wait3A_170, %dma_wait3A_171] : memref<10000x128xf32, #tpu.memory_space<hbm>> -> memref<128x128xf32, #tpu.memory_space<hbm>>
            %dma_wait3A_173 = arith.constant 0 : i32
            %dma_wait3A_174 = arith.constant 0 : i32
            %dma_wait3A_175 = tpu.memref_slice %arg2[%dma_wait3A_173, %dma_wait3A_174] : memref<10000x128xf32, #tpu.memory_space<hbm>> -> memref<128x128xf32, #tpu.memory_space<hbm>>
            tpu.wait_dma2 semaphore(%arg16 : memref<!tpu.dma_semaphore, #tpu.memory_space<semaphore_mem>>) src(%dma_wait3A_175 : memref<128x128xf32, #tpu.memory_space<hbm>>) dst(%arg12 : memref<128x128xf32, #tpu.memory_space<vmem>>)
          } else {
          }
          %dma_start3A_140 = arith.constant 0 : i32
          %dma_start3A_141 = tpu.memref_slice %arg9[%rem3A_97, %add3A_124, %dma_start3A_140] : memref<2x16x128xi32, #tpu.memory_space<vmem>> -> memref<1x1x128xi32, #tpu.memory_space<vmem>>
          %dma_start3A_142 = tpu.memref_squeeze %dma_start3A_141 : memref<1x1x128xi32, #tpu.memory_space<vmem>> -> memref<128xi32, #tpu.memory_space<vmem>>
          %dma_start3A_143 = arith.constant 0 : i32
          %dma_start3A_144 = arith.constant 0 : i32
          %dma_start3A_145 = tpu.memref_slice %arg2[%dma_start3A_143, %dma_start3A_144] : memref<10000x128xf32, #tpu.memory_space<hbm>> -> memref<10000x128xf32, #tpu.memory_space<hbm>>
          tpu.enqueue_indirect_dma source(%dma_start3A_145 : memref<10000x128xf32, #tpu.memory_space<hbm>>) target(%arg12 : memref<128x128xf32, #tpu.memory_space<vmem>>) offsets(%dma_start3A_142 : memref<128xi32, #tpu.memory_space<vmem>>) semaphore(%arg14 : memref<!tpu.dma_semaphore, #tpu.memory_space<semaphore_mem>>)
          %dma_wait3A_146 = arith.constant 0 : i32
          %dma_wait3A_147 = tpu.memref_slice %arg9[%rem3A_97, %mul3A_120, %dma_wait3A_146] : memref<2x16x128xi32, #tpu.memory_space<vmem>> -> memref<1x1x128xi32, #tpu.memory_space<vmem>>
          %dma_wait3A_148 = tpu.memref_squeeze %dma_wait3A_147 : memref<1x1x128xi32, #tpu.memory_space<vmem>> -> memref<128xi32, #tpu.memory_space<vmem>>
          %dma_wait3A_149 = arith.constant 0 : i32
          %dma_wait3A_150 = arith.constant 0 : i32
          %dma_wait3A_151 = tpu.memref_slice %arg2[%dma_wait3A_149, %dma_wait3A_150] : memref<10000x128xf32, #tpu.memory_space<hbm>> -> memref<10000x128xf32, #tpu.memory_space<hbm>>
          tpu.wait_indirect_dma semaphore(%arg13 : memref<!tpu.dma_semaphore, #tpu.memory_space<semaphore_mem>>) src(%dma_wait3A_151 : memref<10000x128xf32, #tpu.memory_space<hbm>>) dst(%arg11 : memref<128x128xf32, #tpu.memory_space<vmem>>)
          %dma_start3A_152 = arith.constant 0 : i32
          %dma_start3A_153 = tpu.memref_slice %arg10[%rem3A_97, %mul3A_120, %dma_start3A_152] : memref<2x16x128xi32, #tpu.memory_space<vmem>> -> memref<1x1x128xi32, #tpu.memory_space<vmem>>
          %dma_start3A_154 = tpu.memref_squeeze %dma_start3A_153 : memref<1x1x128xi32, #tpu.memory_space<vmem>> -> memref<128xi32, #tpu.memory_space<vmem>>
          %dma_start3A_155 = arith.constant 0 : i32
          %dma_start3A_156 = arith.constant 0 : i32
          %dma_start3A_157 = tpu.memref_slice %arg8[%dma_start3A_155, %dma_start3A_156] : memref<10128x128xf32, #tpu.memory_space<vmem_shared>> -> memref<10128x128xf32, #tpu.memory_space<vmem_shared>>
          tpu.enqueue_indirect_dma source(%arg11 : memref<128x128xf32, #tpu.memory_space<vmem>>) target(%dma_start3A_157 : memref<10128x128xf32, #tpu.memory_space<vmem_shared>>) offsets(%dma_start3A_154 : memref<128xi32, #tpu.memory_space<vmem>>) semaphore(%arg15 : memref<!tpu.dma_semaphore, #tpu.memory_space<semaphore_mem>>) {add = true}
          %dma_wait3A_158 = arith.constant 0 : i32
          %dma_wait3A_159 = tpu.memref_slice %arg9[%rem3A_97, %add3A_124, %dma_wait3A_158] : memref<2x16x128xi32, #tpu.memory_space<vmem>> -> memref<1x1x128xi32, #tpu.memory_space<vmem>>
          %dma_wait3A_160 = tpu.memref_squeeze %dma_wait3A_159 : memref<1x1x128xi32, #tpu.memory_space<vmem>> -> memref<128xi32, #tpu.memory_space<vmem>>
          %dma_wait3A_161 = arith.constant 0 : i32
          %dma_wait3A_162 = arith.constant 0 : i32
          %dma_wait3A_163 = tpu.memref_slice %arg2[%dma_wait3A_161, %dma_wait3A_162] : memref<10000x128xf32, #tpu.memory_space<hbm>> -> memref<10000x128xf32, #tpu.memory_space<hbm>>
          tpu.wait_indirect_dma semaphore(%arg14 : memref<!tpu.dma_semaphore, #tpu.memory_space<semaphore_mem>>) src(%dma_wait3A_163 : memref<10000x128xf32, #tpu.memory_space<hbm>>) dst(%arg12 : memref<128x128xf32, #tpu.memory_space<vmem>>)
          %dma_start3A_164 = arith.constant 0 : i32
          %dma_start3A_165 = tpu.memref_slice %arg10[%rem3A_97, %add3A_124, %dma_start3A_164] : memref<2x16x128xi32, #tpu.memory_space<vmem>> -> memref<1x1x128xi32, #tpu.memory_space<vmem>>
          %dma_start3A_166 = tpu.memref_squeeze %dma_start3A_165 : memref<1x1x128xi32, #tpu.memory_space<vmem>> -> memref<128xi32, #tpu.memory_space<vmem>>
          %dma_start3A_167 = arith.constant 0 : i32
          %dma_start3A_168 = arith.constant 0 : i32
          %dma_start3A_169 = tpu.memref_slice %arg8[%dma_start3A_167, %dma_start3A_168] : memref<10128x128xf32, #tpu.memory_space<vmem_shared>> -> memref<10128x128xf32, #tpu.memory_space<vmem_shared>>
          tpu.enqueue_indirect_dma source(%arg12 : memref<128x128xf32, #tpu.memory_space<vmem>>) target(%dma_start3A_169 : memref<10128x128xf32, #tpu.memory_space<vmem_shared>>) offsets(%dma_start3A_166 : memref<128xi32, #tpu.memory_space<vmem>>) semaphore(%arg16 : memref<!tpu.dma_semaphore, #tpu.memory_space<semaphore_mem>>) {add = true}
        }
        %scan3A_109 = arith.constant 8 : i32
      }
      %scan3A_83 = arith.constant 5 : i32
      %dma_wait3A_84 = arith.constant 0 : i32
      %dma_wait3A_85 = arith.constant 0 : i32
      %dma_wait3A_86 = tpu.memref_slice %arg2[%dma_wait3A_84, %dma_wait3A_85] : memref<10000x128xf32, #tpu.memory_space<hbm>> -> memref<128x128xf32, #tpu.memory_space<hbm>>
      %dma_wait3A_87 = arith.constant 0 : i32
      %dma_wait3A_88 = arith.constant 0 : i32
      %dma_wait3A_89 = tpu.memref_slice %arg2[%dma_wait3A_87, %dma_wait3A_88] : memref<10000x128xf32, #tpu.memory_space<hbm>> -> memref<128x128xf32, #tpu.memory_space<hbm>>
      tpu.wait_dma2 semaphore(%arg15 : memref<!tpu.dma_semaphore, #tpu.memory_space<semaphore_mem>>) src(%dma_wait3A_89 : memref<128x128xf32, #tpu.memory_space<hbm>>) dst(%arg11 : memref<128x128xf32, #tpu.memory_space<vmem>>)
      %dma_wait3A_90 = arith.constant 0 : i32
      %dma_wait3A_91 = arith.constant 0 : i32
      %dma_wait3A_92 = tpu.memref_slice %arg2[%dma_wait3A_90, %dma_wait3A_91] : memref<10000x128xf32, #tpu.memory_space<hbm>> -> memref<128x128xf32, #tpu.memory_space<hbm>>
      %dma_wait3A_93 = arith.constant 0 : i32
      %dma_wait3A_94 = arith.constant 0 : i32
      %dma_wait3A_95 = tpu.memref_slice %arg2[%dma_wait3A_93, %dma_wait3A_94] : memref<10000x128xf32, #tpu.memory_space<hbm>> -> memref<128x128xf32, #tpu.memory_space<hbm>>
      tpu.wait_dma2 semaphore(%arg16 : memref<!tpu.dma_semaphore, #tpu.memory_space<semaphore_mem>>) src(%dma_wait3A_95 : memref<128x128xf32, #tpu.memory_space<hbm>>) dst(%arg12 : memref<128x128xf32, #tpu.memory_space<vmem>>)
    } else {
    }
    %barrier3A_39 = arith.constant 0 : index
    tpu.barrier barrier_id(%barrier3A_39)
    "tpu.region"() ({
      %run_scoped3A = tpu.sem_alloc : memref<!tpu.dma_semaphore, #tpu.memory_space<semaphore_mem>>
      %dma_start3A = arith.constant 0 : i32
      %dma_start3A_45 = tpu.memref_slice %arg7[%arg0, %mul3A_0, %dma_start3A] : memref<2x10000x128xf32, #tpu.memory_space<hbm>> -> memref<1x624x128xf32, #tpu.memory_space<hbm>>
      %dma_start3A_46 = tpu.memref_squeeze %dma_start3A_45 : memref<1x624x128xf32, #tpu.memory_space<hbm>> -> memref<624x128xf32, #tpu.memory_space<hbm>>
      %dma_start3A_47 = arith.constant 0 : i32
      %dma_start3A_48 = tpu.memref_slice %arg8[%mul3A_0, %dma_start3A_47] : memref<10128x128xf32, #tpu.memory_space<vmem_shared>> -> memref<624x128xf32, #tpu.memory_space<vmem_shared>>
      tpu.enqueue_dma source(%dma_start3A_48 : memref<624x128xf32, #tpu.memory_space<vmem_shared>>) target(%dma_start3A_46 : memref<624x128xf32, #tpu.memory_space<hbm>>) target_semaphore(%run_scoped3A : memref<!tpu.dma_semaphore, #tpu.memory_space<semaphore_mem>>)
      %dma_wait3A = arith.constant 0 : i32
      %dma_wait3A_49 = tpu.memref_slice %arg7[%arg0, %mul3A_0, %dma_wait3A] : memref<2x10000x128xf32, #tpu.memory_space<hbm>> -> memref<1x624x128xf32, #tpu.memory_space<hbm>>
      %dma_wait3A_50 = tpu.memref_squeeze %dma_wait3A_49 : memref<1x624x128xf32, #tpu.memory_space<hbm>> -> memref<624x128xf32, #tpu.memory_space<hbm>>
      %dma_wait3A_51 = arith.constant 0 : i32
      %dma_wait3A_52 = tpu.memref_slice %arg8[%mul3A_0, %dma_wait3A_51] : memref<10128x128xf32, #tpu.memory_space<vmem_shared>> -> memref<624x128xf32, #tpu.memory_space<vmem_shared>>
      tpu.wait_dma2 semaphore(%run_scoped3A : memref<!tpu.dma_semaphore, #tpu.memory_space<semaphore_mem>>) src(%dma_wait3A_52 : memref<624x128xf32, #tpu.memory_space<vmem_shared>>) dst(%dma_wait3A_50 : memref<624x128xf32, #tpu.memory_space<hbm>>)
      tpu.yield
    }) : () -> ()
    %eq3A_40 = arith.constant 0 : i32
    %eq3A_41 = arith.cmpi eq, %arg1, %eq3A_40 : i32
    %convert_element_type3A_42 = arith.extui %eq3A_41 : i1 to i32
    %cond3A_43 = arith.constant 0 : i32
    %cond3A_44 = arith.cmpi ne, %convert_element_type3A_42, %cond3A_43 : i32
    scf.if %cond3A_44 {
      "tpu.region"() ({
        %run_scoped3A = tpu.sem_alloc : memref<!tpu.dma_semaphore, #tpu.memory_space<semaphore_mem>>
        %dma_start3A = arith.constant 9984 : i32
        %dma_start3A_45 = arith.constant 0 : i32
        %dma_start3A_46 = tpu.memref_slice %arg7[%arg0, %dma_start3A, %dma_start3A_45] : memref<2x10000x128xf32, #tpu.memory_space<hbm>> -> memref<1x16x128xf32, #tpu.memory_space<hbm>>
        %dma_start3A_47 = tpu.memref_squeeze %dma_start3A_46 : memref<1x16x128xf32, #tpu.memory_space<hbm>> -> memref<16x128xf32, #tpu.memory_space<hbm>>
        %dma_start3A_48 = arith.constant 9984 : i32
        %dma_start3A_49 = arith.constant 0 : i32
        %dma_start3A_50 = tpu.memref_slice %arg8[%dma_start3A_48, %dma_start3A_49] : memref<10128x128xf32, #tpu.memory_space<vmem_shared>> -> memref<16x128xf32, #tpu.memory_space<vmem_shared>>
        tpu.enqueue_dma source(%dma_start3A_50 : memref<16x128xf32, #tpu.memory_space<vmem_shared>>) target(%dma_start3A_47 : memref<16x128xf32, #tpu.memory_space<hbm>>) target_semaphore(%run_scoped3A : memref<!tpu.dma_semaphore, #tpu.memory_space<semaphore_mem>>)
        %dma_wait3A = arith.constant 9984 : i32
        %dma_wait3A_51 = arith.constant 0 : i32
        %dma_wait3A_52 = tpu.memref_slice %arg7[%arg0, %dma_wait3A, %dma_wait3A_51] : memref<2x10000x128xf32, #tpu.memory_space<hbm>> -> memref<1x16x128xf32, #tpu.memory_space<hbm>>
        %dma_wait3A_53 = tpu.memref_squeeze %dma_wait3A_52 : memref<1x16x128xf32, #tpu.memory_space<hbm>> -> memref<16x128xf32, #tpu.memory_space<hbm>>
        %dma_wait3A_54 = arith.constant 9984 : i32
        %dma_wait3A_55 = arith.constant 0 : i32
        %dma_wait3A_56 = tpu.memref_slice %arg8[%dma_wait3A_54, %dma_wait3A_55] : memref<10128x128xf32, #tpu.memory_space<vmem_shared>> -> memref<16x128xf32, #tpu.memory_space<vmem_shared>>
        tpu.wait_dma2 semaphore(%run_scoped3A : memref<!tpu.dma_semaphore, #tpu.memory_space<semaphore_mem>>) src(%dma_wait3A_56 : memref<16x128xf32, #tpu.memory_space<vmem_shared>>) dst(%dma_wait3A_53 : memref<16x128xf32, #tpu.memory_space<hbm>>)
        tpu.yield
      }) : () -> ()
    } else {
    }
    return
  }
}

module attributes {stable_mosaic.version = 14 : i64} {
  func.func @_affine_body(%arg0: i32, %arg1: memref<2x2000x128xf32, #tpu.memory_space<vmem>>, %arg2: memref<2000x128xf32, #tpu.memory_space<vmem>>, %arg3: memref<128x128xf32, #tpu.memory_space<vmem>>, %arg4: memref<1x128xf32, #tpu.memory_space<vmem>>, %arg5: memref<2000x128xf32, #tpu.memory_space<vmem>>) attributes {dimension_semantics = [#tpu.dimension_semantics<arbitrary>], iteration_bounds = array<i64: 5>, scalar_prefetch = 0 : i64, scratch_operands = 0 : i64, tpu.core_type = #tpu.core_type<tc>, window_params = [{transform_indices = @transform_0, window_bounds = array<i64: 2, 2000, 128>}, {transform_indices = @transform_1, window_bounds = array<i64: 2000, 128>}, {pipeline_mode = #tpu.pipeline_mode<synchronous>, transform_indices = @transform_2, window_bounds = array<i64: 128, 128>}, {pipeline_mode = #tpu.pipeline_mode<synchronous>, transform_indices = @transform_3, window_bounds = array<i64: 1, 128>}, {transform_indices = @transform_4, window_bounds = array<i64: 2000, 128>}]} {
    %get3A = arith.constant 0 : index
    %get3A_0 = arith.constant 0 : index
    %get3A_1 = arith.constant 0 : index
    %get3A_2 = vector.load %arg1[%get3A, %get3A_0, %get3A_1] : memref<2x2000x128xf32, #tpu.memory_space<vmem>>, vector<1x2000x128xf32>
    %get3A_3 = vector.shape_cast %get3A_2 : vector<1x2000x128xf32> to vector<2000x128xf32>
    %get3A_4 = arith.constant 1 : index
    %get3A_5 = arith.constant 0 : index
    %get3A_6 = arith.constant 0 : index
    %get3A_7 = vector.load %arg1[%get3A_4, %get3A_5, %get3A_6] : memref<2x2000x128xf32, #tpu.memory_space<vmem>>, vector<1x2000x128xf32>
    %get3A_8 = vector.shape_cast %get3A_7 : vector<1x2000x128xf32> to vector<2000x128xf32>
    %add3A = arith.addf %get3A_3, %get3A_8 : vector<2000x128xf32>
    %get3A_9 = arith.constant 0 : index
    %get3A_10 = arith.constant 0 : index
    %get3A_11 = vector.load %arg2[%get3A_9, %get3A_10] : memref<2000x128xf32, #tpu.memory_space<vmem>>, vector<2000x128xf32>
    %mul3A = arith.constant 2.000000e+00 : f32
    %mul3A_12 = vector.broadcast %mul3A : f32 to vector<2000x128xf32>
    %mul3A_13 = arith.mulf %mul3A_12, %get3A_11 : vector<2000x128xf32>
    %add3A_14 = arith.addf %add3A, %mul3A_13 : vector<2000x128xf32>
    %get3A_15 = arith.constant 0 : index
    %get3A_16 = arith.constant 0 : index
    %get3A_17 = vector.load %arg3[%get3A_15, %get3A_16] : memref<128x128xf32, #tpu.memory_space<vmem>>, vector<128x128xf32>
    %dot_general3A = arith.constant dense<0.000000e+00> : vector<2000x128xf32>
    %dot_general3A_18 = tpu.matmul %add3A_14, %get3A_17, %dot_general3A {dimension_numbers = #tpu.dot_dimension_numbers<[1], [0], [0], [1], [0, 0, 1, 1], [], []>, transpose_lhs_hint = false} : vector<2000x128xf32>, vector<128x128xf32>, vector<2000x128xf32> -> vector<2000x128xf32>
    %get3A_19 = arith.constant 0 : index
    %get3A_20 = arith.constant 0 : index
    %get3A_21 = vector.load %arg4[%get3A_19, %get3A_20] : memref<1x128xf32, #tpu.memory_space<vmem>>, vector<1x128xf32>
    %add3A_22 = vector.broadcast %get3A_21 : vector<1x128xf32> to vector<2000x128xf32>
    %add3A_23 = arith.addf %dot_general3A_18, %add3A_22 : vector<2000x128xf32>
    %max3A = arith.constant 0.000000e+00 : f32
    %max3A_24 = vector.broadcast %max3A : f32 to vector<2000x128xf32>
    %max3A_25 = arith.maximumf %add3A_23, %max3A_24 : vector<2000x128xf32>
    %swap3A = arith.constant 0 : index
    %swap3A_26 = arith.constant 0 : index
    %swap3A_27 = vector.load %arg5[%swap3A, %swap3A_26] : memref<2000x128xf32, #tpu.memory_space<vmem>>, vector<2000x128xf32>
    tpu.vector_store %arg5[%swap3A, %swap3A_26], %max3A_25 {strides = array<i32>} : memref<2000x128xf32, #tpu.memory_space<vmem>>, vector<2000x128xf32>,
    return
  }
  func.func @transform_0(%arg0: i32) -> (i32, i32, i32) {
    %c0_i32 = arith.constant 0 : i32
    %c0_i32_0 = arith.constant 0 : i32
    %c0_i32_1 = arith.constant 0 : i32
    return %c0_i32, %arg0, %c0_i32_0 : i32, i32, i32
  }
  func.func @transform_1(%arg0: i32) -> (i32, i32) {
    %c0_i32 = arith.constant 0 : i32
    %c0_i32_0 = arith.constant 0 : i32
    return %arg0, %c0_i32 : i32, i32
  }
  func.func @transform_2(%arg0: i32) -> (i32, i32) {
    %c0_i32 = arith.constant 0 : i32
    %c0_i32_0 = arith.constant 0 : i32
    %c0_i32_1 = arith.constant 0 : i32
    return %c0_i32, %c0_i32_0 : i32, i32
  }
  func.func @transform_3(%arg0: i32) -> (i32, i32) {
    %c0_i32 = arith.constant 0 : i32
    %c0_i32_0 = arith.constant 0 : i32
    %c0_i32_1 = arith.constant 0 : i32
    return %c0_i32, %c0_i32_0 : i32, i32
  }
  func.func @transform_4(%arg0: i32) -> (i32, i32) {
    %c0_i32 = arith.constant 0 : i32
    %c0_i32_0 = arith.constant 0 : i32
    return %arg0, %c0_i32 : i32, i32
  }
}

module attributes {stable_mosaic.version = 14 : i64} {
  func.func @_pool_body(%arg0: i32, %arg1: memref<2x2000x128xf32, #tpu.memory_space<vmem>>, %arg2: memref<2000x128xf32, #tpu.memory_space<vmem>>, %arg3: memref<128x128xf32, #tpu.memory_space<vmem>>, %arg4: memref<1x128xf32, #tpu.memory_space<vmem>>, %arg5: memref<1x1x2000xi32, #tpu.memory_space<vmem>>, %arg6: memref<128x128xf32, #tpu.memory_space<vmem>>, %arg7: memref<1x128xf32, #tpu.memory_space<vmem>>, %arg8: memref<64x128xf32, #tpu.memory_space<vmem>>, %arg9: memref<64x128xf32, #tpu.memory_space<vmem>>, %arg10: memref<1x64xf32, #tpu.memory_space<vmem>>) attributes {dimension_semantics = [#tpu.dimension_semantics<arbitrary>], iteration_bounds = array<i64: 5>, scalar_prefetch = 0 : i64, scratch_operands = 2 : i64, tpu.core_type = #tpu.core_type<tc>, window_params = [{transform_indices = @transform_0, window_bounds = array<i64: 2, 2000, 128>}, {transform_indices = @transform_1, window_bounds = array<i64: 2000, 128>}, {pipeline_mode = #tpu.pipeline_mode<synchronous>, transform_indices = @transform_2, window_bounds = array<i64: 128, 128>}, {pipeline_mode = #tpu.pipeline_mode<synchronous>, transform_indices = @transform_3, window_bounds = array<i64: 1, 128>}, {transform_indices = @transform_4, window_bounds = array<i64: 1, 1, 2000>}, {pipeline_mode = #tpu.pipeline_mode<synchronous>, transform_indices = @transform_5, window_bounds = array<i64: 128, 128>}, {pipeline_mode = #tpu.pipeline_mode<synchronous>, transform_indices = @transform_6, window_bounds = array<i64: 1, 128>}, {pipeline_mode = #tpu.pipeline_mode<synchronous>, transform_indices = @transform_7, window_bounds = array<i64: 64, 128>}]} {
    %eq3A = arith.constant 0 : i32
    %eq3A_0 = arith.cmpi eq, %arg0, %eq3A : i32
    %convert_element_type3A = arith.extui %eq3A_0 : i1 to i32
    %cond3A = arith.constant 0 : i32
    %cond3A_1 = arith.cmpi ne, %convert_element_type3A, %cond3A : i32
    scf.if %cond3A_1 {
      %broadcast_in_dim3A_58 = arith.constant 0.000000e+00 : f32
      %broadcast_in_dim3A_59 = vector.broadcast %broadcast_in_dim3A_58 : f32 to vector<64x128xf32>
      %swap3A_60 = arith.constant 0 : index
      %swap3A_61 = arith.constant 0 : index
      %swap3A_62 = vector.load %arg9[%swap3A_60, %swap3A_61] : memref<64x128xf32, #tpu.memory_space<vmem>>, vector<64x128xf32>
      tpu.vector_store %arg9[%swap3A_60, %swap3A_61], %broadcast_in_dim3A_59 {strides = array<i32>} : memref<64x128xf32, #tpu.memory_space<vmem>>, vector<64x128xf32>,
      %broadcast_in_dim3A_63 = arith.constant 0.000000e+00 : f32
      %broadcast_in_dim3A_64 = vector.broadcast %broadcast_in_dim3A_63 : f32 to vector<1x64xf32>
      %swap3A_65 = arith.constant 0 : index
      %swap3A_66 = arith.constant 0 : index
      %swap3A_67 = vector.load %arg10[%swap3A_65, %swap3A_66] : memref<1x64xf32, #tpu.memory_space<vmem>>, vector<1x64xf32>
      tpu.vector_store %arg10[%swap3A_65, %swap3A_66], %broadcast_in_dim3A_64 {strides = array<i32>} : memref<1x64xf32, #tpu.memory_space<vmem>>, vector<1x64xf32>,
    } else {
    }
    %get3A = arith.constant 0 : index
    %get3A_2 = arith.constant 0 : index
    %get3A_3 = arith.constant 0 : index
    %get3A_4 = vector.load %arg1[%get3A, %get3A_2, %get3A_3] : memref<2x2000x128xf32, #tpu.memory_space<vmem>>, vector<1x2000x128xf32>
    %get3A_5 = vector.shape_cast %get3A_4 : vector<1x2000x128xf32> to vector<2000x128xf32>
    %get3A_6 = arith.constant 1 : index
    %get3A_7 = arith.constant 0 : index
    %get3A_8 = arith.constant 0 : index
    %get3A_9 = vector.load %arg1[%get3A_6, %get3A_7, %get3A_8] : memref<2x2000x128xf32, #tpu.memory_space<vmem>>, vector<1x2000x128xf32>
    %get3A_10 = vector.shape_cast %get3A_9 : vector<1x2000x128xf32> to vector<2000x128xf32>
    %add3A = arith.addf %get3A_5, %get3A_10 : vector<2000x128xf32>
    %get3A_11 = arith.constant 0 : index
    %get3A_12 = arith.constant 0 : index
    %get3A_13 = vector.load %arg2[%get3A_11, %get3A_12] : memref<2000x128xf32, #tpu.memory_space<vmem>>, vector<2000x128xf32>
    %mul3A = arith.constant 2.000000e+00 : f32
    %mul3A_14 = vector.broadcast %mul3A : f32 to vector<2000x128xf32>
    %mul3A_15 = arith.mulf %mul3A_14, %get3A_13 : vector<2000x128xf32>
    %add3A_16 = arith.addf %add3A, %mul3A_15 : vector<2000x128xf32>
    %get3A_17 = arith.constant 0 : index
    %get3A_18 = arith.constant 0 : index
    %get3A_19 = vector.load %arg3[%get3A_17, %get3A_18] : memref<128x128xf32, #tpu.memory_space<vmem>>, vector<128x128xf32>
    %dot_general3A = arith.constant dense<0.000000e+00> : vector<2000x128xf32>
    %dot_general3A_20 = tpu.matmul %add3A_16, %get3A_19, %dot_general3A {dimension_numbers = #tpu.dot_dimension_numbers<[1], [0], [0], [1], [0, 0, 1, 1], [], []>, transpose_lhs_hint = false} : vector<2000x128xf32>, vector<128x128xf32>, vector<2000x128xf32> -> vector<2000x128xf32>
    %get3A_21 = arith.constant 0 : index
    %get3A_22 = arith.constant 0 : index
    %get3A_23 = vector.load %arg4[%get3A_21, %get3A_22] : memref<1x128xf32, #tpu.memory_space<vmem>>, vector<1x128xf32>
    %add3A_24 = vector.broadcast %get3A_23 : vector<1x128xf32> to vector<2000x128xf32>
    %add3A_25 = arith.addf %dot_general3A_20, %add3A_24 : vector<2000x128xf32>
    %max3A = arith.constant 0.000000e+00 : f32
    %max3A_26 = vector.broadcast %max3A : f32 to vector<2000x128xf32>
    %max3A_27 = arith.maximumf %add3A_25, %max3A_26 : vector<2000x128xf32>
    %get3A_28 = arith.constant 0 : index
    %get3A_29 = arith.constant 0 : index
    %get3A_30 = arith.constant 0 : index
    %get3A_31 = vector.load %arg5[%get3A_28, %get3A_29, %get3A_30] : memref<1x1x2000xi32, #tpu.memory_space<vmem>>, vector<1x1x2000xi32>
    %get3A_32 = vector.shape_cast %get3A_31 : vector<1x1x2000xi32> to vector<1x2000xi32>
    %reshape3A = vector.shape_cast %get3A_32 : vector<1x2000xi32> to vector<2000x1xi32>
    %iota3A = tpu.iota {dimensions = array<i32: 1>} : vector<2000x64xi32>
    %eq3A_33 = vector.broadcast %reshape3A : vector<2000x1xi32> to vector<2000x64xi32>
    %eq3A_34 = arith.cmpi eq, %eq3A_33, %iota3A : vector<2000x64xi32>
    %convert_element_type3A_35 = arith.extui %eq3A_34 : vector<2000x64xi1> to vector<2000x64xi32>
    %convert_element_type3A_36 = arith.sitofp %convert_element_type3A_35 : vector<2000x64xi32> to vector<2000x64xf32>
    %get3A_37 = arith.constant 0 : index
    %get3A_38 = arith.constant 0 : index
    %get3A_39 = vector.load %arg9[%get3A_37, %get3A_38] : memref<64x128xf32, #tpu.memory_space<vmem>>, vector<64x128xf32>
    %dot_general3A_40 = arith.constant dense<0.000000e+00> : vector<64x128xf32>
    %dot_general3A_41 = tpu.matmul %convert_element_type3A_36, %max3A_27, %dot_general3A_40 {dimension_numbers = #tpu.dot_dimension_numbers<[0], [0], [1], [1], [0, 1, 1, 1], [], []>, transpose_lhs_hint = false} : vector<2000x64xf32>, vector<2000x128xf32>, vector<64x128xf32> -> vector<64x128xf32>
    %add3A_42 = arith.addf %get3A_39, %dot_general3A_41 : vector<64x128xf32>
    %swap3A = arith.constant 0 : index
    %swap3A_43 = arith.constant 0 : index
    %swap3A_44 = vector.load %arg9[%swap3A, %swap3A_43] : memref<64x128xf32, #tpu.memory_space<vmem>>, vector<64x128xf32>
    tpu.vector_store %arg9[%swap3A, %swap3A_43], %add3A_42 {strides = array<i32>} : memref<64x128xf32, #tpu.memory_space<vmem>>, vector<64x128xf32>,
    %get3A_45 = arith.constant 0 : index
    %get3A_46 = arith.constant 0 : index
    %get3A_47 = vector.load %arg10[%get3A_45, %get3A_46] : memref<1x64xf32, #tpu.memory_space<vmem>>, vector<1x64xf32>
    %reduce_sum3A = arith.constant dense<0.000000e+00> : vector<64xf32>
    %reduce_sum3A_48 = vector.multi_reduction <add>, %convert_element_type3A_36, %reduce_sum3A [0] : vector<2000x64xf32> to vector<64xf32>
    %broadcast_in_dim3A = vector.shape_cast %reduce_sum3A_48 : vector<64xf32> to vector<1x64xf32>
    %add3A_49 = arith.addf %get3A_47, %broadcast_in_dim3A : vector<1x64xf32>
    %swap3A_50 = arith.constant 0 : index
    %swap3A_51 = arith.constant 0 : index
    %swap3A_52 = vector.load %arg10[%swap3A_50, %swap3A_51] : memref<1x64xf32, #tpu.memory_space<vmem>>, vector<1x64xf32>
    tpu.vector_store %arg10[%swap3A_50, %swap3A_51], %add3A_49 {strides = array<i32>} : memref<1x64xf32, #tpu.memory_space<vmem>>, vector<1x64xf32>,
    %eq3A_53 = arith.constant 4 : i32
    %eq3A_54 = arith.cmpi eq, %arg0, %eq3A_53 : i32
    %convert_element_type3A_55 = arith.extui %eq3A_54 : i1 to i32
    %cond3A_56 = arith.constant 0 : i32
    %cond3A_57 = arith.cmpi ne, %convert_element_type3A_55, %cond3A_56 : i32
    scf.if %cond3A_57 {
      %get3A_58 = arith.constant 0 : index
      %get3A_59 = arith.constant 0 : index
      %get3A_60 = vector.load %arg9[%get3A_58, %get3A_59] : memref<64x128xf32, #tpu.memory_space<vmem>>, vector<64x128xf32>
      %get3A_61 = arith.constant 0 : index
      %get3A_62 = arith.constant 0 : index
      %get3A_63 = vector.load %arg10[%get3A_61, %get3A_62] : memref<1x64xf32, #tpu.memory_space<vmem>>, vector<1x64xf32>
      %max3A_64 = arith.constant 1.000000e+00 : f32
      %max3A_65 = vector.broadcast %max3A_64 : f32 to vector<1x64xf32>
      %max3A_66 = arith.maximumf %get3A_63, %max3A_65 : vector<1x64xf32>
      %reshape3A_67 = vector.shape_cast %max3A_66 : vector<1x64xf32> to vector<64x1xf32>
      %div3A = vector.broadcast %reshape3A_67 : vector<64x1xf32> to vector<64x128xf32>
      %div3A_68 = arith.divf %get3A_60, %div3A : vector<64x128xf32>
      %get3A_69 = arith.constant 0 : index
      %get3A_70 = arith.constant 0 : index
      %get3A_71 = vector.load %arg6[%get3A_69, %get3A_70] : memref<128x128xf32, #tpu.memory_space<vmem>>, vector<128x128xf32>
      %dot_general3A_72 = arith.constant dense<0.000000e+00> : vector<64x128xf32>
      %dot_general3A_73 = tpu.matmul %div3A_68, %get3A_71, %dot_general3A_72 {dimension_numbers = #tpu.dot_dimension_numbers<[1], [0], [0], [1], [0, 0, 1, 1], [], []>, transpose_lhs_hint = false} : vector<64x128xf32>, vector<128x128xf32>, vector<64x128xf32> -> vector<64x128xf32>
      %get3A_74 = arith.constant 0 : index
      %get3A_75 = arith.constant 0 : index
      %get3A_76 = vector.load %arg7[%get3A_74, %get3A_75] : memref<1x128xf32, #tpu.memory_space<vmem>>, vector<1x128xf32>
      %add3A_77 = vector.broadcast %get3A_76 : vector<1x128xf32> to vector<64x128xf32>
      %add3A_78 = arith.addf %dot_general3A_73, %add3A_77 : vector<64x128xf32>
      %swap3A_79 = arith.constant 0 : index
      %swap3A_80 = arith.constant 0 : index
      %swap3A_81 = vector.load %arg8[%swap3A_79, %swap3A_80] : memref<64x128xf32, #tpu.memory_space<vmem>>, vector<64x128xf32>
      tpu.vector_store %arg8[%swap3A_79, %swap3A_80], %add3A_78 {strides = array<i32>} : memref<64x128xf32, #tpu.memory_space<vmem>>, vector<64x128xf32>,
    } else {
    }
    return
  }
  func.func @transform_0(%arg0: i32) -> (i32, i32, i32) {
    %c0_i32 = arith.constant 0 : i32
    %c0_i32_0 = arith.constant 0 : i32
    %c0_i32_1 = arith.constant 0 : i32
    return %c0_i32, %arg0, %c0_i32_0 : i32, i32, i32
  }
  func.func @transform_1(%arg0: i32) -> (i32, i32) {
    %c0_i32 = arith.constant 0 : i32
    %c0_i32_0 = arith.constant 0 : i32
    return %arg0, %c0_i32 : i32, i32
  }
  func.func @transform_2(%arg0: i32) -> (i32, i32) {
    %c0_i32 = arith.constant 0 : i32
    %c0_i32_0 = arith.constant 0 : i32
    %c0_i32_1 = arith.constant 0 : i32
    return %c0_i32, %c0_i32_0 : i32, i32
  }
  func.func @transform_3(%arg0: i32) -> (i32, i32) {
    %c0_i32 = arith.constant 0 : i32
    %c0_i32_0 = arith.constant 0 : i32
    %c0_i32_1 = arith.constant 0 : i32
    return %c0_i32, %c0_i32_0 : i32, i32
  }
  func.func @transform_4(%arg0: i32) -> (i32, i32, i32) {
    %c0_i32 = arith.constant 0 : i32
    %c0_i32_0 = arith.constant 0 : i32
    %c0_i32_1 = arith.constant 0 : i32
    return %arg0, %c0_i32, %c0_i32_0 : i32, i32, i32
  }
  func.func @transform_5(%arg0: i32) -> (i32, i32) {
    %c0_i32 = arith.constant 0 : i32
    %c0_i32_0 = arith.constant 0 : i32
    %c0_i32_1 = arith.constant 0 : i32
    return %c0_i32, %c0_i32_0 : i32, i32
  }
  func.func @transform_6(%arg0: i32) -> (i32, i32) {
    %c0_i32 = arith.constant 0 : i32
    %c0_i32_0 = arith.constant 0 : i32
    %c0_i32_1 = arith.constant 0 : i32
    return %c0_i32, %c0_i32_0 : i32, i32
  }
  func.func @transform_7(%arg0: i32) -> (i32, i32) {
    %c0_i32 = arith.constant 0 : i32
    %c0_i32_0 = arith.constant 0 : i32
    %c0_i32_1 = arith.constant 0 : i32
    return %c0_i32, %c0_i32_0 : i32, i32
  }
}

</mosaic_0001>

<sc_bundles>
// kernel: kernel.6.cloned.1.call-start
scs
__scs_entry_jumppad:
0x0: {  	(pc) =	sbr.rel $0x88, $3  }
0x1: {  	(tag) =	ssettag $0x0;
	lr =	simm.s32 $0x1  }
0x2: {  	[smem:$0x3F98] =	sst lr;
	_ =	strace $0xD0000000  }
0x3: {  	_ = 	snop  }
0x4: {  	_ = 	snop  }
0x5: {  	_ = 	snop  }
0x6: {  	_ = 	snop  }
0x7: {  	_ = 	snop  }
__scs_overlays_trampoline_lowered:
0x8: {  	[smem:$0x3FA7] =	sst s0  }
0x9: {  	[smem:$0x3FA8] =	sst s1  }
0xa: {  	[smem:$0x3FA9] =	sst s2  }
0xb: {  	[smem:$0x3FAA] =	sst s3  }
0xc: {  	[smem:$0x3FAB] =	sst s4  }
0xd: {  	[smem:$0x3FAC] =	sst s5  }
0xe: {  	[smem:$0x3FAD] =	sst s6  }
0xf: {  	[smem:$0x3FAE] =	sst s7  }
0x10: {  	[smem:$0x3FAF] =	sst s8  }
0x11: {  	[smem:$0x3FB0] =	sst s9;
	s0 =	simm.s32 @!p0 $0x0  }
0x12: {  	s1 =	sld [smem:$0x3F96];
	s0 =	simm.s32 @p0 $0x1  }
0x13: {  	[smem:$0x3FB1] =	sst s0;
	s0 =	simm.s32 @!p1 $0x0  }
0x14: {  	s2 =	sld [smem:$0x3F95];
	s0 =	simm.s32 @p1 $0x1  }
0x15: {  	[smem:$0x3FB2] =	sst s0;
	s0 =	simm.s32 @!p2 $0x0  }
0x16: {  	s3 =	sld [smem:$0x3FDB];
	s0 =	simm.s32 @p2 $0x1  }
0x17: {  	s4 =	simm.s32 $0x1BF5;
	[smem:$0x3FB4] =	sst s0  }
0x18: {  	s0 =	sld [smem:$0x3F97];
	_ =	swait.ge [sflag:s4], $0x0  }
0x19: {  	s7 =	sld [smem:$0x3F98]  }
0x1a: {  	s8 =	sadd.s32 $0xFFFFE003, lr  }
0x1b: {  	s9 =	sadd.s32 $0xFFFFFEF7, lr;
	s5 =	simm.s32 $0xFFFFFFFF;
	p2 =	slt.u32 s8, $0xFFFFF086  }
0x1c: {  	p1 =	slt.u32 s9, $0xF7A;
	s5 =	simm.s32 @!p2 $0x0  }
0x1d: {  	s5 =	simm.s32 @p1 $0x1;
	p0 =	seq.s32 s7, s2  }
0x1e: {  	s7 =	smul.u32 @!p0 $0xF7A, s2;
	p2 =	seq.s32 @!p0 s5, $0x0  }
0x1f: {  	s9 =	smul.u32 $0xF7A, s1;
	s8 =	simm.s32 @!p0 $0x1BF5;
	p2 =	por !p2, p0  }
0x20: {  	[sflag:s8] =	ssyncset.s32 @!p0 $0xFFFFF086;
	s6 =	sadd.s32 @!p0 s3, s7;
	s7 =	simm.s32 @!p0 $0x108  }
0x21: {  	s3 =	sadd.s32 s3, s9;
	s6 =	sadd.s32 @!p0 $0x88, s6;
	s7 =	simm.s32 @p2 $0x1082  }
0x22: {  	[simem:s7], [sflag:s8] =	dma.local @!p0 [hbm:s6], $0xF7A  }
0x23: {  	s9 =	sor.u32 $0xD0000000, s2;
	s6 =	simm.s32 $0x108;
	_ =	swait.ge @!p0 [sflag:s8], $0x0  }
0x24: {  	s3 =	sadd.s32 $0x88, s3;
	s6 =	simm.s32 @!p1 $0x1082;
	[sflag:s4] =	ssyncset.s32 $0xFFFFF086  }
0x25: {  	[simem:s6], [sflag:s4] =	dma.local [hbm:s3], $0xF7A  }
0x26: {  	[smem:$0x3F98] =	sst s1;
	(tag) =	ssettag s2;
	_ =	strace s9  }
0x27: {  	s1 =	sld [smem:$0x3FA8]  }
0x28: {  	s2 =	sld [smem:$0x3FA9]  }
0x29: {  	s4 =	sld [smem:$0x3FAB]  }
0x2a: {  	p0 =	seq.s32 s5, $0x0;
	s5 =	sld [smem:$0x3FAC]  }
0x2b: {  	s6 =	sld [smem:$0x3FAD]  }
0x2c: {  	s7 =	sld [smem:$0x3FAE]  }
0x2d: {  	s3 =	simm.s32 $0x108;
	s8 =	sld [smem:$0x3FAF]  }
0x2e: {  	s3 =	simm.s32 @!p0 $0x1082;
	s9 =	sld [smem:$0x3FB0]  }
0x2f: {  	lr =	sadd.s32 s0, s3;
	s0 =	sld [smem:$0x3FA7]  }
0x30: {  	s3 =	sld [smem:$0x3FAA]  }
0x31: {  	[smem:$0x3FB3] =	sst s10  }
0x32: {  	s10 =	sld [smem:$0x3FB1];
	_ =	sdelay $0x3  }
0x33: {  	p0 =	seq.s32 s10, $0x1;
	s10 =	sld [smem:$0x3FB3];
	_ =	sdelay $0x3  }
0x34: {  	[smem:$0x3FB3] =	sst s10  }
0x35: {  	s10 =	sld [smem:$0x3FB2];
	_ =	sdelay $0x3  }
0x36: {  	p1 =	seq.s32 s10, $0x1;
	s10 =	sld [smem:$0x3FB3];
	_ =	sdelay $0x3  }
0x37: {  	[smem:$0x3FB3] =	sst s10  }
0x38: {  	s10 =	sld [smem:$0x3FB4]  }
0x39: {  	_ = 	snop;
	(pc) =	sbr.ind lr, $3  }
0x3a: {  	_ = 	snop  }
0x3b: {  	_ = 	snop  }
0x3c: {  	p2 =	seq.s32 s10, $0x1;
	s10 =	sld [smem:$0x3FB3]  }
0x3d: {  	_ =	shalt  }
0x3e: {  	_ =	shalt  }
0x3f: {  	_ =	shalt  }
0x40: {  	_ =	shalt  }
0x41: {  	_ =	shalt  }
0x42: {  	_ =	shalt  }
0x43: {  	_ =	shalt  }
0x44: {  	_ =	shalt  }
0x45: {  	_ =	shalt  }
0x46: {  	_ =	shalt  }
0x47: {  	_ =	shalt  }
0x48: {  	_ =	shalt  }
0x49: {  	_ =	shalt  }
0x4a: {  	_ =	shalt  }
0x4b: {  	_ =	shalt  }
0x4c: {  	_ =	shalt  }
0x4d: {  	_ =	shalt  }
0x4e: {  	_ =	shalt  }
0x4f: {  	_ =	shalt  }
0x50: {  	_ =	shalt  }
0x51: {  	_ =	shalt  }
0x52: {  	_ =	shalt  }
0x53: {  	_ =	shalt  }
0x54: {  	_ =	shalt  }
0x55: {  	_ =	shalt  }
0x56: {  	_ =	shalt  }
0x57: {  	_ =	shalt  }
0x58: {  	_ =	shalt  }
0x59: {  	_ =	shalt  }
0x5a: {  	_ =	shalt  }
0x5b: {  	_ =	shalt  }
0x5c: {  	_ =	shalt  }
0x5d: {  	_ =	shalt  }
0x5e: {  	_ =	shalt  }
0x5f: {  	_ =	shalt  }
0x60: {  	_ =	shalt  }
0x61: {  	_ =	shalt  }
0x62: {  	_ =	shalt  }
0x63: {  	_ =	shalt  }
0x64: {  	_ =	shalt  }
0x65: {  	_ =	shalt  }
0x66: {  	_ =	shalt  }
0x67: {  	_ =	shalt  }
0x68: {  	_ =	shalt  }
0x69: {  	_ =	shalt  }
0x6a: {  	_ =	shalt  }
0x6b: {  	_ =	shalt  }
0x6c: {  	_ =	shalt  }
0x6d: {  	_ =	shalt  }
0x6e: {  	_ =	shalt  }
0x6f: {  	_ =	shalt  }
0x70: {  	_ =	shalt  }
0x71: {  	_ =	shalt  }
0x72: {  	_ =	shalt  }
0x73: {  	_ =	shalt  }
0x74: {  	_ =	shalt  }
0x75: {  	_ =	shalt  }
0x76: {  	_ =	shalt  }
0x77: {  	_ =	shalt  }
0x78: {  	_ =	shalt  }
0x79: {  	_ =	shalt  }
0x7a: {  	_ =	shalt  }
0x7b: {  	_ =	shalt  }
0x7c: {  	_ =	shalt  }
0x7d: {  	_ =	shalt  }
0x7e: {  	_ =	shalt  }
0x7f: {  	_ =	shalt  }
0x80: {  	_ =	shalt  }
0x81: {  	_ =	shalt  }
0x82: {  	_ =	shalt  }
0x83: {  	_ =	shalt  }
0x84: {  	_ =	shalt  }
0x85: {  	_ =	shalt  }
0x86: {  	_ =	shalt  }
0x87: {  	_ =	shalt  }
.Lfunc_end0:
.L_simem_size_0:
called_computation_lowered:
.L_overlay_start_0:
0x88: {  	s2 =	sld [smem:$0x3FD9]  }
0x89: {  	s3 =	sld [smem:$0x3FFE];
	_ =	sdelay $0x1  }
0x8a: {  	s1 =	srdreg.scid  }
0x8b: {  	s0 =	sand.u32 $0x1, s1  }
0x8c: {  	s17 =	sshll.u32 s0, $0xA;
	s2 =	sadd.s32 s3, s2  }
0x8d: {  	s2 =	sadd.s32 s2, s17  }
0x8e: {  	[smem:$0x3FBF] =	sst s2  }
0x8f: {  	_ = 	snop  }
0x90: {  	s2 =	sld [smem:$0x3FC9];
	(tm) =	ssettm $0x1  }
0x91: {  	s18 =	sld [smem:$0x3FFB];
	_ =	sdelay $0x3  }
0x92: {  	_ =	strace s18  }
0x93: {  	s3 =	sld [smem:$0x3FFC];
	_ =	sdelay $0x3  }
0x94: {  	_ =	strace s3  }
0x95: {  	s3 =	sld [smem:$0x3FFD];
	_ =	sdelay $0x3  }
0x96: {  	_ =	strace s3  }
0x97: {  	_ =	strace $0x8FFFFFFF  }
0x98: {  	s19 =	sld [smem:$0x3FDB];
	_ =	sdelay $0x1  }
0x99: {  	s4 =	simm.s32 $_scs_section_size  }
0x9a: {  	s5 =	simm.s32 $_size__tile_overlayer_lowered;
	s6 =	simm.s32 $_tile_overlayer_lowered  }
0x9b: {  	s22 =	simm.s32 $0x1BFF;
	s21 =	sshll.u32 s6, $0x1;
	s3 =	sadd.s32 s4, s19  }
0x9c: {  	s7 =	simm.s32 $0x0;
	s20 =	sshll.u32 s5, $0x1;
	s5 =	sadd.s32 s21, s3  }
0x9d: {  	[timem:s7], [sflag:s22] =	dma.local [hbm:s5], s20  }
0x9e: {  	_ =	swait.ge [sflag:s22], s20  }
0x9f: {  	s4 =	ssub.s32 $0x0, s20;
	[sflag:s22] =	ssyncset.done $0x0  }
0xa0: {  	[sflag:s22] =	ssyncadd.s32 s4;
	_ =	sdelay $0x1  }
0xa1: {  	s23 =	simm.s32 $0x1B8B  }
0xa2: {  	_ =	swait.ge [sflag:s23], $0x1  }
0xa3: {  	[sflag:s23] =	ssyncset.done $0x0  }
0xa4: {  	s25 =	simm.s32 $0x1B8E;
	s24 =	sld [smem:$0x3FFE];
	[sflag:s23] =	ssyncadd.s32 $0xFFFFFFFF  }
0xa5: {  	s26 =	simm.s32 $execute0_lowered;
	[smem:$0x3FD2] =	sst s25  }
0xa6: {  	s5 =	sshll.u32 s26, $0x1;
	_ =	strace $0x80000046;
	[dreg:$0x1] =	wrdreg $0xFFFFFFFF  }
0xa7: {  	s28 =	simm.s32 $_size_execute0_lowered;
	s3 =	sadd.s32 s3, s5;
	[dreg:$0x0] =	wrdreg $0x0  }
0xa8: {  	s5 =	sshll.u32 s28, $0x1;
	[dreg:$0x2] =	wrdreg s3  }
0xa9: {  	[dreg:$0x3] =	wrdreg s5  }
0xaa: {  	[dreg:$0x4] =	wrdreg $0xC0  }
0xab: {  	_ =	task [dreg:s7], $0x5FFFF  }
0xac: {  	[dreg:$0x1] =	wrdreg $0xFFFFFFFF  }
0xad: {  	[dreg:$0x0] =	wrdreg $0x60  }
0xae: {  	[dreg:$0x2] =	wrdreg s2  }
0xaf: {  	[dreg:$0x3] =	wrdreg s24  }
0xb0: {  	[dreg:$0x4] =	wrdreg $0x0  }
0xb1: {  	[dreg:$0x5] =	wrdreg $0x9  }
0xb2: {  	_ =	task.clear_ibuf [dreg:s7], $0x6FFFF;
	_ =	strace $0x90000046  }
0xb3: {  	s29 =	simm.s32 $0x9;
	_ =	strace $0x80000048  }
0xb4: {  	_ =	swait.ge [sflag:s29], $0x1  }
0xb5: {  	[sflag:s29] =	ssyncadd.s32 $0xFFFFFFFF  }
0xb6: {  	_ =	strace $0x90000048  }
0xb7: {  	_ =	sfence  }
0xb8: {  	s30 =	sld [smem:$0x0];
	_ =	sdelay $0x2  }
0xb9: {  	s31 =	sshll.u32 s1, $0xD;
	s1 =	sshrl.u32 s1, $0x2  }
0xba: {  	s3 =	sand.u32 $0x4000, s31;
	s1 =	sadd.s32 s1, s30  }
0xbb: {  	s0 =	sor.u32 s3, s0;
	s1 =	sshll.u32 s1, $0x11  }
0xbc: {  	s0 =	sor.u32 s1, s0  }
0xbd: {  	s0 =	sadd.s32 $0x8F2B, s0  }
0xbe: {  	[sflag:s0] =	ssyncadd.remote.s32 $0x1  }
0xbf: {  	_ =	sfence.sel $0xFFFF  }
0xc0: {  	[dreg:$0x0] =	wrdreg $0xFFFFFFFF;
	(pc) =	sbr.abs _section_cstart, $3  }
0xc1: {  	[dreg:$0x1] =	wrdreg $0xFFFFFFFF  }
0xc2: {  	_ =	task.clear_ibuf [dreg:s7], $0x2FFFF;
	_ =	strace $0x9FFFFFFF  }
0xc3: {  	(tm) =	ssettm $0x7FFFFFFF  }
tec
execute0_lowered:
.L_overlay_start_1:
0x0: {  	(tag) =	ssettag $0x1  }
0x1: {  	s1 =	rddreg [dreg:$0x0]  }
0x2: {  	s0 =	rddreg [dreg:$0x1]  }
0x3: {  	s2 =	rddreg [dreg:$0x2];
	s3 =	simm.s32 $0x0;
	s5 =	srdreg.scid  }
0x4: {  	s23 =	stileid.u32;
	s21 =	simm.s32 $0x80;
	s22 =	simm.s32 $0x19C80  }
0x5: {  	s28 =	simm.s32 $0x0;
	[smem:$0x7FF] =	sst s3;
	s15 =	sadd.s32 $0x7200, s0  }
0x6: {  	s16 =	sadd.s32 $0x2200, s0;
	s17 =	sadd.s32 $0xC200, s0;
	s6 =	smul.u32 $0x4E000, s23  }
0x7: {  	s20 =	sand.u32 $0x1, s5;
	s14 =	sadd.s32 $0x11200, s0;
	s18 =	smul.u32 $0x500, s23  }
0x8: {  	s0 =	sadd.s32 $0x16200, s0;
	s11 =	smul.u32 $0x13800, s23;
	_ =	strace $0x80000047  }
0x9: {  	s5 =	ssub.s32 $0x2, s20;
	s10 =	smul.u32 $0x138800, s20;
	p0 =	seq.s32 s20, $0x0  }
0xa: {  	p1 =	sne.s32 s20, $0x0;
	s20 =	simm.s32 $0x5;
	s7 =	sshrl.u32 s5, $0x1  }
0xb: {  	s24 =	sshrl.u32 s6, $0x2;
	s29 =	sadd.s32 s18, s14;
	s14 =	smov.u32 @p0 s16  }
0xc: {  	s19 =	sadd.s32 s18, s17;
	s17 =	smov.u32 @p0 s15;
	s15 =	sadd.s32 s18, s15  }
0xd: {  	s16 =	sadd.s32 s18, s16;
	p0 =	sne.s32 s23, $0x0;
	s23 =	simm.s32 $0x1  }
0xe: {  	s13 =	ssub.s32 s5, s7;
	s5 =	sadd.s32 s24, s2;
	s11 =	sadd.s32 s11, s10  }
0xf: {  	s12 =	sshrl.u32 s10, $0x3;
	s10 =	sadd.s32 $0x138000, s2;
	s14 =	sadd.s32 s14, s18  }
0x10: {  	s19 =	sadd.s32 $0x100, s19;
	s30 =	sadd.s32 $0x100, s15;
	s15 =	sadd.s32 s17, s18  }
0x11: {  	s31 =	sadd.s32 $0x100, s16;
	s18 =	simm.s32 $0x15C80;
	[dreg:$0x5] =	wrdreg s19  }
0x12: {  	s24 =	simm.s32 $0x2;
	s4 =	sadd.s32 $0x4000, s5;
	[dreg:$0x7] =	wrdreg s30  }
0x13: {  	s25 =	sadd.s32 $0x8000, s5;
	s26 =	sadd.s32 $0xC000, s5;
	[dreg:$0x6] =	wrdreg s31  }
.Ltmp0:
0x14: {  	s9 =	sadd.s32 $0x10000, s5;
	[dreg:$0x8] =	wrdreg s4;
	(pc) =	sbr.rel .LBB2_1-.Ltmp0, $4  }
0x15: {  	s11 =	sshrl.u32 s11, $0x3;
	s12 =	sadd.s32 s0, s12;
	[dreg:$0x9] =	wrdreg s25  }
0x16: {  	s13 =	smax.u32 s13, $0x1;
	s19 =	simm.s32 $0x6;
	[dreg:$0xa] =	wrdreg s26  }
0x17: {  	s11 =	sadd.s32 s0, s11;
	s12 =	sadd.s32 $0x27000, s12;
	s0 =	sadd.s32 $0x100, s29  }
0x18: {  	v0 =	vimm.f32 $0.0e+00;
	s25 =	simm.s32 $0x3;
	s26 =	simm.s32 $0x4;
	[dreg:$0x4] =	wrdreg s0  }
.LBB2_9:
0x19: {  	s3 =	simm.s32 @!p3 $0x5;
	[sflag:s24] =	ssyncadd.s32 $0xFFFFC000  }
0x1a: {  	[spmem:s2] =	stream.indirect.scatter.add.f32 [tilespmem:s22], [sflag:$0x4], $0x80, s0, s21, $0xb8;
	[tilespmem:$0x1DC80] =	vst v63  }
0x1b: {  	_ =	swait.ge @!p3 [sflag:s3], $0x800  }
0x1c: {  	[sflag:s3] =	ssyncset.done @!p3 $0x0  }
0x1d: {  	[sflag:s3] =	ssyncadd.s32 @!p3 $0xFFFFF800  }
0x1e: {  	s4 =	simm.s32 @!p3 $0x3;
	_ =	swait.ge @!p3 [sflag:s3], $0x800  }
0x1f: {  	s7 =	simm.s32 @p3 $0x13C80;
	s8 =	simm.s32 @p3 $0x80;
	[sflag:s3] =	ssyncset.done @!p3 $0x0  }
0x20: {  	s0 =	simm.s32 @p3 $0x15C80;
	s6 =	rddreg [dreg:$0x5];
	[sflag:s3] =	ssyncadd.s32 @!p3 $0xFFFFF800  }
0x21: {  	[tilespmem:s0], [sflag:$0x1] =	stream.indirect.gather @p3 [hbm4b:s1+s8], $0x80, s7, s8, $0xb8;
	[tilespmem:$0x1DC80] =	vst v63  }
0x22: {  	s16 =	simm.s32 @!p3 $0x80;
	s17 =	rddreg [dreg:$0x4];
	_ =	swait.ge @!p3 [sflag:s4], $0x4000  }
0x23: {  	s0 =	sand.u32 $0x800, s30;
	s7 =	simm.s32 @!p3 $0x15C80;
	[sflag:s4] =	ssyncset.done @!p3 $0x0  }
0x24: {  	s8 =	simm.s32 @!p3 $0x4;
	[sflag:s4] =	ssyncadd.s32 @!p3 $0xFFFFC000;
	s4 =	sadd.s32 @!p3 $0x13C80, s0  }
0x25: {  	[tilespmem:s7], [sflag:$0x1] =	stream.indirect.gather @!p3 [hbm4b:s1+s16], $0x80, s4, s16, $0xb8;
	[tilespmem:$0x1DC80] =	vst v63  }
0x26: {  	s4 =	sor.u32 @!p3 $0x80, s0;
	_ =	swait.ge @!p3 [sflag:s8], $0x4000  }
0x27: {  	s4 =	simm.s32 @p3 $0x80;
	[sflag:s8] =	ssyncset.done @!p3 $0x0  }
0x28: {  	s31 =	sadd.s32 $0x13C80, s4;
	[sflag:s8] =	ssyncadd.s32 @!p3 $0xFFFFC000  }
0x29: {  	[tilespmem:s22], [sflag:$0x2] =	stream.indirect.gather [hbm4b:s1+s21], $0x80, s31, s21, $0xb8;
	[tilespmem:$0x1DC80] =	vst v63  }
0x2a: {  	s7 =	smov.u32 s0;
	_ =	swait.ge [sflag:s23], $0x4000  }
0x2b: {  	s7 =	simm.s32 @p3 $0x0;
	[sflag:s23] =	ssyncset.done $0x0  }
0x2c: {  	s7 =	sadd.s32 $0x14C80, s7;
	[sflag:s23] =	ssyncadd.s32 $0xFFFFC000  }
0x2d: {  	[spmem:s2] =	stream.indirect.scatter.add.f32 [tilespmem:s18], [sflag:$0x3], $0x80, s7, s21, $0xb8;
	[tilespmem:$0x1DC80] =	vst v63  }
0x2e: {  	_ =	swait.ge [sflag:s24], $0x4000  }
0x2f: {  	[sflag:s24] =	ssyncset.done $0x0  }
0x30: {  	p2 =	seq.s32 s29, $0x400;
	s4 =	sadd.s32 $0x14C80, s4;
	[sflag:s24] =	ssyncadd.s32 $0xFFFFC000  }
0x31: {  	[spmem:s2] =	stream.indirect.scatter.add.f32 [tilespmem:s22], [sflag:$0x4], $0x80, s4, s21, $0xb8;
	[tilespmem:$0x1DC80] =	vst v63  }
0x32: {  	s3 =	sadd.s32 s29, s17;
	s7 =	simm.s32 @!p2 $0x0;
	s4 =	ssub.s32 $0x14480, s0  }
0x33: {  	[tilespmem:s4], [sflag:$0x5] =	stream.linear.gather @!p2 [hbm4b:s3+s7], $0x800, $0x38;
	[tilespmem:$0x1DC80] =	vst v63  }
0x34: {  	s3 =	ssub.s32 $0x15480, s0;
	s4 =	sadd.s32 s29, s6  }
0x35: {  	[tilespmem:s3], [sflag:$0x5] =	stream.linear.gather @!p2 [hbm4b:s4+s7], $0x800, $0x38;
	[tilespmem:$0x1DC80] =	vst v63  }
0x36: {  	_ =	swait.ge [sflag:s25], $0x4000  }
0x37: {  	[sflag:s25] =	ssyncset.done $0x0  }
0x38: {  	s4 =	sadd.s32 $0x13D80, s0;
	[sflag:s25] =	ssyncadd.s32 $0xFFFFC000  }
0x39: {  	[tilespmem:s18], [sflag:$0x1] =	stream.indirect.gather [hbm4b:s1+s21], $0x80, s4, s21, $0xb8;
	[tilespmem:$0x1DC80] =	vst v63  }
0x3a: {  	_ =	swait.ge [sflag:s26], $0x4000  }
0x3b: {  	[sflag:s26] =	ssyncset.done $0x0  }
0x3c: {  	s6 =	sadd.s32 $0x13E00, s0;
	[sflag:s26] =	ssyncadd.s32 $0xFFFFC000  }
0x3d: {  	[tilespmem:s22], [sflag:$0x2] =	stream.indirect.gather [hbm4b:s1+s21], $0x80, s6, s21, $0xb8;
	[tilespmem:$0x1DC80] =	vst v63  }
0x3e: {  	_ =	swait.ge [sflag:s23], $0x4000  }
0x3f: {  	[sflag:s23] =	ssyncset.done $0x0  }
0x40: {  	s7 =	sadd.s32 $0x14D80, s0;
	[sflag:s23] =	ssyncadd.s32 $0xFFFFC000  }
0x41: {  	[spmem:s2] =	stream.indirect.scatter.add.f32 [tilespmem:s18], [sflag:$0x3], $0x80, s7, s21, $0xb8;
	[tilespmem:$0x1DC80] =	vst v63  }
0x42: {  	_ =	swait.ge [sflag:s24], $0x4000  }
0x43: {  	[sflag:s24] =	ssyncset.done $0x0  }
0x44: {  	s8 =	sadd.s32 $0x14E00, s0;
	[sflag:s24] =	ssyncadd.s32 $0xFFFFC000  }
0x45: {  	[spmem:s2] =	stream.indirect.scatter.add.f32 [tilespmem:s22], [sflag:$0x4], $0x80, s8, s21, $0xb8;
	[tilespmem:$0x1DC80] =	vst v63  }
0x46: {  	_ =	swait.ge [sflag:s25], $0x4000  }
0x47: {  	[sflag:s25] =	ssyncset.done $0x0  }
0x48: {  	s16 =	sadd.s32 $0x13E80, s0;
	[sflag:s25] =	ssyncadd.s32 $0xFFFFC000  }
0x49: {  	[tilespmem:s18], [sflag:$0x1] =	stream.indirect.gather [hbm4b:s1+s21], $0x80, s16, s21, $0xb8;
	[tilespmem:$0x1DC80] =	vst v63  }
0x4a: {  	_ =	swait.ge [sflag:s26], $0x4000  }
0x4b: {  	[sflag:s26] =	ssyncset.done $0x0  }
0x4c: {  	s17 =	sadd.s32 $0x13F00, s0;
	[sflag:s26] =	ssyncadd.s32 $0xFFFFC000  }
0x4d: {  	[tilespmem:s22], [sflag:$0x2] =	stream.indirect.gather [hbm4b:s1+s21], $0x80, s17, s21, $0xb8;
	[tilespmem:$0x1DC80] =	vst v63  }
0x4e: {  	_ =	swait.ge [sflag:s23], $0x4000  }
0x4f: {  	[sflag:s23] =	ssyncset.done $0x0  }
0x50: {  	s29 =	sadd.s32 $0x14E80, s0;
	[sflag:s23] =	ssyncadd.s32 $0xFFFFC000  }
0x51: {  	[spmem:s2] =	stream.indirect.scatter.add.f32 [tilespmem:s18], [sflag:$0x3], $0x80, s29, s21, $0xb8;
	[tilespmem:$0x1DC80] =	vst v63  }
0x52: {  	_ =	swait.ge [sflag:s24], $0x4000  }
0x53: {  	[sflag:s24] =	ssyncset.done $0x0  }
0x54: {  	s30 =	sadd.s32 $0x14F00, s0;
	[sflag:s24] =	ssyncadd.s32 $0xFFFFC000  }
0x55: {  	[spmem:s2] =	stream.indirect.scatter.add.f32 [tilespmem:s22], [sflag:$0x4], $0x80, s30, s21, $0xb8;
	[tilespmem:$0x1DC80] =	vst v63  }
0x56: {  	_ =	swait.ge [sflag:s25], $0x4000  }
0x57: {  	[sflag:s25] =	ssyncset.done $0x0  }
0x58: {  	s31 =	sadd.s32 $0x13F80, s0;
	[sflag:s25] =	ssyncadd.s32 $0xFFFFC000  }
0x59: {  	[tilespmem:s18], [sflag:$0x1] =	stream.indirect.gather [hbm4b:s1+s21], $0x80, s31, s21, $0xb8;
	[tilespmem:$0x1DC80] =	vst v63  }
0x5a: {  	_ =	swait.ge [sflag:s26], $0x4000  }
0x5b: {  	[sflag:s26] =	ssyncset.done $0x0  }
0x5c: {  	s4 =	sor.u32 $0x14000, s0;
	[sflag:s26] =	ssyncadd.s32 $0xFFFFC000  }
0x5d: {  	[tilespmem:s22], [sflag:$0x2] =	stream.indirect.gather [hbm4b:s1+s21], $0x80, s4, s21, $0xb8;
	[tilespmem:$0x1DC80] =	vst v63  }
0x5e: {  	_ =	swait.ge [sflag:s23], $0x4000  }
0x5f: {  	[sflag:s23] =	ssyncset.done $0x0  }
0x60: {  	s6 =	sadd.s32 $0x14F80, s0;
	[sflag:s23] =	ssyncadd.s32 $0xFFFFC000  }
0x61: {  	[spmem:s2] =	stream.indirect.scatter.add.f32 [tilespmem:s18], [sflag:$0x3], $0x80, s6, s21, $0xb8;
	[tilespmem:$0x1DC80] =	vst v63  }
0x62: {  	_ =	swait.ge [sflag:s24], $0x4000  }
0x63: {  	[sflag:s24] =	ssyncset.done $0x0  }
0x64: {  	s7 =	sor.u32 $0x15000, s0;
	[sflag:s24] =	ssyncadd.s32 $0xFFFFC000  }
0x65: {  	[spmem:s2] =	stream.indirect.scatter.add.f32 [tilespmem:s22], [sflag:$0x4], $0x80, s7, s21, $0xb8;
	[tilespmem:$0x1DC80] =	vst v63  }
0x66: {  	_ =	swait.ge [sflag:s25], $0x4000  }
0x67: {  	[sflag:s25] =	ssyncset.done $0x0  }
0x68: {  	s8 =	sadd.s32 $0x14080, s0;
	[sflag:s25] =	ssyncadd.s32 $0xFFFFC000  }
0x69: {  	[tilespmem:s18], [sflag:$0x1] =	stream.indirect.gather [hbm4b:s1+s21], $0x80, s8, s21, $0xb8;
	[tilespmem:$0x1DC80] =	vst v63  }
0x6a: {  	_ =	swait.ge [sflag:s26], $0x4000  }
0x6b: {  	[sflag:s26] =	ssyncset.done $0x0  }
0x6c: {  	s16 =	sadd.s32 $0x14100, s0;
	[sflag:s26] =	ssyncadd.s32 $0xFFFFC000  }
0x6d: {  	[tilespmem:s22], [sflag:$0x2] =	stream.indirect.gather [hbm4b:s1+s21], $0x80, s16, s21, $0xb8;
	[tilespmem:$0x1DC80] =	vst v63  }
0x6e: {  	_ =	swait.ge [sflag:s23], $0x4000  }
0x6f: {  	[sflag:s23] =	ssyncset.done $0x0  }
0x70: {  	s17 =	sadd.s32 $0x15080, s0;
	[sflag:s23] =	ssyncadd.s32 $0xFFFFC000  }
0x71: {  	[spmem:s2] =	stream.indirect.scatter.add.f32 [tilespmem:s18], [sflag:$0x3], $0x80, s17, s21, $0xb8;
	[tilespmem:$0x1DC80] =	vst v63  }
0x72: {  	_ =	swait.ge [sflag:s24], $0x4000  }
0x73: {  	[sflag:s24] =	ssyncset.done $0x0  }
0x74: {  	s29 =	sadd.s32 $0x15100, s0;
	[sflag:s24] =	ssyncadd.s32 $0xFFFFC000  }
0x75: {  	[spmem:s2] =	stream.indirect.scatter.add.f32 [tilespmem:s22], [sflag:$0x4], $0x80, s29, s21, $0xb8;
	[tilespmem:$0x1DC80] =	vst v63  }
0x76: {  	_ =	swait.ge [sflag:s25], $0x4000  }
0x77: {  	[sflag:s25] =	ssyncset.done $0x0  }
0x78: {  	s30 =	sadd.s32 $0x14180, s0;
	[sflag:s25] =	ssyncadd.s32 $0xFFFFC000  }
0x79: {  	[tilespmem:s18], [sflag:$0x1] =	stream.indirect.gather [hbm4b:s1+s21], $0x80, s30, s21, $0xb8;
	[tilespmem:$0x1DC80] =	vst v63  }
0x7a: {  	_ =	swait.ge [sflag:s26], $0x4000  }
0x7b: {  	[sflag:s26] =	ssyncset.done $0x0  }
0x7c: {  	s31 =	sadd.s32 $0x14200, s0;
	[sflag:s26] =	ssyncadd.s32 $0xFFFFC000  }
0x7d: {  	[tilespmem:s22], [sflag:$0x2] =	stream.indirect.gather [hbm4b:s1+s21], $0x80, s31, s21, $0xb8;
	[tilespmem:$0x1DC80] =	vst v63  }
0x7e: {  	_ =	swait.ge [sflag:s23], $0x4000  }
0x7f: {  	[sflag:s23] =	ssyncset.done $0x0  }
0x80: {  	s4 =	sadd.s32 $0x15180, s0;
	[sflag:s23] =	ssyncadd.s32 $0xFFFFC000  }
0x81: {  	[spmem:s2] =	stream.indirect.scatter.add.f32 [tilespmem:s18], [sflag:$0x3], $0x80, s4, s21, $0xb8;
	[tilespmem:$0x1DC80] =	vst v63  }
0x82: {  	_ =	swait.ge [sflag:s24], $0x4000  }
0x83: {  	[sflag:s24] =	ssyncset.done $0x0  }
0x84: {  	s6 =	sadd.s32 $0x15200, s0;
	[sflag:s24] =	ssyncadd.s32 $0xFFFFC000  }
0x85: {  	[spmem:s2] =	stream.indirect.scatter.add.f32 [tilespmem:s22], [sflag:$0x4], $0x80, s6, s21, $0xb8;
	[tilespmem:$0x1DC80] =	vst v63  }
0x86: {  	_ =	swait.ge [sflag:s25], $0x4000  }
0x87: {  	[sflag:s25] =	ssyncset.done $0x0  }
0x88: {  	s7 =	sadd.s32 $0x14280, s0;
	[sflag:s25] =	ssyncadd.s32 $0xFFFFC000  }
0x89: {  	[tilespmem:s18], [sflag:$0x1] =	stream.indirect.gather [hbm4b:s1+s21], $0x80, s7, s21, $0xb8;
	[tilespmem:$0x1DC80] =	vst v63  }
0x8a: {  	_ =	swait.ge [sflag:s26], $0x4000  }
0x8b: {  	[sflag:s26] =	ssyncset.done $0x0  }
0x8c: {  	s8 =	sadd.s32 $0x14300, s0;
	[sflag:s26] =	ssyncadd.s32 $0xFFFFC000  }
0x8d: {  	[tilespmem:s22], [sflag:$0x2] =	stream.indirect.gather [hbm4b:s1+s21], $0x80, s8, s21, $0xb8;
	[tilespmem:$0x1DC80] =	vst v63  }
0x8e: {  	_ =	swait.ge [sflag:s23], $0x4000  }
0x8f: {  	[sflag:s23] =	ssyncset.done $0x0  }
0x90: {  	s16 =	sadd.s32 $0x15280, s0;
	[sflag:s23] =	ssyncadd.s32 $0xFFFFC000  }
0x91: {  	[spmem:s2] =	stream.indirect.scatter.add.f32 [tilespmem:s18], [sflag:$0x3], $0x80, s16, s21, $0xb8;
	[tilespmem:$0x1DC80] =	vst v63  }
0x92: {  	_ =	swait.ge [sflag:s24], $0x4000  }
0x93: {  	[sflag:s24] =	ssyncset.done $0x0  }
0x94: {  	s17 =	sadd.s32 $0x15300, s0;
	[sflag:s24] =	ssyncadd.s32 $0xFFFFC000  }
0x95: {  	[spmem:s2] =	stream.indirect.scatter.add.f32 [tilespmem:s22], [sflag:$0x4], $0x80, s17, s21, $0xb8;
	[tilespmem:$0x1DC80] =	vst v63  }
0x96: {  	_ =	swait.ge [sflag:s25], $0x4000  }
0x97: {  	[sflag:s25] =	ssyncset.done $0x0  }
0x98: {  	s29 =	sadd.s32 $0x14380, s0;
	[sflag:s25] =	ssyncadd.s32 $0xFFFFC000  }
0x99: {  	[tilespmem:s18], [sflag:$0x1] =	stream.indirect.gather [hbm4b:s1+s21], $0x80, s29, s21, $0xb8;
	[tilespmem:$0x1DC80] =	vst v63  }
0x9a: {  	_ =	swait.ge [sflag:s26], $0x4000  }
0x9b: {  	[sflag:s26] =	ssyncset.done $0x0  }
0x9c: {  	s30 =	sadd.s32 $0x14400, s0;
	[sflag:s26] =	ssyncadd.s32 $0xFFFFC000  }
0x9d: {  	[tilespmem:s22], [sflag:$0x2] =	stream.indirect.gather [hbm4b:s1+s21], $0x80, s30, s21, $0xb8;
	[tilespmem:$0x1DC80] =	vst v63  }
0x9e: {  	_ =	swait.ge [sflag:s23], $0x4000  }
0x9f: {  	[sflag:s23] =	ssyncset.done $0x0  }
0xa0: {  	s31 =	sadd.s32 $0x15380, s0;
	[sflag:s23] =	ssyncadd.s32 $0xFFFFC000  }
0xa1: {  	[spmem:s2] =	stream.indirect.scatter.add.f32 [tilespmem:s18], [sflag:$0x3], $0x80, s31, s21, $0xb8;
	[tilespmem:$0x1DC80] =	vst v63  }
0xa2: {  	_ =	swait.ge [sflag:s24], $0x4000  }
0xa3: {  	[sflag:s24] =	ssyncset.done $0x0  }
0xa4: {  	s0 =	sadd.s32 $0x15400, s0;
	[sflag:s24] =	ssyncadd.s32 $0xFFFFC000  }
0xa5: {  	[spmem:s2] =	stream.indirect.scatter.add.f32 [tilespmem:s22], [sflag:$0x4], $0x80, s0, s21, $0xb8;
	[tilespmem:$0x1DC80] =	vst v63  }
.LBB2_10:
0xa6: {  	_ =	swait.ge [sflag:s25], $0x4000  }
0xa7: {  	[sflag:s25] =	ssyncset.done $0x0  }
0xa8: {  	[sflag:s25] =	ssyncadd.s32 $0xFFFFC000  }
0xa9: {  	_ =	swait.ge [sflag:s26], $0x4000  }
0xaa: {  	s0 =	stileid.u32;
	[sflag:s26] =	ssyncset.done $0x0  }
0xab: {  	s0 =	sshll.u32 s0, $0x6;
	[sflag:s26] =	ssyncadd.s32 $0xFFFFC000  }
0xac: {  	s3 =	sshrl.u32 s5, $0x3;
	s0 =	sor.u32 $0x1C06, s0;
	[bflag:$0x0] =	sbarrier.arrive $0xFFFF  }
0xad: {  	[hbm:s11], [sflag:s0] =	dma.local [spmem:s3], $0x2700  }
0xae: {  	_ =	swait.ge [sflag:s19], $0x2700  }
0xaf: {  	s28 =	sadd.s32 $0x1, s28;
	[sflag:s19] =	ssyncset.done $0x0  }
0xb0: {  	p2 =	sne.s32 s28, s13;
	s3 =	sshrl.u32 @!p0 s10, $0x3;
	[sflag:s19] =	ssyncadd.s32 $0xFFFFD900  }
0xb1: {  	[hbm:s12], [sflag:s0] =	dma.local @!p0 [spmem:s3], $0x100  }
.Ltmp1:
0xb2: {  	_ = 	snop;
	(pc) =	sbr.rel @!p2 .LBB2_11-.Ltmp1, $4  }
0xb3: {  	s0 =	simm.s32 @!p0 $0x6  }
0xb4: {  	_ =	swait.ge @!p0 [sflag:s0], $0x100  }
0xb5: {  	[sflag:s0] =	ssyncset.done @!p0 $0x0  }
0xb6: {  	[sflag:s0] =	ssyncadd.s32 @!p0 $0xFFFFFF00  }
.LBB2_1:
0xb7: {  	s0 =	simm.s32 $0x0;
	s3 =	simm.s32 $0x13C80  }
0xb8: {  	[tilespmem:s3], [sflag:$0x5] =	stream.linear.gather [hbm4b:s14+s0], $0x800, $0x38;
	[tilespmem:$0x1DC80] =	vst v63  }
0xb9: {  	s31 =	simm.s32 $0x14C80  }
0xba: {  	[tilespmem:s31], [sflag:$0x5] =	stream.linear.gather [hbm4b:s15+s0], $0x800, $0x38;
	[tilespmem:$0x1DC80] =	vst v63  }
0xbb: {  	s16 =	simm.s32 $0x200;
	s0 =	simm.s32 $0x0  }
.LBB2_2:
0xbc: {  	p2 =	sne.s32 s16, $0xFE00;
	[tilespmem:s0+$0x15CF0] =	vst v0  }
0xbd: {  	[tilespmem:s0+$0x15C80] =	vst v0  }
0xbe: {  	[tilespmem:s0+$0x15C90] =	vst v0  }
.Ltmp2:
0xbf: {  	[tilespmem:s0+$0x15CA0] =	vst v0;
	(pc) =	sbr.rel @p2 .LBB2_2-.Ltmp2, $4  }
0xc0: {  	[tilespmem:s0+$0x15CB0] =	vst v0  }
0xc1: {  	[tilespmem:s0+$0x15CC0] =	vst v0  }
0xc2: {  	[tilespmem:s0+$0x15CD0] =	vst v0  }
0xc3: {  	[tilespmem:s0+$0x15CE0] =	vst v0;
	s0 =	sshra.s32 s16, $0x2;
	s16 =	sadd.s32 $0x200, s16  }
0xc4: {  	[tilespmem:s0+$0x15CF0] =	vst v0  }
0xc5: {  	[tilespmem:s0+$0x15C80] =	vst v0  }
0xc6: {  	[tilespmem:s0+$0x15C90] =	vst v0  }
0xc7: {  	[tilespmem:s0+$0x15CA0] =	vst v0  }
0xc8: {  	[tilespmem:s0+$0x15CB0] =	vst v0  }
0xc9: {  	[tilespmem:s0+$0x15CC0] =	vst v0  }
0xca: {  	[tilespmem:s0+$0x15CD0] =	vst v0  }
0xcb: {  	[tilespmem:s0+$0x15CE0] =	vst v0  }
0xcc: {  	[spmem:s5] =	stream.linear.scatter [tilespmem:s18], [sflag:$0x6], $0x4000, $0x38;
	[tilespmem:$0x1DC80] =	vst v63  }
0xcd: {  	_ =	swait.ge [sflag:s19], $0x4000  }
0xce: {  	[sflag:s19] =	ssyncset.done $0x0  }
0xcf: {  	s29 =	rddreg [dreg:$0x8];
	[sflag:s19] =	ssyncadd.s32 $0xFFFFC000  }
0xd0: {  	[spmem:s29] =	stream.linear.scatter [tilespmem:s18], [sflag:$0x6], $0x4000, $0x38;
	[tilespmem:$0x1DC80] =	vst v63  }
0xd1: {  	_ =	swait.ge [sflag:s19], $0x4000  }
0xd2: {  	[sflag:s19] =	ssyncset.done $0x0  }
0xd3: {  	s30 =	rddreg [dreg:$0x9];
	[sflag:s19] =	ssyncadd.s32 $0xFFFFC000  }
0xd4: {  	[spmem:s30] =	stream.linear.scatter [tilespmem:s18], [sflag:$0x6], $0x4000, $0x38;
	[tilespmem:$0x1DC80] =	vst v63  }
0xd5: {  	_ =	swait.ge [sflag:s19], $0x4000  }
0xd6: {  	[sflag:s19] =	ssyncset.done $0x0  }
0xd7: {  	s31 =	rddreg [dreg:$0xa];
	[sflag:s19] =	ssyncadd.s32 $0xFFFFC000  }
0xd8: {  	[spmem:s31] =	stream.linear.scatter [tilespmem:s18], [sflag:$0x6], $0x4000, $0x38;
	[tilespmem:$0x1DC80] =	vst v63  }
0xd9: {  	_ =	swait.ge [sflag:s19], $0x4000  }
0xda: {  	[sflag:s19] =	ssyncset.done $0x0  }
0xdb: {  	[sflag:s19] =	ssyncadd.s32 $0xFFFFC000  }
0xdc: {  	[spmem:s9] =	stream.linear.scatter [tilespmem:s18], [sflag:$0x6], $0x3800, $0x38;
	[tilespmem:$0x1DC80] =	vst v63  }
0xdd: {  	_ =	swait.ge [sflag:s19], $0x3800  }
0xde: {  	[sflag:s19] =	ssyncset.done $0x0  }
0xdf: {  	s0 =	simm.s32 @!p0 $0x15C80;
	[sflag:s19] =	ssyncadd.s32 $0xFFFFC800  }
0xe0: {  	[spmem:s10] =	stream.linear.scatter @!p0 [tilespmem:s0], [sflag:$0x6], $0x800, $0x38;
	[tilespmem:$0x1DC80] =	vst v63  }
0xe1: {  	s0 =	simm.s32 @!p0 $0x6  }
0xe2: {  	_ =	swait.ge @!p0 [sflag:s0], $0x800  }
0xe3: {  	[sflag:s0] =	ssyncset.done @!p0 $0x0  }
0xe4: {  	[sflag:s0] =	ssyncadd.s32 @!p0 $0xFFFFF800  }
0xe5: {  	[bflag:$0x0] =	sbarrier.arrive $0xFFFF  }
0xe6: {  	_ =	swait.ge [sflag:s20], $0x800  }
.Ltmp3:
0xe7: {  	[sflag:s20] =	ssyncset.done $0x0;
	(pc) =	sbr.rel @p1 .LBB2_7-.Ltmp3, $4  }
0xe8: {  	[sflag:s20] =	ssyncadd.s32 $0xFFFFF800  }
0xe9: {  	_ =	swait.ge [sflag:s20], $0x800  }
0xea: {  	[sflag:s20] =	ssyncset.done $0x0  }
0xeb: {  	p2 =	por $0x1, $0x1;
	s0 =	simm.s32 $0x0;
	[sflag:s20] =	ssyncadd.s32 $0xFFFFF800  }
0xec: {  	s16 =	simm.s32 @!p2 $0x5  }
0xed: {  	_ =	swait.ge @!p2 [sflag:s16], $0x800  }
0xee: {  	[sflag:s16] =	ssyncset.done @!p2 $0x0  }
0xef: {  	[sflag:s16] =	ssyncadd.s32 @!p2 $0xFFFFF800  }
0xf0: {  	s29 =	simm.s32 @p2 $0x15C80;
	_ =	swait.ge @!p2 [sflag:s16], $0x800  }
0xf1: {  	s30 =	simm.s32 @!p2 $0x3;
	s17 =	simm.s32 @p2 $0x13C80;
	[sflag:s16] =	ssyncset.done @!p2 $0x0  }
0xf2: {  	s4 =	simm.s32 @p2 $0x80;
	s31 =	rddreg [dreg:$0x7];
	[sflag:s16] =	ssyncadd.s32 @!p2 $0xFFFFF800  }
0xf3: {  	[tilespmem:s29], [sflag:$0x1] =	stream.indirect.gather @p2 [hbm4b:s1+s4], $0x80, s17, s4, $0xb8;
	[tilespmem:$0x1DC80] =	vst v63  }
0xf4: {  	s0 =	sand.u32 $0x800, s0;
	s6 =	rddreg [dreg:$0x6];
	_ =	swait.ge @!p2 [sflag:s30], $0x4000  }
0xf5: {  	s4 =	simm.s32 @!p2 $0x15C80;
	s17 =	simm.s32 @!p2 $0x4;
	[sflag:s30] =	ssyncset.done @!p2 $0x0  }
0xf6: {  	s29 =	sadd.s32 @!p2 $0x13C80, s0;
	[sflag:s30] =	ssyncadd.s32 @!p2 $0xFFFFC000;
	s30 =	simm.s32 @!p2 $0x80  }
0xf7: {  	[tilespmem:s4], [sflag:$0x1] =	stream.indirect.gather @!p2 [hbm4b:s1+s30], $0x80, s29, s30, $0xb8;
	[tilespmem:$0x1DC80] =	vst v63  }
0xf8: {  	s4 =	sor.u32 @!p2 $0x80, s0;
	_ =	swait.ge @!p2 [sflag:s17], $0x4000  }
0xf9: {  	s4 =	simm.s32 @p2 $0x80;
	[sflag:s17] =	ssyncset.done @!p2 $0x0  }
0xfa: {  	s7 =	sadd.s32 $0x13C80, s4;
	[sflag:s17] =	ssyncadd.s32 @!p2 $0xFFFFC000  }
0xfb: {  	[tilespmem:s22], [sflag:$0x2] =	stream.indirect.gather [hbm4b:s1+s21], $0x80, s7, s21, $0xb8;
	[tilespmem:$0x1DC80] =	vst v63  }
0xfc: {  	s17 =	smov.u32 s0;
	_ =	swait.ge [sflag:s23], $0x4000  }
0xfd: {  	s17 =	simm.s32 @p2 $0x0;
	[sflag:s23] =	ssyncset.done $0x0  }
0xfe: {  	s17 =	sadd.s32 $0x14C80, s17;
	[sflag:s23] =	ssyncadd.s32 $0xFFFFC000  }
0xff: {  	[spmem:s2] =	stream.indirect.scatter.add.f32 [tilespmem:s18], [sflag:$0x3], $0x80, s17, s21, $0xb8;
	[tilespmem:$0x1DC80] =	vst v63  }
0x100: {  	_ =	swait.ge [sflag:s24], $0x4000  }
0x101: {  	[sflag:s24] =	ssyncset.done $0x0  }
0x102: {  	s4 =	sadd.s32 $0x14C80, s4;
	p2 =	por $0x0, $0x0;
	[sflag:s24] =	ssyncadd.s32 $0xFFFFC000  }
0x103: {  	[spmem:s2] =	stream.indirect.scatter.add.f32 [tilespmem:s22], [sflag:$0x4], $0x80, s4, s21, $0xb8;
	[tilespmem:$0x1DC80] =	vst v63  }
0x104: {  	s16 =	sadd.s32 $0x0, s6;
	s17 =	simm.s32 @!p2 $0x0;
	s4 =	ssub.s32 $0x14480, s0  }
0x105: {  	[tilespmem:s4], [sflag:$0x5] =	stream.linear.gather @!p2 [hbm4b:s16+s17], $0x800, $0x38;
	[tilespmem:$0x1DC80] =	vst v63  }
0x106: {  	s4 =	ssub.s32 $0x15480, s0;
	s16 =	sadd.s32 $0x0, s31  }
0x107: {  	[tilespmem:s4], [sflag:$0x5] =	stream.linear.gather @!p2 [hbm4b:s16+s17], $0x800, $0x38;
	[tilespmem:$0x1DC80] =	vst v63  }
0x108: {  	_ =	swait.ge [sflag:s25], $0x4000  }
0x109: {  	[sflag:s25] =	ssyncset.done $0x0  }
0x10a: {  	s8 =	sadd.s32 $0x13D80, s0;
	[sflag:s25] =	ssyncadd.s32 $0xFFFFC000  }
0x10b: {  	[tilespmem:s18], [sflag:$0x1] =	stream.indirect.gather [hbm4b:s1+s21], $0x80, s8, s21, $0xb8;
	[tilespmem:$0x1DC80] =	vst v63  }
0x10c: {  	_ =	swait.ge [sflag:s26], $0x4000  }
0x10d: {  	[sflag:s26] =	ssyncset.done $0x0  }
0x10e: {  	s16 =	sadd.s32 $0x13E00, s0;
	[sflag:s26] =	ssyncadd.s32 $0xFFFFC000  }
0x10f: {  	[tilespmem:s22], [sflag:$0x2] =	stream.indirect.gather [hbm4b:s1+s21], $0x80, s16, s21, $0xb8;
	[tilespmem:$0x1DC80] =	vst v63  }
0x110: {  	_ =	swait.ge [sflag:s23], $0x4000  }
0x111: {  	[sflag:s23] =	ssyncset.done $0x0  }
0x112: {  	s17 =	sadd.s32 $0x14D80, s0;
	[sflag:s23] =	ssyncadd.s32 $0xFFFFC000  }
0x113: {  	[spmem:s2] =	stream.indirect.scatter.add.f32 [tilespmem:s18], [sflag:$0x3], $0x80, s17, s21, $0xb8;
	[tilespmem:$0x1DC80] =	vst v63  }
0x114: {  	_ =	swait.ge [sflag:s24], $0x4000  }
0x115: {  	[sflag:s24] =	ssyncset.done $0x0  }
0x116: {  	s3 =	sadd.s32 $0x14E00, s0;
	[sflag:s24] =	ssyncadd.s32 $0xFFFFC000  }
0x117: {  	[spmem:s2] =	stream.indirect.scatter.add.f32 [tilespmem:s22], [sflag:$0x4], $0x80, s3, s21, $0xb8;
	[tilespmem:$0x1DC80] =	vst v63  }
0x118: {  	_ =	swait.ge [sflag:s25], $0x4000  }
0x119: {  	[sflag:s25] =	ssyncset.done $0x0  }
0x11a: {  	s6 =	sadd.s32 $0x13E80, s0;
	[sflag:s25] =	ssyncadd.s32 $0xFFFFC000  }
0x11b: {  	[tilespmem:s18], [sflag:$0x1] =	stream.indirect.gather [hbm4b:s1+s21], $0x80, s6, s21, $0xb8;
	[tilespmem:$0x1DC80] =	vst v63  }
0x11c: {  	_ =	swait.ge [sflag:s26], $0x4000  }
0x11d: {  	[sflag:s26] =	ssyncset.done $0x0  }
0x11e: {  	s7 =	sadd.s32 $0x13F00, s0;
	[sflag:s26] =	ssyncadd.s32 $0xFFFFC000  }
0x11f: {  	[tilespmem:s22], [sflag:$0x2] =	stream.indirect.gather [hbm4b:s1+s21], $0x80, s7, s21, $0xb8;
	[tilespmem:$0x1DC80] =	vst v63  }
0x120: {  	_ =	swait.ge [sflag:s23], $0x4000  }
0x121: {  	[sflag:s23] =	ssyncset.done $0x0  }
0x122: {  	s8 =	sadd.s32 $0x14E80, s0;
	[sflag:s23] =	ssyncadd.s32 $0xFFFFC000  }
0x123: {  	[spmem:s2] =	stream.indirect.scatter.add.f32 [tilespmem:s18], [sflag:$0x3], $0x80, s8, s21, $0xb8;
	[tilespmem:$0x1DC80] =	vst v63  }
0x124: {  	_ =	swait.ge [sflag:s24], $0x4000  }
0x125: {  	[sflag:s24] =	ssyncset.done $0x0  }
0x126: {  	s16 =	sadd.s32 $0x14F00, s0;
	[sflag:s24] =	ssyncadd.s32 $0xFFFFC000  }
0x127: {  	[spmem:s2] =	stream.indirect.scatter.add.f32 [tilespmem:s22], [sflag:$0x4], $0x80, s16, s21, $0xb8;
	[tilespmem:$0x1DC80] =	vst v63  }
0x128: {  	_ =	swait.ge [sflag:s25], $0x4000  }
0x129: {  	[sflag:s25] =	ssyncset.done $0x0  }
0x12a: {  	s17 =	sadd.s32 $0x13F80, s0;
	[sflag:s25] =	ssyncadd.s32 $0xFFFFC000  }
0x12b: {  	[tilespmem:s18], [sflag:$0x1] =	stream.indirect.gather [hbm4b:s1+s21], $0x80, s17, s21, $0xb8;
	[tilespmem:$0x1DC80] =	vst v63  }
0x12c: {  	_ =	swait.ge [sflag:s26], $0x4000  }
0x12d: {  	[sflag:s26] =	ssyncset.done $0x0  }
0x12e: {  	s3 =	sor.u32 $0x14000, s0;
	[sflag:s26] =	ssyncadd.s32 $0xFFFFC000  }
0x12f: {  	[tilespmem:s22], [sflag:$0x2] =	stream.indirect.gather [hbm4b:s1+s21], $0x80, s3, s21, $0xb8;
	[tilespmem:$0x1DC80] =	vst v63  }
0x130: {  	_ =	swait.ge [sflag:s23], $0x4000  }
0x131: {  	[sflag:s23] =	ssyncset.done $0x0  }
0x132: {  	s6 =	sadd.s32 $0x14F80, s0;
	[sflag:s23] =	ssyncadd.s32 $0xFFFFC000  }
0x133: {  	[spmem:s2] =	stream.indirect.scatter.add.f32 [tilespmem:s18], [sflag:$0x3], $0x80, s6, s21, $0xb8;
	[tilespmem:$0x1DC80] =	vst v63  }
0x134: {  	_ =	swait.ge [sflag:s24], $0x4000  }
0x135: {  	[sflag:s24] =	ssyncset.done $0x0  }
0x136: {  	s7 =	sor.u32 $0x15000, s0;
	[sflag:s24] =	ssyncadd.s32 $0xFFFFC000  }
0x137: {  	[spmem:s2] =	stream.indirect.scatter.add.f32 [tilespmem:s22], [sflag:$0x4], $0x80, s7, s21, $0xb8;
	[tilespmem:$0x1DC80] =	vst v63  }
0x138: {  	_ =	swait.ge [sflag:s25], $0x4000  }
0x139: {  	[sflag:s25] =	ssyncset.done $0x0  }
0x13a: {  	s8 =	sadd.s32 $0x14080, s0;
	[sflag:s25] =	ssyncadd.s32 $0xFFFFC000  }
0x13b: {  	[tilespmem:s18], [sflag:$0x1] =	stream.indirect.gather [hbm4b:s1+s21], $0x80, s8, s21, $0xb8;
	[tilespmem:$0x1DC80] =	vst v63  }
0x13c: {  	_ =	swait.ge [sflag:s26], $0x4000  }
0x13d: {  	[sflag:s26] =	ssyncset.done $0x0  }
0x13e: {  	s16 =	sadd.s32 $0x14100, s0;
	[sflag:s26] =	ssyncadd.s32 $0xFFFFC000  }
0x13f: {  	[tilespmem:s22], [sflag:$0x2] =	stream.indirect.gather [hbm4b:s1+s21], $0x80, s16, s21, $0xb8;
	[tilespmem:$0x1DC80] =	vst v63  }
0x140: {  	_ =	swait.ge [sflag:s23], $0x4000  }
0x141: {  	[sflag:s23] =	ssyncset.done $0x0  }
0x142: {  	s17 =	sadd.s32 $0x15080, s0;
	[sflag:s23] =	ssyncadd.s32 $0xFFFFC000  }
0x143: {  	[spmem:s2] =	stream.indirect.scatter.add.f32 [tilespmem:s18], [sflag:$0x3], $0x80, s17, s21, $0xb8;
	[tilespmem:$0x1DC80] =	vst v63  }
0x144: {  	_ =	swait.ge [sflag:s24], $0x4000  }
0x145: {  	[sflag:s24] =	ssyncset.done $0x0  }
0x146: {  	s3 =	sadd.s32 $0x15100, s0;
	[sflag:s24] =	ssyncadd.s32 $0xFFFFC000  }
0x147: {  	[spmem:s2] =	stream.indirect.scatter.add.f32 [tilespmem:s22], [sflag:$0x4], $0x80, s3, s21, $0xb8;
	[tilespmem:$0x1DC80] =	vst v63  }
0x148: {  	_ =	swait.ge [sflag:s25], $0x4000  }
0x149: {  	[sflag:s25] =	ssyncset.done $0x0  }
0x14a: {  	s6 =	sadd.s32 $0x14180, s0;
	[sflag:s25] =	ssyncadd.s32 $0xFFFFC000  }
0x14b: {  	[tilespmem:s18], [sflag:$0x1] =	stream.indirect.gather [hbm4b:s1+s21], $0x80, s6, s21, $0xb8;
	[tilespmem:$0x1DC80] =	vst v63  }
0x14c: {  	_ =	swait.ge [sflag:s26], $0x4000  }
0x14d: {  	[sflag:s26] =	ssyncset.done $0x0  }
0x14e: {  	s7 =	sadd.s32 $0x14200, s0;
	[sflag:s26] =	ssyncadd.s32 $0xFFFFC000  }
0x14f: {  	[tilespmem:s22], [sflag:$0x2] =	stream.indirect.gather [hbm4b:s1+s21], $0x80, s7, s21, $0xb8;
	[tilespmem:$0x1DC80] =	vst v63  }
0x150: {  	_ =	swait.ge [sflag:s23], $0x4000  }
0x151: {  	[sflag:s23] =	ssyncset.done $0x0  }
0x152: {  	s8 =	sadd.s32 $0x15180, s0;
	[sflag:s23] =	ssyncadd.s32 $0xFFFFC000  }
0x153: {  	[spmem:s2] =	stream.indirect.scatter.add.f32 [tilespmem:s18], [sflag:$0x3], $0x80, s8, s21, $0xb8;
	[tilespmem:$0x1DC80] =	vst v63  }
0x154: {  	_ =	swait.ge [sflag:s24], $0x4000  }
0x155: {  	[sflag:s24] =	ssyncset.done $0x0  }
0x156: {  	s16 =	sadd.s32 $0x15200, s0;
	[sflag:s24] =	ssyncadd.s32 $0xFFFFC000  }
0x157: {  	[spmem:s2] =	stream.indirect.scatter.add.f32 [tilespmem:s22], [sflag:$0x4], $0x80, s16, s21, $0xb8;
	[tilespmem:$0x1DC80] =	vst v63  }
0x158: {  	_ =	swait.ge [sflag:s25], $0x4000  }
0x159: {  	[sflag:s25] =	ssyncset.done $0x0  }
0x15a: {  	s17 =	sadd.s32 $0x14280, s0;
	[sflag:s25] =	ssyncadd.s32 $0xFFFFC000  }
0x15b: {  	[tilespmem:s18], [sflag:$0x1] =	stream.indirect.gather [hbm4b:s1+s21], $0x80, s17, s21, $0xb8;
	[tilespmem:$0x1DC80] =	vst v63  }
0x15c: {  	_ =	swait.ge [sflag:s26], $0x4000  }
0x15d: {  	[sflag:s26] =	ssyncset.done $0x0  }
0x15e: {  	s3 =	sadd.s32 $0x14300, s0;
	[sflag:s26] =	ssyncadd.s32 $0xFFFFC000  }
0x15f: {  	[tilespmem:s22], [sflag:$0x2] =	stream.indirect.gather [hbm4b:s1+s21], $0x80, s3, s21, $0xb8;
	[tilespmem:$0x1DC80] =	vst v63  }
0x160: {  	_ =	swait.ge [sflag:s23], $0x4000  }
0x161: {  	[sflag:s23] =	ssyncset.done $0x0  }
0x162: {  	s6 =	sadd.s32 $0x15280, s0;
	[sflag:s23] =	ssyncadd.s32 $0xFFFFC000  }
0x163: {  	[spmem:s2] =	stream.indirect.scatter.add.f32 [tilespmem:s18], [sflag:$0x3], $0x80, s6, s21, $0xb8;
	[tilespmem:$0x1DC80] =	vst v63  }
0x164: {  	_ =	swait.ge [sflag:s24], $0x4000  }
0x165: {  	[sflag:s24] =	ssyncset.done $0x0  }
0x166: {  	s7 =	sadd.s32 $0x15300, s0;
	[sflag:s24] =	ssyncadd.s32 $0xFFFFC000  }
0x167: {  	[spmem:s2] =	stream.indirect.scatter.add.f32 [tilespmem:s22], [sflag:$0x4], $0x80, s7, s21, $0xb8;
	[tilespmem:$0x1DC80] =	vst v63  }
0x168: {  	_ =	swait.ge [sflag:s25], $0x4000  }
0x169: {  	[sflag:s25] =	ssyncset.done $0x0  }
0x16a: {  	s8 =	sadd.s32 $0x14380, s0;
	[sflag:s25] =	ssyncadd.s32 $0xFFFFC000  }
0x16b: {  	[tilespmem:s18], [sflag:$0x1] =	stream.indirect.gather [hbm4b:s1+s21], $0x80, s8, s21, $0xb8;
	[tilespmem:$0x1DC80] =	vst v63  }
0x16c: {  	_ =	swait.ge [sflag:s26], $0x4000  }
0x16d: {  	[sflag:s26] =	ssyncset.done $0x0  }
0x16e: {  	s16 =	sadd.s32 $0x14400, s0;
	[sflag:s26] =	ssyncadd.s32 $0xFFFFC000  }
0x16f: {  	[tilespmem:s22], [sflag:$0x2] =	stream.indirect.gather [hbm4b:s1+s21], $0x80, s16, s21, $0xb8;
	[tilespmem:$0x1DC80] =	vst v63  }
0x170: {  	_ =	swait.ge [sflag:s23], $0x4000  }
0x171: {  	[sflag:s23] =	ssyncset.done $0x0  }
0x172: {  	p3 =	por $0x0, $0x0;
	s17 =	sadd.s32 $0x15380, s0;
	[sflag:s23] =	ssyncadd.s32 $0xFFFFC000  }
0x173: {  	[spmem:s2] =	stream.indirect.scatter.add.f32 [tilespmem:s18], [sflag:$0x3], $0x80, s17, s21, $0xb8;
	[tilespmem:$0x1DC80] =	vst v63  }
0x174: {  	s29 =	simm.s32 $0x100;
	s30 =	simm.s32 $0x800;
	_ =	swait.ge [sflag:s24], $0x4000  }
0x175: {  	s31 =	simm.s32 $0x200;
	s0 =	sadd.s32 $0x15400, s0;
	[sflag:s24] =	ssyncset.done $0x0  }
.LBB2_5:
0x176: {  	s4 =	simm.s32 @!p3 $0x5;
	[sflag:s24] =	ssyncadd.s32 $0xFFFFC000  }
0x177: {  	[spmem:s2] =	stream.indirect.scatter.add.f32 [tilespmem:s22], [sflag:$0x4], $0x80, s0, s21, $0xb8;
	[tilespmem:$0x1DC80] =	vst v63  }
0x178: {  	_ =	swait.ge @!p3 [sflag:s4], $0x800  }
0x179: {  	[sflag:s4] =	ssyncset.done @!p3 $0x0  }
0x17a: {  	[sflag:s4] =	ssyncadd.s32 @!p3 $0xFFFFF800  }
0x17b: {  	s17 =	simm.s32 @!p3 $0x3;
	_ =	swait.ge @!p3 [sflag:s4], $0x800  }
0x17c: {  	s6 =	simm.s32 @p3 $0x13C80;
	s7 =	simm.s32 @p3 $0x80;
	[sflag:s4] =	ssyncset.done @!p3 $0x0  }
0x17d: {  	s0 =	simm.s32 @p3 $0x15C80;
	s3 =	rddreg [dreg:$0x7];
	[sflag:s4] =	ssyncadd.s32 @!p3 $0xFFFFF800  }
0x17e: {  	[tilespmem:s0], [sflag:$0x1] =	stream.indirect.gather @p3 [hbm4b:s1+s7], $0x80, s6, s7, $0xb8;
	[tilespmem:$0x1DC80] =	vst v63  }
0x17f: {  	s8 =	simm.s32 @!p3 $0x80;
	s4 =	rddreg [dreg:$0x6];
	_ =	swait.ge @!p3 [sflag:s17], $0x4000  }
0x180: {  	s0 =	sand.u32 $0x800, s30;
	s6 =	simm.s32 @!p3 $0x15C80;
	[sflag:s17] =	ssyncset.done @!p3 $0x0  }
0x181: {  	s7 =	simm.s32 @!p3 $0x4;
	[sflag:s17] =	ssyncadd.s32 @!p3 $0xFFFFC000;
	s17 =	sadd.s32 @!p3 $0x13C80, s0  }
0x182: {  	[tilespmem:s6], [sflag:$0x1] =	stream.indirect.gather @!p3 [hbm4b:s1+s8], $0x80, s17, s8, $0xb8;
	[tilespmem:$0x1DC80] =	vst v63  }
0x183: {  	s6 =	sor.u32 @!p3 $0x80, s0;
	_ =	swait.ge @!p3 [sflag:s7], $0x4000  }
0x184: {  	s6 =	simm.s32 @p3 $0x80;
	[sflag:s7] =	ssyncset.done @!p3 $0x0  }
0x185: {  	s17 =	sadd.s32 $0x13C80, s6;
	[sflag:s7] =	ssyncadd.s32 @!p3 $0xFFFFC000  }
0x186: {  	[tilespmem:s22], [sflag:$0x2] =	stream.indirect.gather [hbm4b:s1+s21], $0x80, s17, s21, $0xb8;
	[tilespmem:$0x1DC80] =	vst v63  }
0x187: {  	s7 =	smov.u32 s0;
	_ =	swait.ge [sflag:s23], $0x4000  }
0x188: {  	s7 =	simm.s32 @p3 $0x0;
	[sflag:s23] =	ssyncset.done $0x0  }
0x189: {  	s7 =	sadd.s32 $0x14C80, s7;
	[sflag:s23] =	ssyncadd.s32 $0xFFFFC000  }
0x18a: {  	[spmem:s2] =	stream.indirect.scatter.add.f32 [tilespmem:s18], [sflag:$0x3], $0x80, s7, s21, $0xb8;
	[tilespmem:$0x1DC80] =	vst v63  }
0x18b: {  	_ =	swait.ge [sflag:s24], $0x4000  }
0x18c: {  	[sflag:s24] =	ssyncset.done $0x0  }
0x18d: {  	s6 =	sadd.s32 $0x14C80, s6;
	p3 =	seq.s32 s29, $0x400;
	[sflag:s24] =	ssyncadd.s32 $0xFFFFC000  }
0x18e: {  	[spmem:s2] =	stream.indirect.scatter.add.f32 [tilespmem:s22], [sflag:$0x4], $0x80, s6, s21, $0xb8;
	[tilespmem:$0x1DC80] =	vst v63  }
0x18f: {  	s4 =	sadd.s32 s29, s4;
	s7 =	simm.s32 @!p3 $0x0;
	s6 =	ssub.s32 $0x14480, s0  }
0x190: {  	[tilespmem:s6], [sflag:$0x5] =	stream.linear.gather @!p3 [hbm4b:s4+s7], $0x800, $0x38;
	[tilespmem:$0x1DC80] =	vst v63  }
0x191: {  	s3 =	sadd.s32 s29, s3;
	s4 =	ssub.s32 $0x15480, s0  }
0x192: {  	[tilespmem:s4], [sflag:$0x5] =	stream.linear.gather @!p3 [hbm4b:s3+s7], $0x800, $0x38;
	[tilespmem:$0x1DC80] =	vst v63  }
0x193: {  	_ =	swait.ge [sflag:s25], $0x4000  }
0x194: {  	[sflag:s25] =	ssyncset.done $0x0  }
0x195: {  	s8 =	sadd.s32 $0x13D80, s0;
	[sflag:s25] =	ssyncadd.s32 $0xFFFFC000  }
0x196: {  	[tilespmem:s18], [sflag:$0x1] =	stream.indirect.gather [hbm4b:s1+s21], $0x80, s8, s21, $0xb8;
	[tilespmem:$0x1DC80] =	vst v63  }
0x197: {  	_ =	swait.ge [sflag:s26], $0x4000  }
0x198: {  	s16 =	smov.u32 s31;
	[sflag:s26] =	ssyncset.done $0x0  }
0x199: {  	s29 =	smov.u32 s16;
	s16 =	sadd.s32 $0x13E00, s0;
	[sflag:s26] =	ssyncadd.s32 $0xFFFFC000  }
0x19a: {  	[tilespmem:s22], [sflag:$0x2] =	stream.indirect.gather [hbm4b:s1+s21], $0x80, s16, s21, $0xb8;
	[tilespmem:$0x1DC80] =	vst v63  }
0x19b: {  	_ =	swait.ge [sflag:s23], $0x4000  }
0x19c: {  	[sflag:s23] =	ssyncset.done $0x0  }
0x19d: {  	s17 =	sadd.s32 $0x14D80, s0;
	[sflag:s23] =	ssyncadd.s32 $0xFFFFC000  }
0x19e: {  	[spmem:s2] =	stream.indirect.scatter.add.f32 [tilespmem:s18], [sflag:$0x3], $0x80, s17, s21, $0xb8;
	[tilespmem:$0x1DC80] =	vst v63  }
0x19f: {  	_ =	swait.ge [sflag:s24], $0x4000  }
0x1a0: {  	[sflag:s24] =	ssyncset.done $0x0  }
0x1a1: {  	s4 =	sadd.s32 $0x14E00, s0;
	[sflag:s24] =	ssyncadd.s32 $0xFFFFC000  }
0x1a2: {  	[spmem:s2] =	stream.indirect.scatter.add.f32 [tilespmem:s22], [sflag:$0x4], $0x80, s4, s21, $0xb8;
	[tilespmem:$0x1DC80] =	vst v63  }
0x1a3: {  	_ =	swait.ge [sflag:s25], $0x4000  }
0x1a4: {  	[sflag:s25] =	ssyncset.done $0x0  }
0x1a5: {  	s6 =	sadd.s32 $0x13E80, s0;
	[sflag:s25] =	ssyncadd.s32 $0xFFFFC000  }
0x1a6: {  	[tilespmem:s18], [sflag:$0x1] =	stream.indirect.gather [hbm4b:s1+s21], $0x80, s6, s21, $0xb8;
	[tilespmem:$0x1DC80] =	vst v63  }
0x1a7: {  	_ =	swait.ge [sflag:s26], $0x4000  }
0x1a8: {  	[sflag:s26] =	ssyncset.done $0x0  }
0x1a9: {  	s7 =	sadd.s32 $0x13F00, s0;
	[sflag:s26] =	ssyncadd.s32 $0xFFFFC000  }
0x1aa: {  	[tilespmem:s22], [sflag:$0x2] =	stream.indirect.gather [hbm4b:s1+s21], $0x80, s7, s21, $0xb8;
	[tilespmem:$0x1DC80] =	vst v63  }
0x1ab: {  	_ =	swait.ge [sflag:s23], $0x4000  }
0x1ac: {  	[sflag:s23] =	ssyncset.done $0x0  }
0x1ad: {  	s8 =	sadd.s32 $0x14E80, s0;
	[sflag:s23] =	ssyncadd.s32 $0xFFFFC000  }
0x1ae: {  	[spmem:s2] =	stream.indirect.scatter.add.f32 [tilespmem:s18], [sflag:$0x3], $0x80, s8, s21, $0xb8;
	[tilespmem:$0x1DC80] =	vst v63  }
0x1af: {  	_ =	swait.ge [sflag:s24], $0x4000  }
0x1b0: {  	[sflag:s24] =	ssyncset.done $0x0  }
0x1b1: {  	s16 =	sadd.s32 $0x14F00, s0;
	[sflag:s24] =	ssyncadd.s32 $0xFFFFC000  }
0x1b2: {  	[spmem:s2] =	stream.indirect.scatter.add.f32 [tilespmem:s22], [sflag:$0x4], $0x80, s16, s21, $0xb8;
	[tilespmem:$0x1DC80] =	vst v63  }
0x1b3: {  	_ =	swait.ge [sflag:s25], $0x4000  }
0x1b4: {  	[sflag:s25] =	ssyncset.done $0x0  }
0x1b5: {  	s17 =	sadd.s32 $0x13F80, s0;
	[sflag:s25] =	ssyncadd.s32 $0xFFFFC000  }
0x1b6: {  	[tilespmem:s18], [sflag:$0x1] =	stream.indirect.gather [hbm4b:s1+s21], $0x80, s17, s21, $0xb8;
	[tilespmem:$0x1DC80] =	vst v63  }
0x1b7: {  	_ =	swait.ge [sflag:s26], $0x4000  }
0x1b8: {  	[sflag:s26] =	ssyncset.done $0x0  }
0x1b9: {  	s4 =	sor.u32 $0x14000, s0;
	[sflag:s26] =	ssyncadd.s32 $0xFFFFC000  }
0x1ba: {  	[tilespmem:s22], [sflag:$0x2] =	stream.indirect.gather [hbm4b:s1+s21], $0x80, s4, s21, $0xb8;
	[tilespmem:$0x1DC80] =	vst v63  }
0x1bb: {  	_ =	swait.ge [sflag:s23], $0x4000  }
0x1bc: {  	[sflag:s23] =	ssyncset.done $0x0  }
0x1bd: {  	s6 =	sadd.s32 $0x14F80, s0;
	[sflag:s23] =	ssyncadd.s32 $0xFFFFC000  }
0x1be: {  	[spmem:s2] =	stream.indirect.scatter.add.f32 [tilespmem:s18], [sflag:$0x3], $0x80, s6, s21, $0xb8;
	[tilespmem:$0x1DC80] =	vst v63  }
0x1bf: {  	_ =	swait.ge [sflag:s24], $0x4000  }
0x1c0: {  	[sflag:s24] =	ssyncset.done $0x0  }
0x1c1: {  	s7 =	sor.u32 $0x15000, s0;
	[sflag:s24] =	ssyncadd.s32 $0xFFFFC000  }
0x1c2: {  	[spmem:s2] =	stream.indirect.scatter.add.f32 [tilespmem:s22], [sflag:$0x4], $0x80, s7, s21, $0xb8;
	[tilespmem:$0x1DC80] =	vst v63  }
0x1c3: {  	_ =	swait.ge [sflag:s25], $0x4000  }
0x1c4: {  	[sflag:s25] =	ssyncset.done $0x0  }
0x1c5: {  	s8 =	sadd.s32 $0x14080, s0;
	[sflag:s25] =	ssyncadd.s32 $0xFFFFC000  }
0x1c6: {  	[tilespmem:s18], [sflag:$0x1] =	stream.indirect.gather [hbm4b:s1+s21], $0x80, s8, s21, $0xb8;
	[tilespmem:$0x1DC80] =	vst v63  }
0x1c7: {  	_ =	swait.ge [sflag:s26], $0x4000  }
0x1c8: {  	[sflag:s26] =	ssyncset.done $0x0  }
0x1c9: {  	s16 =	sadd.s32 $0x14100, s0;
	[sflag:s26] =	ssyncadd.s32 $0xFFFFC000  }
0x1ca: {  	[tilespmem:s22], [sflag:$0x2] =	stream.indirect.gather [hbm4b:s1+s21], $0x80, s16, s21, $0xb8;
	[tilespmem:$0x1DC80] =	vst v63  }
0x1cb: {  	_ =	swait.ge [sflag:s23], $0x4000  }
0x1cc: {  	[sflag:s23] =	ssyncset.done $0x0  }
0x1cd: {  	s17 =	sadd.s32 $0x15080, s0;
	[sflag:s23] =	ssyncadd.s32 $0xFFFFC000  }
0x1ce: {  	[spmem:s2] =	stream.indirect.scatter.add.f32 [tilespmem:s18], [sflag:$0x3], $0x80, s17, s21, $0xb8;
	[tilespmem:$0x1DC80] =	vst v63  }
0x1cf: {  	_ =	swait.ge [sflag:s24], $0x4000  }
0x1d0: {  	[sflag:s24] =	ssyncset.done $0x0  }
0x1d1: {  	s4 =	sadd.s32 $0x15100, s0;
	[sflag:s24] =	ssyncadd.s32 $0xFFFFC000  }
0x1d2: {  	[spmem:s2] =	stream.indirect.scatter.add.f32 [tilespmem:s22], [sflag:$0x4], $0x80, s4, s21, $0xb8;
	[tilespmem:$0x1DC80] =	vst v63  }
0x1d3: {  	_ =	swait.ge [sflag:s25], $0x4000  }
0x1d4: {  	[sflag:s25] =	ssyncset.done $0x0  }
0x1d5: {  	s6 =	sadd.s32 $0x14180, s0;
	[sflag:s25] =	ssyncadd.s32 $0xFFFFC000  }
0x1d6: {  	[tilespmem:s18], [sflag:$0x1] =	stream.indirect.gather [hbm4b:s1+s21], $0x80, s6, s21, $0xb8;
	[tilespmem:$0x1DC80] =	vst v63  }
0x1d7: {  	_ =	swait.ge [sflag:s26], $0x4000  }
0x1d8: {  	[sflag:s26] =	ssyncset.done $0x0  }
0x1d9: {  	s7 =	sadd.s32 $0x14200, s0;
	[sflag:s26] =	ssyncadd.s32 $0xFFFFC000  }
0x1da: {  	[tilespmem:s22], [sflag:$0x2] =	stream.indirect.gather [hbm4b:s1+s21], $0x80, s7, s21, $0xb8;
	[tilespmem:$0x1DC80] =	vst v63  }
0x1db: {  	_ =	swait.ge [sflag:s23], $0x4000  }
0x1dc: {  	[sflag:s23] =	ssyncset.done $0x0  }
0x1dd: {  	s8 =	sadd.s32 $0x15180, s0;
	[sflag:s23] =	ssyncadd.s32 $0xFFFFC000  }
0x1de: {  	[spmem:s2] =	stream.indirect.scatter.add.f32 [tilespmem:s18], [sflag:$0x3], $0x80, s8, s21, $0xb8;
	[tilespmem:$0x1DC80] =	vst v63  }
0x1df: {  	_ =	swait.ge [sflag:s24], $0x4000  }
0x1e0: {  	[sflag:s24] =	ssyncset.done $0x0  }
0x1e1: {  	s16 =	sadd.s32 $0x15200, s0;
	[sflag:s24] =	ssyncadd.s32 $0xFFFFC000  }
0x1e2: {  	[spmem:s2] =	stream.indirect.scatter.add.f32 [tilespmem:s22], [sflag:$0x4], $0x80, s16, s21, $0xb8;
	[tilespmem:$0x1DC80] =	vst v63  }
0x1e3: {  	_ =	swait.ge [sflag:s25], $0x4000  }
0x1e4: {  	[sflag:s25] =	ssyncset.done $0x0  }
0x1e5: {  	s17 =	sadd.s32 $0x14280, s0;
	[sflag:s25] =	ssyncadd.s32 $0xFFFFC000  }
0x1e6: {  	[tilespmem:s18], [sflag:$0x1] =	stream.indirect.gather [hbm4b:s1+s21], $0x80, s17, s21, $0xb8;
	[tilespmem:$0x1DC80] =	vst v63  }
0x1e7: {  	_ =	swait.ge [sflag:s26], $0x4000  }
0x1e8: {  	[sflag:s26] =	ssyncset.done $0x0  }
0x1e9: {  	s4 =	sadd.s32 $0x14300, s0;
	[sflag:s26] =	ssyncadd.s32 $0xFFFFC000  }
0x1ea: {  	[tilespmem:s22], [sflag:$0x2] =	stream.indirect.gather [hbm4b:s1+s21], $0x80, s4, s21, $0xb8;
	[tilespmem:$0x1DC80] =	vst v63  }
0x1eb: {  	_ =	swait.ge [sflag:s23], $0x4000  }
0x1ec: {  	[sflag:s23] =	ssyncset.done $0x0  }
0x1ed: {  	s6 =	sadd.s32 $0x15280, s0;
	[sflag:s23] =	ssyncadd.s32 $0xFFFFC000  }
0x1ee: {  	[spmem:s2] =	stream.indirect.scatter.add.f32 [tilespmem:s18], [sflag:$0x3], $0x80, s6, s21, $0xb8;
	[tilespmem:$0x1DC80] =	vst v63  }
0x1ef: {  	_ =	swait.ge [sflag:s24], $0x4000  }
0x1f0: {  	[sflag:s24] =	ssyncset.done $0x0  }
0x1f1: {  	s7 =	sadd.s32 $0x15300, s0;
	[sflag:s24] =	ssyncadd.s32 $0xFFFFC000  }
0x1f2: {  	[spmem:s2] =	stream.indirect.scatter.add.f32 [tilespmem:s22], [sflag:$0x4], $0x80, s7, s21, $0xb8;
	[tilespmem:$0x1DC80] =	vst v63  }
0x1f3: {  	_ =	swait.ge [sflag:s25], $0x4000  }
0x1f4: {  	[sflag:s25] =	ssyncset.done $0x0  }
0x1f5: {  	s8 =	sadd.s32 $0x14380, s0;
	[sflag:s25] =	ssyncadd.s32 $0xFFFFC000  }
0x1f6: {  	[tilespmem:s18], [sflag:$0x1] =	stream.indirect.gather [hbm4b:s1+s21], $0x80, s8, s21, $0xb8;
	[tilespmem:$0x1DC80] =	vst v63  }
0x1f7: {  	_ =	swait.ge [sflag:s26], $0x4000  }
0x1f8: {  	[sflag:s26] =	ssyncset.done $0x0  }
0x1f9: {  	s31 =	sadd.s32 $0x100, s31;
	s16 =	sadd.s32 $0x14400, s0;
	[sflag:s26] =	ssyncadd.s32 $0xFFFFC000  }
0x1fa: {  	[tilespmem:s22], [sflag:$0x2] =	stream.indirect.gather [hbm4b:s1+s21], $0x80, s16, s21, $0xb8;
	[tilespmem:$0x1DC80] =	vst v63  }
0x1fb: {  	p2 =	seq.s32 s31, $0x500;
	_ =	swait.ge [sflag:s23], $0x4000  }
.Ltmp4:
0x1fc: {  	[sflag:s23] =	ssyncset.done $0x0;
	(pc) =	sbr.rel @!p2 .LBB2_5-.Ltmp4, $4  }
0x1fd: {  	s17 =	sadd.s32 $0x15380, s0;
	[sflag:s23] =	ssyncadd.s32 $0xFFFFC000  }
0x1fe: {  	[spmem:s2] =	stream.indirect.scatter.add.f32 [tilespmem:s18], [sflag:$0x3], $0x80, s17, s21, $0xb8;
	[tilespmem:$0x1DC80] =	vst v63  }
0x1ff: {  	s30 =	sadd.s32 $0x800, s30;
	_ =	swait.ge [sflag:s24], $0x4000  }
0x200: {  	p3 =	seq.s32 s29, $0x0;
	s0 =	sadd.s32 $0x15400, s0;
	[sflag:s24] =	ssyncset.done $0x0  }
0x201: {  	s3 =	simm.s32 @!p3 $0x5;
	[sflag:s24] =	ssyncadd.s32 $0xFFFFC000  }
0x202: {  	[spmem:s2] =	stream.indirect.scatter.add.f32 [tilespmem:s22], [sflag:$0x4], $0x80, s0, s21, $0xb8;
	[tilespmem:$0x1DC80] =	vst v63  }
0x203: {  	_ =	swait.ge @!p3 [sflag:s3], $0x800  }
0x204: {  	[sflag:s3] =	ssyncset.done @!p3 $0x0  }
0x205: {  	[sflag:s3] =	ssyncadd.s32 @!p3 $0xFFFFF800  }
0x206: {  	s4 =	simm.s32 @!p3 $0x3;
	_ =	swait.ge @!p3 [sflag:s3], $0x800  }
0x207: {  	s7 =	simm.s32 @p3 $0x13C80;
	s8 =	simm.s32 @p3 $0x80;
	[sflag:s3] =	ssyncset.done @!p3 $0x0  }
0x208: {  	s0 =	simm.s32 @p3 $0x15C80;
	s6 =	rddreg [dreg:$0x7];
	[sflag:s3] =	ssyncadd.s32 @!p3 $0xFFFFF800  }
0x209: {  	[tilespmem:s0], [sflag:$0x1] =	stream.indirect.gather @p3 [hbm4b:s1+s8], $0x80, s7, s8, $0xb8;
	[tilespmem:$0x1DC80] =	vst v63  }
0x20a: {  	s16 =	simm.s32 @!p3 $0x80;
	s17 =	rddreg [dreg:$0x6];
	_ =	swait.ge @!p3 [sflag:s4], $0x4000  }
0x20b: {  	s0 =	sand.u32 $0x800, s30;
	s7 =	simm.s32 @!p3 $0x15C80;
	[sflag:s4] =	ssyncset.done @!p3 $0x0  }
0x20c: {  	s8 =	simm.s32 @!p3 $0x4;
	[sflag:s4] =	ssyncadd.s32 @!p3 $0xFFFFC000;
	s4 =	sadd.s32 @!p3 $0x13C80, s0  }
0x20d: {  	[tilespmem:s7], [sflag:$0x1] =	stream.indirect.gather @!p3 [hbm4b:s1+s16], $0x80, s4, s16, $0xb8;
	[tilespmem:$0x1DC80] =	vst v63  }
0x20e: {  	s4 =	sor.u32 @!p3 $0x80, s0;
	_ =	swait.ge @!p3 [sflag:s8], $0x4000  }
0x20f: {  	s4 =	simm.s32 @p3 $0x80;
	[sflag:s8] =	ssyncset.done @!p3 $0x0  }
0x210: {  	s31 =	sadd.s32 $0x13C80, s4;
	[sflag:s8] =	ssyncadd.s32 @!p3 $0xFFFFC000  }
0x211: {  	[tilespmem:s22], [sflag:$0x2] =	stream.indirect.gather [hbm4b:s1+s21], $0x80, s31, s21, $0xb8;
	[tilespmem:$0x1DC80] =	vst v63  }
0x212: {  	s7 =	smov.u32 s0;
	_ =	swait.ge [sflag:s23], $0x4000  }
0x213: {  	s7 =	simm.s32 @p3 $0x0;
	[sflag:s23] =	ssyncset.done $0x0  }
0x214: {  	s7 =	sadd.s32 $0x14C80, s7;
	[sflag:s23] =	ssyncadd.s32 $0xFFFFC000  }
0x215: {  	[spmem:s2] =	stream.indirect.scatter.add.f32 [tilespmem:s18], [sflag:$0x3], $0x80, s7, s21, $0xb8;
	[tilespmem:$0x1DC80] =	vst v63  }
0x216: {  	_ =	swait.ge [sflag:s24], $0x4000  }
0x217: {  	[sflag:s24] =	ssyncset.done $0x0  }
0x218: {  	p2 =	seq.s32 s29, $0x400;
	s4 =	sadd.s32 $0x14C80, s4;
	[sflag:s24] =	ssyncadd.s32 $0xFFFFC000  }
0x219: {  	[spmem:s2] =	stream.indirect.scatter.add.f32 [tilespmem:s22], [sflag:$0x4], $0x80, s4, s21, $0xb8;
	[tilespmem:$0x1DC80] =	vst v63  }
0x21a: {  	s3 =	sadd.s32 s29, s17;
	s7 =	simm.s32 @!p2 $0x0;
	s4 =	ssub.s32 $0x14480, s0  }
0x21b: {  	[tilespmem:s4], [sflag:$0x5] =	stream.linear.gather @!p2 [hbm4b:s3+s7], $0x800, $0x38;
	[tilespmem:$0x1DC80] =	vst v63  }
0x21c: {  	s3 =	ssub.s32 $0x15480, s0;
	s4 =	sadd.s32 s29, s6  }
0x21d: {  	[tilespmem:s3], [sflag:$0x5] =	stream.linear.gather @!p2 [hbm4b:s4+s7], $0x800, $0x38;
	[tilespmem:$0x1DC80] =	vst v63  }
0x21e: {  	_ =	swait.ge [sflag:s25], $0x4000  }
0x21f: {  	[sflag:s25] =	ssyncset.done $0x0  }
0x220: {  	s4 =	sadd.s32 $0x13D80, s0;
	[sflag:s25] =	ssyncadd.s32 $0xFFFFC000  }
0x221: {  	[tilespmem:s18], [sflag:$0x1] =	stream.indirect.gather [hbm4b:s1+s21], $0x80, s4, s21, $0xb8;
	[tilespmem:$0x1DC80] =	vst v63  }
0x222: {  	_ =	swait.ge [sflag:s26], $0x4000  }
0x223: {  	[sflag:s26] =	ssyncset.done $0x0  }
0x224: {  	s6 =	sadd.s32 $0x13E00, s0;
	[sflag:s26] =	ssyncadd.s32 $0xFFFFC000  }
0x225: {  	[tilespmem:s22], [sflag:$0x2] =	stream.indirect.gather [hbm4b:s1+s21], $0x80, s6, s21, $0xb8;
	[tilespmem:$0x1DC80] =	vst v63  }
0x226: {  	_ =	swait.ge [sflag:s23], $0x4000  }
0x227: {  	[sflag:s23] =	ssyncset.done $0x0  }
0x228: {  	s7 =	sadd.s32 $0x14D80, s0;
	[sflag:s23] =	ssyncadd.s32 $0xFFFFC000  }
0x229: {  	[spmem:s2] =	stream.indirect.scatter.add.f32 [tilespmem:s18], [sflag:$0x3], $0x80, s7, s21, $0xb8;
	[tilespmem:$0x1DC80] =	vst v63  }
0x22a: {  	_ =	swait.ge [sflag:s24], $0x4000  }
0x22b: {  	[sflag:s24] =	ssyncset.done $0x0  }
0x22c: {  	s8 =	sadd.s32 $0x14E00, s0;
	[sflag:s24] =	ssyncadd.s32 $0xFFFFC000  }
0x22d: {  	[spmem:s2] =	stream.indirect.scatter.add.f32 [tilespmem:s22], [sflag:$0x4], $0x80, s8, s21, $0xb8;
	[tilespmem:$0x1DC80] =	vst v63  }
0x22e: {  	_ =	swait.ge [sflag:s25], $0x4000  }
0x22f: {  	[sflag:s25] =	ssyncset.done $0x0  }
0x230: {  	s16 =	sadd.s32 $0x13E80, s0;
	[sflag:s25] =	ssyncadd.s32 $0xFFFFC000  }
0x231: {  	[tilespmem:s18], [sflag:$0x1] =	stream.indirect.gather [hbm4b:s1+s21], $0x80, s16, s21, $0xb8;
	[tilespmem:$0x1DC80] =	vst v63  }
0x232: {  	_ =	swait.ge [sflag:s26], $0x4000  }
0x233: {  	[sflag:s26] =	ssyncset.done $0x0  }
0x234: {  	s17 =	sadd.s32 $0x13F00, s0;
	[sflag:s26] =	ssyncadd.s32 $0xFFFFC000  }
0x235: {  	[tilespmem:s22], [sflag:$0x2] =	stream.indirect.gather [hbm4b:s1+s21], $0x80, s17, s21, $0xb8;
	[tilespmem:$0x1DC80] =	vst v63  }
0x236: {  	_ =	swait.ge [sflag:s23], $0x4000  }
0x237: {  	[sflag:s23] =	ssyncset.done $0x0  }
0x238: {  	s29 =	sadd.s32 $0x14E80, s0;
	[sflag:s23] =	ssyncadd.s32 $0xFFFFC000  }
0x239: {  	[spmem:s2] =	stream.indirect.scatter.add.f32 [tilespmem:s18], [sflag:$0x3], $0x80, s29, s21, $0xb8;
	[tilespmem:$0x1DC80] =	vst v63  }
0x23a: {  	_ =	swait.ge [sflag:s24], $0x4000  }
0x23b: {  	[sflag:s24] =	ssyncset.done $0x0  }
0x23c: {  	s30 =	sadd.s32 $0x14F00, s0;
	[sflag:s24] =	ssyncadd.s32 $0xFFFFC000  }
0x23d: {  	[spmem:s2] =	stream.indirect.scatter.add.f32 [tilespmem:s22], [sflag:$0x4], $0x80, s30, s21, $0xb8;
	[tilespmem:$0x1DC80] =	vst v63  }
0x23e: {  	_ =	swait.ge [sflag:s25], $0x4000  }
0x23f: {  	[sflag:s25] =	ssyncset.done $0x0  }
0x240: {  	s31 =	sadd.s32 $0x13F80, s0;
	[sflag:s25] =	ssyncadd.s32 $0xFFFFC000  }
0x241: {  	[tilespmem:s18], [sflag:$0x1] =	stream.indirect.gather [hbm4b:s1+s21], $0x80, s31, s21, $0xb8;
	[tilespmem:$0x1DC80] =	vst v63  }
0x242: {  	_ =	swait.ge [sflag:s26], $0x4000  }
0x243: {  	[sflag:s26] =	ssyncset.done $0x0  }
0x244: {  	s4 =	sor.u32 $0x14000, s0;
	[sflag:s26] =	ssyncadd.s32 $0xFFFFC000  }
0x245: {  	[tilespmem:s22], [sflag:$0x2] =	stream.indirect.gather [hbm4b:s1+s21], $0x80, s4, s21, $0xb8;
	[tilespmem:$0x1DC80] =	vst v63  }
0x246: {  	_ =	swait.ge [sflag:s23], $0x4000  }
0x247: {  	[sflag:s23] =	ssyncset.done $0x0  }
0x248: {  	s6 =	sadd.s32 $0x14F80, s0;
	[sflag:s23] =	ssyncadd.s32 $0xFFFFC000  }
0x249: {  	[spmem:s2] =	stream.indirect.scatter.add.f32 [tilespmem:s18], [sflag:$0x3], $0x80, s6, s21, $0xb8;
	[tilespmem:$0x1DC80] =	vst v63  }
0x24a: {  	_ =	swait.ge [sflag:s24], $0x4000  }
0x24b: {  	[sflag:s24] =	ssyncset.done $0x0  }
0x24c: {  	s7 =	sor.u32 $0x15000, s0;
	[sflag:s24] =	ssyncadd.s32 $0xFFFFC000  }
0x24d: {  	[spmem:s2] =	stream.indirect.scatter.add.f32 [tilespmem:s22], [sflag:$0x4], $0x80, s7, s21, $0xb8;
	[tilespmem:$0x1DC80] =	vst v63  }
0x24e: {  	_ =	swait.ge [sflag:s25], $0x4000  }
0x24f: {  	[sflag:s25] =	ssyncset.done $0x0  }
0x250: {  	s8 =	sadd.s32 $0x14080, s0;
	[sflag:s25] =	ssyncadd.s32 $0xFFFFC000  }
0x251: {  	[tilespmem:s18], [sflag:$0x1] =	stream.indirect.gather [hbm4b:s1+s21], $0x80, s8, s21, $0xb8;
	[tilespmem:$0x1DC80] =	vst v63  }
0x252: {  	_ =	swait.ge [sflag:s26], $0x4000  }
0x253: {  	[sflag:s26] =	ssyncset.done $0x0  }
0x254: {  	s16 =	sadd.s32 $0x14100, s0;
	[sflag:s26] =	ssyncadd.s32 $0xFFFFC000  }
0x255: {  	[tilespmem:s22], [sflag:$0x2] =	stream.indirect.gather [hbm4b:s1+s21], $0x80, s16, s21, $0xb8;
	[tilespmem:$0x1DC80] =	vst v63  }
0x256: {  	_ =	swait.ge [sflag:s23], $0x4000  }
0x257: {  	[sflag:s23] =	ssyncset.done $0x0  }
0x258: {  	s17 =	sadd.s32 $0x15080, s0;
	[sflag:s23] =	ssyncadd.s32 $0xFFFFC000  }
0x259: {  	[spmem:s2] =	stream.indirect.scatter.add.f32 [tilespmem:s18], [sflag:$0x3], $0x80, s17, s21, $0xb8;
	[tilespmem:$0x1DC80] =	vst v63  }
0x25a: {  	_ =	swait.ge [sflag:s24], $0x4000  }
0x25b: {  	[sflag:s24] =	ssyncset.done $0x0  }
0x25c: {  	s29 =	sadd.s32 $0x15100, s0;
	[sflag:s24] =	ssyncadd.s32 $0xFFFFC000  }
0x25d: {  	[spmem:s2] =	stream.indirect.scatter.add.f32 [tilespmem:s22], [sflag:$0x4], $0x80, s29, s21, $0xb8;
	[tilespmem:$0x1DC80] =	vst v63  }
0x25e: {  	_ =	swait.ge [sflag:s25], $0x4000  }
0x25f: {  	[sflag:s25] =	ssyncset.done $0x0  }
0x260: {  	s30 =	sadd.s32 $0x14180, s0;
	[sflag:s25] =	ssyncadd.s32 $0xFFFFC000  }
0x261: {  	[tilespmem:s18], [sflag:$0x1] =	stream.indirect.gather [hbm4b:s1+s21], $0x80, s30, s21, $0xb8;
	[tilespmem:$0x1DC80] =	vst v63  }
0x262: {  	_ =	swait.ge [sflag:s26], $0x4000  }
0x263: {  	[sflag:s26] =	ssyncset.done $0x0  }
0x264: {  	s31 =	sadd.s32 $0x14200, s0;
	[sflag:s26] =	ssyncadd.s32 $0xFFFFC000  }
0x265: {  	[tilespmem:s22], [sflag:$0x2] =	stream.indirect.gather [hbm4b:s1+s21], $0x80, s31, s21, $0xb8;
	[tilespmem:$0x1DC80] =	vst v63  }
0x266: {  	_ =	swait.ge [sflag:s23], $0x4000  }
0x267: {  	[sflag:s23] =	ssyncset.done $0x0  }
0x268: {  	s4 =	sadd.s32 $0x15180, s0;
	[sflag:s23] =	ssyncadd.s32 $0xFFFFC000  }
0x269: {  	[spmem:s2] =	stream.indirect.scatter.add.f32 [tilespmem:s18], [sflag:$0x3], $0x80, s4, s21, $0xb8;
	[tilespmem:$0x1DC80] =	vst v63  }
0x26a: {  	_ =	swait.ge [sflag:s24], $0x4000  }
0x26b: {  	[sflag:s24] =	ssyncset.done $0x0  }
0x26c: {  	s6 =	sadd.s32 $0x15200, s0;
	[sflag:s24] =	ssyncadd.s32 $0xFFFFC000  }
0x26d: {  	[spmem:s2] =	stream.indirect.scatter.add.f32 [tilespmem:s22], [sflag:$0x4], $0x80, s6, s21, $0xb8;
	[tilespmem:$0x1DC80] =	vst v63  }
0x26e: {  	_ =	swait.ge [sflag:s25], $0x4000  }
0x26f: {  	[sflag:s25] =	ssyncset.done $0x0  }
0x270: {  	s7 =	sadd.s32 $0x14280, s0;
	[sflag:s25] =	ssyncadd.s32 $0xFFFFC000  }
0x271: {  	[tilespmem:s18], [sflag:$0x1] =	stream.indirect.gather [hbm4b:s1+s21], $0x80, s7, s21, $0xb8;
	[tilespmem:$0x1DC80] =	vst v63  }
0x272: {  	_ =	swait.ge [sflag:s26], $0x4000  }
0x273: {  	[sflag:s26] =	ssyncset.done $0x0  }
0x274: {  	s8 =	sadd.s32 $0x14300, s0;
	[sflag:s26] =	ssyncadd.s32 $0xFFFFC000  }
0x275: {  	[tilespmem:s22], [sflag:$0x2] =	stream.indirect.gather [hbm4b:s1+s21], $0x80, s8, s21, $0xb8;
	[tilespmem:$0x1DC80] =	vst v63  }
0x276: {  	_ =	swait.ge [sflag:s23], $0x4000  }
0x277: {  	[sflag:s23] =	ssyncset.done $0x0  }
0x278: {  	s16 =	sadd.s32 $0x15280, s0;
	[sflag:s23] =	ssyncadd.s32 $0xFFFFC000  }
0x279: {  	[spmem:s2] =	stream.indirect.scatter.add.f32 [tilespmem:s18], [sflag:$0x3], $0x80, s16, s21, $0xb8;
	[tilespmem:$0x1DC80] =	vst v63  }
0x27a: {  	_ =	swait.ge [sflag:s24], $0x4000  }
0x27b: {  	[sflag:s24] =	ssyncset.done $0x0  }
0x27c: {  	s17 =	sadd.s32 $0x15300, s0;
	[sflag:s24] =	ssyncadd.s32 $0xFFFFC000  }
0x27d: {  	[spmem:s2] =	stream.indirect.scatter.add.f32 [tilespmem:s22], [sflag:$0x4], $0x80, s17, s21, $0xb8;
	[tilespmem:$0x1DC80] =	vst v63  }
0x27e: {  	_ =	swait.ge [sflag:s25], $0x4000  }
0x27f: {  	[sflag:s25] =	ssyncset.done $0x0  }
0x280: {  	s29 =	sadd.s32 $0x14380, s0;
	[sflag:s25] =	ssyncadd.s32 $0xFFFFC000  }
0x281: {  	[tilespmem:s18], [sflag:$0x1] =	stream.indirect.gather [hbm4b:s1+s21], $0x80, s29, s21, $0xb8;
	[tilespmem:$0x1DC80] =	vst v63  }
0x282: {  	_ =	swait.ge [sflag:s26], $0x4000  }
0x283: {  	[sflag:s26] =	ssyncset.done $0x0  }
0x284: {  	s30 =	sadd.s32 $0x14400, s0;
	[sflag:s26] =	ssyncadd.s32 $0xFFFFC000  }
0x285: {  	[tilespmem:s22], [sflag:$0x2] =	stream.indirect.gather [hbm4b:s1+s21], $0x80, s30, s21, $0xb8;
	[tilespmem:$0x1DC80] =	vst v63  }
0x286: {  	_ =	swait.ge [sflag:s23], $0x4000  }
0x287: {  	[sflag:s23] =	ssyncset.done $0x0  }
0x288: {  	s31 =	sadd.s32 $0x15380, s0;
	[sflag:s23] =	ssyncadd.s32 $0xFFFFC000  }
0x289: {  	[spmem:s2] =	stream.indirect.scatter.add.f32 [tilespmem:s18], [sflag:$0x3], $0x80, s31, s21, $0xb8;
	[tilespmem:$0x1DC80] =	vst v63  }
.Ltmp5:
0x28a: {  	_ = 	snop;
	(pc) =	sbr.rel .LBB2_10-.Ltmp5, $4  }
0x28b: {  	_ =	swait.ge [sflag:s24], $0x4000  }
0x28c: {  	[sflag:s24] =	ssyncset.done $0x0  }
0x28d: {  	s0 =	sadd.s32 $0x15400, s0;
	[sflag:s24] =	ssyncadd.s32 $0xFFFFC000  }
0x28e: {  	[spmem:s2] =	stream.indirect.scatter.add.f32 [tilespmem:s22], [sflag:$0x4], $0x80, s0, s21, $0xb8;
	[tilespmem:$0x1DC80] =	vst v63  }
.LBB2_7:
0x28f: {  	s3 =	simm.s32 @!p2 $0x5  }
0x290: {  	_ =	swait.ge @!p2 [sflag:s3], $0x800  }
0x291: {  	[sflag:s3] =	ssyncset.done @!p2 $0x0  }
0x292: {  	[sflag:s3] =	ssyncadd.s32 @!p2 $0xFFFFF800  }
0x293: {  	s4 =	simm.s32 @p2 $0x15C80;
	_ =	swait.ge @!p2 [sflag:s3], $0x800  }
0x294: {  	s6 =	simm.s32 @!p2 $0x3;
	s8 =	simm.s32 @p2 $0x13C80;
	[sflag:s3] =	ssyncset.done @!p2 $0x0  }
0x295: {  	s16 =	simm.s32 @p2 $0x80;
	s7 =	rddreg [dreg:$0x5];
	[sflag:s3] =	ssyncadd.s32 @!p2 $0xFFFFF800  }
0x296: {  	[tilespmem:s4], [sflag:$0x1] =	stream.indirect.gather @p2 [hbm4b:s1+s16], $0x80, s8, s16, $0xb8;
	[tilespmem:$0x1DC80] =	vst v63  }
0x297: {  	s0 =	sand.u32 $0x800, s0;
	s3 =	rddreg [dreg:$0x4];
	_ =	swait.ge @!p2 [sflag:s6], $0x4000  }
0x298: {  	s4 =	simm.s32 @!p2 $0x15C80;
	s8 =	simm.s32 @!p2 $0x4;
	[sflag:s6] =	ssyncset.done @!p2 $0x0  }
0x299: {  	s16 =	simm.s32 @!p2 $0x80;
	[sflag:s6] =	ssyncadd.s32 @!p2 $0xFFFFC000;
	s6 =	sadd.s32 @!p2 $0x13C80, s0  }
0x29a: {  	[tilespmem:s4], [sflag:$0x1] =	stream.indirect.gather @!p2 [hbm4b:s1+s16], $0x80, s6, s16, $0xb8;
	[tilespmem:$0x1DC80] =	vst v63  }
0x29b: {  	s4 =	sor.u32 @!p2 $0x80, s0;
	_ =	swait.ge @!p2 [sflag:s8], $0x4000  }
0x29c: {  	s4 =	simm.s32 @p2 $0x80;
	[sflag:s8] =	ssyncset.done @!p2 $0x0  }
0x29d: {  	s17 =	sadd.s32 $0x13C80, s4;
	[sflag:s8] =	ssyncadd.s32 @!p2 $0xFFFFC000  }
0x29e: {  	[tilespmem:s22], [sflag:$0x2] =	stream.indirect.gather [hbm4b:s1+s21], $0x80, s17, s21, $0xb8;
	[tilespmem:$0x1DC80] =	vst v63  }
0x29f: {  	s6 =	smov.u32 s0;
	_ =	swait.ge [sflag:s23], $0x4000  }
0x2a0: {  	s6 =	simm.s32 @p2 $0x0;
	[sflag:s23] =	ssyncset.done $0x0  }
0x2a1: {  	s6 =	sadd.s32 $0x14C80, s6;
	[sflag:s23] =	ssyncadd.s32 $0xFFFFC000  }
0x2a2: {  	[spmem:s2] =	stream.indirect.scatter.add.f32 [tilespmem:s18], [sflag:$0x3], $0x80, s6, s21, $0xb8;
	[tilespmem:$0x1DC80] =	vst v63  }
0x2a3: {  	_ =	swait.ge [sflag:s24], $0x4000  }
0x2a4: {  	[sflag:s24] =	ssyncset.done $0x0  }
0x2a5: {  	s4 =	sadd.s32 $0x14C80, s4;
	p2 =	por $0x0, $0x0;
	[sflag:s24] =	ssyncadd.s32 $0xFFFFC000  }
0x2a6: {  	[spmem:s2] =	stream.indirect.scatter.add.f32 [tilespmem:s22], [sflag:$0x4], $0x80, s4, s21, $0xb8;
	[tilespmem:$0x1DC80] =	vst v63  }
0x2a7: {  	s3 =	sadd.s32 $0x0, s3;
	s6 =	simm.s32 @!p2 $0x0;
	s4 =	ssub.s32 $0x14480, s0  }
0x2a8: {  	[tilespmem:s4], [sflag:$0x5] =	stream.linear.gather @!p2 [hbm4b:s3+s6], $0x800, $0x38;
	[tilespmem:$0x1DC80] =	vst v63  }
0x2a9: {  	s3 =	ssub.s32 $0x15480, s0;
	s4 =	sadd.s32 $0x0, s7  }
0x2aa: {  	[tilespmem:s3], [sflag:$0x5] =	stream.linear.gather @!p2 [hbm4b:s4+s6], $0x800, $0x38;
	[tilespmem:$0x1DC80] =	vst v63  }
0x2ab: {  	_ =	swait.ge [sflag:s25], $0x4000  }
0x2ac: {  	[sflag:s25] =	ssyncset.done $0x0  }
0x2ad: {  	s8 =	sadd.s32 $0x13D80, s0;
	[sflag:s25] =	ssyncadd.s32 $0xFFFFC000  }
0x2ae: {  	[tilespmem:s18], [sflag:$0x1] =	stream.indirect.gather [hbm4b:s1+s21], $0x80, s8, s21, $0xb8;
	[tilespmem:$0x1DC80] =	vst v63  }
0x2af: {  	_ =	swait.ge [sflag:s26], $0x4000  }
0x2b0: {  	[sflag:s26] =	ssyncset.done $0x0  }
0x2b1: {  	s16 =	sadd.s32 $0x13E00, s0;
	[sflag:s26] =	ssyncadd.s32 $0xFFFFC000  }
0x2b2: {  	[tilespmem:s22], [sflag:$0x2] =	stream.indirect.gather [hbm4b:s1+s21], $0x80, s16, s21, $0xb8;
	[tilespmem:$0x1DC80] =	vst v63  }
0x2b3: {  	_ =	swait.ge [sflag:s23], $0x4000  }
0x2b4: {  	[sflag:s23] =	ssyncset.done $0x0  }
0x2b5: {  	s17 =	sadd.s32 $0x14D80, s0;
	[sflag:s23] =	ssyncadd.s32 $0xFFFFC000  }
0x2b6: {  	[spmem:s2] =	stream.indirect.scatter.add.f32 [tilespmem:s18], [sflag:$0x3], $0x80, s17, s21, $0xb8;
	[tilespmem:$0x1DC80] =	vst v63  }
0x2b7: {  	_ =	swait.ge [sflag:s24], $0x4000  }
0x2b8: {  	[sflag:s24] =	ssyncset.done $0x0  }
0x2b9: {  	s4 =	sadd.s32 $0x14E00, s0;
	[sflag:s24] =	ssyncadd.s32 $0xFFFFC000  }
0x2ba: {  	[spmem:s2] =	stream.indirect.scatter.add.f32 [tilespmem:s22], [sflag:$0x4], $0x80, s4, s21, $0xb8;
	[tilespmem:$0x1DC80] =	vst v63  }
0x2bb: {  	_ =	swait.ge [sflag:s25], $0x4000  }
0x2bc: {  	[sflag:s25] =	ssyncset.done $0x0  }
0x2bd: {  	s6 =	sadd.s32 $0x13E80, s0;
	[sflag:s25] =	ssyncadd.s32 $0xFFFFC000  }
0x2be: {  	[tilespmem:s18], [sflag:$0x1] =	stream.indirect.gather [hbm4b:s1+s21], $0x80, s6, s21, $0xb8;
	[tilespmem:$0x1DC80] =	vst v63  }
0x2bf: {  	_ =	swait.ge [sflag:s26], $0x4000  }
0x2c0: {  	[sflag:s26] =	ssyncset.done $0x0  }
0x2c1: {  	s7 =	sadd.s32 $0x13F00, s0;
	[sflag:s26] =	ssyncadd.s32 $0xFFFFC000  }
0x2c2: {  	[tilespmem:s22], [sflag:$0x2] =	stream.indirect.gather [hbm4b:s1+s21], $0x80, s7, s21, $0xb8;
	[tilespmem:$0x1DC80] =	vst v63  }
0x2c3: {  	_ =	swait.ge [sflag:s23], $0x4000  }
0x2c4: {  	[sflag:s23] =	ssyncset.done $0x0  }
0x2c5: {  	s8 =	sadd.s32 $0x14E80, s0;
	[sflag:s23] =	ssyncadd.s32 $0xFFFFC000  }
0x2c6: {  	[spmem:s2] =	stream.indirect.scatter.add.f32 [tilespmem:s18], [sflag:$0x3], $0x80, s8, s21, $0xb8;
	[tilespmem:$0x1DC80] =	vst v63  }
0x2c7: {  	_ =	swait.ge [sflag:s24], $0x4000  }
0x2c8: {  	[sflag:s24] =	ssyncset.done $0x0  }
0x2c9: {  	s16 =	sadd.s32 $0x14F00, s0;
	[sflag:s24] =	ssyncadd.s32 $0xFFFFC000  }
0x2ca: {  	[spmem:s2] =	stream.indirect.scatter.add.f32 [tilespmem:s22], [sflag:$0x4], $0x80, s16, s21, $0xb8;
	[tilespmem:$0x1DC80] =	vst v63  }
0x2cb: {  	_ =	swait.ge [sflag:s25], $0x4000  }
0x2cc: {  	[sflag:s25] =	ssyncset.done $0x0  }
0x2cd: {  	s17 =	sadd.s32 $0x13F80, s0;
	[sflag:s25] =	ssyncadd.s32 $0xFFFFC000  }
0x2ce: {  	[tilespmem:s18], [sflag:$0x1] =	stream.indirect.gather [hbm4b:s1+s21], $0x80, s17, s21, $0xb8;
	[tilespmem:$0x1DC80] =	vst v63  }
0x2cf: {  	_ =	swait.ge [sflag:s26], $0x4000  }
0x2d0: {  	[sflag:s26] =	ssyncset.done $0x0  }
0x2d1: {  	s4 =	sor.u32 $0x14000, s0;
	[sflag:s26] =	ssyncadd.s32 $0xFFFFC000  }
0x2d2: {  	[tilespmem:s22], [sflag:$0x2] =	stream.indirect.gather [hbm4b:s1+s21], $0x80, s4, s21, $0xb8;
	[tilespmem:$0x1DC80] =	vst v63  }
0x2d3: {  	_ =	swait.ge [sflag:s23], $0x4000  }
0x2d4: {  	[sflag:s23] =	ssyncset.done $0x0  }
0x2d5: {  	s6 =	sadd.s32 $0x14F80, s0;
	[sflag:s23] =	ssyncadd.s32 $0xFFFFC000  }
0x2d6: {  	[spmem:s2] =	stream.indirect.scatter.add.f32 [tilespmem:s18], [sflag:$0x3], $0x80, s6, s21, $0xb8;
	[tilespmem:$0x1DC80] =	vst v63  }
0x2d7: {  	_ =	swait.ge [sflag:s24], $0x4000  }
0x2d8: {  	[sflag:s24] =	ssyncset.done $0x0  }
0x2d9: {  	s7 =	sor.u32 $0x15000, s0;
	[sflag:s24] =	ssyncadd.s32 $0xFFFFC000  }
0x2da: {  	[spmem:s2] =	stream.indirect.scatter.add.f32 [tilespmem:s22], [sflag:$0x4], $0x80, s7, s21, $0xb8;
	[tilespmem:$0x1DC80] =	vst v63  }
0x2db: {  	_ =	swait.ge [sflag:s25], $0x4000  }
0x2dc: {  	[sflag:s25] =	ssyncset.done $0x0  }
0x2dd: {  	s8 =	sadd.s32 $0x14080, s0;
	[sflag:s25] =	ssyncadd.s32 $0xFFFFC000  }
0x2de: {  	[tilespmem:s18], [sflag:$0x1] =	stream.indirect.gather [hbm4b:s1+s21], $0x80, s8, s21, $0xb8;
	[tilespmem:$0x1DC80] =	vst v63  }
0x2df: {  	_ =	swait.ge [sflag:s26], $0x4000  }
0x2e0: {  	[sflag:s26] =	ssyncset.done $0x0  }
0x2e1: {  	s16 =	sadd.s32 $0x14100, s0;
	[sflag:s26] =	ssyncadd.s32 $0xFFFFC000  }
0x2e2: {  	[tilespmem:s22], [sflag:$0x2] =	stream.indirect.gather [hbm4b:s1+s21], $0x80, s16, s21, $0xb8;
	[tilespmem:$0x1DC80] =	vst v63  }
0x2e3: {  	_ =	swait.ge [sflag:s23], $0x4000  }
0x2e4: {  	[sflag:s23] =	ssyncset.done $0x0  }
0x2e5: {  	s17 =	sadd.s32 $0x15080, s0;
	[sflag:s23] =	ssyncadd.s32 $0xFFFFC000  }
0x2e6: {  	[spmem:s2] =	stream.indirect.scatter.add.f32 [tilespmem:s18], [sflag:$0x3], $0x80, s17, s21, $0xb8;
	[tilespmem:$0x1DC80] =	vst v63  }
0x2e7: {  	_ =	swait.ge [sflag:s24], $0x4000  }
0x2e8: {  	[sflag:s24] =	ssyncset.done $0x0  }
0x2e9: {  	s4 =	sadd.s32 $0x15100, s0;
	[sflag:s24] =	ssyncadd.s32 $0xFFFFC000  }
0x2ea: {  	[spmem:s2] =	stream.indirect.scatter.add.f32 [tilespmem:s22], [sflag:$0x4], $0x80, s4, s21, $0xb8;
	[tilespmem:$0x1DC80] =	vst v63  }
0x2eb: {  	_ =	swait.ge [sflag:s25], $0x4000  }
0x2ec: {  	[sflag:s25] =	ssyncset.done $0x0  }
0x2ed: {  	s6 =	sadd.s32 $0x14180, s0;
	[sflag:s25] =	ssyncadd.s32 $0xFFFFC000  }
0x2ee: {  	[tilespmem:s18], [sflag:$0x1] =	stream.indirect.gather [hbm4b:s1+s21], $0x80, s6, s21, $0xb8;
	[tilespmem:$0x1DC80] =	vst v63  }
0x2ef: {  	_ =	swait.ge [sflag:s26], $0x4000  }
0x2f0: {  	[sflag:s26] =	ssyncset.done $0x0  }
0x2f1: {  	s7 =	sadd.s32 $0x14200, s0;
	[sflag:s26] =	ssyncadd.s32 $0xFFFFC000  }
0x2f2: {  	[tilespmem:s22], [sflag:$0x2] =	stream.indirect.gather [hbm4b:s1+s21], $0x80, s7, s21, $0xb8;
	[tilespmem:$0x1DC80] =	vst v63  }
0x2f3: {  	_ =	swait.ge [sflag:s23], $0x4000  }
0x2f4: {  	[sflag:s23] =	ssyncset.done $0x0  }
0x2f5: {  	s8 =	sadd.s32 $0x15180, s0;
	[sflag:s23] =	ssyncadd.s32 $0xFFFFC000  }
0x2f6: {  	[spmem:s2] =	stream.indirect.scatter.add.f32 [tilespmem:s18], [sflag:$0x3], $0x80, s8, s21, $0xb8;
	[tilespmem:$0x1DC80] =	vst v63  }
0x2f7: {  	_ =	swait.ge [sflag:s24], $0x4000  }
0x2f8: {  	[sflag:s24] =	ssyncset.done $0x0  }
0x2f9: {  	s16 =	sadd.s32 $0x15200, s0;
	[sflag:s24] =	ssyncadd.s32 $0xFFFFC000  }
0x2fa: {  	[spmem:s2] =	stream.indirect.scatter.add.f32 [tilespmem:s22], [sflag:$0x4], $0x80, s16, s21, $0xb8;
	[tilespmem:$0x1DC80] =	vst v63  }
0x2fb: {  	_ =	swait.ge [sflag:s25], $0x4000  }
0x2fc: {  	[sflag:s25] =	ssyncset.done $0x0  }
0x2fd: {  	s17 =	sadd.s32 $0x14280, s0;
	[sflag:s25] =	ssyncadd.s32 $0xFFFFC000  }
0x2fe: {  	[tilespmem:s18], [sflag:$0x1] =	stream.indirect.gather [hbm4b:s1+s21], $0x80, s17, s21, $0xb8;
	[tilespmem:$0x1DC80] =	vst v63  }
0x2ff: {  	_ =	swait.ge [sflag:s26], $0x4000  }
0x300: {  	[sflag:s26] =	ssyncset.done $0x0  }
0x301: {  	s4 =	sadd.s32 $0x14300, s0;
	[sflag:s26] =	ssyncadd.s32 $0xFFFFC000  }
0x302: {  	[tilespmem:s22], [sflag:$0x2] =	stream.indirect.gather [hbm4b:s1+s21], $0x80, s4, s21, $0xb8;
	[tilespmem:$0x1DC80] =	vst v63  }
0x303: {  	_ =	swait.ge [sflag:s23], $0x4000  }
0x304: {  	[sflag:s23] =	ssyncset.done $0x0  }
0x305: {  	s6 =	sadd.s32 $0x15280, s0;
	[sflag:s23] =	ssyncadd.s32 $0xFFFFC000  }
0x306: {  	[spmem:s2] =	stream.indirect.scatter.add.f32 [tilespmem:s18], [sflag:$0x3], $0x80, s6, s21, $0xb8;
	[tilespmem:$0x1DC80] =	vst v63  }
0x307: {  	_ =	swait.ge [sflag:s24], $0x4000  }
0x308: {  	[sflag:s24] =	ssyncset.done $0x0  }
0x309: {  	s7 =	sadd.s32 $0x15300, s0;
	[sflag:s24] =	ssyncadd.s32 $0xFFFFC000  }
0x30a: {  	[spmem:s2] =	stream.indirect.scatter.add.f32 [tilespmem:s22], [sflag:$0x4], $0x80, s7, s21, $0xb8;
	[tilespmem:$0x1DC80] =	vst v63  }
0x30b: {  	_ =	swait.ge [sflag:s25], $0x4000  }
0x30c: {  	[sflag:s25] =	ssyncset.done $0x0  }
0x30d: {  	s8 =	sadd.s32 $0x14380, s0;
	[sflag:s25] =	ssyncadd.s32 $0xFFFFC000  }
0x30e: {  	[tilespmem:s18], [sflag:$0x1] =	stream.indirect.gather [hbm4b:s1+s21], $0x80, s8, s21, $0xb8;
	[tilespmem:$0x1DC80] =	vst v63  }
0x30f: {  	_ =	swait.ge [sflag:s26], $0x4000  }
0x310: {  	[sflag:s26] =	ssyncset.done $0x0  }
0x311: {  	s16 =	sadd.s32 $0x14400, s0;
	[sflag:s26] =	ssyncadd.s32 $0xFFFFC000  }
0x312: {  	[tilespmem:s22], [sflag:$0x2] =	stream.indirect.gather [hbm4b:s1+s21], $0x80, s16, s21, $0xb8;
	[tilespmem:$0x1DC80] =	vst v63  }
0x313: {  	_ =	swait.ge [sflag:s23], $0x4000  }
0x314: {  	[sflag:s23] =	ssyncset.done $0x0  }
0x315: {  	s29 =	simm.s32 $0x100;
	s17 =	sadd.s32 $0x15380, s0;
	[sflag:s23] =	ssyncadd.s32 $0xFFFFC000  }
0x316: {  	[spmem:s2] =	stream.indirect.scatter.add.f32 [tilespmem:s18], [sflag:$0x3], $0x80, s17, s21, $0xb8;
	[tilespmem:$0x1DC80] =	vst v63  }
0x317: {  	s31 =	simm.s32 $0x200;
	s30 =	simm.s32 $0x800;
	_ =	swait.ge [sflag:s24], $0x4000  }
0x318: {  	p3 =	por $0x0, $0x0;
	s0 =	sadd.s32 $0x15400, s0;
	[sflag:s24] =	ssyncset.done $0x0  }
.LBB2_8:
0x319: {  	s3 =	simm.s32 @!p3 $0x5;
	[sflag:s24] =	ssyncadd.s32 $0xFFFFC000  }
0x31a: {  	[spmem:s2] =	stream.indirect.scatter.add.f32 [tilespmem:s22], [sflag:$0x4], $0x80, s0, s21, $0xb8;
	[tilespmem:$0x1DC80] =	vst v63  }
0x31b: {  	_ =	swait.ge @!p3 [sflag:s3], $0x800  }
0x31c: {  	[sflag:s3] =	ssyncset.done @!p3 $0x0  }
0x31d: {  	[sflag:s3] =	ssyncadd.s32 @!p3 $0xFFFFF800  }
0x31e: {  	s4 =	simm.s32 @!p3 $0x3;
	_ =	swait.ge @!p3 [sflag:s3], $0x800  }
0x31f: {  	s7 =	simm.s32 @p3 $0x13C80;
	s8 =	simm.s32 @p3 $0x80;
	[sflag:s3] =	ssyncset.done @!p3 $0x0  }
0x320: {  	s0 =	simm.s32 @p3 $0x15C80;
	s6 =	rddreg [dreg:$0x5];
	[sflag:s3] =	ssyncadd.s32 @!p3 $0xFFFFF800  }
0x321: {  	[tilespmem:s0], [sflag:$0x1] =	stream.indirect.gather @p3 [hbm4b:s1+s8], $0x80, s7, s8, $0xb8;
	[tilespmem:$0x1DC80] =	vst v63  }
0x322: {  	s17 =	simm.s32 @!p3 $0x80;
	s3 =	rddreg [dreg:$0x4];
	_ =	swait.ge @!p3 [sflag:s4], $0x4000  }
0x323: {  	s0 =	sand.u32 $0x800, s30;
	s7 =	simm.s32 @!p3 $0x15C80;
	[sflag:s4] =	ssyncset.done @!p3 $0x0  }
0x324: {  	s8 =	simm.s32 @!p3 $0x4;
	[sflag:s4] =	ssyncadd.s32 @!p3 $0xFFFFC000;
	s4 =	sadd.s32 @!p3 $0x13C80, s0  }
0x325: {  	[tilespmem:s7], [sflag:$0x1] =	stream.indirect.gather @!p3 [hbm4b:s1+s17], $0x80, s4, s17, $0xb8;
	[tilespmem:$0x1DC80] =	vst v63  }
0x326: {  	s4 =	sor.u32 @!p3 $0x80, s0;
	_ =	swait.ge @!p3 [sflag:s8], $0x4000  }
0x327: {  	s4 =	simm.s32 @p3 $0x80;
	[sflag:s8] =	ssyncset.done @!p3 $0x0  }
0x328: {  	s17 =	sadd.s32 $0x13C80, s4;
	[sflag:s8] =	ssyncadd.s32 @!p3 $0xFFFFC000  }
0x329: {  	[tilespmem:s22], [sflag:$0x2] =	stream.indirect.gather [hbm4b:s1+s21], $0x80, s17, s21, $0xb8;
	[tilespmem:$0x1DC80] =	vst v63  }
0x32a: {  	s7 =	smov.u32 s0;
	_ =	swait.ge [sflag:s23], $0x4000  }
0x32b: {  	s7 =	simm.s32 @p3 $0x0;
	[sflag:s23] =	ssyncset.done $0x0  }
0x32c: {  	s7 =	sadd.s32 $0x14C80, s7;
	[sflag:s23] =	ssyncadd.s32 $0xFFFFC000  }
0x32d: {  	[spmem:s2] =	stream.indirect.scatter.add.f32 [tilespmem:s18], [sflag:$0x3], $0x80, s7, s21, $0xb8;
	[tilespmem:$0x1DC80] =	vst v63  }
0x32e: {  	_ =	swait.ge [sflag:s24], $0x4000  }
0x32f: {  	[sflag:s24] =	ssyncset.done $0x0  }
0x330: {  	s4 =	sadd.s32 $0x14C80, s4;
	p3 =	seq.s32 s29, $0x400;
	[sflag:s24] =	ssyncadd.s32 $0xFFFFC000  }
0x331: {  	[spmem:s2] =	stream.indirect.scatter.add.f32 [tilespmem:s22], [sflag:$0x4], $0x80, s4, s21, $0xb8;
	[tilespmem:$0x1DC80] =	vst v63  }
0x332: {  	s3 =	sadd.s32 s29, s3;
	s7 =	simm.s32 @!p3 $0x0;
	s4 =	ssub.s32 $0x14480, s0  }
0x333: {  	[tilespmem:s4], [sflag:$0x5] =	stream.linear.gather @!p3 [hbm4b:s3+s7], $0x800, $0x38;
	[tilespmem:$0x1DC80] =	vst v63  }
0x334: {  	s3 =	ssub.s32 $0x15480, s0;
	s4 =	sadd.s32 s29, s6  }
0x335: {  	[tilespmem:s3], [sflag:$0x5] =	stream.linear.gather @!p3 [hbm4b:s4+s7], $0x800, $0x38;
	[tilespmem:$0x1DC80] =	vst v63  }
0x336: {  	_ =	swait.ge [sflag:s25], $0x4000  }
0x337: {  	[sflag:s25] =	ssyncset.done $0x0  }
0x338: {  	s8 =	sadd.s32 $0x13D80, s0;
	[sflag:s25] =	ssyncadd.s32 $0xFFFFC000  }
0x339: {  	[tilespmem:s18], [sflag:$0x1] =	stream.indirect.gather [hbm4b:s1+s21], $0x80, s8, s21, $0xb8;
	[tilespmem:$0x1DC80] =	vst v63  }
0x33a: {  	_ =	swait.ge [sflag:s26], $0x4000  }
0x33b: {  	s16 =	smov.u32 s31;
	[sflag:s26] =	ssyncset.done $0x0  }
0x33c: {  	s29 =	smov.u32 s16;
	s16 =	sadd.s32 $0x13E00, s0;
	[sflag:s26] =	ssyncadd.s32 $0xFFFFC000  }
0x33d: {  	[tilespmem:s22], [sflag:$0x2] =	stream.indirect.gather [hbm4b:s1+s21], $0x80, s16, s21, $0xb8;
	[tilespmem:$0x1DC80] =	vst v63  }
0x33e: {  	_ =	swait.ge [sflag:s23], $0x4000  }
0x33f: {  	[sflag:s23] =	ssyncset.done $0x0  }
0x340: {  	s17 =	sadd.s32 $0x14D80, s0;
	[sflag:s23] =	ssyncadd.s32 $0xFFFFC000  }
0x341: {  	[spmem:s2] =	stream.indirect.scatter.add.f32 [tilespmem:s18], [sflag:$0x3], $0x80, s17, s21, $0xb8;
	[tilespmem:$0x1DC80] =	vst v63  }
0x342: {  	_ =	swait.ge [sflag:s24], $0x4000  }
0x343: {  	[sflag:s24] =	ssyncset.done $0x0  }
0x344: {  	s4 =	sadd.s32 $0x14E00, s0;
	[sflag:s24] =	ssyncadd.s32 $0xFFFFC000  }
0x345: {  	[spmem:s2] =	stream.indirect.scatter.add.f32 [tilespmem:s22], [sflag:$0x4], $0x80, s4, s21, $0xb8;
	[tilespmem:$0x1DC80] =	vst v63  }
0x346: {  	_ =	swait.ge [sflag:s25], $0x4000  }
0x347: {  	[sflag:s25] =	ssyncset.done $0x0  }
0x348: {  	s6 =	sadd.s32 $0x13E80, s0;
	[sflag:s25] =	ssyncadd.s32 $0xFFFFC000  }
0x349: {  	[tilespmem:s18], [sflag:$0x1] =	stream.indirect.gather [hbm4b:s1+s21], $0x80, s6, s21, $0xb8;
	[tilespmem:$0x1DC80] =	vst v63  }
0x34a: {  	_ =	swait.ge [sflag:s26], $0x4000  }
0x34b: {  	[sflag:s26] =	ssyncset.done $0x0  }
0x34c: {  	s7 =	sadd.s32 $0x13F00, s0;
	[sflag:s26] =	ssyncadd.s32 $0xFFFFC000  }
0x34d: {  	[tilespmem:s22], [sflag:$0x2] =	stream.indirect.gather [hbm4b:s1+s21], $0x80, s7, s21, $0xb8;
	[tilespmem:$0x1DC80] =	vst v63  }
0x34e: {  	_ =	swait.ge [sflag:s23], $0x4000  }
0x34f: {  	[sflag:s23] =	ssyncset.done $0x0  }
0x350: {  	s8 =	sadd.s32 $0x14E80, s0;
	[sflag:s23] =	ssyncadd.s32 $0xFFFFC000  }
0x351: {  	[spmem:s2] =	stream.indirect.scatter.add.f32 [tilespmem:s18], [sflag:$0x3], $0x80, s8, s21, $0xb8;
	[tilespmem:$0x1DC80] =	vst v63  }
0x352: {  	_ =	swait.ge [sflag:s24], $0x4000  }
0x353: {  	[sflag:s24] =	ssyncset.done $0x0  }
0x354: {  	s16 =	sadd.s32 $0x14F00, s0;
	[sflag:s24] =	ssyncadd.s32 $0xFFFFC000  }
0x355: {  	[spmem:s2] =	stream.indirect.scatter.add.f32 [tilespmem:s22], [sflag:$0x4], $0x80, s16, s21, $0xb8;
	[tilespmem:$0x1DC80] =	vst v63  }
0x356: {  	_ =	swait.ge [sflag:s25], $0x4000  }
0x357: {  	[sflag:s25] =	ssyncset.done $0x0  }
0x358: {  	s17 =	sadd.s32 $0x13F80, s0;
	[sflag:s25] =	ssyncadd.s32 $0xFFFFC000  }
0x359: {  	[tilespmem:s18], [sflag:$0x1] =	stream.indirect.gather [hbm4b:s1+s21], $0x80, s17, s21, $0xb8;
	[tilespmem:$0x1DC80] =	vst v63  }
0x35a: {  	_ =	swait.ge [sflag:s26], $0x4000  }
0x35b: {  	[sflag:s26] =	ssyncset.done $0x0  }
0x35c: {  	s4 =	sor.u32 $0x14000, s0;
	[sflag:s26] =	ssyncadd.s32 $0xFFFFC000  }
0x35d: {  	[tilespmem:s22], [sflag:$0x2] =	stream.indirect.gather [hbm4b:s1+s21], $0x80, s4, s21, $0xb8;
	[tilespmem:$0x1DC80] =	vst v63  }
0x35e: {  	_ =	swait.ge [sflag:s23], $0x4000  }
0x35f: {  	[sflag:s23] =	ssyncset.done $0x0  }
0x360: {  	s6 =	sadd.s32 $0x14F80, s0;
	[sflag:s23] =	ssyncadd.s32 $0xFFFFC000  }
0x361: {  	[spmem:s2] =	stream.indirect.scatter.add.f32 [tilespmem:s18], [sflag:$0x3], $0x80, s6, s21, $0xb8;
	[tilespmem:$0x1DC80] =	vst v63  }
0x362: {  	_ =	swait.ge [sflag:s24], $0x4000  }
0x363: {  	[sflag:s24] =	ssyncset.done $0x0  }
0x364: {  	s7 =	sor.u32 $0x15000, s0;
	[sflag:s24] =	ssyncadd.s32 $0xFFFFC000  }
0x365: {  	[spmem:s2] =	stream.indirect.scatter.add.f32 [tilespmem:s22], [sflag:$0x4], $0x80, s7, s21, $0xb8;
	[tilespmem:$0x1DC80] =	vst v63  }
0x366: {  	_ =	swait.ge [sflag:s25], $0x4000  }
0x367: {  	[sflag:s25] =	ssyncset.done $0x0  }
0x368: {  	s8 =	sadd.s32 $0x14080, s0;
	[sflag:s25] =	ssyncadd.s32 $0xFFFFC000  }
0x369: {  	[tilespmem:s18], [sflag:$0x1] =	stream.indirect.gather [hbm4b:s1+s21], $0x80, s8, s21, $0xb8;
	[tilespmem:$0x1DC80] =	vst v63  }
0x36a: {  	_ =	swait.ge [sflag:s26], $0x4000  }
0x36b: {  	[sflag:s26] =	ssyncset.done $0x0  }
0x36c: {  	s16 =	sadd.s32 $0x14100, s0;
	[sflag:s26] =	ssyncadd.s32 $0xFFFFC000  }
0x36d: {  	[tilespmem:s22], [sflag:$0x2] =	stream.indirect.gather [hbm4b:s1+s21], $0x80, s16, s21, $0xb8;
	[tilespmem:$0x1DC80] =	vst v63  }
0x36e: {  	_ =	swait.ge [sflag:s23], $0x4000  }
0x36f: {  	[sflag:s23] =	ssyncset.done $0x0  }
0x370: {  	s17 =	sadd.s32 $0x15080, s0;
	[sflag:s23] =	ssyncadd.s32 $0xFFFFC000  }
0x371: {  	[spmem:s2] =	stream.indirect.scatter.add.f32 [tilespmem:s18], [sflag:$0x3], $0x80, s17, s21, $0xb8;
	[tilespmem:$0x1DC80] =	vst v63  }
0x372: {  	_ =	swait.ge [sflag:s24], $0x4000  }
0x373: {  	[sflag:s24] =	ssyncset.done $0x0  }
0x374: {  	s4 =	sadd.s32 $0x15100, s0;
	[sflag:s24] =	ssyncadd.s32 $0xFFFFC000  }
0x375: {  	[spmem:s2] =	stream.indirect.scatter.add.f32 [tilespmem:s22], [sflag:$0x4], $0x80, s4, s21, $0xb8;
	[tilespmem:$0x1DC80] =	vst v63  }
0x376: {  	_ =	swait.ge [sflag:s25], $0x4000  }
0x377: {  	[sflag:s25] =	ssyncset.done $0x0  }
0x378: {  	s6 =	sadd.s32 $0x14180, s0;
	[sflag:s25] =	ssyncadd.s32 $0xFFFFC000  }
0x379: {  	[tilespmem:s18], [sflag:$0x1] =	stream.indirect.gather [hbm4b:s1+s21], $0x80, s6, s21, $0xb8;
	[tilespmem:$0x1DC80] =	vst v63  }
0x37a: {  	_ =	swait.ge [sflag:s26], $0x4000  }
0x37b: {  	[sflag:s26] =	ssyncset.done $0x0  }
0x37c: {  	s7 =	sadd.s32 $0x14200, s0;
	[sflag:s26] =	ssyncadd.s32 $0xFFFFC000  }
0x37d: {  	[tilespmem:s22], [sflag:$0x2] =	stream.indirect.gather [hbm4b:s1+s21], $0x80, s7, s21, $0xb8;
	[tilespmem:$0x1DC80] =	vst v63  }
0x37e: {  	_ =	swait.ge [sflag:s23], $0x4000  }
0x37f: {  	[sflag:s23] =	ssyncset.done $0x0  }
0x380: {  	s8 =	sadd.s32 $0x15180, s0;
	[sflag:s23] =	ssyncadd.s32 $0xFFFFC000  }
0x381: {  	[spmem:s2] =	stream.indirect.scatter.add.f32 [tilespmem:s18], [sflag:$0x3], $0x80, s8, s21, $0xb8;
	[tilespmem:$0x1DC80] =	vst v63  }
0x382: {  	_ =	swait.ge [sflag:s24], $0x4000  }
0x383: {  	[sflag:s24] =	ssyncset.done $0x0  }
0x384: {  	s16 =	sadd.s32 $0x15200, s0;
	[sflag:s24] =	ssyncadd.s32 $0xFFFFC000  }
0x385: {  	[spmem:s2] =	stream.indirect.scatter.add.f32 [tilespmem:s22], [sflag:$0x4], $0x80, s16, s21, $0xb8;
	[tilespmem:$0x1DC80] =	vst v63  }
0x386: {  	_ =	swait.ge [sflag:s25], $0x4000  }
0x387: {  	[sflag:s25] =	ssyncset.done $0x0  }
0x388: {  	s17 =	sadd.s32 $0x14280, s0;
	[sflag:s25] =	ssyncadd.s32 $0xFFFFC000  }
0x389: {  	[tilespmem:s18], [sflag:$0x1] =	stream.indirect.gather [hbm4b:s1+s21], $0x80, s17, s21, $0xb8;
	[tilespmem:$0x1DC80] =	vst v63  }
0x38a: {  	_ =	swait.ge [sflag:s26], $0x4000  }
0x38b: {  	[sflag:s26] =	ssyncset.done $0x0  }
0x38c: {  	s4 =	sadd.s32 $0x14300, s0;
	[sflag:s26] =	ssyncadd.s32 $0xFFFFC000  }
0x38d: {  	[tilespmem:s22], [sflag:$0x2] =	stream.indirect.gather [hbm4b:s1+s21], $0x80, s4, s21, $0xb8;
	[tilespmem:$0x1DC80] =	vst v63  }
0x38e: {  	_ =	swait.ge [sflag:s23], $0x4000  }
0x38f: {  	[sflag:s23] =	ssyncset.done $0x0  }
0x390: {  	s6 =	sadd.s32 $0x15280, s0;
	[sflag:s23] =	ssyncadd.s32 $0xFFFFC000  }
0x391: {  	[spmem:s2] =	stream.indirect.scatter.add.f32 [tilespmem:s18], [sflag:$0x3], $0x80, s6, s21, $0xb8;
	[tilespmem:$0x1DC80] =	vst v63  }
0x392: {  	_ =	swait.ge [sflag:s24], $0x4000  }
0x393: {  	[sflag:s24] =	ssyncset.done $0x0  }
0x394: {  	s7 =	sadd.s32 $0x15300, s0;
	[sflag:s24] =	ssyncadd.s32 $0xFFFFC000  }
0x395: {  	[spmem:s2] =	stream.indirect.scatter.add.f32 [tilespmem:s22], [sflag:$0x4], $0x80, s7, s21, $0xb8;
	[tilespmem:$0x1DC80] =	vst v63  }
0x396: {  	_ =	swait.ge [sflag:s25], $0x4000  }
0x397: {  	[sflag:s25] =	ssyncset.done $0x0  }
0x398: {  	s8 =	sadd.s32 $0x14380, s0;
	[sflag:s25] =	ssyncadd.s32 $0xFFFFC000  }
0x399: {  	[tilespmem:s18], [sflag:$0x1] =	stream.indirect.gather [hbm4b:s1+s21], $0x80, s8, s21, $0xb8;
	[tilespmem:$0x1DC80] =	vst v63  }
0x39a: {  	_ =	swait.ge [sflag:s26], $0x4000  }
0x39b: {  	[sflag:s26] =	ssyncset.done $0x0  }
0x39c: {  	s31 =	sadd.s32 $0x100, s31;
	s16 =	sadd.s32 $0x14400, s0;
	[sflag:s26] =	ssyncadd.s32 $0xFFFFC000  }
0x39d: {  	[tilespmem:s22], [sflag:$0x2] =	stream.indirect.gather [hbm4b:s1+s21], $0x80, s16, s21, $0xb8;
	[tilespmem:$0x1DC80] =	vst v63  }
0x39e: {  	p2 =	sne.s32 s31, $0x500;
	_ =	swait.ge [sflag:s23], $0x4000  }
.Ltmp6:
0x39f: {  	[sflag:s23] =	ssyncset.done $0x0;
	(pc) =	sbr.rel @p2 .LBB2_8-.Ltmp6, $4  }
0x3a0: {  	s17 =	sadd.s32 $0x15380, s0;
	[sflag:s23] =	ssyncadd.s32 $0xFFFFC000  }
0x3a1: {  	[spmem:s2] =	stream.indirect.scatter.add.f32 [tilespmem:s18], [sflag:$0x3], $0x80, s17, s21, $0xb8;
	[tilespmem:$0x1DC80] =	vst v63  }
0x3a2: {  	s30 =	sadd.s32 $0x800, s30;
	_ =	swait.ge [sflag:s24], $0x4000  }
0x3a3: {  	p3 =	seq.s32 s29, $0x0;
	s0 =	sadd.s32 $0x15400, s0;
	[sflag:s24] =	ssyncset.done $0x0  }
.Ltmp7:
0x3a4: {  	_ = 	snop;
	(pc) =	sbr.rel .LBB2_9-.Ltmp7, $1  }
0x3a5: {  	_ =	sdelay $0x3  }
.LBB2_11:
0x3a6: {  	_ =	sfence.sel $0x180000  }
0x3a7: {  	[bflag:$0x0] =	sbarrier.arrive $0xFFFF  }
0x3a8: {  	_ =	strace $0x90000047  }
0x3a9: {  	[bflag:$0x2] =	sbarrier.arrive $0xFFFF  }
0x3aa: {  	s0 =	rddreg [dreg:$0x3]  }
0x3ab: {  	s0 =	sadd.s32 @!p0 $0x100000, s0  }
0x3ac: {  	[sflag:s0] =	ssyncadd.tile.s32 @!p0 $0x1;
	_ =	shalt  }
.Lfunc_end2:
_tile_overlayer_lowered:
.L_overlay_start_2:
0x3ad: {  	(tag) =	ssettag $0x2  }
0x3ae: {  	s0 =	rddreg [dreg:$0x0];
	s2 =	stileid.u32  }
0x3af: {  	s1 =	rddreg [dreg:$0x1];
	p0 =	sne.s32 s2, $0x0  }
0x3b0: {  	s3 =	rddreg [dreg:$0x2];
	[bflag:$0x3] =	sbarrier.arrive $0xFFFF;
	s2 =	simm.s32 @!p0 $0x1C06  }
0x3b1: {  	[timem:s3], [sflag:s2] =	dma.local @!p0 [hbm:s0], s1  }
0x3b2: {  	s0 =	simm.s32 @!p0 $0x6  }
0x3b3: {  	_ =	swait.ge @!p0 [sflag:s0], s1  }
0x3b4: {  	s1 =	ssub.s32 @!p0 $0x0, s1;
	[sflag:s0] =	ssyncset.done @!p0 $0x0  }
0x3b5: {  	[sflag:s0] =	ssyncadd.s32 @!p0 s1  }
0x3b6: {  	[bflag:$0x3] =	sbarrier.arrive $0xFFFF  }
0x3b7: {  	_ =	shalt  }

// kernel: kernel.9.cloned.1.call-start
scs
__scs_entry_jumppad:
0x0: {  	(pc) =	sbr.rel $0x88, $3  }
0x1: {  	(tag) =	ssettag $0x0;
	lr =	simm.s32 $0x1  }
0x2: {  	[smem:$0x3F98] =	sst lr;
	_ =	strace $0xD0000000  }
0x3: {  	_ = 	snop  }
0x4: {  	_ = 	snop  }
0x5: {  	_ = 	snop  }
0x6: {  	_ = 	snop  }
0x7: {  	_ = 	snop  }
__scs_overlays_trampoline_lowered:
0x8: {  	[smem:$0x3FA7] =	sst s0  }
0x9: {  	[smem:$0x3FA8] =	sst s1  }
0xa: {  	[smem:$0x3FA9] =	sst s2  }
0xb: {  	[smem:$0x3FAA] =	sst s3  }
0xc: {  	[smem:$0x3FAB] =	sst s4  }
0xd: {  	[smem:$0x3FAC] =	sst s5  }
0xe: {  	[smem:$0x3FAD] =	sst s6  }
0xf: {  	[smem:$0x3FAE] =	sst s7  }
0x10: {  	[smem:$0x3FAF] =	sst s8  }
0x11: {  	[smem:$0x3FB0] =	sst s9;
	s0 =	simm.s32 @!p0 $0x0  }
0x12: {  	s1 =	sld [smem:$0x3F96];
	s0 =	simm.s32 @p0 $0x1  }
0x13: {  	[smem:$0x3FB1] =	sst s0;
	s0 =	simm.s32 @!p1 $0x0  }
0x14: {  	s2 =	sld [smem:$0x3F95];
	s0 =	simm.s32 @p1 $0x1  }
0x15: {  	[smem:$0x3FB2] =	sst s0;
	s0 =	simm.s32 @!p2 $0x0  }
0x16: {  	s3 =	sld [smem:$0x3FDB];
	s0 =	simm.s32 @p2 $0x1  }
0x17: {  	s4 =	simm.s32 $0x1BF5;
	[smem:$0x3FB4] =	sst s0  }
0x18: {  	s0 =	sld [smem:$0x3F97];
	_ =	swait.ge [sflag:s4], $0x0  }
0x19: {  	s7 =	sld [smem:$0x3F98]  }
0x1a: {  	s8 =	sadd.s32 $0xFFFFE003, lr  }
0x1b: {  	s9 =	sadd.s32 $0xFFFFFEF7, lr;
	s5 =	simm.s32 $0xFFFFFFFF;
	p2 =	slt.u32 s8, $0xFFFFF086  }
0x1c: {  	p1 =	slt.u32 s9, $0xF7A;
	s5 =	simm.s32 @!p2 $0x0  }
0x1d: {  	s5 =	simm.s32 @p1 $0x1;
	p0 =	seq.s32 s7, s2  }
0x1e: {  	s7 =	smul.u32 @!p0 $0xF7A, s2;
	p2 =	seq.s32 @!p0 s5, $0x0  }
0x1f: {  	s9 =	smul.u32 $0xF7A, s1;
	s8 =	simm.s32 @!p0 $0x1BF5;
	p2 =	por !p2, p0  }
0x20: {  	[sflag:s8] =	ssyncset.s32 @!p0 $0xFFFFF086;
	s6 =	sadd.s32 @!p0 s3, s7;
	s7 =	simm.s32 @!p0 $0x108  }
0x21: {  	s3 =	sadd.s32 s3, s9;
	s6 =	sadd.s32 @!p0 $0x88, s6;
	s7 =	simm.s32 @p2 $0x1082  }
0x22: {  	[simem:s7], [sflag:s8] =	dma.local @!p0 [hbm:s6], $0xF7A  }
0x23: {  	s9 =	sor.u32 $0xD0000000, s2;
	s6 =	simm.s32 $0x108;
	_ =	swait.ge @!p0 [sflag:s8], $0x0  }
0x24: {  	s3 =	sadd.s32 $0x88, s3;
	s6 =	simm.s32 @!p1 $0x1082;
	[sflag:s4] =	ssyncset.s32 $0xFFFFF086  }
0x25: {  	[simem:s6], [sflag:s4] =	dma.local [hbm:s3], $0xF7A  }
0x26: {  	[smem:$0x3F98] =	sst s1;
	(tag) =	ssettag s2;
	_ =	strace s9  }
0x27: {  	s1 =	sld [smem:$0x3FA8]  }
0x28: {  	s2 =	sld [smem:$0x3FA9]  }
0x29: {  	s4 =	sld [smem:$0x3FAB]  }
0x2a: {  	p0 =	seq.s32 s5, $0x0;
	s5 =	sld [smem:$0x3FAC]  }
0x2b: {  	s6 =	sld [smem:$0x3FAD]  }
0x2c: {  	s7 =	sld [smem:$0x3FAE]  }
0x2d: {  	s3 =	simm.s32 $0x108;
	s8 =	sld [smem:$0x3FAF]  }
0x2e: {  	s3 =	simm.s32 @!p0 $0x1082;
	s9 =	sld [smem:$0x3FB0]  }
0x2f: {  	lr =	sadd.s32 s0, s3;
	s0 =	sld [smem:$0x3FA7]  }
0x30: {  	s3 =	sld [smem:$0x3FAA]  }
0x31: {  	[smem:$0x3FB3] =	sst s10  }
0x32: {  	s10 =	sld [smem:$0x3FB1];
	_ =	sdelay $0x3  }
0x33: {  	p0 =	seq.s32 s10, $0x1;
	s10 =	sld [smem:$0x3FB3];
	_ =	sdelay $0x3  }
0x34: {  	[smem:$0x3FB3] =	sst s10  }
0x35: {  	s10 =	sld [smem:$0x3FB2];
	_ =	sdelay $0x3  }
0x36: {  	p1 =	seq.s32 s10, $0x1;
	s10 =	sld [smem:$0x3FB3];
	_ =	sdelay $0x3  }
0x37: {  	[smem:$0x3FB3] =	sst s10  }
0x38: {  	s10 =	sld [smem:$0x3FB4]  }
0x39: {  	_ = 	snop;
	(pc) =	sbr.ind lr, $3  }
0x3a: {  	_ = 	snop  }
0x3b: {  	_ = 	snop  }
0x3c: {  	p2 =	seq.s32 s10, $0x1;
	s10 =	sld [smem:$0x3FB3]  }
0x3d: {  	_ =	shalt  }
0x3e: {  	_ =	shalt  }
0x3f: {  	_ =	shalt  }
0x40: {  	_ =	shalt  }
0x41: {  	_ =	shalt  }
0x42: {  	_ =	shalt  }
0x43: {  	_ =	shalt  }
0x44: {  	_ =	shalt  }
0x45: {  	_ =	shalt  }
0x46: {  	_ =	shalt  }
0x47: {  	_ =	shalt  }
0x48: {  	_ =	shalt  }
0x49: {  	_ =	shalt  }
0x4a: {  	_ =	shalt  }
0x4b: {  	_ =	shalt  }
0x4c: {  	_ =	shalt  }
0x4d: {  	_ =	shalt  }
0x4e: {  	_ =	shalt  }
0x4f: {  	_ =	shalt  }
0x50: {  	_ =	shalt  }
0x51: {  	_ =	shalt  }
0x52: {  	_ =	shalt  }
0x53: {  	_ =	shalt  }
0x54: {  	_ =	shalt  }
0x55: {  	_ =	shalt  }
0x56: {  	_ =	shalt  }
0x57: {  	_ =	shalt  }
0x58: {  	_ =	shalt  }
0x59: {  	_ =	shalt  }
0x5a: {  	_ =	shalt  }
0x5b: {  	_ =	shalt  }
0x5c: {  	_ =	shalt  }
0x5d: {  	_ =	shalt  }
0x5e: {  	_ =	shalt  }
0x5f: {  	_ =	shalt  }
0x60: {  	_ =	shalt  }
0x61: {  	_ =	shalt  }
0x62: {  	_ =	shalt  }
0x63: {  	_ =	shalt  }
0x64: {  	_ =	shalt  }
0x65: {  	_ =	shalt  }
0x66: {  	_ =	shalt  }
0x67: {  	_ =	shalt  }
0x68: {  	_ =	shalt  }
0x69: {  	_ =	shalt  }
0x6a: {  	_ =	shalt  }
0x6b: {  	_ =	shalt  }
0x6c: {  	_ =	shalt  }
0x6d: {  	_ =	shalt  }
0x6e: {  	_ =	shalt  }
0x6f: {  	_ =	shalt  }
0x70: {  	_ =	shalt  }
0x71: {  	_ =	shalt  }
0x72: {  	_ =	shalt  }
0x73: {  	_ =	shalt  }
0x74: {  	_ =	shalt  }
0x75: {  	_ =	shalt  }
0x76: {  	_ =	shalt  }
0x77: {  	_ =	shalt  }
0x78: {  	_ =	shalt  }
0x79: {  	_ =	shalt  }
0x7a: {  	_ =	shalt  }
0x7b: {  	_ =	shalt  }
0x7c: {  	_ =	shalt  }
0x7d: {  	_ =	shalt  }
0x7e: {  	_ =	shalt  }
0x7f: {  	_ =	shalt  }
0x80: {  	_ =	shalt  }
0x81: {  	_ =	shalt  }
0x82: {  	_ =	shalt  }
0x83: {  	_ =	shalt  }
0x84: {  	_ =	shalt  }
0x85: {  	_ =	shalt  }
0x86: {  	_ =	shalt  }
0x87: {  	_ =	shalt  }
.Lfunc_end0:
.L_simem_size_0:
called_computation.1_lowered:
.L_overlay_start_0:
0x88: {  	s2 =	sld [smem:$0x3FD9]  }
0x89: {  	s3 =	sld [smem:$0x3FFE];
	_ =	sdelay $0x1  }
0x8a: {  	s1 =	srdreg.scid  }
0x8b: {  	s0 =	sand.u32 $0x1, s1  }
0x8c: {  	s16 =	sshll.u32 s0, $0xA;
	s2 =	sadd.s32 s3, s2  }
0x8d: {  	s2 =	sadd.s32 s2, s16  }
0x8e: {  	[smem:$0x3FBF] =	sst s2  }
0x8f: {  	_ = 	snop  }
0x90: {  	(tm) =	ssettm $0x1  }
0x91: {  	s17 =	sld [smem:$0x3FFB];
	_ =	sdelay $0x3  }
0x92: {  	_ =	strace s17  }
0x93: {  	s2 =	sld [smem:$0x3FFC];
	_ =	sdelay $0x3  }
0x94: {  	_ =	strace s2  }
0x95: {  	s2 =	sld [smem:$0x3FFD];
	_ =	sdelay $0x3  }
0x96: {  	_ =	strace s2  }
0x97: {  	_ =	strace $0x8FFFFFFF  }
0x98: {  	s18 =	sld [smem:$0x3FDB];
	_ =	sdelay $0x1  }
0x99: {  	s19 =	simm.s32 $_scs_section_size  }
0x9a: {  	s4 =	simm.s32 $_size__tile_overlayer_lowered;
	s5 =	simm.s32 $_tile_overlayer_lowered  }
0x9b: {  	s22 =	simm.s32 $0x1BFF;
	s21 =	sshll.u32 s5, $0x1;
	s2 =	sadd.s32 s19, s18  }
0x9c: {  	s6 =	simm.s32 $0x0;
	s20 =	sshll.u32 s4, $0x1;
	s4 =	sadd.s32 s21, s2  }
0x9d: {  	[timem:s6], [sflag:s22] =	dma.local [hbm:s4], s20  }
0x9e: {  	_ =	swait.ge [sflag:s22], s20  }
0x9f: {  	s3 =	ssub.s32 $0x0, s20;
	[sflag:s22] =	ssyncset.done $0x0  }
0xa0: {  	[sflag:s22] =	ssyncadd.s32 s3;
	_ =	sdelay $0x1  }
0xa1: {  	s23 =	simm.s32 $0x1B8B  }
0xa2: {  	_ =	swait.ge [sflag:s23], $0x1  }
0xa3: {  	[sflag:s23] =	ssyncset.done $0x0  }
0xa4: {  	s25 =	simm.s32 $0x1B8E;
	s24 =	sld [smem:$0x3FFE];
	[sflag:s23] =	ssyncadd.s32 $0xFFFFFFFF  }
0xa5: {  	s26 =	simm.s32 $execute0_lowered;
	[smem:$0x3FD2] =	sst s25  }
0xa6: {  	s4 =	sshll.u32 s26, $0x1;
	_ =	strace $0x80000049;
	[dreg:$0x1] =	wrdreg $0xFFFFFFFF  }
0xa7: {  	s28 =	simm.s32 $_size_execute0_lowered;
	s2 =	sadd.s32 s2, s4;
	[dreg:$0x0] =	wrdreg $0x0  }
0xa8: {  	s4 =	sshll.u32 s28, $0x1;
	[dreg:$0x2] =	wrdreg s2  }
0xa9: {  	[dreg:$0x3] =	wrdreg s4  }
0xaa: {  	[dreg:$0x4] =	wrdreg $0xC0  }
0xab: {  	_ =	task [dreg:s6], $0x5FFFF  }
0xac: {  	[dreg:$0x1] =	wrdreg $0xFFFFFFFF  }
0xad: {  	[dreg:$0x0] =	wrdreg $0x60  }
0xae: {  	[dreg:$0x2] =	wrdreg s24  }
0xaf: {  	[dreg:$0x3] =	wrdreg $0x0  }
0xb0: {  	[dreg:$0x4] =	wrdreg $0x9  }
0xb1: {  	_ =	task.clear_ibuf [dreg:s6], $0x5FFFF;
	_ =	strace $0x90000049  }
0xb2: {  	s29 =	simm.s32 $0x9;
	_ =	strace $0x8000004B  }
0xb3: {  	_ =	swait.ge [sflag:s29], $0x1  }
0xb4: {  	[sflag:s29] =	ssyncadd.s32 $0xFFFFFFFF  }
0xb5: {  	_ =	strace $0x9000004B  }
0xb6: {  	_ =	sfence  }
0xb7: {  	s30 =	sld [smem:$0x0];
	_ =	sdelay $0x2  }
0xb8: {  	s31 =	sshll.u32 s1, $0xD;
	s1 =	sshrl.u32 s1, $0x2  }
0xb9: {  	s3 =	sand.u32 $0x4000, s31;
	s1 =	sadd.s32 s1, s30  }
0xba: {  	s0 =	sor.u32 s3, s0;
	s1 =	sshll.u32 s1, $0x11  }
0xbb: {  	s0 =	sor.u32 s1, s0  }
0xbc: {  	s0 =	sadd.s32 $0x8F2B, s0  }
0xbd: {  	[sflag:s0] =	ssyncadd.remote.s32 $0x1  }
0xbe: {  	_ =	sfence.sel $0xFFFF  }
0xbf: {  	[dreg:$0x0] =	wrdreg $0xFFFFFFFF;
	(pc) =	sbr.abs _section_cstart, $3  }
0xc0: {  	[dreg:$0x1] =	wrdreg $0xFFFFFFFF  }
0xc1: {  	_ =	task.clear_ibuf [dreg:s6], $0x2FFFF;
	_ =	strace $0x9FFFFFFF  }
0xc2: {  	(tm) =	ssettm $0x7FFFFFFF  }
0xc3: {  	_ =	shalt  }
tec
execute0_lowered:
.L_overlay_start_1:
0x0: {  	(tag) =	ssettag $0x1  }
0x1: {  	s0 =	rddreg [dreg:$0x0]  }
0x2: {  	s1 =	rddreg [dreg:$0x1]  }
0x3: {  	s2 =	simm.s32 $0x0;
	s5 =	srdreg.scid;
	s23 =	stileid.u32  }
0x4: {  	s21 =	simm.s32 $0x80;
	s22 =	simm.s32 $0x19C80;
	s28 =	simm.s32 $0x0  }
0x5: {  	[smem:$0x7FF] =	sst s2;
	s3 =	sadd.s32 $0x16200, s0;
	s15 =	sadd.s32 $0x7200, s0  }
0x6: {  	s16 =	sadd.s32 $0x2200, s0;
	s17 =	sadd.s32 $0xC200, s0;
	s6 =	smul.u32 $0x4E000, s23  }
0x7: {  	s20 =	sand.u32 $0x1, s5;
	s14 =	sadd.s32 $0x11200, s0;
	s18 =	smul.u32 $0x500, s23  }
0x8: {  	s0 =	sadd.s32 $0x3D400, s0;
	s11 =	smul.u32 $0x13800, s23;
	_ =	strace $0x8000004A  }
0x9: {  	s5 =	ssub.s32 $0x2, s20;
	s10 =	smul.u32 $0x138800, s20;
	p0 =	seq.s32 s20, $0x0  }
0xa: {  	p1 =	sne.s32 s20, $0x0;
	s20 =	simm.s32 $0x5;
	s7 =	sshrl.u32 s5, $0x1  }
0xb: {  	s24 =	sshrl.u32 s6, $0x2;
	s29 =	sadd.s32 s18, s14;
	s14 =	smov.u32 @p0 s16  }
0xc: {  	s19 =	sadd.s32 s18, s17;
	s17 =	smov.u32 @p0 s15;
	s15 =	sadd.s32 s18, s15  }
0xd: {  	s16 =	sadd.s32 s18, s16;
	p0 =	sne.s32 s23, $0x0;
	s23 =	simm.s32 $0x1  }
0xe: {  	s13 =	ssub.s32 s5, s7;
	s5 =	sadd.s32 s24, s1;
	s11 =	sadd.s32 s11, s10  }
0xf: {  	s12 =	sshrl.u32 s10, $0x3;
	s10 =	sadd.s32 $0x138000, s1;
	s14 =	sadd.s32 s14, s18  }
0x10: {  	s19 =	sadd.s32 $0x100, s19;
	s30 =	sadd.s32 $0x100, s15;
	s15 =	sadd.s32 s17, s18  }
0x11: {  	s31 =	sadd.s32 $0x100, s16;
	s18 =	simm.s32 $0x15C80;
	[dreg:$0x4] =	wrdreg s19  }
0x12: {  	s24 =	simm.s32 $0x2;
	s4 =	sadd.s32 $0x4000, s5;
	[dreg:$0x6] =	wrdreg s30  }
0x13: {  	s25 =	sadd.s32 $0x8000, s5;
	s26 =	sadd.s32 $0xC000, s5;
	[dreg:$0x5] =	wrdreg s31  }
.Ltmp0:
0x14: {  	s9 =	sadd.s32 $0x10000, s5;
	[dreg:$0x7] =	wrdreg s4;
	(pc) =	sbr.rel .LBB2_1-.Ltmp0, $4  }
0x15: {  	s11 =	sshrl.u32 s11, $0x3;
	s12 =	sadd.s32 s0, s12;
	[dreg:$0x8] =	wrdreg s25  }
0x16: {  	s13 =	smax.u32 s13, $0x1;
	s19 =	simm.s32 $0x6;
	[dreg:$0x9] =	wrdreg s26  }
0x17: {  	s11 =	sadd.s32 s0, s11;
	s12 =	sadd.s32 $0x27000, s12;
	s0 =	sadd.s32 $0x100, s29  }
0x18: {  	v0 =	vimm.f32 $0.0e+00;
	s25 =	simm.s32 $0x3;
	s26 =	simm.s32 $0x4;
	[dreg:$0x3] =	wrdreg s0  }
.LBB2_9:
0x19: {  	s2 =	simm.s32 @!p3 $0x5;
	[sflag:s24] =	ssyncadd.s32 $0xFFFFC000  }
0x1a: {  	[spmem:s1] =	stream.indirect.scatter.add.f32 [tilespmem:s22], [sflag:$0x4], $0x80, s0, s21, $0xb8;
	[tilespmem:$0x1DC80] =	vst v63  }
0x1b: {  	_ =	swait.ge @!p3 [sflag:s2], $0x800  }
0x1c: {  	[sflag:s2] =	ssyncset.done @!p3 $0x0  }
0x1d: {  	[sflag:s2] =	ssyncadd.s32 @!p3 $0xFFFFF800  }
0x1e: {  	s4 =	simm.s32 @!p3 $0x3;
	_ =	swait.ge @!p3 [sflag:s2], $0x800  }
0x1f: {  	s7 =	simm.s32 @p3 $0x13C80;
	s8 =	simm.s32 @p3 $0x80;
	[sflag:s2] =	ssyncset.done @!p3 $0x0  }
0x20: {  	s0 =	simm.s32 @p3 $0x15C80;
	s6 =	rddreg [dreg:$0x4];
	[sflag:s2] =	ssyncadd.s32 @!p3 $0xFFFFF800  }
0x21: {  	[tilespmem:s0], [sflag:$0x1] =	stream.indirect.gather @p3 [hbm4b:s3+s8], $0x80, s7, s8, $0xb8;
	[tilespmem:$0x1DC80] =	vst v63  }
0x22: {  	s16 =	simm.s32 @!p3 $0x80;
	s17 =	rddreg [dreg:$0x3];
	_ =	swait.ge @!p3 [sflag:s4], $0x4000  }
0x23: {  	s0 =	sand.u32 $0x800, s30;
	s7 =	simm.s32 @!p3 $0x15C80;
	[sflag:s4] =	ssyncset.done @!p3 $0x0  }
0x24: {  	s8 =	simm.s32 @!p3 $0x4;
	[sflag:s4] =	ssyncadd.s32 @!p3 $0xFFFFC000;
	s4 =	sadd.s32 @!p3 $0x13C80, s0  }
0x25: {  	[tilespmem:s7], [sflag:$0x1] =	stream.indirect.gather @!p3 [hbm4b:s3+s16], $0x80, s4, s16, $0xb8;
	[tilespmem:$0x1DC80] =	vst v63  }
0x26: {  	s4 =	sor.u32 @!p3 $0x80, s0;
	_ =	swait.ge @!p3 [sflag:s8], $0x4000  }
0x27: {  	s4 =	simm.s32 @p3 $0x80;
	[sflag:s8] =	ssyncset.done @!p3 $0x0  }
0x28: {  	s31 =	sadd.s32 $0x13C80, s4;
	[sflag:s8] =	ssyncadd.s32 @!p3 $0xFFFFC000  }
0x29: {  	[tilespmem:s22], [sflag:$0x2] =	stream.indirect.gather [hbm4b:s3+s21], $0x80, s31, s21, $0xb8;
	[tilespmem:$0x1DC80] =	vst v63  }
0x2a: {  	s7 =	smov.u32 s0;
	_ =	swait.ge [sflag:s23], $0x4000  }
0x2b: {  	s7 =	simm.s32 @p3 $0x0;
	[sflag:s23] =	ssyncset.done $0x0  }
0x2c: {  	s7 =	sadd.s32 $0x14C80, s7;
	[sflag:s23] =	ssyncadd.s32 $0xFFFFC000  }
0x2d: {  	[spmem:s1] =	stream.indirect.scatter.add.f32 [tilespmem:s18], [sflag:$0x3], $0x80, s7, s21, $0xb8;
	[tilespmem:$0x1DC80] =	vst v63  }
0x2e: {  	_ =	swait.ge [sflag:s24], $0x4000  }
0x2f: {  	[sflag:s24] =	ssyncset.done $0x0  }
0x30: {  	p2 =	seq.s32 s29, $0x400;
	s4 =	sadd.s32 $0x14C80, s4;
	[sflag:s24] =	ssyncadd.s32 $0xFFFFC000  }
0x31: {  	[spmem:s1] =	stream.indirect.scatter.add.f32 [tilespmem:s22], [sflag:$0x4], $0x80, s4, s21, $0xb8;
	[tilespmem:$0x1DC80] =	vst v63  }
0x32: {  	s2 =	sadd.s32 s29, s17;
	s7 =	simm.s32 @!p2 $0x0;
	s4 =	ssub.s32 $0x14480, s0  }
0x33: {  	[tilespmem:s4], [sflag:$0x5] =	stream.linear.gather @!p2 [hbm4b:s2+s7], $0x800, $0x38;
	[tilespmem:$0x1DC80] =	vst v63  }
0x34: {  	s2 =	ssub.s32 $0x15480, s0;
	s4 =	sadd.s32 s29, s6  }
0x35: {  	[tilespmem:s2], [sflag:$0x5] =	stream.linear.gather @!p2 [hbm4b:s4+s7], $0x800, $0x38;
	[tilespmem:$0x1DC80] =	vst v63  }
0x36: {  	_ =	swait.ge [sflag:s25], $0x4000  }
0x37: {  	[sflag:s25] =	ssyncset.done $0x0  }
0x38: {  	s4 =	sadd.s32 $0x13D80, s0;
	[sflag:s25] =	ssyncadd.s32 $0xFFFFC000  }
0x39: {  	[tilespmem:s18], [sflag:$0x1] =	stream.indirect.gather [hbm4b:s3+s21], $0x80, s4, s21, $0xb8;
	[tilespmem:$0x1DC80] =	vst v63  }
0x3a: {  	_ =	swait.ge [sflag:s26], $0x4000  }
0x3b: {  	[sflag:s26] =	ssyncset.done $0x0  }
0x3c: {  	s6 =	sadd.s32 $0x13E00, s0;
	[sflag:s26] =	ssyncadd.s32 $0xFFFFC000  }
0x3d: {  	[tilespmem:s22], [sflag:$0x2] =	stream.indirect.gather [hbm4b:s3+s21], $0x80, s6, s21, $0xb8;
	[tilespmem:$0x1DC80] =	vst v63  }
0x3e: {  	_ =	swait.ge [sflag:s23], $0x4000  }
0x3f: {  	[sflag:s23] =	ssyncset.done $0x0  }
0x40: {  	s7 =	sadd.s32 $0x14D80, s0;
	[sflag:s23] =	ssyncadd.s32 $0xFFFFC000  }
0x41: {  	[spmem:s1] =	stream.indirect.scatter.add.f32 [tilespmem:s18], [sflag:$0x3], $0x80, s7, s21, $0xb8;
	[tilespmem:$0x1DC80] =	vst v63  }
0x42: {  	_ =	swait.ge [sflag:s24], $0x4000  }
0x43: {  	[sflag:s24] =	ssyncset.done $0x0  }
0x44: {  	s8 =	sadd.s32 $0x14E00, s0;
	[sflag:s24] =	ssyncadd.s32 $0xFFFFC000  }
0x45: {  	[spmem:s1] =	stream.indirect.scatter.add.f32 [tilespmem:s22], [sflag:$0x4], $0x80, s8, s21, $0xb8;
	[tilespmem:$0x1DC80] =	vst v63  }
0x46: {  	_ =	swait.ge [sflag:s25], $0x4000  }
0x47: {  	[sflag:s25] =	ssyncset.done $0x0  }
0x48: {  	s16 =	sadd.s32 $0x13E80, s0;
	[sflag:s25] =	ssyncadd.s32 $0xFFFFC000  }
0x49: {  	[tilespmem:s18], [sflag:$0x1] =	stream.indirect.gather [hbm4b:s3+s21], $0x80, s16, s21, $0xb8;
	[tilespmem:$0x1DC80] =	vst v63  }
0x4a: {  	_ =	swait.ge [sflag:s26], $0x4000  }
0x4b: {  	[sflag:s26] =	ssyncset.done $0x0  }
0x4c: {  	s17 =	sadd.s32 $0x13F00, s0;
	[sflag:s26] =	ssyncadd.s32 $0xFFFFC000  }
0x4d: {  	[tilespmem:s22], [sflag:$0x2] =	stream.indirect.gather [hbm4b:s3+s21], $0x80, s17, s21, $0xb8;
	[tilespmem:$0x1DC80] =	vst v63  }
0x4e: {  	_ =	swait.ge [sflag:s23], $0x4000  }
0x4f: {  	[sflag:s23] =	ssyncset.done $0x0  }
0x50: {  	s29 =	sadd.s32 $0x14E80, s0;
	[sflag:s23] =	ssyncadd.s32 $0xFFFFC000  }
0x51: {  	[spmem:s1] =	stream.indirect.scatter.add.f32 [tilespmem:s18], [sflag:$0x3], $0x80, s29, s21, $0xb8;
	[tilespmem:$0x1DC80] =	vst v63  }
0x52: {  	_ =	swait.ge [sflag:s24], $0x4000  }
0x53: {  	[sflag:s24] =	ssyncset.done $0x0  }
0x54: {  	s30 =	sadd.s32 $0x14F00, s0;
	[sflag:s24] =	ssyncadd.s32 $0xFFFFC000  }
0x55: {  	[spmem:s1] =	stream.indirect.scatter.add.f32 [tilespmem:s22], [sflag:$0x4], $0x80, s30, s21, $0xb8;
	[tilespmem:$0x1DC80] =	vst v63  }
0x56: {  	_ =	swait.ge [sflag:s25], $0x4000  }
0x57: {  	[sflag:s25] =	ssyncset.done $0x0  }
0x58: {  	s31 =	sadd.s32 $0x13F80, s0;
	[sflag:s25] =	ssyncadd.s32 $0xFFFFC000  }
0x59: {  	[tilespmem:s18], [sflag:$0x1] =	stream.indirect.gather [hbm4b:s3+s21], $0x80, s31, s21, $0xb8;
	[tilespmem:$0x1DC80] =	vst v63  }
0x5a: {  	_ =	swait.ge [sflag:s26], $0x4000  }
0x5b: {  	[sflag:s26] =	ssyncset.done $0x0  }
0x5c: {  	s4 =	sor.u32 $0x14000, s0;
	[sflag:s26] =	ssyncadd.s32 $0xFFFFC000  }
0x5d: {  	[tilespmem:s22], [sflag:$0x2] =	stream.indirect.gather [hbm4b:s3+s21], $0x80, s4, s21, $0xb8;
	[tilespmem:$0x1DC80] =	vst v63  }
0x5e: {  	_ =	swait.ge [sflag:s23], $0x4000  }
0x5f: {  	[sflag:s23] =	ssyncset.done $0x0  }
0x60: {  	s6 =	sadd.s32 $0x14F80, s0;
	[sflag:s23] =	ssyncadd.s32 $0xFFFFC000  }
0x61: {  	[spmem:s1] =	stream.indirect.scatter.add.f32 [tilespmem:s18], [sflag:$0x3], $0x80, s6, s21, $0xb8;
	[tilespmem:$0x1DC80] =	vst v63  }
0x62: {  	_ =	swait.ge [sflag:s24], $0x4000  }
0x63: {  	[sflag:s24] =	ssyncset.done $0x0  }
0x64: {  	s7 =	sor.u32 $0x15000, s0;
	[sflag:s24] =	ssyncadd.s32 $0xFFFFC000  }
0x65: {  	[spmem:s1] =	stream.indirect.scatter.add.f32 [tilespmem:s22], [sflag:$0x4], $0x80, s7, s21, $0xb8;
	[tilespmem:$0x1DC80] =	vst v63  }
0x66: {  	_ =	swait.ge [sflag:s25], $0x4000  }
0x67: {  	[sflag:s25] =	ssyncset.done $0x0  }
0x68: {  	s8 =	sadd.s32 $0x14080, s0;
	[sflag:s25] =	ssyncadd.s32 $0xFFFFC000  }
0x69: {  	[tilespmem:s18], [sflag:$0x1] =	stream.indirect.gather [hbm4b:s3+s21], $0x80, s8, s21, $0xb8;
	[tilespmem:$0x1DC80] =	vst v63  }
0x6a: {  	_ =	swait.ge [sflag:s26], $0x4000  }
0x6b: {  	[sflag:s26] =	ssyncset.done $0x0  }
0x6c: {  	s16 =	sadd.s32 $0x14100, s0;
	[sflag:s26] =	ssyncadd.s32 $0xFFFFC000  }
0x6d: {  	[tilespmem:s22], [sflag:$0x2] =	stream.indirect.gather [hbm4b:s3+s21], $0x80, s16, s21, $0xb8;
	[tilespmem:$0x1DC80] =	vst v63  }
0x6e: {  	_ =	swait.ge [sflag:s23], $0x4000  }
0x6f: {  	[sflag:s23] =	ssyncset.done $0x0  }
0x70: {  	s17 =	sadd.s32 $0x15080, s0;
	[sflag:s23] =	ssyncadd.s32 $0xFFFFC000  }
0x71: {  	[spmem:s1] =	stream.indirect.scatter.add.f32 [tilespmem:s18], [sflag:$0x3], $0x80, s17, s21, $0xb8;
	[tilespmem:$0x1DC80] =	vst v63  }
0x72: {  	_ =	swait.ge [sflag:s24], $0x4000  }
0x73: {  	[sflag:s24] =	ssyncset.done $0x0  }
0x74: {  	s29 =	sadd.s32 $0x15100, s0;
	[sflag:s24] =	ssyncadd.s32 $0xFFFFC000  }
0x75: {  	[spmem:s1] =	stream.indirect.scatter.add.f32 [tilespmem:s22], [sflag:$0x4], $0x80, s29, s21, $0xb8;
	[tilespmem:$0x1DC80] =	vst v63  }
0x76: {  	_ =	swait.ge [sflag:s25], $0x4000  }
0x77: {  	[sflag:s25] =	ssyncset.done $0x0  }
0x78: {  	s30 =	sadd.s32 $0x14180, s0;
	[sflag:s25] =	ssyncadd.s32 $0xFFFFC000  }
0x79: {  	[tilespmem:s18], [sflag:$0x1] =	stream.indirect.gather [hbm4b:s3+s21], $0x80, s30, s21, $0xb8;
	[tilespmem:$0x1DC80] =	vst v63  }
0x7a: {  	_ =	swait.ge [sflag:s26], $0x4000  }
0x7b: {  	[sflag:s26] =	ssyncset.done $0x0  }
0x7c: {  	s31 =	sadd.s32 $0x14200, s0;
	[sflag:s26] =	ssyncadd.s32 $0xFFFFC000  }
0x7d: {  	[tilespmem:s22], [sflag:$0x2] =	stream.indirect.gather [hbm4b:s3+s21], $0x80, s31, s21, $0xb8;
	[tilespmem:$0x1DC80] =	vst v63  }
0x7e: {  	_ =	swait.ge [sflag:s23], $0x4000  }
0x7f: {  	[sflag:s23] =	ssyncset.done $0x0  }
0x80: {  	s4 =	sadd.s32 $0x15180, s0;
	[sflag:s23] =	ssyncadd.s32 $0xFFFFC000  }
0x81: {  	[spmem:s1] =	stream.indirect.scatter.add.f32 [tilespmem:s18], [sflag:$0x3], $0x80, s4, s21, $0xb8;
	[tilespmem:$0x1DC80] =	vst v63  }
0x82: {  	_ =	swait.ge [sflag:s24], $0x4000  }
0x83: {  	[sflag:s24] =	ssyncset.done $0x0  }
0x84: {  	s6 =	sadd.s32 $0x15200, s0;
	[sflag:s24] =	ssyncadd.s32 $0xFFFFC000  }
0x85: {  	[spmem:s1] =	stream.indirect.scatter.add.f32 [tilespmem:s22], [sflag:$0x4], $0x80, s6, s21, $0xb8;
	[tilespmem:$0x1DC80] =	vst v63  }
0x86: {  	_ =	swait.ge [sflag:s25], $0x4000  }
0x87: {  	[sflag:s25] =	ssyncset.done $0x0  }
0x88: {  	s7 =	sadd.s32 $0x14280, s0;
	[sflag:s25] =	ssyncadd.s32 $0xFFFFC000  }
0x89: {  	[tilespmem:s18], [sflag:$0x1] =	stream.indirect.gather [hbm4b:s3+s21], $0x80, s7, s21, $0xb8;
	[tilespmem:$0x1DC80] =	vst v63  }
0x8a: {  	_ =	swait.ge [sflag:s26], $0x4000  }
0x8b: {  	[sflag:s26] =	ssyncset.done $0x0  }
0x8c: {  	s8 =	sadd.s32 $0x14300, s0;
	[sflag:s26] =	ssyncadd.s32 $0xFFFFC000  }
0x8d: {  	[tilespmem:s22], [sflag:$0x2] =	stream.indirect.gather [hbm4b:s3+s21], $0x80, s8, s21, $0xb8;
	[tilespmem:$0x1DC80] =	vst v63  }
0x8e: {  	_ =	swait.ge [sflag:s23], $0x4000  }
0x8f: {  	[sflag:s23] =	ssyncset.done $0x0  }
0x90: {  	s16 =	sadd.s32 $0x15280, s0;
	[sflag:s23] =	ssyncadd.s32 $0xFFFFC000  }
0x91: {  	[spmem:s1] =	stream.indirect.scatter.add.f32 [tilespmem:s18], [sflag:$0x3], $0x80, s16, s21, $0xb8;
	[tilespmem:$0x1DC80] =	vst v63  }
0x92: {  	_ =	swait.ge [sflag:s24], $0x4000  }
0x93: {  	[sflag:s24] =	ssyncset.done $0x0  }
0x94: {  	s17 =	sadd.s32 $0x15300, s0;
	[sflag:s24] =	ssyncadd.s32 $0xFFFFC000  }
0x95: {  	[spmem:s1] =	stream.indirect.scatter.add.f32 [tilespmem:s22], [sflag:$0x4], $0x80, s17, s21, $0xb8;
	[tilespmem:$0x1DC80] =	vst v63  }
0x96: {  	_ =	swait.ge [sflag:s25], $0x4000  }
0x97: {  	[sflag:s25] =	ssyncset.done $0x0  }
0x98: {  	s29 =	sadd.s32 $0x14380, s0;
	[sflag:s25] =	ssyncadd.s32 $0xFFFFC000  }
0x99: {  	[tilespmem:s18], [sflag:$0x1] =	stream.indirect.gather [hbm4b:s3+s21], $0x80, s29, s21, $0xb8;
	[tilespmem:$0x1DC80] =	vst v63  }
0x9a: {  	_ =	swait.ge [sflag:s26], $0x4000  }
0x9b: {  	[sflag:s26] =	ssyncset.done $0x0  }
0x9c: {  	s30 =	sadd.s32 $0x14400, s0;
	[sflag:s26] =	ssyncadd.s32 $0xFFFFC000  }
0x9d: {  	[tilespmem:s22], [sflag:$0x2] =	stream.indirect.gather [hbm4b:s3+s21], $0x80, s30, s21, $0xb8;
	[tilespmem:$0x1DC80] =	vst v63  }
0x9e: {  	_ =	swait.ge [sflag:s23], $0x4000  }
0x9f: {  	[sflag:s23] =	ssyncset.done $0x0  }
0xa0: {  	s31 =	sadd.s32 $0x15380, s0;
	[sflag:s23] =	ssyncadd.s32 $0xFFFFC000  }
0xa1: {  	[spmem:s1] =	stream.indirect.scatter.add.f32 [tilespmem:s18], [sflag:$0x3], $0x80, s31, s21, $0xb8;
	[tilespmem:$0x1DC80] =	vst v63  }
0xa2: {  	_ =	swait.ge [sflag:s24], $0x4000  }
0xa3: {  	[sflag:s24] =	ssyncset.done $0x0  }
0xa4: {  	s0 =	sadd.s32 $0x15400, s0;
	[sflag:s24] =	ssyncadd.s32 $0xFFFFC000  }
0xa5: {  	[spmem:s1] =	stream.indirect.scatter.add.f32 [tilespmem:s22], [sflag:$0x4], $0x80, s0, s21, $0xb8;
	[tilespmem:$0x1DC80] =	vst v63  }
.LBB2_10:
0xa6: {  	_ =	swait.ge [sflag:s25], $0x4000  }
0xa7: {  	[sflag:s25] =	ssyncset.done $0x0  }
0xa8: {  	[sflag:s25] =	ssyncadd.s32 $0xFFFFC000  }
0xa9: {  	_ =	swait.ge [sflag:s26], $0x4000  }
0xaa: {  	s0 =	stileid.u32;
	[sflag:s26] =	ssyncset.done $0x0  }
0xab: {  	s0 =	sshll.u32 s0, $0x6;
	[sflag:s26] =	ssyncadd.s32 $0xFFFFC000  }
0xac: {  	s2 =	sshrl.u32 s5, $0x3;
	s0 =	sor.u32 $0x1C06, s0;
	[bflag:$0x0] =	sbarrier.arrive $0xFFFF  }
0xad: {  	[hbm:s11], [sflag:s0] =	dma.local [spmem:s2], $0x2700  }
0xae: {  	_ =	swait.ge [sflag:s19], $0x2700  }
0xaf: {  	s28 =	sadd.s32 $0x1, s28;
	[sflag:s19] =	ssyncset.done $0x0  }
0xb0: {  	p2 =	sne.s32 s28, s13;
	s2 =	sshrl.u32 @!p0 s10, $0x3;
	[sflag:s19] =	ssyncadd.s32 $0xFFFFD900  }
0xb1: {  	[hbm:s12], [sflag:s0] =	dma.local @!p0 [spmem:s2], $0x100  }
.Ltmp1:
0xb2: {  	_ = 	snop;
	(pc) =	sbr.rel @!p2 .LBB2_11-.Ltmp1, $4  }
0xb3: {  	s0 =	simm.s32 @!p0 $0x6  }
0xb4: {  	_ =	swait.ge @!p0 [sflag:s0], $0x100  }
0xb5: {  	[sflag:s0] =	ssyncset.done @!p0 $0x0  }
0xb6: {  	[sflag:s0] =	ssyncadd.s32 @!p0 $0xFFFFFF00  }
.LBB2_1:
0xb7: {  	s0 =	simm.s32 $0x0;
	s2 =	simm.s32 $0x13C80  }
0xb8: {  	[tilespmem:s2], [sflag:$0x5] =	stream.linear.gather [hbm4b:s14+s0], $0x800, $0x38;
	[tilespmem:$0x1DC80] =	vst v63  }
0xb9: {  	s31 =	simm.s32 $0x14C80  }
0xba: {  	[tilespmem:s31], [sflag:$0x5] =	stream.linear.gather [hbm4b:s15+s0], $0x800, $0x38;
	[tilespmem:$0x1DC80] =	vst v63  }
0xbb: {  	s16 =	simm.s32 $0x200;
	s0 =	simm.s32 $0x0  }
.LBB2_2:
0xbc: {  	p2 =	sne.s32 s16, $0xFE00;
	[tilespmem:s0+$0x15CF0] =	vst v0  }
0xbd: {  	[tilespmem:s0+$0x15C80] =	vst v0  }
0xbe: {  	[tilespmem:s0+$0x15C90] =	vst v0  }
.Ltmp2:
0xbf: {  	[tilespmem:s0+$0x15CA0] =	vst v0;
	(pc) =	sbr.rel @p2 .LBB2_2-.Ltmp2, $4  }
0xc0: {  	[tilespmem:s0+$0x15CB0] =	vst v0  }
0xc1: {  	[tilespmem:s0+$0x15CC0] =	vst v0  }
0xc2: {  	[tilespmem:s0+$0x15CD0] =	vst v0  }
0xc3: {  	[tilespmem:s0+$0x15CE0] =	vst v0;
	s0 =	sshra.s32 s16, $0x2;
	s16 =	sadd.s32 $0x200, s16  }
0xc4: {  	[tilespmem:s0+$0x15CF0] =	vst v0  }
0xc5: {  	[tilespmem:s0+$0x15C80] =	vst v0  }
0xc6: {  	[tilespmem:s0+$0x15C90] =	vst v0  }
0xc7: {  	[tilespmem:s0+$0x15CA0] =	vst v0  }
0xc8: {  	[tilespmem:s0+$0x15CB0] =	vst v0  }
0xc9: {  	[tilespmem:s0+$0x15CC0] =	vst v0  }
0xca: {  	[tilespmem:s0+$0x15CD0] =	vst v0  }
0xcb: {  	[tilespmem:s0+$0x15CE0] =	vst v0  }
0xcc: {  	[spmem:s5] =	stream.linear.scatter [tilespmem:s18], [sflag:$0x6], $0x4000, $0x38;
	[tilespmem:$0x1DC80] =	vst v63  }
0xcd: {  	_ =	swait.ge [sflag:s19], $0x4000  }
0xce: {  	[sflag:s19] =	ssyncset.done $0x0  }
0xcf: {  	s29 =	rddreg [dreg:$0x7];
	[sflag:s19] =	ssyncadd.s32 $0xFFFFC000  }
0xd0: {  	[spmem:s29] =	stream.linear.scatter [tilespmem:s18], [sflag:$0x6], $0x4000, $0x38;
	[tilespmem:$0x1DC80] =	vst v63  }
0xd1: {  	_ =	swait.ge [sflag:s19], $0x4000  }
0xd2: {  	[sflag:s19] =	ssyncset.done $0x0  }
0xd3: {  	s30 =	rddreg [dreg:$0x8];
	[sflag:s19] =	ssyncadd.s32 $0xFFFFC000  }
0xd4: {  	[spmem:s30] =	stream.linear.scatter [tilespmem:s18], [sflag:$0x6], $0x4000, $0x38;
	[tilespmem:$0x1DC80] =	vst v63  }
0xd5: {  	_ =	swait.ge [sflag:s19], $0x4000  }
0xd6: {  	[sflag:s19] =	ssyncset.done $0x0  }
0xd7: {  	s31 =	rddreg [dreg:$0x9];
	[sflag:s19] =	ssyncadd.s32 $0xFFFFC000  }
0xd8: {  	[spmem:s31] =	stream.linear.scatter [tilespmem:s18], [sflag:$0x6], $0x4000, $0x38;
	[tilespmem:$0x1DC80] =	vst v63  }
0xd9: {  	_ =	swait.ge [sflag:s19], $0x4000  }
0xda: {  	[sflag:s19] =	ssyncset.done $0x0  }
0xdb: {  	[sflag:s19] =	ssyncadd.s32 $0xFFFFC000  }
0xdc: {  	[spmem:s9] =	stream.linear.scatter [tilespmem:s18], [sflag:$0x6], $0x3800, $0x38;
	[tilespmem:$0x1DC80] =	vst v63  }
0xdd: {  	_ =	swait.ge [sflag:s19], $0x3800  }
0xde: {  	[sflag:s19] =	ssyncset.done $0x0  }
0xdf: {  	s0 =	simm.s32 @!p0 $0x15C80;
	[sflag:s19] =	ssyncadd.s32 $0xFFFFC800  }
0xe0: {  	[spmem:s10] =	stream.linear.scatter @!p0 [tilespmem:s0], [sflag:$0x6], $0x800, $0x38;
	[tilespmem:$0x1DC80] =	vst v63  }
0xe1: {  	s0 =	simm.s32 @!p0 $0x6  }
0xe2: {  	_ =	swait.ge @!p0 [sflag:s0], $0x800  }
0xe3: {  	[sflag:s0] =	ssyncset.done @!p0 $0x0  }
0xe4: {  	[sflag:s0] =	ssyncadd.s32 @!p0 $0xFFFFF800  }
0xe5: {  	[bflag:$0x0] =	sbarrier.arrive $0xFFFF  }
0xe6: {  	_ =	swait.ge [sflag:s20], $0x800  }
.Ltmp3:
0xe7: {  	[sflag:s20] =	ssyncset.done $0x0;
	(pc) =	sbr.rel @p1 .LBB2_7-.Ltmp3, $4  }
0xe8: {  	[sflag:s20] =	ssyncadd.s32 $0xFFFFF800  }
0xe9: {  	_ =	swait.ge [sflag:s20], $0x800  }
0xea: {  	[sflag:s20] =	ssyncset.done $0x0  }
0xeb: {  	p2 =	por $0x1, $0x1;
	s0 =	simm.s32 $0x0;
	[sflag:s20] =	ssyncadd.s32 $0xFFFFF800  }
0xec: {  	s16 =	simm.s32 @!p2 $0x5  }
0xed: {  	_ =	swait.ge @!p2 [sflag:s16], $0x800  }
0xee: {  	[sflag:s16] =	ssyncset.done @!p2 $0x0  }
0xef: {  	[sflag:s16] =	ssyncadd.s32 @!p2 $0xFFFFF800  }
0xf0: {  	s29 =	simm.s32 @p2 $0x15C80;
	_ =	swait.ge @!p2 [sflag:s16], $0x800  }
0xf1: {  	s30 =	simm.s32 @!p2 $0x3;
	s17 =	simm.s32 @p2 $0x13C80;
	[sflag:s16] =	ssyncset.done @!p2 $0x0  }
0xf2: {  	s4 =	simm.s32 @p2 $0x80;
	s31 =	rddreg [dreg:$0x6];
	[sflag:s16] =	ssyncadd.s32 @!p2 $0xFFFFF800  }
0xf3: {  	[tilespmem:s29], [sflag:$0x1] =	stream.indirect.gather @p2 [hbm4b:s3+s4], $0x80, s17, s4, $0xb8;
	[tilespmem:$0x1DC80] =	vst v63  }
0xf4: {  	s0 =	sand.u32 $0x800, s0;
	s6 =	rddreg [dreg:$0x5];
	_ =	swait.ge @!p2 [sflag:s30], $0x4000  }
0xf5: {  	s4 =	simm.s32 @!p2 $0x15C80;
	s17 =	simm.s32 @!p2 $0x4;
	[sflag:s30] =	ssyncset.done @!p2 $0x0  }
0xf6: {  	s29 =	sadd.s32 @!p2 $0x13C80, s0;
	[sflag:s30] =	ssyncadd.s32 @!p2 $0xFFFFC000;
	s30 =	simm.s32 @!p2 $0x80  }
0xf7: {  	[tilespmem:s4], [sflag:$0x1] =	stream.indirect.gather @!p2 [hbm4b:s3+s30], $0x80, s29, s30, $0xb8;
	[tilespmem:$0x1DC80] =	vst v63  }
0xf8: {  	s4 =	sor.u32 @!p2 $0x80, s0;
	_ =	swait.ge @!p2 [sflag:s17], $0x4000  }
0xf9: {  	s4 =	simm.s32 @p2 $0x80;
	[sflag:s17] =	ssyncset.done @!p2 $0x0  }
0xfa: {  	s7 =	sadd.s32 $0x13C80, s4;
	[sflag:s17] =	ssyncadd.s32 @!p2 $0xFFFFC000  }
0xfb: {  	[tilespmem:s22], [sflag:$0x2] =	stream.indirect.gather [hbm4b:s3+s21], $0x80, s7, s21, $0xb8;
	[tilespmem:$0x1DC80] =	vst v63  }
0xfc: {  	s17 =	smov.u32 s0;
	_ =	swait.ge [sflag:s23], $0x4000  }
0xfd: {  	s17 =	simm.s32 @p2 $0x0;
	[sflag:s23] =	ssyncset.done $0x0  }
0xfe: {  	s17 =	sadd.s32 $0x14C80, s17;
	[sflag:s23] =	ssyncadd.s32 $0xFFFFC000  }
0xff: {  	[spmem:s1] =	stream.indirect.scatter.add.f32 [tilespmem:s18], [sflag:$0x3], $0x80, s17, s21, $0xb8;
	[tilespmem:$0x1DC80] =	vst v63  }
0x100: {  	_ =	swait.ge [sflag:s24], $0x4000  }
0x101: {  	[sflag:s24] =	ssyncset.done $0x0  }
0x102: {  	s4 =	sadd.s32 $0x14C80, s4;
	p2 =	por $0x0, $0x0;
	[sflag:s24] =	ssyncadd.s32 $0xFFFFC000  }
0x103: {  	[spmem:s1] =	stream.indirect.scatter.add.f32 [tilespmem:s22], [sflag:$0x4], $0x80, s4, s21, $0xb8;
	[tilespmem:$0x1DC80] =	vst v63  }
0x104: {  	s16 =	sadd.s32 $0x0, s6;
	s17 =	simm.s32 @!p2 $0x0;
	s4 =	ssub.s32 $0x14480, s0  }
0x105: {  	[tilespmem:s4], [sflag:$0x5] =	stream.linear.gather @!p2 [hbm4b:s16+s17], $0x800, $0x38;
	[tilespmem:$0x1DC80] =	vst v63  }
0x106: {  	s4 =	ssub.s32 $0x15480, s0;
	s16 =	sadd.s32 $0x0, s31  }
0x107: {  	[tilespmem:s4], [sflag:$0x5] =	stream.linear.gather @!p2 [hbm4b:s16+s17], $0x800, $0x38;
	[tilespmem:$0x1DC80] =	vst v63  }
0x108: {  	_ =	swait.ge [sflag:s25], $0x4000  }
0x109: {  	[sflag:s25] =	ssyncset.done $0x0  }
0x10a: {  	s8 =	sadd.s32 $0x13D80, s0;
	[sflag:s25] =	ssyncadd.s32 $0xFFFFC000  }
0x10b: {  	[tilespmem:s18], [sflag:$0x1] =	stream.indirect.gather [hbm4b:s3+s21], $0x80, s8, s21, $0xb8;
	[tilespmem:$0x1DC80] =	vst v63  }
0x10c: {  	_ =	swait.ge [sflag:s26], $0x4000  }
0x10d: {  	[sflag:s26] =	ssyncset.done $0x0  }
0x10e: {  	s16 =	sadd.s32 $0x13E00, s0;
	[sflag:s26] =	ssyncadd.s32 $0xFFFFC000  }
0x10f: {  	[tilespmem:s22], [sflag:$0x2] =	stream.indirect.gather [hbm4b:s3+s21], $0x80, s16, s21, $0xb8;
	[tilespmem:$0x1DC80] =	vst v63  }
0x110: {  	_ =	swait.ge [sflag:s23], $0x4000  }
0x111: {  	[sflag:s23] =	ssyncset.done $0x0  }
0x112: {  	s17 =	sadd.s32 $0x14D80, s0;
	[sflag:s23] =	ssyncadd.s32 $0xFFFFC000  }
0x113: {  	[spmem:s1] =	stream.indirect.scatter.add.f32 [tilespmem:s18], [sflag:$0x3], $0x80, s17, s21, $0xb8;
	[tilespmem:$0x1DC80] =	vst v63  }
0x114: {  	_ =	swait.ge [sflag:s24], $0x4000  }
0x115: {  	[sflag:s24] =	ssyncset.done $0x0  }
0x116: {  	s2 =	sadd.s32 $0x14E00, s0;
	[sflag:s24] =	ssyncadd.s32 $0xFFFFC000  }
0x117: {  	[spmem:s1] =	stream.indirect.scatter.add.f32 [tilespmem:s22], [sflag:$0x4], $0x80, s2, s21, $0xb8;
	[tilespmem:$0x1DC80] =	vst v63  }
0x118: {  	_ =	swait.ge [sflag:s25], $0x4000  }
0x119: {  	[sflag:s25] =	ssyncset.done $0x0  }
0x11a: {  	s6 =	sadd.s32 $0x13E80, s0;
	[sflag:s25] =	ssyncadd.s32 $0xFFFFC000  }
0x11b: {  	[tilespmem:s18], [sflag:$0x1] =	stream.indirect.gather [hbm4b:s3+s21], $0x80, s6, s21, $0xb8;
	[tilespmem:$0x1DC80] =	vst v63  }
0x11c: {  	_ =	swait.ge [sflag:s26], $0x4000  }
0x11d: {  	[sflag:s26] =	ssyncset.done $0x0  }
0x11e: {  	s7 =	sadd.s32 $0x13F00, s0;
	[sflag:s26] =	ssyncadd.s32 $0xFFFFC000  }
0x11f: {  	[tilespmem:s22], [sflag:$0x2] =	stream.indirect.gather [hbm4b:s3+s21], $0x80, s7, s21, $0xb8;
	[tilespmem:$0x1DC80] =	vst v63  }
0x120: {  	_ =	swait.ge [sflag:s23], $0x4000  }
0x121: {  	[sflag:s23] =	ssyncset.done $0x0  }
0x122: {  	s8 =	sadd.s32 $0x14E80, s0;
	[sflag:s23] =	ssyncadd.s32 $0xFFFFC000  }
0x123: {  	[spmem:s1] =	stream.indirect.scatter.add.f32 [tilespmem:s18], [sflag:$0x3], $0x80, s8, s21, $0xb8;
	[tilespmem:$0x1DC80] =	vst v63  }
0x124: {  	_ =	swait.ge [sflag:s24], $0x4000  }
0x125: {  	[sflag:s24] =	ssyncset.done $0x0  }
0x126: {  	s16 =	sadd.s32 $0x14F00, s0;
	[sflag:s24] =	ssyncadd.s32 $0xFFFFC000  }
0x127: {  	[spmem:s1] =	stream.indirect.scatter.add.f32 [tilespmem:s22], [sflag:$0x4], $0x80, s16, s21, $0xb8;
	[tilespmem:$0x1DC80] =	vst v63  }
0x128: {  	_ =	swait.ge [sflag:s25], $0x4000  }
0x129: {  	[sflag:s25] =	ssyncset.done $0x0  }
0x12a: {  	s17 =	sadd.s32 $0x13F80, s0;
	[sflag:s25] =	ssyncadd.s32 $0xFFFFC000  }
0x12b: {  	[tilespmem:s18], [sflag:$0x1] =	stream.indirect.gather [hbm4b:s3+s21], $0x80, s17, s21, $0xb8;
	[tilespmem:$0x1DC80] =	vst v63  }
0x12c: {  	_ =	swait.ge [sflag:s26], $0x4000  }
0x12d: {  	[sflag:s26] =	ssyncset.done $0x0  }
0x12e: {  	s2 =	sor.u32 $0x14000, s0;
	[sflag:s26] =	ssyncadd.s32 $0xFFFFC000  }
0x12f: {  	[tilespmem:s22], [sflag:$0x2] =	stream.indirect.gather [hbm4b:s3+s21], $0x80, s2, s21, $0xb8;
	[tilespmem:$0x1DC80] =	vst v63  }
0x130: {  	_ =	swait.ge [sflag:s23], $0x4000  }
0x131: {  	[sflag:s23] =	ssyncset.done $0x0  }
0x132: {  	s6 =	sadd.s32 $0x14F80, s0;
	[sflag:s23] =	ssyncadd.s32 $0xFFFFC000  }
0x133: {  	[spmem:s1] =	stream.indirect.scatter.add.f32 [tilespmem:s18], [sflag:$0x3], $0x80, s6, s21, $0xb8;
	[tilespmem:$0x1DC80] =	vst v63  }
0x134: {  	_ =	swait.ge [sflag:s24], $0x4000  }
0x135: {  	[sflag:s24] =	ssyncset.done $0x0  }
0x136: {  	s7 =	sor.u32 $0x15000, s0;
	[sflag:s24] =	ssyncadd.s32 $0xFFFFC000  }
0x137: {  	[spmem:s1] =	stream.indirect.scatter.add.f32 [tilespmem:s22], [sflag:$0x4], $0x80, s7, s21, $0xb8;
	[tilespmem:$0x1DC80] =	vst v63  }
0x138: {  	_ =	swait.ge [sflag:s25], $0x4000  }
0x139: {  	[sflag:s25] =	ssyncset.done $0x0  }
0x13a: {  	s8 =	sadd.s32 $0x14080, s0;
	[sflag:s25] =	ssyncadd.s32 $0xFFFFC000  }
0x13b: {  	[tilespmem:s18], [sflag:$0x1] =	stream.indirect.gather [hbm4b:s3+s21], $0x80, s8, s21, $0xb8;
	[tilespmem:$0x1DC80] =	vst v63  }
0x13c: {  	_ =	swait.ge [sflag:s26], $0x4000  }
0x13d: {  	[sflag:s26] =	ssyncset.done $0x0  }
0x13e: {  	s16 =	sadd.s32 $0x14100, s0;
	[sflag:s26] =	ssyncadd.s32 $0xFFFFC000  }
0x13f: {  	[tilespmem:s22], [sflag:$0x2] =	stream.indirect.gather [hbm4b:s3+s21], $0x80, s16, s21, $0xb8;
	[tilespmem:$0x1DC80] =	vst v63  }
0x140: {  	_ =	swait.ge [sflag:s23], $0x4000  }
0x141: {  	[sflag:s23] =	ssyncset.done $0x0  }
0x142: {  	s17 =	sadd.s32 $0x15080, s0;
	[sflag:s23] =	ssyncadd.s32 $0xFFFFC000  }
0x143: {  	[spmem:s1] =	stream.indirect.scatter.add.f32 [tilespmem:s18], [sflag:$0x3], $0x80, s17, s21, $0xb8;
	[tilespmem:$0x1DC80] =	vst v63  }
0x144: {  	_ =	swait.ge [sflag:s24], $0x4000  }
0x145: {  	[sflag:s24] =	ssyncset.done $0x0  }
0x146: {  	s2 =	sadd.s32 $0x15100, s0;
	[sflag:s24] =	ssyncadd.s32 $0xFFFFC000  }
0x147: {  	[spmem:s1] =	stream.indirect.scatter.add.f32 [tilespmem:s22], [sflag:$0x4], $0x80, s2, s21, $0xb8;
	[tilespmem:$0x1DC80] =	vst v63  }
0x148: {  	_ =	swait.ge [sflag:s25], $0x4000  }
0x149: {  	[sflag:s25] =	ssyncset.done $0x0  }
0x14a: {  	s6 =	sadd.s32 $0x14180, s0;
	[sflag:s25] =	ssyncadd.s32 $0xFFFFC000  }
0x14b: {  	[tilespmem:s18], [sflag:$0x1] =	stream.indirect.gather [hbm4b:s3+s21], $0x80, s6, s21, $0xb8;
	[tilespmem:$0x1DC80] =	vst v63  }
0x14c: {  	_ =	swait.ge [sflag:s26], $0x4000  }
0x14d: {  	[sflag:s26] =	ssyncset.done $0x0  }
0x14e: {  	s7 =	sadd.s32 $0x14200, s0;
	[sflag:s26] =	ssyncadd.s32 $0xFFFFC000  }
0x14f: {  	[tilespmem:s22], [sflag:$0x2] =	stream.indirect.gather [hbm4b:s3+s21], $0x80, s7, s21, $0xb8;
	[tilespmem:$0x1DC80] =	vst v63  }
0x150: {  	_ =	swait.ge [sflag:s23], $0x4000  }
0x151: {  	[sflag:s23] =	ssyncset.done $0x0  }
0x152: {  	s8 =	sadd.s32 $0x15180, s0;
	[sflag:s23] =	ssyncadd.s32 $0xFFFFC000  }
0x153: {  	[spmem:s1] =	stream.indirect.scatter.add.f32 [tilespmem:s18], [sflag:$0x3], $0x80, s8, s21, $0xb8;
	[tilespmem:$0x1DC80] =	vst v63  }
0x154: {  	_ =	swait.ge [sflag:s24], $0x4000  }
0x155: {  	[sflag:s24] =	ssyncset.done $0x0  }
0x156: {  	s16 =	sadd.s32 $0x15200, s0;
	[sflag:s24] =	ssyncadd.s32 $0xFFFFC000  }
0x157: {  	[spmem:s1] =	stream.indirect.scatter.add.f32 [tilespmem:s22], [sflag:$0x4], $0x80, s16, s21, $0xb8;
	[tilespmem:$0x1DC80] =	vst v63  }
0x158: {  	_ =	swait.ge [sflag:s25], $0x4000  }
0x159: {  	[sflag:s25] =	ssyncset.done $0x0  }
0x15a: {  	s17 =	sadd.s32 $0x14280, s0;
	[sflag:s25] =	ssyncadd.s32 $0xFFFFC000  }
0x15b: {  	[tilespmem:s18], [sflag:$0x1] =	stream.indirect.gather [hbm4b:s3+s21], $0x80, s17, s21, $0xb8;
	[tilespmem:$0x1DC80] =	vst v63  }
0x15c: {  	_ =	swait.ge [sflag:s26], $0x4000  }
0x15d: {  	[sflag:s26] =	ssyncset.done $0x0  }
0x15e: {  	s2 =	sadd.s32 $0x14300, s0;
	[sflag:s26] =	ssyncadd.s32 $0xFFFFC000  }
0x15f: {  	[tilespmem:s22], [sflag:$0x2] =	stream.indirect.gather [hbm4b:s3+s21], $0x80, s2, s21, $0xb8;
	[tilespmem:$0x1DC80] =	vst v63  }
0x160: {  	_ =	swait.ge [sflag:s23], $0x4000  }
0x161: {  	[sflag:s23] =	ssyncset.done $0x0  }
0x162: {  	s6 =	sadd.s32 $0x15280, s0;
	[sflag:s23] =	ssyncadd.s32 $0xFFFFC000  }
0x163: {  	[spmem:s1] =	stream.indirect.scatter.add.f32 [tilespmem:s18], [sflag:$0x3], $0x80, s6, s21, $0xb8;
	[tilespmem:$0x1DC80] =	vst v63  }
0x164: {  	_ =	swait.ge [sflag:s24], $0x4000  }
0x165: {  	[sflag:s24] =	ssyncset.done $0x0  }
0x166: {  	s7 =	sadd.s32 $0x15300, s0;
	[sflag:s24] =	ssyncadd.s32 $0xFFFFC000  }
0x167: {  	[spmem:s1] =	stream.indirect.scatter.add.f32 [tilespmem:s22], [sflag:$0x4], $0x80, s7, s21, $0xb8;
	[tilespmem:$0x1DC80] =	vst v63  }
0x168: {  	_ =	swait.ge [sflag:s25], $0x4000  }
0x169: {  	[sflag:s25] =	ssyncset.done $0x0  }
0x16a: {  	s8 =	sadd.s32 $0x14380, s0;
	[sflag:s25] =	ssyncadd.s32 $0xFFFFC000  }
0x16b: {  	[tilespmem:s18], [sflag:$0x1] =	stream.indirect.gather [hbm4b:s3+s21], $0x80, s8, s21, $0xb8;
	[tilespmem:$0x1DC80] =	vst v63  }
0x16c: {  	_ =	swait.ge [sflag:s26], $0x4000  }
0x16d: {  	[sflag:s26] =	ssyncset.done $0x0  }
0x16e: {  	s16 =	sadd.s32 $0x14400, s0;
	[sflag:s26] =	ssyncadd.s32 $0xFFFFC000  }
0x16f: {  	[tilespmem:s22], [sflag:$0x2] =	stream.indirect.gather [hbm4b:s3+s21], $0x80, s16, s21, $0xb8;
	[tilespmem:$0x1DC80] =	vst v63  }
0x170: {  	_ =	swait.ge [sflag:s23], $0x4000  }
0x171: {  	[sflag:s23] =	ssyncset.done $0x0  }
0x172: {  	p3 =	por $0x0, $0x0;
	s17 =	sadd.s32 $0x15380, s0;
	[sflag:s23] =	ssyncadd.s32 $0xFFFFC000  }
0x173: {  	[spmem:s1] =	stream.indirect.scatter.add.f32 [tilespmem:s18], [sflag:$0x3], $0x80, s17, s21, $0xb8;
	[tilespmem:$0x1DC80] =	vst v63  }
0x174: {  	s29 =	simm.s32 $0x100;
	s30 =	simm.s32 $0x800;
	_ =	swait.ge [sflag:s24], $0x4000  }
0x175: {  	s31 =	simm.s32 $0x200;
	s0 =	sadd.s32 $0x15400, s0;
	[sflag:s24] =	ssyncset.done $0x0  }
.LBB2_5:
0x176: {  	s4 =	simm.s32 @!p3 $0x5;
	[sflag:s24] =	ssyncadd.s32 $0xFFFFC000  }
0x177: {  	[spmem:s1] =	stream.indirect.scatter.add.f32 [tilespmem:s22], [sflag:$0x4], $0x80, s0, s21, $0xb8;
	[tilespmem:$0x1DC80] =	vst v63  }
0x178: {  	_ =	swait.ge @!p3 [sflag:s4], $0x800  }
0x179: {  	[sflag:s4] =	ssyncset.done @!p3 $0x0  }
0x17a: {  	[sflag:s4] =	ssyncadd.s32 @!p3 $0xFFFFF800  }
0x17b: {  	s17 =	simm.s32 @!p3 $0x3;
	_ =	swait.ge @!p3 [sflag:s4], $0x800  }
0x17c: {  	s6 =	simm.s32 @p3 $0x13C80;
	s7 =	simm.s32 @p3 $0x80;
	[sflag:s4] =	ssyncset.done @!p3 $0x0  }
0x17d: {  	s0 =	simm.s32 @p3 $0x15C80;
	s2 =	rddreg [dreg:$0x6];
	[sflag:s4] =	ssyncadd.s32 @!p3 $0xFFFFF800  }
0x17e: {  	[tilespmem:s0], [sflag:$0x1] =	stream.indirect.gather @p3 [hbm4b:s3+s7], $0x80, s6, s7, $0xb8;
	[tilespmem:$0x1DC80] =	vst v63  }
0x17f: {  	s8 =	simm.s32 @!p3 $0x80;
	s4 =	rddreg [dreg:$0x5];
	_ =	swait.ge @!p3 [sflag:s17], $0x4000  }
0x180: {  	s0 =	sand.u32 $0x800, s30;
	s6 =	simm.s32 @!p3 $0x15C80;
	[sflag:s17] =	ssyncset.done @!p3 $0x0  }
0x181: {  	s7 =	simm.s32 @!p3 $0x4;
	[sflag:s17] =	ssyncadd.s32 @!p3 $0xFFFFC000;
	s17 =	sadd.s32 @!p3 $0x13C80, s0  }
0x182: {  	[tilespmem:s6], [sflag:$0x1] =	stream.indirect.gather @!p3 [hbm4b:s3+s8], $0x80, s17, s8, $0xb8;
	[tilespmem:$0x1DC80] =	vst v63  }
0x183: {  	s6 =	sor.u32 @!p3 $0x80, s0;
	_ =	swait.ge @!p3 [sflag:s7], $0x4000  }
0x184: {  	s6 =	simm.s32 @p3 $0x80;
	[sflag:s7] =	ssyncset.done @!p3 $0x0  }
0x185: {  	s17 =	sadd.s32 $0x13C80, s6;
	[sflag:s7] =	ssyncadd.s32 @!p3 $0xFFFFC000  }
0x186: {  	[tilespmem:s22], [sflag:$0x2] =	stream.indirect.gather [hbm4b:s3+s21], $0x80, s17, s21, $0xb8;
	[tilespmem:$0x1DC80] =	vst v63  }
0x187: {  	s7 =	smov.u32 s0;
	_ =	swait.ge [sflag:s23], $0x4000  }
0x188: {  	s7 =	simm.s32 @p3 $0x0;
	[sflag:s23] =	ssyncset.done $0x0  }
0x189: {  	s7 =	sadd.s32 $0x14C80, s7;
	[sflag:s23] =	ssyncadd.s32 $0xFFFFC000  }
0x18a: {  	[spmem:s1] =	stream.indirect.scatter.add.f32 [tilespmem:s18], [sflag:$0x3], $0x80, s7, s21, $0xb8;
	[tilespmem:$0x1DC80] =	vst v63  }
0x18b: {  	_ =	swait.ge [sflag:s24], $0x4000  }
0x18c: {  	[sflag:s24] =	ssyncset.done $0x0  }
0x18d: {  	s6 =	sadd.s32 $0x14C80, s6;
	p3 =	seq.s32 s29, $0x400;
	[sflag:s24] =	ssyncadd.s32 $0xFFFFC000  }
0x18e: {  	[spmem:s1] =	stream.indirect.scatter.add.f32 [tilespmem:s22], [sflag:$0x4], $0x80, s6, s21, $0xb8;
	[tilespmem:$0x1DC80] =	vst v63  }
0x18f: {  	s4 =	sadd.s32 s29, s4;
	s7 =	simm.s32 @!p3 $0x0;
	s6 =	ssub.s32 $0x14480, s0  }
0x190: {  	[tilespmem:s6], [sflag:$0x5] =	stream.linear.gather @!p3 [hbm4b:s4+s7], $0x800, $0x38;
	[tilespmem:$0x1DC80] =	vst v63  }
0x191: {  	s2 =	sadd.s32 s29, s2;
	s4 =	ssub.s32 $0x15480, s0  }
0x192: {  	[tilespmem:s4], [sflag:$0x5] =	stream.linear.gather @!p3 [hbm4b:s2+s7], $0x800, $0x38;
	[tilespmem:$0x1DC80] =	vst v63  }
0x193: {  	_ =	swait.ge [sflag:s25], $0x4000  }
0x194: {  	[sflag:s25] =	ssyncset.done $0x0  }
0x195: {  	s8 =	sadd.s32 $0x13D80, s0;
	[sflag:s25] =	ssyncadd.s32 $0xFFFFC000  }
0x196: {  	[tilespmem:s18], [sflag:$0x1] =	stream.indirect.gather [hbm4b:s3+s21], $0x80, s8, s21, $0xb8;
	[tilespmem:$0x1DC80] =	vst v63  }
0x197: {  	_ =	swait.ge [sflag:s26], $0x4000  }
0x198: {  	s16 =	smov.u32 s31;
	[sflag:s26] =	ssyncset.done $0x0  }
0x199: {  	s29 =	smov.u32 s16;
	s16 =	sadd.s32 $0x13E00, s0;
	[sflag:s26] =	ssyncadd.s32 $0xFFFFC000  }
0x19a: {  	[tilespmem:s22], [sflag:$0x2] =	stream.indirect.gather [hbm4b:s3+s21], $0x80, s16, s21, $0xb8;
	[tilespmem:$0x1DC80] =	vst v63  }
0x19b: {  	_ =	swait.ge [sflag:s23], $0x4000  }
0x19c: {  	[sflag:s23] =	ssyncset.done $0x0  }
0x19d: {  	s17 =	sadd.s32 $0x14D80, s0;
	[sflag:s23] =	ssyncadd.s32 $0xFFFFC000  }
0x19e: {  	[spmem:s1] =	stream.indirect.scatter.add.f32 [tilespmem:s18], [sflag:$0x3], $0x80, s17, s21, $0xb8;
	[tilespmem:$0x1DC80] =	vst v63  }
0x19f: {  	_ =	swait.ge [sflag:s24], $0x4000  }
0x1a0: {  	[sflag:s24] =	ssyncset.done $0x0  }
0x1a1: {  	s4 =	sadd.s32 $0x14E00, s0;
	[sflag:s24] =	ssyncadd.s32 $0xFFFFC000  }
0x1a2: {  	[spmem:s1] =	stream.indirect.scatter.add.f32 [tilespmem:s22], [sflag:$0x4], $0x80, s4, s21, $0xb8;
	[tilespmem:$0x1DC80] =	vst v63  }
0x1a3: {  	_ =	swait.ge [sflag:s25], $0x4000  }
0x1a4: {  	[sflag:s25] =	ssyncset.done $0x0  }
0x1a5: {  	s6 =	sadd.s32 $0x13E80, s0;
	[sflag:s25] =	ssyncadd.s32 $0xFFFFC000  }
0x1a6: {  	[tilespmem:s18], [sflag:$0x1] =	stream.indirect.gather [hbm4b:s3+s21], $0x80, s6, s21, $0xb8;
	[tilespmem:$0x1DC80] =	vst v63  }
0x1a7: {  	_ =	swait.ge [sflag:s26], $0x4000  }
0x1a8: {  	[sflag:s26] =	ssyncset.done $0x0  }
0x1a9: {  	s7 =	sadd.s32 $0x13F00, s0;
	[sflag:s26] =	ssyncadd.s32 $0xFFFFC000  }
0x1aa: {  	[tilespmem:s22], [sflag:$0x2] =	stream.indirect.gather [hbm4b:s3+s21], $0x80, s7, s21, $0xb8;
	[tilespmem:$0x1DC80] =	vst v63  }
0x1ab: {  	_ =	swait.ge [sflag:s23], $0x4000  }
0x1ac: {  	[sflag:s23] =	ssyncset.done $0x0  }
0x1ad: {  	s8 =	sadd.s32 $0x14E80, s0;
	[sflag:s23] =	ssyncadd.s32 $0xFFFFC000  }
0x1ae: {  	[spmem:s1] =	stream.indirect.scatter.add.f32 [tilespmem:s18], [sflag:$0x3], $0x80, s8, s21, $0xb8;
	[tilespmem:$0x1DC80] =	vst v63  }
0x1af: {  	_ =	swait.ge [sflag:s24], $0x4000  }
0x1b0: {  	[sflag:s24] =	ssyncset.done $0x0  }
0x1b1: {  	s16 =	sadd.s32 $0x14F00, s0;
	[sflag:s24] =	ssyncadd.s32 $0xFFFFC000  }
0x1b2: {  	[spmem:s1] =	stream.indirect.scatter.add.f32 [tilespmem:s22], [sflag:$0x4], $0x80, s16, s21, $0xb8;
	[tilespmem:$0x1DC80] =	vst v63  }
0x1b3: {  	_ =	swait.ge [sflag:s25], $0x4000  }
0x1b4: {  	[sflag:s25] =	ssyncset.done $0x0  }
0x1b5: {  	s17 =	sadd.s32 $0x13F80, s0;
	[sflag:s25] =	ssyncadd.s32 $0xFFFFC000  }
0x1b6: {  	[tilespmem:s18], [sflag:$0x1] =	stream.indirect.gather [hbm4b:s3+s21], $0x80, s17, s21, $0xb8;
	[tilespmem:$0x1DC80] =	vst v63  }
0x1b7: {  	_ =	swait.ge [sflag:s26], $0x4000  }
0x1b8: {  	[sflag:s26] =	ssyncset.done $0x0  }
0x1b9: {  	s4 =	sor.u32 $0x14000, s0;
	[sflag:s26] =	ssyncadd.s32 $0xFFFFC000  }
0x1ba: {  	[tilespmem:s22], [sflag:$0x2] =	stream.indirect.gather [hbm4b:s3+s21], $0x80, s4, s21, $0xb8;
	[tilespmem:$0x1DC80] =	vst v63  }
0x1bb: {  	_ =	swait.ge [sflag:s23], $0x4000  }
0x1bc: {  	[sflag:s23] =	ssyncset.done $0x0  }
0x1bd: {  	s6 =	sadd.s32 $0x14F80, s0;
	[sflag:s23] =	ssyncadd.s32 $0xFFFFC000  }
0x1be: {  	[spmem:s1] =	stream.indirect.scatter.add.f32 [tilespmem:s18], [sflag:$0x3], $0x80, s6, s21, $0xb8;
	[tilespmem:$0x1DC80] =	vst v63  }
0x1bf: {  	_ =	swait.ge [sflag:s24], $0x4000  }
0x1c0: {  	[sflag:s24] =	ssyncset.done $0x0  }
0x1c1: {  	s7 =	sor.u32 $0x15000, s0;
	[sflag:s24] =	ssyncadd.s32 $0xFFFFC000  }
0x1c2: {  	[spmem:s1] =	stream.indirect.scatter.add.f32 [tilespmem:s22], [sflag:$0x4], $0x80, s7, s21, $0xb8;
	[tilespmem:$0x1DC80] =	vst v63  }
0x1c3: {  	_ =	swait.ge [sflag:s25], $0x4000  }
0x1c4: {  	[sflag:s25] =	ssyncset.done $0x0  }
0x1c5: {  	s8 =	sadd.s32 $0x14080, s0;
	[sflag:s25] =	ssyncadd.s32 $0xFFFFC000  }
0x1c6: {  	[tilespmem:s18], [sflag:$0x1] =	stream.indirect.gather [hbm4b:s3+s21], $0x80, s8, s21, $0xb8;
	[tilespmem:$0x1DC80] =	vst v63  }
0x1c7: {  	_ =	swait.ge [sflag:s26], $0x4000  }
0x1c8: {  	[sflag:s26] =	ssyncset.done $0x0  }
0x1c9: {  	s16 =	sadd.s32 $0x14100, s0;
	[sflag:s26] =	ssyncadd.s32 $0xFFFFC000  }
0x1ca: {  	[tilespmem:s22], [sflag:$0x2] =	stream.indirect.gather [hbm4b:s3+s21], $0x80, s16, s21, $0xb8;
	[tilespmem:$0x1DC80] =	vst v63  }
0x1cb: {  	_ =	swait.ge [sflag:s23], $0x4000  }
0x1cc: {  	[sflag:s23] =	ssyncset.done $0x0  }
0x1cd: {  	s17 =	sadd.s32 $0x15080, s0;
	[sflag:s23] =	ssyncadd.s32 $0xFFFFC000  }
0x1ce: {  	[spmem:s1] =	stream.indirect.scatter.add.f32 [tilespmem:s18], [sflag:$0x3], $0x80, s17, s21, $0xb8;
	[tilespmem:$0x1DC80] =	vst v63  }
0x1cf: {  	_ =	swait.ge [sflag:s24], $0x4000  }
0x1d0: {  	[sflag:s24] =	ssyncset.done $0x0  }
0x1d1: {  	s4 =	sadd.s32 $0x15100, s0;
	[sflag:s24] =	ssyncadd.s32 $0xFFFFC000  }
0x1d2: {  	[spmem:s1] =	stream.indirect.scatter.add.f32 [tilespmem:s22], [sflag:$0x4], $0x80, s4, s21, $0xb8;
	[tilespmem:$0x1DC80] =	vst v63  }
0x1d3: {  	_ =	swait.ge [sflag:s25], $0x4000  }
0x1d4: {  	[sflag:s25] =	ssyncset.done $0x0  }
0x1d5: {  	s6 =	sadd.s32 $0x14180, s0;
	[sflag:s25] =	ssyncadd.s32 $0xFFFFC000  }
0x1d6: {  	[tilespmem:s18], [sflag:$0x1] =	stream.indirect.gather [hbm4b:s3+s21], $0x80, s6, s21, $0xb8;
	[tilespmem:$0x1DC80] =	vst v63  }
0x1d7: {  	_ =	swait.ge [sflag:s26], $0x4000  }
0x1d8: {  	[sflag:s26] =	ssyncset.done $0x0  }
0x1d9: {  	s7 =	sadd.s32 $0x14200, s0;
	[sflag:s26] =	ssyncadd.s32 $0xFFFFC000  }
0x1da: {  	[tilespmem:s22], [sflag:$0x2] =	stream.indirect.gather [hbm4b:s3+s21], $0x80, s7, s21, $0xb8;
	[tilespmem:$0x1DC80] =	vst v63  }
0x1db: {  	_ =	swait.ge [sflag:s23], $0x4000  }
0x1dc: {  	[sflag:s23] =	ssyncset.done $0x0  }
0x1dd: {  	s8 =	sadd.s32 $0x15180, s0;
	[sflag:s23] =	ssyncadd.s32 $0xFFFFC000  }
0x1de: {  	[spmem:s1] =	stream.indirect.scatter.add.f32 [tilespmem:s18], [sflag:$0x3], $0x80, s8, s21, $0xb8;
	[tilespmem:$0x1DC80] =	vst v63  }
0x1df: {  	_ =	swait.ge [sflag:s24], $0x4000  }
0x1e0: {  	[sflag:s24] =	ssyncset.done $0x0  }
0x1e1: {  	s16 =	sadd.s32 $0x15200, s0;
	[sflag:s24] =	ssyncadd.s32 $0xFFFFC000  }
0x1e2: {  	[spmem:s1] =	stream.indirect.scatter.add.f32 [tilespmem:s22], [sflag:$0x4], $0x80, s16, s21, $0xb8;
	[tilespmem:$0x1DC80] =	vst v63  }
0x1e3: {  	_ =	swait.ge [sflag:s25], $0x4000  }
0x1e4: {  	[sflag:s25] =	ssyncset.done $0x0  }
0x1e5: {  	s17 =	sadd.s32 $0x14280, s0;
	[sflag:s25] =	ssyncadd.s32 $0xFFFFC000  }
0x1e6: {  	[tilespmem:s18], [sflag:$0x1] =	stream.indirect.gather [hbm4b:s3+s21], $0x80, s17, s21, $0xb8;
	[tilespmem:$0x1DC80] =	vst v63  }
0x1e7: {  	_ =	swait.ge [sflag:s26], $0x4000  }
0x1e8: {  	[sflag:s26] =	ssyncset.done $0x0  }
0x1e9: {  	s4 =	sadd.s32 $0x14300, s0;
	[sflag:s26] =	ssyncadd.s32 $0xFFFFC000  }
0x1ea: {  	[tilespmem:s22], [sflag:$0x2] =	stream.indirect.gather [hbm4b:s3+s21], $0x80, s4, s21, $0xb8;
	[tilespmem:$0x1DC80] =	vst v63  }
0x1eb: {  	_ =	swait.ge [sflag:s23], $0x4000  }
0x1ec: {  	[sflag:s23] =	ssyncset.done $0x0  }
0x1ed: {  	s6 =	sadd.s32 $0x15280, s0;
	[sflag:s23] =	ssyncadd.s32 $0xFFFFC000  }
0x1ee: {  	[spmem:s1] =	stream.indirect.scatter.add.f32 [tilespmem:s18], [sflag:$0x3], $0x80, s6, s21, $0xb8;
	[tilespmem:$0x1DC80] =	vst v63  }
0x1ef: {  	_ =	swait.ge [sflag:s24], $0x4000  }
0x1f0: {  	[sflag:s24] =	ssyncset.done $0x0  }
0x1f1: {  	s7 =	sadd.s32 $0x15300, s0;
	[sflag:s24] =	ssyncadd.s32 $0xFFFFC000  }
0x1f2: {  	[spmem:s1] =	stream.indirect.scatter.add.f32 [tilespmem:s22], [sflag:$0x4], $0x80, s7, s21, $0xb8;
	[tilespmem:$0x1DC80] =	vst v63  }
0x1f3: {  	_ =	swait.ge [sflag:s25], $0x4000  }
0x1f4: {  	[sflag:s25] =	ssyncset.done $0x0  }
0x1f5: {  	s8 =	sadd.s32 $0x14380, s0;
	[sflag:s25] =	ssyncadd.s32 $0xFFFFC000  }
0x1f6: {  	[tilespmem:s18], [sflag:$0x1] =	stream.indirect.gather [hbm4b:s3+s21], $0x80, s8, s21, $0xb8;
	[tilespmem:$0x1DC80] =	vst v63  }
0x1f7: {  	_ =	swait.ge [sflag:s26], $0x4000  }
0x1f8: {  	[sflag:s26] =	ssyncset.done $0x0  }
0x1f9: {  	s31 =	sadd.s32 $0x100, s31;
	s16 =	sadd.s32 $0x14400, s0;
	[sflag:s26] =	ssyncadd.s32 $0xFFFFC000  }
0x1fa: {  	[tilespmem:s22], [sflag:$0x2] =	stream.indirect.gather [hbm4b:s3+s21], $0x80, s16, s21, $0xb8;
	[tilespmem:$0x1DC80] =	vst v63  }
0x1fb: {  	p2 =	seq.s32 s31, $0x500;
	_ =	swait.ge [sflag:s23], $0x4000  }
.Ltmp4:
0x1fc: {  	[sflag:s23] =	ssyncset.done $0x0;
	(pc) =	sbr.rel @!p2 .LBB2_5-.Ltmp4, $4  }
0x1fd: {  	s17 =	sadd.s32 $0x15380, s0;
	[sflag:s23] =	ssyncadd.s32 $0xFFFFC000  }
0x1fe: {  	[spmem:s1] =	stream.indirect.scatter.add.f32 [tilespmem:s18], [sflag:$0x3], $0x80, s17, s21, $0xb8;
	[tilespmem:$0x1DC80] =	vst v63  }
0x1ff: {  	s30 =	sadd.s32 $0x800, s30;
	_ =	swait.ge [sflag:s24], $0x4000  }
0x200: {  	p3 =	seq.s32 s29, $0x0;
	s0 =	sadd.s32 $0x15400, s0;
	[sflag:s24] =	ssyncset.done $0x0  }
0x201: {  	s2 =	simm.s32 @!p3 $0x5;
	[sflag:s24] =	ssyncadd.s32 $0xFFFFC000  }
0x202: {  	[spmem:s1] =	stream.indirect.scatter.add.f32 [tilespmem:s22], [sflag:$0x4], $0x80, s0, s21, $0xb8;
	[tilespmem:$0x1DC80] =	vst v63  }
0x203: {  	_ =	swait.ge @!p3 [sflag:s2], $0x800  }
0x204: {  	[sflag:s2] =	ssyncset.done @!p3 $0x0  }
0x205: {  	[sflag:s2] =	ssyncadd.s32 @!p3 $0xFFFFF800  }
0x206: {  	s4 =	simm.s32 @!p3 $0x3;
	_ =	swait.ge @!p3 [sflag:s2], $0x800  }
0x207: {  	s7 =	simm.s32 @p3 $0x13C80;
	s8 =	simm.s32 @p3 $0x80;
	[sflag:s2] =	ssyncset.done @!p3 $0x0  }
0x208: {  	s0 =	simm.s32 @p3 $0x15C80;
	s6 =	rddreg [dreg:$0x6];
	[sflag:s2] =	ssyncadd.s32 @!p3 $0xFFFFF800  }
0x209: {  	[tilespmem:s0], [sflag:$0x1] =	stream.indirect.gather @p3 [hbm4b:s3+s8], $0x80, s7, s8, $0xb8;
	[tilespmem:$0x1DC80] =	vst v63  }
0x20a: {  	s16 =	simm.s32 @!p3 $0x80;
	s17 =	rddreg [dreg:$0x5];
	_ =	swait.ge @!p3 [sflag:s4], $0x4000  }
0x20b: {  	s0 =	sand.u32 $0x800, s30;
	s7 =	simm.s32 @!p3 $0x15C80;
	[sflag:s4] =	ssyncset.done @!p3 $0x0  }
0x20c: {  	s8 =	simm.s32 @!p3 $0x4;
	[sflag:s4] =	ssyncadd.s32 @!p3 $0xFFFFC000;
	s4 =	sadd.s32 @!p3 $0x13C80, s0  }
0x20d: {  	[tilespmem:s7], [sflag:$0x1] =	stream.indirect.gather @!p3 [hbm4b:s3+s16], $0x80, s4, s16, $0xb8;
	[tilespmem:$0x1DC80] =	vst v63  }
0x20e: {  	s4 =	sor.u32 @!p3 $0x80, s0;
	_ =	swait.ge @!p3 [sflag:s8], $0x4000  }
0x20f: {  	s4 =	simm.s32 @p3 $0x80;
	[sflag:s8] =	ssyncset.done @!p3 $0x0  }
0x210: {  	s31 =	sadd.s32 $0x13C80, s4;
	[sflag:s8] =	ssyncadd.s32 @!p3 $0xFFFFC000  }
0x211: {  	[tilespmem:s22], [sflag:$0x2] =	stream.indirect.gather [hbm4b:s3+s21], $0x80, s31, s21, $0xb8;
	[tilespmem:$0x1DC80] =	vst v63  }
0x212: {  	s7 =	smov.u32 s0;
	_ =	swait.ge [sflag:s23], $0x4000  }
0x213: {  	s7 =	simm.s32 @p3 $0x0;
	[sflag:s23] =	ssyncset.done $0x0  }
0x214: {  	s7 =	sadd.s32 $0x14C80, s7;
	[sflag:s23] =	ssyncadd.s32 $0xFFFFC000  }
0x215: {  	[spmem:s1] =	stream.indirect.scatter.add.f32 [tilespmem:s18], [sflag:$0x3], $0x80, s7, s21, $0xb8;
	[tilespmem:$0x1DC80] =	vst v63  }
0x216: {  	_ =	swait.ge [sflag:s24], $0x4000  }
0x217: {  	[sflag:s24] =	ssyncset.done $0x0  }
0x218: {  	p2 =	seq.s32 s29, $0x400;
	s4 =	sadd.s32 $0x14C80, s4;
	[sflag:s24] =	ssyncadd.s32 $0xFFFFC000  }
0x219: {  	[spmem:s1] =	stream.indirect.scatter.add.f32 [tilespmem:s22], [sflag:$0x4], $0x80, s4, s21, $0xb8;
	[tilespmem:$0x1DC80] =	vst v63  }
0x21a: {  	s2 =	sadd.s32 s29, s17;
	s7 =	simm.s32 @!p2 $0x0;
	s4 =	ssub.s32 $0x14480, s0  }
0x21b: {  	[tilespmem:s4], [sflag:$0x5] =	stream.linear.gather @!p2 [hbm4b:s2+s7], $0x800, $0x38;
	[tilespmem:$0x1DC80] =	vst v63  }
0x21c: {  	s2 =	ssub.s32 $0x15480, s0;
	s4 =	sadd.s32 s29, s6  }
0x21d: {  	[tilespmem:s2], [sflag:$0x5] =	stream.linear.gather @!p2 [hbm4b:s4+s7], $0x800, $0x38;
	[tilespmem:$0x1DC80] =	vst v63  }
0x21e: {  	_ =	swait.ge [sflag:s25], $0x4000  }
0x21f: {  	[sflag:s25] =	ssyncset.done $0x0  }
0x220: {  	s4 =	sadd.s32 $0x13D80, s0;
	[sflag:s25] =	ssyncadd.s32 $0xFFFFC000  }
0x221: {  	[tilespmem:s18], [sflag:$0x1] =	stream.indirect.gather [hbm4b:s3+s21], $0x80, s4, s21, $0xb8;
	[tilespmem:$0x1DC80] =	vst v63  }
0x222: {  	_ =	swait.ge [sflag:s26], $0x4000  }
0x223: {  	[sflag:s26] =	ssyncset.done $0x0  }
0x224: {  	s6 =	sadd.s32 $0x13E00, s0;
	[sflag:s26] =	ssyncadd.s32 $0xFFFFC000  }
0x225: {  	[tilespmem:s22], [sflag:$0x2] =	stream.indirect.gather [hbm4b:s3+s21], $0x80, s6, s21, $0xb8;
	[tilespmem:$0x1DC80] =	vst v63  }
0x226: {  	_ =	swait.ge [sflag:s23], $0x4000  }
0x227: {  	[sflag:s23] =	ssyncset.done $0x0  }
0x228: {  	s7 =	sadd.s32 $0x14D80, s0;
	[sflag:s23] =	ssyncadd.s32 $0xFFFFC000  }
0x229: {  	[spmem:s1] =	stream.indirect.scatter.add.f32 [tilespmem:s18], [sflag:$0x3], $0x80, s7, s21, $0xb8;
	[tilespmem:$0x1DC80] =	vst v63  }
0x22a: {  	_ =	swait.ge [sflag:s24], $0x4000  }
0x22b: {  	[sflag:s24] =	ssyncset.done $0x0  }
0x22c: {  	s8 =	sadd.s32 $0x14E00, s0;
	[sflag:s24] =	ssyncadd.s32 $0xFFFFC000  }
0x22d: {  	[spmem:s1] =	stream.indirect.scatter.add.f32 [tilespmem:s22], [sflag:$0x4], $0x80, s8, s21, $0xb8;
	[tilespmem:$0x1DC80] =	vst v63  }
0x22e: {  	_ =	swait.ge [sflag:s25], $0x4000  }
0x22f: {  	[sflag:s25] =	ssyncset.done $0x0  }
0x230: {  	s16 =	sadd.s32 $0x13E80, s0;
	[sflag:s25] =	ssyncadd.s32 $0xFFFFC000  }
0x231: {  	[tilespmem:s18], [sflag:$0x1] =	stream.indirect.gather [hbm4b:s3+s21], $0x80, s16, s21, $0xb8;
	[tilespmem:$0x1DC80] =	vst v63  }
0x232: {  	_ =	swait.ge [sflag:s26], $0x4000  }
0x233: {  	[sflag:s26] =	ssyncset.done $0x0  }
0x234: {  	s17 =	sadd.s32 $0x13F00, s0;
	[sflag:s26] =	ssyncadd.s32 $0xFFFFC000  }
0x235: {  	[tilespmem:s22], [sflag:$0x2] =	stream.indirect.gather [hbm4b:s3+s21], $0x80, s17, s21, $0xb8;
	[tilespmem:$0x1DC80] =	vst v63  }
0x236: {  	_ =	swait.ge [sflag:s23], $0x4000  }
0x237: {  	[sflag:s23] =	ssyncset.done $0x0  }
0x238: {  	s29 =	sadd.s32 $0x14E80, s0;
	[sflag:s23] =	ssyncadd.s32 $0xFFFFC000  }
0x239: {  	[spmem:s1] =	stream.indirect.scatter.add.f32 [tilespmem:s18], [sflag:$0x3], $0x80, s29, s21, $0xb8;
	[tilespmem:$0x1DC80] =	vst v63  }
0x23a: {  	_ =	swait.ge [sflag:s24], $0x4000  }
0x23b: {  	[sflag:s24] =	ssyncset.done $0x0  }
0x23c: {  	s30 =	sadd.s32 $0x14F00, s0;
	[sflag:s24] =	ssyncadd.s32 $0xFFFFC000  }
0x23d: {  	[spmem:s1] =	stream.indirect.scatter.add.f32 [tilespmem:s22], [sflag:$0x4], $0x80, s30, s21, $0xb8;
	[tilespmem:$0x1DC80] =	vst v63  }
0x23e: {  	_ =	swait.ge [sflag:s25], $0x4000  }
0x23f: {  	[sflag:s25] =	ssyncset.done $0x0  }
0x240: {  	s31 =	sadd.s32 $0x13F80, s0;
	[sflag:s25] =	ssyncadd.s32 $0xFFFFC000  }
0x241: {  	[tilespmem:s18], [sflag:$0x1] =	stream.indirect.gather [hbm4b:s3+s21], $0x80, s31, s21, $0xb8;
	[tilespmem:$0x1DC80] =	vst v63  }
0x242: {  	_ =	swait.ge [sflag:s26], $0x4000  }
0x243: {  	[sflag:s26] =	ssyncset.done $0x0  }
0x244: {  	s4 =	sor.u32 $0x14000, s0;
	[sflag:s26] =	ssyncadd.s32 $0xFFFFC000  }
0x245: {  	[tilespmem:s22], [sflag:$0x2] =	stream.indirect.gather [hbm4b:s3+s21], $0x80, s4, s21, $0xb8;
	[tilespmem:$0x1DC80] =	vst v63  }
0x246: {  	_ =	swait.ge [sflag:s23], $0x4000  }
0x247: {  	[sflag:s23] =	ssyncset.done $0x0  }
0x248: {  	s6 =	sadd.s32 $0x14F80, s0;
	[sflag:s23] =	ssyncadd.s32 $0xFFFFC000  }
0x249: {  	[spmem:s1] =	stream.indirect.scatter.add.f32 [tilespmem:s18], [sflag:$0x3], $0x80, s6, s21, $0xb8;
	[tilespmem:$0x1DC80] =	vst v63  }
0x24a: {  	_ =	swait.ge [sflag:s24], $0x4000  }
0x24b: {  	[sflag:s24] =	ssyncset.done $0x0  }
0x24c: {  	s7 =	sor.u32 $0x15000, s0;
	[sflag:s24] =	ssyncadd.s32 $0xFFFFC000  }
0x24d: {  	[spmem:s1] =	stream.indirect.scatter.add.f32 [tilespmem:s22], [sflag:$0x4], $0x80, s7, s21, $0xb8;
	[tilespmem:$0x1DC80] =	vst v63  }
0x24e: {  	_ =	swait.ge [sflag:s25], $0x4000  }
0x24f: {  	[sflag:s25] =	ssyncset.done $0x0  }
0x250: {  	s8 =	sadd.s32 $0x14080, s0;
	[sflag:s25] =	ssyncadd.s32 $0xFFFFC000  }
0x251: {  	[tilespmem:s18], [sflag:$0x1] =	stream.indirect.gather [hbm4b:s3+s21], $0x80, s8, s21, $0xb8;
	[tilespmem:$0x1DC80] =	vst v63  }
0x252: {  	_ =	swait.ge [sflag:s26], $0x4000  }
0x253: {  	[sflag:s26] =	ssyncset.done $0x0  }
0x254: {  	s16 =	sadd.s32 $0x14100, s0;
	[sflag:s26] =	ssyncadd.s32 $0xFFFFC000  }
0x255: {  	[tilespmem:s22], [sflag:$0x2] =	stream.indirect.gather [hbm4b:s3+s21], $0x80, s16, s21, $0xb8;
	[tilespmem:$0x1DC80] =	vst v63  }
0x256: {  	_ =	swait.ge [sflag:s23], $0x4000  }
0x257: {  	[sflag:s23] =	ssyncset.done $0x0  }
0x258: {  	s17 =	sadd.s32 $0x15080, s0;
	[sflag:s23] =	ssyncadd.s32 $0xFFFFC000  }
0x259: {  	[spmem:s1] =	stream.indirect.scatter.add.f32 [tilespmem:s18], [sflag:$0x3], $0x80, s17, s21, $0xb8;
	[tilespmem:$0x1DC80] =	vst v63  }
0x25a: {  	_ =	swait.ge [sflag:s24], $0x4000  }
0x25b: {  	[sflag:s24] =	ssyncset.done $0x0  }
0x25c: {  	s29 =	sadd.s32 $0x15100, s0;
	[sflag:s24] =	ssyncadd.s32 $0xFFFFC000  }
0x25d: {  	[spmem:s1] =	stream.indirect.scatter.add.f32 [tilespmem:s22], [sflag:$0x4], $0x80, s29, s21, $0xb8;
	[tilespmem:$0x1DC80] =	vst v63  }
0x25e: {  	_ =	swait.ge [sflag:s25], $0x4000  }
0x25f: {  	[sflag:s25] =	ssyncset.done $0x0  }
0x260: {  	s30 =	sadd.s32 $0x14180, s0;
	[sflag:s25] =	ssyncadd.s32 $0xFFFFC000  }
0x261: {  	[tilespmem:s18], [sflag:$0x1] =	stream.indirect.gather [hbm4b:s3+s21], $0x80, s30, s21, $0xb8;
	[tilespmem:$0x1DC80] =	vst v63  }
0x262: {  	_ =	swait.ge [sflag:s26], $0x4000  }
0x263: {  	[sflag:s26] =	ssyncset.done $0x0  }
0x264: {  	s31 =	sadd.s32 $0x14200, s0;
	[sflag:s26] =	ssyncadd.s32 $0xFFFFC000  }
0x265: {  	[tilespmem:s22], [sflag:$0x2] =	stream.indirect.gather [hbm4b:s3+s21], $0x80, s31, s21, $0xb8;
	[tilespmem:$0x1DC80] =	vst v63  }
0x266: {  	_ =	swait.ge [sflag:s23], $0x4000  }
0x267: {  	[sflag:s23] =	ssyncset.done $0x0  }
0x268: {  	s4 =	sadd.s32 $0x15180, s0;
	[sflag:s23] =	ssyncadd.s32 $0xFFFFC000  }
0x269: {  	[spmem:s1] =	stream.indirect.scatter.add.f32 [tilespmem:s18], [sflag:$0x3], $0x80, s4, s21, $0xb8;
	[tilespmem:$0x1DC80] =	vst v63  }
0x26a: {  	_ =	swait.ge [sflag:s24], $0x4000  }
0x26b: {  	[sflag:s24] =	ssyncset.done $0x0  }
0x26c: {  	s6 =	sadd.s32 $0x15200, s0;
	[sflag:s24] =	ssyncadd.s32 $0xFFFFC000  }
0x26d: {  	[spmem:s1] =	stream.indirect.scatter.add.f32 [tilespmem:s22], [sflag:$0x4], $0x80, s6, s21, $0xb8;
	[tilespmem:$0x1DC80] =	vst v63  }
0x26e: {  	_ =	swait.ge [sflag:s25], $0x4000  }
0x26f: {  	[sflag:s25] =	ssyncset.done $0x0  }
0x270: {  	s7 =	sadd.s32 $0x14280, s0;
	[sflag:s25] =	ssyncadd.s32 $0xFFFFC000  }
0x271: {  	[tilespmem:s18], [sflag:$0x1] =	stream.indirect.gather [hbm4b:s3+s21], $0x80, s7, s21, $0xb8;
	[tilespmem:$0x1DC80] =	vst v63  }
0x272: {  	_ =	swait.ge [sflag:s26], $0x4000  }
0x273: {  	[sflag:s26] =	ssyncset.done $0x0  }
0x274: {  	s8 =	sadd.s32 $0x14300, s0;
	[sflag:s26] =	ssyncadd.s32 $0xFFFFC000  }
0x275: {  	[tilespmem:s22], [sflag:$0x2] =	stream.indirect.gather [hbm4b:s3+s21], $0x80, s8, s21, $0xb8;
	[tilespmem:$0x1DC80] =	vst v63  }
0x276: {  	_ =	swait.ge [sflag:s23], $0x4000  }
0x277: {  	[sflag:s23] =	ssyncset.done $0x0  }
0x278: {  	s16 =	sadd.s32 $0x15280, s0;
	[sflag:s23] =	ssyncadd.s32 $0xFFFFC000  }
0x279: {  	[spmem:s1] =	stream.indirect.scatter.add.f32 [tilespmem:s18], [sflag:$0x3], $0x80, s16, s21, $0xb8;
	[tilespmem:$0x1DC80] =	vst v63  }
0x27a: {  	_ =	swait.ge [sflag:s24], $0x4000  }
0x27b: {  	[sflag:s24] =	ssyncset.done $0x0  }
0x27c: {  	s17 =	sadd.s32 $0x15300, s0;
	[sflag:s24] =	ssyncadd.s32 $0xFFFFC000  }
0x27d: {  	[spmem:s1] =	stream.indirect.scatter.add.f32 [tilespmem:s22], [sflag:$0x4], $0x80, s17, s21, $0xb8;
	[tilespmem:$0x1DC80] =	vst v63  }
0x27e: {  	_ =	swait.ge [sflag:s25], $0x4000  }
0x27f: {  	[sflag:s25] =	ssyncset.done $0x0  }
0x280: {  	s29 =	sadd.s32 $0x14380, s0;
	[sflag:s25] =	ssyncadd.s32 $0xFFFFC000  }
0x281: {  	[tilespmem:s18], [sflag:$0x1] =	stream.indirect.gather [hbm4b:s3+s21], $0x80, s29, s21, $0xb8;
	[tilespmem:$0x1DC80] =	vst v63  }
0x282: {  	_ =	swait.ge [sflag:s26], $0x4000  }
0x283: {  	[sflag:s26] =	ssyncset.done $0x0  }
0x284: {  	s30 =	sadd.s32 $0x14400, s0;
	[sflag:s26] =	ssyncadd.s32 $0xFFFFC000  }
0x285: {  	[tilespmem:s22], [sflag:$0x2] =	stream.indirect.gather [hbm4b:s3+s21], $0x80, s30, s21, $0xb8;
	[tilespmem:$0x1DC80] =	vst v63  }
0x286: {  	_ =	swait.ge [sflag:s23], $0x4000  }
0x287: {  	[sflag:s23] =	ssyncset.done $0x0  }
0x288: {  	s31 =	sadd.s32 $0x15380, s0;
	[sflag:s23] =	ssyncadd.s32 $0xFFFFC000  }
0x289: {  	[spmem:s1] =	stream.indirect.scatter.add.f32 [tilespmem:s18], [sflag:$0x3], $0x80, s31, s21, $0xb8;
	[tilespmem:$0x1DC80] =	vst v63  }
.Ltmp5:
0x28a: {  	_ = 	snop;
	(pc) =	sbr.rel .LBB2_10-.Ltmp5, $4  }
0x28b: {  	_ =	swait.ge [sflag:s24], $0x4000  }
0x28c: {  	[sflag:s24] =	ssyncset.done $0x0  }
0x28d: {  	s0 =	sadd.s32 $0x15400, s0;
	[sflag:s24] =	ssyncadd.s32 $0xFFFFC000  }
0x28e: {  	[spmem:s1] =	stream.indirect.scatter.add.f32 [tilespmem:s22], [sflag:$0x4], $0x80, s0, s21, $0xb8;
	[tilespmem:$0x1DC80] =	vst v63  }
.LBB2_7:
0x28f: {  	s2 =	simm.s32 @!p2 $0x5  }
0x290: {  	_ =	swait.ge @!p2 [sflag:s2], $0x800  }
0x291: {  	[sflag:s2] =	ssyncset.done @!p2 $0x0  }
0x292: {  	[sflag:s2] =	ssyncadd.s32 @!p2 $0xFFFFF800  }
0x293: {  	s4 =	simm.s32 @p2 $0x15C80;
	_ =	swait.ge @!p2 [sflag:s2], $0x800  }
0x294: {  	s6 =	simm.s32 @!p2 $0x3;
	s8 =	simm.s32 @p2 $0x13C80;
	[sflag:s2] =	ssyncset.done @!p2 $0x0  }
0x295: {  	s16 =	simm.s32 @p2 $0x80;
	s7 =	rddreg [dreg:$0x4];
	[sflag:s2] =	ssyncadd.s32 @!p2 $0xFFFFF800  }
0x296: {  	[tilespmem:s4], [sflag:$0x1] =	stream.indirect.gather @p2 [hbm4b:s3+s16], $0x80, s8, s16, $0xb8;
	[tilespmem:$0x1DC80] =	vst v63  }
0x297: {  	s0 =	sand.u32 $0x800, s0;
	s2 =	rddreg [dreg:$0x3];
	_ =	swait.ge @!p2 [sflag:s6], $0x4000  }
0x298: {  	s4 =	simm.s32 @!p2 $0x15C80;
	s8 =	simm.s32 @!p2 $0x4;
	[sflag:s6] =	ssyncset.done @!p2 $0x0  }
0x299: {  	s16 =	simm.s32 @!p2 $0x80;
	[sflag:s6] =	ssyncadd.s32 @!p2 $0xFFFFC000;
	s6 =	sadd.s32 @!p2 $0x13C80, s0  }
0x29a: {  	[tilespmem:s4], [sflag:$0x1] =	stream.indirect.gather @!p2 [hbm4b:s3+s16], $0x80, s6, s16, $0xb8;
	[tilespmem:$0x1DC80] =	vst v63  }
0x29b: {  	s4 =	sor.u32 @!p2 $0x80, s0;
	_ =	swait.ge @!p2 [sflag:s8], $0x4000  }
0x29c: {  	s4 =	simm.s32 @p2 $0x80;
	[sflag:s8] =	ssyncset.done @!p2 $0x0  }
0x29d: {  	s17 =	sadd.s32 $0x13C80, s4;
	[sflag:s8] =	ssyncadd.s32 @!p2 $0xFFFFC000  }
0x29e: {  	[tilespmem:s22], [sflag:$0x2] =	stream.indirect.gather [hbm4b:s3+s21], $0x80, s17, s21, $0xb8;
	[tilespmem:$0x1DC80] =	vst v63  }
0x29f: {  	s6 =	smov.u32 s0;
	_ =	swait.ge [sflag:s23], $0x4000  }
0x2a0: {  	s6 =	simm.s32 @p2 $0x0;
	[sflag:s23] =	ssyncset.done $0x0  }
0x2a1: {  	s6 =	sadd.s32 $0x14C80, s6;
	[sflag:s23] =	ssyncadd.s32 $0xFFFFC000  }
0x2a2: {  	[spmem:s1] =	stream.indirect.scatter.add.f32 [tilespmem:s18], [sflag:$0x3], $0x80, s6, s21, $0xb8;
	[tilespmem:$0x1DC80] =	vst v63  }
0x2a3: {  	_ =	swait.ge [sflag:s24], $0x4000  }
0x2a4: {  	[sflag:s24] =	ssyncset.done $0x0  }
0x2a5: {  	s4 =	sadd.s32 $0x14C80, s4;
	p2 =	por $0x0, $0x0;
	[sflag:s24] =	ssyncadd.s32 $0xFFFFC000  }
0x2a6: {  	[spmem:s1] =	stream.indirect.scatter.add.f32 [tilespmem:s22], [sflag:$0x4], $0x80, s4, s21, $0xb8;
	[tilespmem:$0x1DC80] =	vst v63  }
0x2a7: {  	s2 =	sadd.s32 $0x0, s2;
	s6 =	simm.s32 @!p2 $0x0;
	s4 =	ssub.s32 $0x14480, s0  }
0x2a8: {  	[tilespmem:s4], [sflag:$0x5] =	stream.linear.gather @!p2 [hbm4b:s2+s6], $0x800, $0x38;
	[tilespmem:$0x1DC80] =	vst v63  }
0x2a9: {  	s2 =	ssub.s32 $0x15480, s0;
	s4 =	sadd.s32 $0x0, s7  }
0x2aa: {  	[tilespmem:s2], [sflag:$0x5] =	stream.linear.gather @!p2 [hbm4b:s4+s6], $0x800, $0x38;
	[tilespmem:$0x1DC80] =	vst v63  }
0x2ab: {  	_ =	swait.ge [sflag:s25], $0x4000  }
0x2ac: {  	[sflag:s25] =	ssyncset.done $0x0  }
0x2ad: {  	s8 =	sadd.s32 $0x13D80, s0;
	[sflag:s25] =	ssyncadd.s32 $0xFFFFC000  }
0x2ae: {  	[tilespmem:s18], [sflag:$0x1] =	stream.indirect.gather [hbm4b:s3+s21], $0x80, s8, s21, $0xb8;
	[tilespmem:$0x1DC80] =	vst v63  }
0x2af: {  	_ =	swait.ge [sflag:s26], $0x4000  }
0x2b0: {  	[sflag:s26] =	ssyncset.done $0x0  }
0x2b1: {  	s16 =	sadd.s32 $0x13E00, s0;
	[sflag:s26] =	ssyncadd.s32 $0xFFFFC000  }
0x2b2: {  	[tilespmem:s22], [sflag:$0x2] =	stream.indirect.gather [hbm4b:s3+s21], $0x80, s16, s21, $0xb8;
	[tilespmem:$0x1DC80] =	vst v63  }
0x2b3: {  	_ =	swait.ge [sflag:s23], $0x4000  }
0x2b4: {  	[sflag:s23] =	ssyncset.done $0x0  }
0x2b5: {  	s17 =	sadd.s32 $0x14D80, s0;
	[sflag:s23] =	ssyncadd.s32 $0xFFFFC000  }
0x2b6: {  	[spmem:s1] =	stream.indirect.scatter.add.f32 [tilespmem:s18], [sflag:$0x3], $0x80, s17, s21, $0xb8;
	[tilespmem:$0x1DC80] =	vst v63  }
0x2b7: {  	_ =	swait.ge [sflag:s24], $0x4000  }
0x2b8: {  	[sflag:s24] =	ssyncset.done $0x0  }
0x2b9: {  	s4 =	sadd.s32 $0x14E00, s0;
	[sflag:s24] =	ssyncadd.s32 $0xFFFFC000  }
0x2ba: {  	[spmem:s1] =	stream.indirect.scatter.add.f32 [tilespmem:s22], [sflag:$0x4], $0x80, s4, s21, $0xb8;
	[tilespmem:$0x1DC80] =	vst v63  }
0x2bb: {  	_ =	swait.ge [sflag:s25], $0x4000  }
0x2bc: {  	[sflag:s25] =	ssyncset.done $0x0  }
0x2bd: {  	s6 =	sadd.s32 $0x13E80, s0;
	[sflag:s25] =	ssyncadd.s32 $0xFFFFC000  }
0x2be: {  	[tilespmem:s18], [sflag:$0x1] =	stream.indirect.gather [hbm4b:s3+s21], $0x80, s6, s21, $0xb8;
	[tilespmem:$0x1DC80] =	vst v63  }
0x2bf: {  	_ =	swait.ge [sflag:s26], $0x4000  }
0x2c0: {  	[sflag:s26] =	ssyncset.done $0x0  }
0x2c1: {  	s7 =	sadd.s32 $0x13F00, s0;
	[sflag:s26] =	ssyncadd.s32 $0xFFFFC000  }
0x2c2: {  	[tilespmem:s22], [sflag:$0x2] =	stream.indirect.gather [hbm4b:s3+s21], $0x80, s7, s21, $0xb8;
	[tilespmem:$0x1DC80] =	vst v63  }
0x2c3: {  	_ =	swait.ge [sflag:s23], $0x4000  }
0x2c4: {  	[sflag:s23] =	ssyncset.done $0x0  }
0x2c5: {  	s8 =	sadd.s32 $0x14E80, s0;
	[sflag:s23] =	ssyncadd.s32 $0xFFFFC000  }
0x2c6: {  	[spmem:s1] =	stream.indirect.scatter.add.f32 [tilespmem:s18], [sflag:$0x3], $0x80, s8, s21, $0xb8;
	[tilespmem:$0x1DC80] =	vst v63  }
0x2c7: {  	_ =	swait.ge [sflag:s24], $0x4000  }
0x2c8: {  	[sflag:s24] =	ssyncset.done $0x0  }
0x2c9: {  	s16 =	sadd.s32 $0x14F00, s0;
	[sflag:s24] =	ssyncadd.s32 $0xFFFFC000  }
0x2ca: {  	[spmem:s1] =	stream.indirect.scatter.add.f32 [tilespmem:s22], [sflag:$0x4], $0x80, s16, s21, $0xb8;
	[tilespmem:$0x1DC80] =	vst v63  }
0x2cb: {  	_ =	swait.ge [sflag:s25], $0x4000  }
0x2cc: {  	[sflag:s25] =	ssyncset.done $0x0  }
0x2cd: {  	s17 =	sadd.s32 $0x13F80, s0;
	[sflag:s25] =	ssyncadd.s32 $0xFFFFC000  }
0x2ce: {  	[tilespmem:s18], [sflag:$0x1] =	stream.indirect.gather [hbm4b:s3+s21], $0x80, s17, s21, $0xb8;
	[tilespmem:$0x1DC80] =	vst v63  }
0x2cf: {  	_ =	swait.ge [sflag:s26], $0x4000  }
0x2d0: {  	[sflag:s26] =	ssyncset.done $0x0  }
0x2d1: {  	s4 =	sor.u32 $0x14000, s0;
	[sflag:s26] =	ssyncadd.s32 $0xFFFFC000  }
0x2d2: {  	[tilespmem:s22], [sflag:$0x2] =	stream.indirect.gather [hbm4b:s3+s21], $0x80, s4, s21, $0xb8;
	[tilespmem:$0x1DC80] =	vst v63  }
0x2d3: {  	_ =	swait.ge [sflag:s23], $0x4000  }
0x2d4: {  	[sflag:s23] =	ssyncset.done $0x0  }
0x2d5: {  	s6 =	sadd.s32 $0x14F80, s0;
	[sflag:s23] =	ssyncadd.s32 $0xFFFFC000  }
0x2d6: {  	[spmem:s1] =	stream.indirect.scatter.add.f32 [tilespmem:s18], [sflag:$0x3], $0x80, s6, s21, $0xb8;
	[tilespmem:$0x1DC80] =	vst v63  }
0x2d7: {  	_ =	swait.ge [sflag:s24], $0x4000  }
0x2d8: {  	[sflag:s24] =	ssyncset.done $0x0  }
0x2d9: {  	s7 =	sor.u32 $0x15000, s0;
	[sflag:s24] =	ssyncadd.s32 $0xFFFFC000  }
0x2da: {  	[spmem:s1] =	stream.indirect.scatter.add.f32 [tilespmem:s22], [sflag:$0x4], $0x80, s7, s21, $0xb8;
	[tilespmem:$0x1DC80] =	vst v63  }
0x2db: {  	_ =	swait.ge [sflag:s25], $0x4000  }
0x2dc: {  	[sflag:s25] =	ssyncset.done $0x0  }
0x2dd: {  	s8 =	sadd.s32 $0x14080, s0;
	[sflag:s25] =	ssyncadd.s32 $0xFFFFC000  }
0x2de: {  	[tilespmem:s18], [sflag:$0x1] =	stream.indirect.gather [hbm4b:s3+s21], $0x80, s8, s21, $0xb8;
	[tilespmem:$0x1DC80] =	vst v63  }
0x2df: {  	_ =	swait.ge [sflag:s26], $0x4000  }
0x2e0: {  	[sflag:s26] =	ssyncset.done $0x0  }
0x2e1: {  	s16 =	sadd.s32 $0x14100, s0;
	[sflag:s26] =	ssyncadd.s32 $0xFFFFC000  }
0x2e2: {  	[tilespmem:s22], [sflag:$0x2] =	stream.indirect.gather [hbm4b:s3+s21], $0x80, s16, s21, $0xb8;
	[tilespmem:$0x1DC80] =	vst v63  }
0x2e3: {  	_ =	swait.ge [sflag:s23], $0x4000  }
0x2e4: {  	[sflag:s23] =	ssyncset.done $0x0  }
0x2e5: {  	s17 =	sadd.s32 $0x15080, s0;
	[sflag:s23] =	ssyncadd.s32 $0xFFFFC000  }
0x2e6: {  	[spmem:s1] =	stream.indirect.scatter.add.f32 [tilespmem:s18], [sflag:$0x3], $0x80, s17, s21, $0xb8;
	[tilespmem:$0x1DC80] =	vst v63  }
0x2e7: {  	_ =	swait.ge [sflag:s24], $0x4000  }
0x2e8: {  	[sflag:s24] =	ssyncset.done $0x0  }
0x2e9: {  	s4 =	sadd.s32 $0x15100, s0;
	[sflag:s24] =	ssyncadd.s32 $0xFFFFC000  }
0x2ea: {  	[spmem:s1] =	stream.indirect.scatter.add.f32 [tilespmem:s22], [sflag:$0x4], $0x80, s4, s21, $0xb8;
	[tilespmem:$0x1DC80] =	vst v63  }
0x2eb: {  	_ =	swait.ge [sflag:s25], $0x4000  }
0x2ec: {  	[sflag:s25] =	ssyncset.done $0x0  }
0x2ed: {  	s6 =	sadd.s32 $0x14180, s0;
	[sflag:s25] =	ssyncadd.s32 $0xFFFFC000  }
0x2ee: {  	[tilespmem:s18], [sflag:$0x1] =	stream.indirect.gather [hbm4b:s3+s21], $0x80, s6, s21, $0xb8;
	[tilespmem:$0x1DC80] =	vst v63  }
0x2ef: {  	_ =	swait.ge [sflag:s26], $0x4000  }
0x2f0: {  	[sflag:s26] =	ssyncset.done $0x0  }
0x2f1: {  	s7 =	sadd.s32 $0x14200, s0;
	[sflag:s26] =	ssyncadd.s32 $0xFFFFC000  }
0x2f2: {  	[tilespmem:s22], [sflag:$0x2] =	stream.indirect.gather [hbm4b:s3+s21], $0x80, s7, s21, $0xb8;
	[tilespmem:$0x1DC80] =	vst v63  }
0x2f3: {  	_ =	swait.ge [sflag:s23], $0x4000  }
0x2f4: {  	[sflag:s23] =	ssyncset.done $0x0  }
0x2f5: {  	s8 =	sadd.s32 $0x15180, s0;
	[sflag:s23] =	ssyncadd.s32 $0xFFFFC000  }
0x2f6: {  	[spmem:s1] =	stream.indirect.scatter.add.f32 [tilespmem:s18], [sflag:$0x3], $0x80, s8, s21, $0xb8;
	[tilespmem:$0x1DC80] =	vst v63  }
0x2f7: {  	_ =	swait.ge [sflag:s24], $0x4000  }
0x2f8: {  	[sflag:s24] =	ssyncset.done $0x0  }
0x2f9: {  	s16 =	sadd.s32 $0x15200, s0;
	[sflag:s24] =	ssyncadd.s32 $0xFFFFC000  }
0x2fa: {  	[spmem:s1] =	stream.indirect.scatter.add.f32 [tilespmem:s22], [sflag:$0x4], $0x80, s16, s21, $0xb8;
	[tilespmem:$0x1DC80] =	vst v63  }
0x2fb: {  	_ =	swait.ge [sflag:s25], $0x4000  }
0x2fc: {  	[sflag:s25] =	ssyncset.done $0x0  }
0x2fd: {  	s17 =	sadd.s32 $0x14280, s0;
	[sflag:s25] =	ssyncadd.s32 $0xFFFFC000  }
0x2fe: {  	[tilespmem:s18], [sflag:$0x1] =	stream.indirect.gather [hbm4b:s3+s21], $0x80, s17, s21, $0xb8;
	[tilespmem:$0x1DC80] =	vst v63  }
0x2ff: {  	_ =	swait.ge [sflag:s26], $0x4000  }
0x300: {  	[sflag:s26] =	ssyncset.done $0x0  }
0x301: {  	s4 =	sadd.s32 $0x14300, s0;
	[sflag:s26] =	ssyncadd.s32 $0xFFFFC000  }
0x302: {  	[tilespmem:s22], [sflag:$0x2] =	stream.indirect.gather [hbm4b:s3+s21], $0x80, s4, s21, $0xb8;
	[tilespmem:$0x1DC80] =	vst v63  }
0x303: {  	_ =	swait.ge [sflag:s23], $0x4000  }
0x304: {  	[sflag:s23] =	ssyncset.done $0x0  }
0x305: {  	s6 =	sadd.s32 $0x15280, s0;
	[sflag:s23] =	ssyncadd.s32 $0xFFFFC000  }
0x306: {  	[spmem:s1] =	stream.indirect.scatter.add.f32 [tilespmem:s18], [sflag:$0x3], $0x80, s6, s21, $0xb8;
	[tilespmem:$0x1DC80] =	vst v63  }
0x307: {  	_ =	swait.ge [sflag:s24], $0x4000  }
0x308: {  	[sflag:s24] =	ssyncset.done $0x0  }
0x309: {  	s7 =	sadd.s32 $0x15300, s0;
	[sflag:s24] =	ssyncadd.s32 $0xFFFFC000  }
0x30a: {  	[spmem:s1] =	stream.indirect.scatter.add.f32 [tilespmem:s22], [sflag:$0x4], $0x80, s7, s21, $0xb8;
	[tilespmem:$0x1DC80] =	vst v63  }
0x30b: {  	_ =	swait.ge [sflag:s25], $0x4000  }
0x30c: {  	[sflag:s25] =	ssyncset.done $0x0  }
0x30d: {  	s8 =	sadd.s32 $0x14380, s0;
	[sflag:s25] =	ssyncadd.s32 $0xFFFFC000  }
0x30e: {  	[tilespmem:s18], [sflag:$0x1] =	stream.indirect.gather [hbm4b:s3+s21], $0x80, s8, s21, $0xb8;
	[tilespmem:$0x1DC80] =	vst v63  }
0x30f: {  	_ =	swait.ge [sflag:s26], $0x4000  }
0x310: {  	[sflag:s26] =	ssyncset.done $0x0  }
0x311: {  	s16 =	sadd.s32 $0x14400, s0;
	[sflag:s26] =	ssyncadd.s32 $0xFFFFC000  }
0x312: {  	[tilespmem:s22], [sflag:$0x2] =	stream.indirect.gather [hbm4b:s3+s21], $0x80, s16, s21, $0xb8;
	[tilespmem:$0x1DC80] =	vst v63  }
0x313: {  	_ =	swait.ge [sflag:s23], $0x4000  }
0x314: {  	[sflag:s23] =	ssyncset.done $0x0  }
0x315: {  	s29 =	simm.s32 $0x100;
	s17 =	sadd.s32 $0x15380, s0;
	[sflag:s23] =	ssyncadd.s32 $0xFFFFC000  }
0x316: {  	[spmem:s1] =	stream.indirect.scatter.add.f32 [tilespmem:s18], [sflag:$0x3], $0x80, s17, s21, $0xb8;
	[tilespmem:$0x1DC80] =	vst v63  }
0x317: {  	s31 =	simm.s32 $0x200;
	s30 =	simm.s32 $0x800;
	_ =	swait.ge [sflag:s24], $0x4000  }
0x318: {  	p3 =	por $0x0, $0x0;
	s0 =	sadd.s32 $0x15400, s0;
	[sflag:s24] =	ssyncset.done $0x0  }
.LBB2_8:
0x319: {  	s2 =	simm.s32 @!p3 $0x5;
	[sflag:s24] =	ssyncadd.s32 $0xFFFFC000  }
0x31a: {  	[spmem:s1] =	stream.indirect.scatter.add.f32 [tilespmem:s22], [sflag:$0x4], $0x80, s0, s21, $0xb8;
	[tilespmem:$0x1DC80] =	vst v63  }
0x31b: {  	_ =	swait.ge @!p3 [sflag:s2], $0x800  }
0x31c: {  	[sflag:s2] =	ssyncset.done @!p3 $0x0  }
0x31d: {  	[sflag:s2] =	ssyncadd.s32 @!p3 $0xFFFFF800  }
0x31e: {  	s4 =	simm.s32 @!p3 $0x3;
	_ =	swait.ge @!p3 [sflag:s2], $0x800  }
0x31f: {  	s7 =	simm.s32 @p3 $0x13C80;
	s8 =	simm.s32 @p3 $0x80;
	[sflag:s2] =	ssyncset.done @!p3 $0x0  }
0x320: {  	s0 =	simm.s32 @p3 $0x15C80;
	s6 =	rddreg [dreg:$0x4];
	[sflag:s2] =	ssyncadd.s32 @!p3 $0xFFFFF800  }
0x321: {  	[tilespmem:s0], [sflag:$0x1] =	stream.indirect.gather @p3 [hbm4b:s3+s8], $0x80, s7, s8, $0xb8;
	[tilespmem:$0x1DC80] =	vst v63  }
0x322: {  	s17 =	simm.s32 @!p3 $0x80;
	s2 =	rddreg [dreg:$0x3];
	_ =	swait.ge @!p3 [sflag:s4], $0x4000  }
0x323: {  	s0 =	sand.u32 $0x800, s30;
	s7 =	simm.s32 @!p3 $0x15C80;
	[sflag:s4] =	ssyncset.done @!p3 $0x0  }
0x324: {  	s8 =	simm.s32 @!p3 $0x4;
	[sflag:s4] =	ssyncadd.s32 @!p3 $0xFFFFC000;
	s4 =	sadd.s32 @!p3 $0x13C80, s0  }
0x325: {  	[tilespmem:s7], [sflag:$0x1] =	stream.indirect.gather @!p3 [hbm4b:s3+s17], $0x80, s4, s17, $0xb8;
	[tilespmem:$0x1DC80] =	vst v63  }
0x326: {  	s4 =	sor.u32 @!p3 $0x80, s0;
	_ =	swait.ge @!p3 [sflag:s8], $0x4000  }
0x327: {  	s4 =	simm.s32 @p3 $0x80;
	[sflag:s8] =	ssyncset.done @!p3 $0x0  }
0x328: {  	s17 =	sadd.s32 $0x13C80, s4;
	[sflag:s8] =	ssyncadd.s32 @!p3 $0xFFFFC000  }
0x329: {  	[tilespmem:s22], [sflag:$0x2] =	stream.indirect.gather [hbm4b:s3+s21], $0x80, s17, s21, $0xb8;
	[tilespmem:$0x1DC80] =	vst v63  }
0x32a: {  	s7 =	smov.u32 s0;
	_ =	swait.ge [sflag:s23], $0x4000  }
0x32b: {  	s7 =	simm.s32 @p3 $0x0;
	[sflag:s23] =	ssyncset.done $0x0  }
0x32c: {  	s7 =	sadd.s32 $0x14C80, s7;
	[sflag:s23] =	ssyncadd.s32 $0xFFFFC000  }
0x32d: {  	[spmem:s1] =	stream.indirect.scatter.add.f32 [tilespmem:s18], [sflag:$0x3], $0x80, s7, s21, $0xb8;
	[tilespmem:$0x1DC80] =	vst v63  }
0x32e: {  	_ =	swait.ge [sflag:s24], $0x4000  }
0x32f: {  	[sflag:s24] =	ssyncset.done $0x0  }
0x330: {  	s4 =	sadd.s32 $0x14C80, s4;
	p3 =	seq.s32 s29, $0x400;
	[sflag:s24] =	ssyncadd.s32 $0xFFFFC000  }
0x331: {  	[spmem:s1] =	stream.indirect.scatter.add.f32 [tilespmem:s22], [sflag:$0x4], $0x80, s4, s21, $0xb8;
	[tilespmem:$0x1DC80] =	vst v63  }
0x332: {  	s2 =	sadd.s32 s29, s2;
	s7 =	simm.s32 @!p3 $0x0;
	s4 =	ssub.s32 $0x14480, s0  }
0x333: {  	[tilespmem:s4], [sflag:$0x5] =	stream.linear.gather @!p3 [hbm4b:s2+s7], $0x800, $0x38;
	[tilespmem:$0x1DC80] =	vst v63  }
0x334: {  	s2 =	ssub.s32 $0x15480, s0;
	s4 =	sadd.s32 s29, s6  }
0x335: {  	[tilespmem:s2], [sflag:$0x5] =	stream.linear.gather @!p3 [hbm4b:s4+s7], $0x800, $0x38;
	[tilespmem:$0x1DC80] =	vst v63  }
0x336: {  	_ =	swait.ge [sflag:s25], $0x4000  }
0x337: {  	[sflag:s25] =	ssyncset.done $0x0  }
0x338: {  	s8 =	sadd.s32 $0x13D80, s0;
	[sflag:s25] =	ssyncadd.s32 $0xFFFFC000  }
0x339: {  	[tilespmem:s18], [sflag:$0x1] =	stream.indirect.gather [hbm4b:s3+s21], $0x80, s8, s21, $0xb8;
	[tilespmem:$0x1DC80] =	vst v63  }
0x33a: {  	_ =	swait.ge [sflag:s26], $0x4000  }
0x33b: {  	s16 =	smov.u32 s31;
	[sflag:s26] =	ssyncset.done $0x0  }
0x33c: {  	s29 =	smov.u32 s16;
	s16 =	sadd.s32 $0x13E00, s0;
	[sflag:s26] =	ssyncadd.s32 $0xFFFFC000  }
0x33d: {  	[tilespmem:s22], [sflag:$0x2] =	stream.indirect.gather [hbm4b:s3+s21], $0x80, s16, s21, $0xb8;
	[tilespmem:$0x1DC80] =	vst v63  }
0x33e: {  	_ =	swait.ge [sflag:s23], $0x4000  }
0x33f: {  	[sflag:s23] =	ssyncset.done $0x0  }
0x340: {  	s17 =	sadd.s32 $0x14D80, s0;
	[sflag:s23] =	ssyncadd.s32 $0xFFFFC000  }
0x341: {  	[spmem:s1] =	stream.indirect.scatter.add.f32 [tilespmem:s18], [sflag:$0x3], $0x80, s17, s21, $0xb8;
	[tilespmem:$0x1DC80] =	vst v63  }
0x342: {  	_ =	swait.ge [sflag:s24], $0x4000  }
0x343: {  	[sflag:s24] =	ssyncset.done $0x0  }
0x344: {  	s4 =	sadd.s32 $0x14E00, s0;
	[sflag:s24] =	ssyncadd.s32 $0xFFFFC000  }
0x345: {  	[spmem:s1] =	stream.indirect.scatter.add.f32 [tilespmem:s22], [sflag:$0x4], $0x80, s4, s21, $0xb8;
	[tilespmem:$0x1DC80] =	vst v63  }
0x346: {  	_ =	swait.ge [sflag:s25], $0x4000  }
0x347: {  	[sflag:s25] =	ssyncset.done $0x0  }
0x348: {  	s6 =	sadd.s32 $0x13E80, s0;
	[sflag:s25] =	ssyncadd.s32 $0xFFFFC000  }
0x349: {  	[tilespmem:s18], [sflag:$0x1] =	stream.indirect.gather [hbm4b:s3+s21], $0x80, s6, s21, $0xb8;
	[tilespmem:$0x1DC80] =	vst v63  }
0x34a: {  	_ =	swait.ge [sflag:s26], $0x4000  }
0x34b: {  	[sflag:s26] =	ssyncset.done $0x0  }
0x34c: {  	s7 =	sadd.s32 $0x13F00, s0;
	[sflag:s26] =	ssyncadd.s32 $0xFFFFC000  }
0x34d: {  	[tilespmem:s22], [sflag:$0x2] =	stream.indirect.gather [hbm4b:s3+s21], $0x80, s7, s21, $0xb8;
	[tilespmem:$0x1DC80] =	vst v63  }
0x34e: {  	_ =	swait.ge [sflag:s23], $0x4000  }
0x34f: {  	[sflag:s23] =	ssyncset.done $0x0  }
0x350: {  	s8 =	sadd.s32 $0x14E80, s0;
	[sflag:s23] =	ssyncadd.s32 $0xFFFFC000  }
0x351: {  	[spmem:s1] =	stream.indirect.scatter.add.f32 [tilespmem:s18], [sflag:$0x3], $0x80, s8, s21, $0xb8;
	[tilespmem:$0x1DC80] =	vst v63  }
0x352: {  	_ =	swait.ge [sflag:s24], $0x4000  }
0x353: {  	[sflag:s24] =	ssyncset.done $0x0  }
0x354: {  	s16 =	sadd.s32 $0x14F00, s0;
	[sflag:s24] =	ssyncadd.s32 $0xFFFFC000  }
0x355: {  	[spmem:s1] =	stream.indirect.scatter.add.f32 [tilespmem:s22], [sflag:$0x4], $0x80, s16, s21, $0xb8;
	[tilespmem:$0x1DC80] =	vst v63  }
0x356: {  	_ =	swait.ge [sflag:s25], $0x4000  }
0x357: {  	[sflag:s25] =	ssyncset.done $0x0  }
0x358: {  	s17 =	sadd.s32 $0x13F80, s0;
	[sflag:s25] =	ssyncadd.s32 $0xFFFFC000  }
0x359: {  	[tilespmem:s18], [sflag:$0x1] =	stream.indirect.gather [hbm4b:s3+s21], $0x80, s17, s21, $0xb8;
	[tilespmem:$0x1DC80] =	vst v63  }
0x35a: {  	_ =	swait.ge [sflag:s26], $0x4000  }
0x35b: {  	[sflag:s26] =	ssyncset.done $0x0  }
0x35c: {  	s4 =	sor.u32 $0x14000, s0;
	[sflag:s26] =	ssyncadd.s32 $0xFFFFC000  }
0x35d: {  	[tilespmem:s22], [sflag:$0x2] =	stream.indirect.gather [hbm4b:s3+s21], $0x80, s4, s21, $0xb8;
	[tilespmem:$0x1DC80] =	vst v63  }
0x35e: {  	_ =	swait.ge [sflag:s23], $0x4000  }
0x35f: {  	[sflag:s23] =	ssyncset.done $0x0  }
0x360: {  	s6 =	sadd.s32 $0x14F80, s0;
	[sflag:s23] =	ssyncadd.s32 $0xFFFFC000  }
0x361: {  	[spmem:s1] =	stream.indirect.scatter.add.f32 [tilespmem:s18], [sflag:$0x3], $0x80, s6, s21, $0xb8;
	[tilespmem:$0x1DC80] =	vst v63  }
0x362: {  	_ =	swait.ge [sflag:s24], $0x4000  }
0x363: {  	[sflag:s24] =	ssyncset.done $0x0  }
0x364: {  	s7 =	sor.u32 $0x15000, s0;
	[sflag:s24] =	ssyncadd.s32 $0xFFFFC000  }
0x365: {  	[spmem:s1] =	stream.indirect.scatter.add.f32 [tilespmem:s22], [sflag:$0x4], $0x80, s7, s21, $0xb8;
	[tilespmem:$0x1DC80] =	vst v63  }
0x366: {  	_ =	swait.ge [sflag:s25], $0x4000  }
0x367: {  	[sflag:s25] =	ssyncset.done $0x0  }
0x368: {  	s8 =	sadd.s32 $0x14080, s0;
	[sflag:s25] =	ssyncadd.s32 $0xFFFFC000  }
0x369: {  	[tilespmem:s18], [sflag:$0x1] =	stream.indirect.gather [hbm4b:s3+s21], $0x80, s8, s21, $0xb8;
	[tilespmem:$0x1DC80] =	vst v63  }
0x36a: {  	_ =	swait.ge [sflag:s26], $0x4000  }
0x36b: {  	[sflag:s26] =	ssyncset.done $0x0  }
0x36c: {  	s16 =	sadd.s32 $0x14100, s0;
	[sflag:s26] =	ssyncadd.s32 $0xFFFFC000  }
0x36d: {  	[tilespmem:s22], [sflag:$0x2] =	stream.indirect.gather [hbm4b:s3+s21], $0x80, s16, s21, $0xb8;
	[tilespmem:$0x1DC80] =	vst v63  }
0x36e: {  	_ =	swait.ge [sflag:s23], $0x4000  }
0x36f: {  	[sflag:s23] =	ssyncset.done $0x0  }
0x370: {  	s17 =	sadd.s32 $0x15080, s0;
	[sflag:s23] =	ssyncadd.s32 $0xFFFFC000  }
0x371: {  	[spmem:s1] =	stream.indirect.scatter.add.f32 [tilespmem:s18], [sflag:$0x3], $0x80, s17, s21, $0xb8;
	[tilespmem:$0x1DC80] =	vst v63  }
0x372: {  	_ =	swait.ge [sflag:s24], $0x4000  }
0x373: {  	[sflag:s24] =	ssyncset.done $0x0  }
0x374: {  	s4 =	sadd.s32 $0x15100, s0;
	[sflag:s24] =	ssyncadd.s32 $0xFFFFC000  }
0x375: {  	[spmem:s1] =	stream.indirect.scatter.add.f32 [tilespmem:s22], [sflag:$0x4], $0x80, s4, s21, $0xb8;
	[tilespmem:$0x1DC80] =	vst v63  }
0x376: {  	_ =	swait.ge [sflag:s25], $0x4000  }
0x377: {  	[sflag:s25] =	ssyncset.done $0x0  }
0x378: {  	s6 =	sadd.s32 $0x14180, s0;
	[sflag:s25] =	ssyncadd.s32 $0xFFFFC000  }
0x379: {  	[tilespmem:s18], [sflag:$0x1] =	stream.indirect.gather [hbm4b:s3+s21], $0x80, s6, s21, $0xb8;
	[tilespmem:$0x1DC80] =	vst v63  }
0x37a: {  	_ =	swait.ge [sflag:s26], $0x4000  }
0x37b: {  	[sflag:s26] =	ssyncset.done $0x0  }
0x37c: {  	s7 =	sadd.s32 $0x14200, s0;
	[sflag:s26] =	ssyncadd.s32 $0xFFFFC000  }
0x37d: {  	[tilespmem:s22], [sflag:$0x2] =	stream.indirect.gather [hbm4b:s3+s21], $0x80, s7, s21, $0xb8;
	[tilespmem:$0x1DC80] =	vst v63  }
0x37e: {  	_ =	swait.ge [sflag:s23], $0x4000  }
0x37f: {  	[sflag:s23] =	ssyncset.done $0x0  }
0x380: {  	s8 =	sadd.s32 $0x15180, s0;
	[sflag:s23] =	ssyncadd.s32 $0xFFFFC000  }
0x381: {  	[spmem:s1] =	stream.indirect.scatter.add.f32 [tilespmem:s18], [sflag:$0x3], $0x80, s8, s21, $0xb8;
	[tilespmem:$0x1DC80] =	vst v63  }
0x382: {  	_ =	swait.ge [sflag:s24], $0x4000  }
0x383: {  	[sflag:s24] =	ssyncset.done $0x0  }
0x384: {  	s16 =	sadd.s32 $0x15200, s0;
	[sflag:s24] =	ssyncadd.s32 $0xFFFFC000  }
0x385: {  	[spmem:s1] =	stream.indirect.scatter.add.f32 [tilespmem:s22], [sflag:$0x4], $0x80, s16, s21, $0xb8;
	[tilespmem:$0x1DC80] =	vst v63  }
0x386: {  	_ =	swait.ge [sflag:s25], $0x4000  }
0x387: {  	[sflag:s25] =	ssyncset.done $0x0  }
0x388: {  	s17 =	sadd.s32 $0x14280, s0;
	[sflag:s25] =	ssyncadd.s32 $0xFFFFC000  }
0x389: {  	[tilespmem:s18], [sflag:$0x1] =	stream.indirect.gather [hbm4b:s3+s21], $0x80, s17, s21, $0xb8;
	[tilespmem:$0x1DC80] =	vst v63  }
0x38a: {  	_ =	swait.ge [sflag:s26], $0x4000  }
0x38b: {  	[sflag:s26] =	ssyncset.done $0x0  }
0x38c: {  	s4 =	sadd.s32 $0x14300, s0;
	[sflag:s26] =	ssyncadd.s32 $0xFFFFC000  }
0x38d: {  	[tilespmem:s22], [sflag:$0x2] =	stream.indirect.gather [hbm4b:s3+s21], $0x80, s4, s21, $0xb8;
	[tilespmem:$0x1DC80] =	vst v63  }
0x38e: {  	_ =	swait.ge [sflag:s23], $0x4000  }
0x38f: {  	[sflag:s23] =	ssyncset.done $0x0  }
0x390: {  	s6 =	sadd.s32 $0x15280, s0;
	[sflag:s23] =	ssyncadd.s32 $0xFFFFC000  }
0x391: {  	[spmem:s1] =	stream.indirect.scatter.add.f32 [tilespmem:s18], [sflag:$0x3], $0x80, s6, s21, $0xb8;
	[tilespmem:$0x1DC80] =	vst v63  }
0x392: {  	_ =	swait.ge [sflag:s24], $0x4000  }
0x393: {  	[sflag:s24] =	ssyncset.done $0x0  }
0x394: {  	s7 =	sadd.s32 $0x15300, s0;
	[sflag:s24] =	ssyncadd.s32 $0xFFFFC000  }
0x395: {  	[spmem:s1] =	stream.indirect.scatter.add.f32 [tilespmem:s22], [sflag:$0x4], $0x80, s7, s21, $0xb8;
	[tilespmem:$0x1DC80] =	vst v63  }
0x396: {  	_ =	swait.ge [sflag:s25], $0x4000  }
0x397: {  	[sflag:s25] =	ssyncset.done $0x0  }
0x398: {  	s8 =	sadd.s32 $0x14380, s0;
	[sflag:s25] =	ssyncadd.s32 $0xFFFFC000  }
0x399: {  	[tilespmem:s18], [sflag:$0x1] =	stream.indirect.gather [hbm4b:s3+s21], $0x80, s8, s21, $0xb8;
	[tilespmem:$0x1DC80] =	vst v63  }
0x39a: {  	_ =	swait.ge [sflag:s26], $0x4000  }
0x39b: {  	[sflag:s26] =	ssyncset.done $0x0  }
0x39c: {  	s31 =	sadd.s32 $0x100, s31;
	s16 =	sadd.s32 $0x14400, s0;
	[sflag:s26] =	ssyncadd.s32 $0xFFFFC000  }
0x39d: {  	[tilespmem:s22], [sflag:$0x2] =	stream.indirect.gather [hbm4b:s3+s21], $0x80, s16, s21, $0xb8;
	[tilespmem:$0x1DC80] =	vst v63  }
0x39e: {  	p2 =	sne.s32 s31, $0x500;
	_ =	swait.ge [sflag:s23], $0x4000  }
.Ltmp6:
0x39f: {  	[sflag:s23] =	ssyncset.done $0x0;
	(pc) =	sbr.rel @p2 .LBB2_8-.Ltmp6, $4  }
0x3a0: {  	s17 =	sadd.s32 $0x15380, s0;
	[sflag:s23] =	ssyncadd.s32 $0xFFFFC000  }
0x3a1: {  	[spmem:s1] =	stream.indirect.scatter.add.f32 [tilespmem:s18], [sflag:$0x3], $0x80, s17, s21, $0xb8;
	[tilespmem:$0x1DC80] =	vst v63  }
0x3a2: {  	s30 =	sadd.s32 $0x800, s30;
	_ =	swait.ge [sflag:s24], $0x4000  }
0x3a3: {  	p3 =	seq.s32 s29, $0x0;
	s0 =	sadd.s32 $0x15400, s0;
	[sflag:s24] =	ssyncset.done $0x0  }
.Ltmp7:
0x3a4: {  	_ = 	snop;
	(pc) =	sbr.rel .LBB2_9-.Ltmp7, $1  }
0x3a5: {  	_ =	sdelay $0x3  }
.LBB2_11:
0x3a6: {  	_ =	sfence.sel $0x180000  }
0x3a7: {  	[bflag:$0x0] =	sbarrier.arrive $0xFFFF  }
0x3a8: {  	_ =	strace $0x9000004A  }
0x3a9: {  	[bflag:$0x2] =	sbarrier.arrive $0xFFFF  }
0x3aa: {  	s0 =	rddreg [dreg:$0x2]  }
0x3ab: {  	s0 =	sadd.s32 @!p0 $0x100000, s0  }
0x3ac: {  	[sflag:s0] =	ssyncadd.tile.s32 @!p0 $0x1;
	_ =	shalt  }
.Lfunc_end2:
_tile_overlayer_lowered:
.L_overlay_start_2:
0x3ad: {  	(tag) =	ssettag $0x2  }
0x3ae: {  	s0 =	rddreg [dreg:$0x0];
	s2 =	stileid.u32  }
0x3af: {  	s1 =	rddreg [dreg:$0x1];
	p0 =	sne.s32 s2, $0x0  }
0x3b0: {  	s3 =	rddreg [dreg:$0x2];
	[bflag:$0x3] =	sbarrier.arrive $0xFFFF;
	s2 =	simm.s32 @!p0 $0x1C06  }
0x3b1: {  	[timem:s3], [sflag:s2] =	dma.local @!p0 [hbm:s0], s1  }
0x3b2: {  	s0 =	simm.s32 @!p0 $0x6  }
0x3b3: {  	_ =	swait.ge @!p0 [sflag:s0], s1  }
0x3b4: {  	s1 =	ssub.s32 @!p0 $0x0, s1;
	[sflag:s0] =	ssyncset.done @!p0 $0x0  }
0x3b5: {  	[sflag:s0] =	ssyncadd.s32 @!p0 s1  }
0x3b6: {  	[bflag:$0x3] =	sbarrier.arrive $0xFFFF  }
0x3b7: {  	_ =	shalt  }

</sc_bundles>
